<compile_context>
chip_gen: v7x
topology: tpu7x:2x2x1
jax: 0.10.2.dev20260603
libtpu: 0.0.44.dev20260713+nightly
codegen_flags: <defaults>
</compile_context>

<pallas_src>
import functools

import jax
import jax.numpy as jnp
from jax import lax
from jax.experimental import pallas as pl
from jax.experimental.pallas import tpu as pltpu
from jax.experimental.pallas import tpu_sc as plsc

_ROWS = 16384
_HID = 2048
_EXPERTS = 64
_BR = 512
_NW = 32
_L = 16
_NCHUNK = 2
_CROWS = _ROWS // _NCHUNK
_WBR = _CROWS // _NW
_GROUPS = _WBR // _L


def _logits_kernel(x_ref, w_ref, out_ref):
    out_ref[0] = jax.lax.dot_general(
        w_ref[...], x_ref[...], (((1,), (1,)), ((), ())),
        preferred_element_type=jnp.float32,
    )


def _tc_logits(x, w):
    return pl.pallas_call(
        _logits_kernel,
        grid=(_CROWS // _BR,),
        in_specs=[
            pl.BlockSpec((_BR, _HID), lambda i: (i, 0)),
            pl.BlockSpec((_EXPERTS, _HID), lambda i: (0, 0)),
        ],
        out_specs=pl.BlockSpec((1, _EXPERTS, _BR), lambda i: (i, 0, 0)),
        out_shape=jax.ShapeDtypeStruct((_CROWS // _BR, _EXPERTS, _BR), jnp.float32),
    )(x, w)


def _sc_topk(logits_blk):
    mesh = plsc.VectorSubcoreMesh(core_axis_name="c", subcore_axis_name="s")

    @functools.partial(
        pl.kernel,
        mesh=mesh,
        out_type=[
            jax.ShapeDtypeStruct((2 * _CROWS,), jnp.float32),
            jax.ShapeDtypeStruct((2 * _CROWS,), jnp.int32),
        ],
        scratch_types=[
            pltpu.VMEM((_EXPERTS, _WBR), jnp.float32),
            pltpu.VMEM((2 * _WBR,), jnp.float32),
            pltpu.VMEM((2 * _WBR,), jnp.int32),
        ],
        compiler_params=pltpu.CompilerParams(needs_layout_passes=False),
    )
    def body(lg_hbm, val_hbm, idx_hbm, lg_v, val_v, idx_v):
        wid = lax.axis_index("s") * 2 + lax.axis_index("c")
        nblk = _CROWS // _BR
        blk = wid * _WBR // _BR
        col = wid * _WBR % _BR
        pltpu.sync_copy(lg_hbm.at[blk, :, pl.ds(col, _WBR)], lg_v)

        def group(g, _):
            neg = jnp.full((_L,), -jnp.inf, jnp.float32)
            zero = jnp.zeros((_L,), jnp.int32)
            m1, i1, m2, i2 = neg, zero, neg, zero
            for e in range(_EXPERTS):
                v = lg_v[e, pl.ds(g * _L, _L)]
                es = jnp.full((_L,), e, jnp.int32)
                gt1 = v > m1
                gt2 = v > m2
                m2 = jnp.where(gt1, m1, jnp.where(gt2, v, m2))
                i2 = jnp.where(gt1, i1, jnp.where(gt2, es, i2))
                m1 = jnp.where(gt1, v, m1)
                i1 = jnp.where(gt1, es, i1)
            w2 = jnp.exp(m2 - m1)
            inv = 1.0 / (1.0 + w2)
            pos = g * (2 * _L) + 2 * lax.iota(jnp.int32, _L)
            plsc.store_scatter(val_v, [pos], inv)
            plsc.store_scatter(val_v, [pos + 1], w2 * inv)
            plsc.store_scatter(idx_v, [pos], i1)
            plsc.store_scatter(idx_v, [pos + 1], i2)
            return ()

        lax.fori_loop(0, _GROUPS, group, (), unroll=False)
        base = wid * (2 * _WBR)
        pltpu.sync_copy(val_v, val_hbm.at[pl.ds(base, 2 * _WBR)])
        pltpu.sync_copy(idx_v, idx_hbm.at[pl.ds(base, 2 * _WBR)])

    return body(logits_blk)


@jax.jit
def kernel(hidden_states, weight):
    vals_parts, idx_parts = [], []
    for c in range(_NCHUNK):
        x = lax.slice_in_dim(hidden_states, c * _CROWS, (c + 1) * _CROWS, axis=0)
        lg = _tc_logits(x, weight)
        v, i = _sc_topk(lg)
        vals_parts.append(v.reshape(_CROWS, 2))
        idx_parts.append(i.reshape(_CROWS, 2))
    return (
        jnp.concatenate(vals_parts, axis=0),
        jnp.concatenate(idx_parts, axis=0),
    )

# --- scband reference (transcript-rebuilt; emitter-appended) ---
"""Pipeline reference for scband-omni-mo-erouter-75514114998538 (READ-ONLY COPY).

The authoritative reference and input builder live on the scoring server;
editing this copy changes nothing except your own understanding.
"""

import jax, jax.numpy as jnp
import numpy as np

TOP_K = 2


def setup_inputs(seed: int = 0) -> dict:
    key = jax.random.key(seed)
    k1, k2 = jax.random.split(key)
    hidden_states = jax.random.normal(k1, (16384, 2048), dtype=jnp.float32)
    weight = jax.random.normal(k2, (64, 2048), dtype=jnp.float32) * 0.02
    return {"hidden_states": hidden_states, "weight": weight}


def reference(hidden_states, weight):
    # F.linear(hidden_states, weight) == hidden_states @ weight.T
    logits = hidden_states @ weight.T
    probs = jax.nn.softmax(logits.astype(jnp.float32), axis=-1)
    topk_val, topk_idx = jax.lax.top_k(probs, TOP_K)
    topk_val = topk_val / jnp.sum(topk_val, axis=-1, keepdims=True)
    return (topk_val, topk_idx)

if __name__ == "__main__":
    import jax
    _d = setup_inputs()
    print(jax.jit(kernel)(*tuple(_d.values())))

</pallas_src>

<mosaic_0001>
#map = affine_map<(d0, d1) -> (0, 0, 0)>
#map1 = affine_map<(d0, d1) -> (0)>
module attributes {stable_mosaic.version = 14 : i64} {
  func.func @body(%arg0: i32, %arg1: i32, %arg2: memref<16x64x512xf32, #tpu.memory_space<hbm>>, %arg3: memref<16384xf32, #tpu.memory_space<hbm>>, %arg4: memref<16384xi32, #tpu.memory_space<hbm>>, %arg5: memref<64x256xf32, #tpu.memory_space<vmem>>, %arg6: memref<512xf32, #tpu.memory_space<vmem>>, %arg7: memref<512xi32, #tpu.memory_space<vmem>>) attributes {dimension_semantics = [#tpu.dimension_semantics<core_parallel>, #tpu.dimension_semantics<subcore_parallel>], iteration_bounds = array<i64: 2, 16>, scalar_prefetch = 0 : i64, scratch_operands = 3 : i64, tpu.core_type = #tpu.core_type<sc_vector_subcore>, window_params = [{transform_indices = #map}, {transform_indices = #map1}, {transform_indices = #map1}]} {
    %mul3A = arith.constant 2 : i32
    %mul3A_0 = arith.muli %arg1, %mul3A : i32
    %add3A = arith.addi %mul3A_0, %arg0 : i32
    %mul3A_1 = arith.constant 256 : i32
    %mul3A_2 = arith.muli %add3A, %mul3A_1 : i32
    %jit3A = arith.constant 512 : i32
    %div3A = arith.divsi %mul3A_2, %jit3A : i32
    %sign3A = arith.constant 0 : i32
    %sign3A_3 = arith.cmpi sgt, %mul3A_2, %sign3A : i32
    %sign3A_4 = arith.extui %sign3A_3 : i1 to i32
    %sign3A_5 = arith.constant 0 : i32
    %sign3A_6 = arith.cmpi slt, %mul3A_2, %sign3A_5 : i32
    %sign3A_7 = arith.extui %sign3A_6 : i1 to i32
    %sign3A_8 = arith.subi %sign3A_4, %sign3A_7 : i32
    %sign3A_9 = arith.constant 0 : i32
    %sign3A_10 = arith.cmpi sgt, %jit3A, %sign3A_9 : i32
    %sign3A_11 = arith.extui %sign3A_10 : i1 to i32
    %sign3A_12 = arith.constant 0 : i32
    %sign3A_13 = arith.cmpi slt, %jit3A, %sign3A_12 : i32
    %sign3A_14 = arith.extui %sign3A_13 : i1 to i32
    %sign3A_15 = arith.subi %sign3A_11, %sign3A_14 : i32
    %ne3A = arith.cmpi ne, %sign3A_8, %sign3A_15 : i32
    %rem3A = arith.remsi %mul3A_2, %jit3A : i32
    %ne3A_16 = arith.constant 0 : i32
    %ne3A_17 = arith.cmpi ne, %rem3A, %ne3A_16 : i32
    %and3A = arith.andi %ne3A, %ne3A_17 : i1
    %sub3A = arith.constant 1 : i32
    %sub3A_18 = arith.subi %div3A, %sub3A : i32
    %select_n3A = arith.select %and3A, %sub3A_18, %div3A : i32
    %mul3A_19 = arith.constant 256 : i32
    %mul3A_20 = arith.muli %add3A, %mul3A_19 : i32
    %jit3A_21 = arith.constant 512 : i32
    %eq3A = arith.constant 0 : i32
    %eq3A_22 = arith.cmpi eq, %jit3A_21, %eq3A : i32
    %jit3A_23 = arith.constant 1 : i32
    %select_n3A_24 = arith.select %eq3A_22, %jit3A_23, %jit3A_21 : i32
    %rem3A_25 = arith.remsi %mul3A_20, %select_n3A_24 : i32
    %ne3A_26 = arith.constant 0 : i32
    %ne3A_27 = arith.cmpi ne, %rem3A_25, %ne3A_26 : i32
    %lt3A = arith.constant 0 : i32
    %lt3A_28 = arith.cmpi slt, %rem3A_25, %lt3A : i32
    %lt3A_29 = arith.constant 0 : i32
    %lt3A_30 = arith.cmpi slt, %select_n3A_24, %lt3A_29 : i32
    %ne3A_31 = arith.xori %lt3A_28, %lt3A_30 : i1
    %and3A_32 = arith.andi %ne3A_31, %ne3A_27 : i1
    %add3A_33 = arith.addi %rem3A_25, %select_n3A_24 : i32
    %select_n3A_34 = arith.select %and3A_32, %add3A_33, %rem3A_25 : i32
    "tpu.region"() ({
      %run_scoped3A = tpu.sem_alloc : memref<!tpu.dma_semaphore, #tpu.memory_space<semaphore_mem>>
      %dma_start3A = arith.constant 0 : i32
      %dma_start3A_41 = tpu.memref_slice %arg2[%select_n3A, %dma_start3A, %select_n3A_34] : memref<16x64x512xf32, #tpu.memory_space<hbm>> -> memref<1x64x256xf32, #tpu.memory_space<hbm>>
      %dma_start3A_42 = tpu.memref_squeeze %dma_start3A_41 : memref<1x64x256xf32, #tpu.memory_space<hbm>> -> memref<64x256xf32, #tpu.memory_space<hbm>>
      %dma_start3A_43 = arith.constant 0 : i32
      %dma_start3A_44 = tpu.memref_slice %arg2[%select_n3A, %dma_start3A_43, %select_n3A_34] : memref<16x64x512xf32, #tpu.memory_space<hbm>> -> memref<1x64x256xf32, #tpu.memory_space<hbm>>
      %dma_start3A_45 = tpu.memref_squeeze %dma_start3A_44 : memref<1x64x256xf32, #tpu.memory_space<hbm>> -> memref<64x256xf32, #tpu.memory_space<hbm>>
      tpu.enqueue_dma source(%dma_start3A_45 : memref<64x256xf32, #tpu.memory_space<hbm>>) target(%arg5 : memref<64x256xf32, #tpu.memory_space<vmem>>) target_semaphore(%run_scoped3A : memref<!tpu.dma_semaphore, #tpu.memory_space<semaphore_mem>>)
      %dma_wait3A = arith.constant 0 : i32
      %dma_wait3A_46 = tpu.memref_slice %arg2[%select_n3A, %dma_wait3A, %select_n3A_34] : memref<16x64x512xf32, #tpu.memory_space<hbm>> -> memref<1x64x256xf32, #tpu.memory_space<hbm>>
      %dma_wait3A_47 = tpu.memref_squeeze %dma_wait3A_46 : memref<1x64x256xf32, #tpu.memory_space<hbm>> -> memref<64x256xf32, #tpu.memory_space<hbm>>
      %dma_wait3A_48 = arith.constant 0 : i32
      %dma_wait3A_49 = tpu.memref_slice %arg2[%select_n3A, %dma_wait3A_48, %select_n3A_34] : memref<16x64x512xf32, #tpu.memory_space<hbm>> -> memref<1x64x256xf32, #tpu.memory_space<hbm>>
      %dma_wait3A_50 = tpu.memref_squeeze %dma_wait3A_49 : memref<1x64x256xf32, #tpu.memory_space<hbm>> -> memref<64x256xf32, #tpu.memory_space<hbm>>
      tpu.wait_dma2 semaphore(%run_scoped3A : memref<!tpu.dma_semaphore, #tpu.memory_space<semaphore_mem>>) src(%dma_wait3A_50 : memref<64x256xf32, #tpu.memory_space<hbm>>) dst(%arg5 : memref<64x256xf32, #tpu.memory_space<vmem>>)
      tpu.yield
    }) : () -> ()
    %scan3A = arith.constant 0 : i32
    %scan3A_35 = arith.constant 16 : i32
    %scan3A_36 = arith.addi %scan3A, %scan3A_35 : i32
    %scan3A_37 = arith.constant 1 : i32
    scf.for %scan3A_41 = %scan3A to %scan3A_36 step %scan3A_37  : i32 {
      %broadcast_in_dim3A = arith.constant 0xFF800000 : f32
      %broadcast_in_dim3A_42 = vector.broadcast %broadcast_in_dim3A : f32 to vector<16xf32>
      %broadcast_in_dim3A_43 = arith.constant 0 : i32
      %broadcast_in_dim3A_44 = vector.broadcast %broadcast_in_dim3A_43 : i32 to vector<16xi32>
      %mul3A_45 = arith.constant 16 : i32
      %mul3A_46 = arith.muli %scan3A_41, %mul3A_45 : i32
      %get3A = arith.constant 0 : i32
      %get3A_47 = arith.index_cast %get3A : i32 to index
      %get3A_48 = arith.index_cast %mul3A_46 : i32 to index
      %get3A_49 = tpu.vector_load %arg5[%get3A_47, %get3A_48] {strides = array<i32>} : memref<64x256xf32, #tpu.memory_space<vmem>>, vector<16xf32>,
      %broadcast_in_dim3A_50 = arith.constant 0 : i32
      %broadcast_in_dim3A_51 = vector.broadcast %broadcast_in_dim3A_50 : i32 to vector<16xi32>
      %gt3A = arith.cmpf ogt, %get3A_49, %broadcast_in_dim3A_42 : vector<16xf32>
      %gt3A_52 = arith.cmpf ogt, %get3A_49, %broadcast_in_dim3A_42 : vector<16xf32>
      %select_n3A_53 = arith.select %gt3A_52, %get3A_49, %broadcast_in_dim3A_42 : vector<16xi1>, vector<16xf32>
      %select_n3A_54 = arith.select %gt3A, %broadcast_in_dim3A_42, %select_n3A_53 : vector<16xi1>, vector<16xf32>
      %select_n3A_55 = arith.select %gt3A_52, %broadcast_in_dim3A_51, %broadcast_in_dim3A_44 : vector<16xi1>, vector<16xi32>
      %select_n3A_56 = arith.select %gt3A, %broadcast_in_dim3A_44, %select_n3A_55 : vector<16xi1>, vector<16xi32>
      %select_n3A_57 = arith.select %gt3A, %get3A_49, %broadcast_in_dim3A_42 : vector<16xi1>, vector<16xf32>
      %select_n3A_58 = arith.select %gt3A, %broadcast_in_dim3A_51, %broadcast_in_dim3A_44 : vector<16xi1>, vector<16xi32>
      %mul3A_59 = arith.constant 16 : i32
      %mul3A_60 = arith.muli %scan3A_41, %mul3A_59 : i32
      %get3A_61 = arith.constant 1 : i32
      %get3A_62 = arith.index_cast %get3A_61 : i32 to index
      %get3A_63 = arith.index_cast %mul3A_60 : i32 to index
      %get3A_64 = tpu.vector_load %arg5[%get3A_62, %get3A_63] {strides = array<i32>} : memref<64x256xf32, #tpu.memory_space<vmem>>, vector<16xf32>,
      %broadcast_in_dim3A_65 = arith.constant 1 : i32
      %broadcast_in_dim3A_66 = vector.broadcast %broadcast_in_dim3A_65 : i32 to vector<16xi32>
      %gt3A_67 = arith.cmpf ogt, %get3A_64, %select_n3A_57 : vector<16xf32>
      %gt3A_68 = arith.cmpf ogt, %get3A_64, %select_n3A_54 : vector<16xf32>
      %select_n3A_69 = arith.select %gt3A_68, %get3A_64, %select_n3A_54 : vector<16xi1>, vector<16xf32>
      %select_n3A_70 = arith.select %gt3A_67, %select_n3A_57, %select_n3A_69 : vector<16xi1>, vector<16xf32>
      %select_n3A_71 = arith.select %gt3A_68, %broadcast_in_dim3A_66, %select_n3A_56 : vector<16xi1>, vector<16xi32>
      %select_n3A_72 = arith.select %gt3A_67, %select_n3A_58, %select_n3A_71 : vector<16xi1>, vector<16xi32>
      %select_n3A_73 = arith.select %gt3A_67, %get3A_64, %select_n3A_57 : vector<16xi1>, vector<16xf32>
      %select_n3A_74 = arith.select %gt3A_67, %broadcast_in_dim3A_66, %select_n3A_58 : vector<16xi1>, vector<16xi32>
      %mul3A_75 = arith.constant 16 : i32
      %mul3A_76 = arith.muli %scan3A_41, %mul3A_75 : i32
      %get3A_77 = arith.constant 2 : i32
      %get3A_78 = arith.index_cast %get3A_77 : i32 to index
      %get3A_79 = arith.index_cast %mul3A_76 : i32 to index
      %get3A_80 = tpu.vector_load %arg5[%get3A_78, %get3A_79] {strides = array<i32>} : memref<64x256xf32, #tpu.memory_space<vmem>>, vector<16xf32>,
      %broadcast_in_dim3A_81 = arith.constant 2 : i32
      %broadcast_in_dim3A_82 = vector.broadcast %broadcast_in_dim3A_81 : i32 to vector<16xi32>
      %gt3A_83 = arith.cmpf ogt, %get3A_80, %select_n3A_73 : vector<16xf32>
      %gt3A_84 = arith.cmpf ogt, %get3A_80, %select_n3A_70 : vector<16xf32>
      %select_n3A_85 = arith.select %gt3A_84, %get3A_80, %select_n3A_70 : vector<16xi1>, vector<16xf32>
      %select_n3A_86 = arith.select %gt3A_83, %select_n3A_73, %select_n3A_85 : vector<16xi1>, vector<16xf32>
      %select_n3A_87 = arith.select %gt3A_84, %broadcast_in_dim3A_82, %select_n3A_72 : vector<16xi1>, vector<16xi32>
      %select_n3A_88 = arith.select %gt3A_83, %select_n3A_74, %select_n3A_87 : vector<16xi1>, vector<16xi32>
      %select_n3A_89 = arith.select %gt3A_83, %get3A_80, %select_n3A_73 : vector<16xi1>, vector<16xf32>
      %select_n3A_90 = arith.select %gt3A_83, %broadcast_in_dim3A_82, %select_n3A_74 : vector<16xi1>, vector<16xi32>
      %mul3A_91 = arith.constant 16 : i32
      %mul3A_92 = arith.muli %scan3A_41, %mul3A_91 : i32
      %get3A_93 = arith.constant 3 : i32
      %get3A_94 = arith.index_cast %get3A_93 : i32 to index
      %get3A_95 = arith.index_cast %mul3A_92 : i32 to index
      %get3A_96 = tpu.vector_load %arg5[%get3A_94, %get3A_95] {strides = array<i32>} : memref<64x256xf32, #tpu.memory_space<vmem>>, vector<16xf32>,
      %broadcast_in_dim3A_97 = arith.constant 3 : i32
      %broadcast_in_dim3A_98 = vector.broadcast %broadcast_in_dim3A_97 : i32 to vector<16xi32>
      %gt3A_99 = arith.cmpf ogt, %get3A_96, %select_n3A_89 : vector<16xf32>
      %gt3A_100 = arith.cmpf ogt, %get3A_96, %select_n3A_86 : vector<16xf32>
      %select_n3A_101 = arith.select %gt3A_100, %get3A_96, %select_n3A_86 : vector<16xi1>, vector<16xf32>
      %select_n3A_102 = arith.select %gt3A_99, %select_n3A_89, %select_n3A_101 : vector<16xi1>, vector<16xf32>
      %select_n3A_103 = arith.select %gt3A_100, %broadcast_in_dim3A_98, %select_n3A_88 : vector<16xi1>, vector<16xi32>
      %select_n3A_104 = arith.select %gt3A_99, %select_n3A_90, %select_n3A_103 : vector<16xi1>, vector<16xi32>
      %select_n3A_105 = arith.select %gt3A_99, %get3A_96, %select_n3A_89 : vector<16xi1>, vector<16xf32>
      %select_n3A_106 = arith.select %gt3A_99, %broadcast_in_dim3A_98, %select_n3A_90 : vector<16xi1>, vector<16xi32>
      %mul3A_107 = arith.constant 16 : i32
      %mul3A_108 = arith.muli %scan3A_41, %mul3A_107 : i32
      %get3A_109 = arith.constant 4 : i32
      %get3A_110 = arith.index_cast %get3A_109 : i32 to index
      %get3A_111 = arith.index_cast %mul3A_108 : i32 to index
      %get3A_112 = tpu.vector_load %arg5[%get3A_110, %get3A_111] {strides = array<i32>} : memref<64x256xf32, #tpu.memory_space<vmem>>, vector<16xf32>,
      %broadcast_in_dim3A_113 = arith.constant 4 : i32
      %broadcast_in_dim3A_114 = vector.broadcast %broadcast_in_dim3A_113 : i32 to vector<16xi32>
      %gt3A_115 = arith.cmpf ogt, %get3A_112, %select_n3A_105 : vector<16xf32>
      %gt3A_116 = arith.cmpf ogt, %get3A_112, %select_n3A_102 : vector<16xf32>
      %select_n3A_117 = arith.select %gt3A_116, %get3A_112, %select_n3A_102 : vector<16xi1>, vector<16xf32>
      %select_n3A_118 = arith.select %gt3A_115, %select_n3A_105, %select_n3A_117 : vector<16xi1>, vector<16xf32>
      %select_n3A_119 = arith.select %gt3A_116, %broadcast_in_dim3A_114, %select_n3A_104 : vector<16xi1>, vector<16xi32>
      %select_n3A_120 = arith.select %gt3A_115, %select_n3A_106, %select_n3A_119 : vector<16xi1>, vector<16xi32>
      %select_n3A_121 = arith.select %gt3A_115, %get3A_112, %select_n3A_105 : vector<16xi1>, vector<16xf32>
      %select_n3A_122 = arith.select %gt3A_115, %broadcast_in_dim3A_114, %select_n3A_106 : vector<16xi1>, vector<16xi32>
      %mul3A_123 = arith.constant 16 : i32
      %mul3A_124 = arith.muli %scan3A_41, %mul3A_123 : i32
      %get3A_125 = arith.constant 5 : i32
      %get3A_126 = arith.index_cast %get3A_125 : i32 to index
      %get3A_127 = arith.index_cast %mul3A_124 : i32 to index
      %get3A_128 = tpu.vector_load %arg5[%get3A_126, %get3A_127] {strides = array<i32>} : memref<64x256xf32, #tpu.memory_space<vmem>>, vector<16xf32>,
      %broadcast_in_dim3A_129 = arith.constant 5 : i32
      %broadcast_in_dim3A_130 = vector.broadcast %broadcast_in_dim3A_129 : i32 to vector<16xi32>
      %gt3A_131 = arith.cmpf ogt, %get3A_128, %select_n3A_121 : vector<16xf32>
      %gt3A_132 = arith.cmpf ogt, %get3A_128, %select_n3A_118 : vector<16xf32>
      %select_n3A_133 = arith.select %gt3A_132, %get3A_128, %select_n3A_118 : vector<16xi1>, vector<16xf32>
      %select_n3A_134 = arith.select %gt3A_131, %select_n3A_121, %select_n3A_133 : vector<16xi1>, vector<16xf32>
      %select_n3A_135 = arith.select %gt3A_132, %broadcast_in_dim3A_130, %select_n3A_120 : vector<16xi1>, vector<16xi32>
      %select_n3A_136 = arith.select %gt3A_131, %select_n3A_122, %select_n3A_135 : vector<16xi1>, vector<16xi32>
      %select_n3A_137 = arith.select %gt3A_131, %get3A_128, %select_n3A_121 : vector<16xi1>, vector<16xf32>
      %select_n3A_138 = arith.select %gt3A_131, %broadcast_in_dim3A_130, %select_n3A_122 : vector<16xi1>, vector<16xi32>
      %mul3A_139 = arith.constant 16 : i32
      %mul3A_140 = arith.muli %scan3A_41, %mul3A_139 : i32
      %get3A_141 = arith.constant 6 : i32
      %get3A_142 = arith.index_cast %get3A_141 : i32 to index
      %get3A_143 = arith.index_cast %mul3A_140 : i32 to index
      %get3A_144 = tpu.vector_load %arg5[%get3A_142, %get3A_143] {strides = array<i32>} : memref<64x256xf32, #tpu.memory_space<vmem>>, vector<16xf32>,
      %broadcast_in_dim3A_145 = arith.constant 6 : i32
      %broadcast_in_dim3A_146 = vector.broadcast %broadcast_in_dim3A_145 : i32 to vector<16xi32>
      %gt3A_147 = arith.cmpf ogt, %get3A_144, %select_n3A_137 : vector<16xf32>
      %gt3A_148 = arith.cmpf ogt, %get3A_144, %select_n3A_134 : vector<16xf32>
      %select_n3A_149 = arith.select %gt3A_148, %get3A_144, %select_n3A_134 : vector<16xi1>, vector<16xf32>
      %select_n3A_150 = arith.select %gt3A_147, %select_n3A_137, %select_n3A_149 : vector<16xi1>, vector<16xf32>
      %select_n3A_151 = arith.select %gt3A_148, %broadcast_in_dim3A_146, %select_n3A_136 : vector<16xi1>, vector<16xi32>
      %select_n3A_152 = arith.select %gt3A_147, %select_n3A_138, %select_n3A_151 : vector<16xi1>, vector<16xi32>
      %select_n3A_153 = arith.select %gt3A_147, %get3A_144, %select_n3A_137 : vector<16xi1>, vector<16xf32>
      %select_n3A_154 = arith.select %gt3A_147, %broadcast_in_dim3A_146, %select_n3A_138 : vector<16xi1>, vector<16xi32>
      %mul3A_155 = arith.constant 16 : i32
      %mul3A_156 = arith.muli %scan3A_41, %mul3A_155 : i32
      %get3A_157 = arith.constant 7 : i32
      %get3A_158 = arith.index_cast %get3A_157 : i32 to index
      %get3A_159 = arith.index_cast %mul3A_156 : i32 to index
      %get3A_160 = tpu.vector_load %arg5[%get3A_158, %get3A_159] {strides = array<i32>} : memref<64x256xf32, #tpu.memory_space<vmem>>, vector<16xf32>,
      %broadcast_in_dim3A_161 = arith.constant 7 : i32
      %broadcast_in_dim3A_162 = vector.broadcast %broadcast_in_dim3A_161 : i32 to vector<16xi32>
      %gt3A_163 = arith.cmpf ogt, %get3A_160, %select_n3A_153 : vector<16xf32>
      %gt3A_164 = arith.cmpf ogt, %get3A_160, %select_n3A_150 : vector<16xf32>
      %select_n3A_165 = arith.select %gt3A_164, %get3A_160, %select_n3A_150 : vector<16xi1>, vector<16xf32>
      %select_n3A_166 = arith.select %gt3A_163, %select_n3A_153, %select_n3A_165 : vector<16xi1>, vector<16xf32>
      %select_n3A_167 = arith.select %gt3A_164, %broadcast_in_dim3A_162, %select_n3A_152 : vector<16xi1>, vector<16xi32>
      %select_n3A_168 = arith.select %gt3A_163, %select_n3A_154, %select_n3A_167 : vector<16xi1>, vector<16xi32>
      %select_n3A_169 = arith.select %gt3A_163, %get3A_160, %select_n3A_153 : vector<16xi1>, vector<16xf32>
      %select_n3A_170 = arith.select %gt3A_163, %broadcast_in_dim3A_162, %select_n3A_154 : vector<16xi1>, vector<16xi32>
      %mul3A_171 = arith.constant 16 : i32
      %mul3A_172 = arith.muli %scan3A_41, %mul3A_171 : i32
      %get3A_173 = arith.constant 8 : i32
      %get3A_174 = arith.index_cast %get3A_173 : i32 to index
      %get3A_175 = arith.index_cast %mul3A_172 : i32 to index
      %get3A_176 = tpu.vector_load %arg5[%get3A_174, %get3A_175] {strides = array<i32>} : memref<64x256xf32, #tpu.memory_space<vmem>>, vector<16xf32>,
      %broadcast_in_dim3A_177 = arith.constant 8 : i32
      %broadcast_in_dim3A_178 = vector.broadcast %broadcast_in_dim3A_177 : i32 to vector<16xi32>
      %gt3A_179 = arith.cmpf ogt, %get3A_176, %select_n3A_169 : vector<16xf32>
      %gt3A_180 = arith.cmpf ogt, %get3A_176, %select_n3A_166 : vector<16xf32>
      %select_n3A_181 = arith.select %gt3A_180, %get3A_176, %select_n3A_166 : vector<16xi1>, vector<16xf32>
      %select_n3A_182 = arith.select %gt3A_179, %select_n3A_169, %select_n3A_181 : vector<16xi1>, vector<16xf32>
      %select_n3A_183 = arith.select %gt3A_180, %broadcast_in_dim3A_178, %select_n3A_168 : vector<16xi1>, vector<16xi32>
      %select_n3A_184 = arith.select %gt3A_179, %select_n3A_170, %select_n3A_183 : vector<16xi1>, vector<16xi32>
      %select_n3A_185 = arith.select %gt3A_179, %get3A_176, %select_n3A_169 : vector<16xi1>, vector<16xf32>
      %select_n3A_186 = arith.select %gt3A_179, %broadcast_in_dim3A_178, %select_n3A_170 : vector<16xi1>, vector<16xi32>
      %mul3A_187 = arith.constant 16 : i32
      %mul3A_188 = arith.muli %scan3A_41, %mul3A_187 : i32
      %get3A_189 = arith.constant 9 : i32
      %get3A_190 = arith.index_cast %get3A_189 : i32 to index
      %get3A_191 = arith.index_cast %mul3A_188 : i32 to index
      %get3A_192 = tpu.vector_load %arg5[%get3A_190, %get3A_191] {strides = array<i32>} : memref<64x256xf32, #tpu.memory_space<vmem>>, vector<16xf32>,
      %broadcast_in_dim3A_193 = arith.constant 9 : i32
      %broadcast_in_dim3A_194 = vector.broadcast %broadcast_in_dim3A_193 : i32 to vector<16xi32>
      %gt3A_195 = arith.cmpf ogt, %get3A_192, %select_n3A_185 : vector<16xf32>
      %gt3A_196 = arith.cmpf ogt, %get3A_192, %select_n3A_182 : vector<16xf32>
      %select_n3A_197 = arith.select %gt3A_196, %get3A_192, %select_n3A_182 : vector<16xi1>, vector<16xf32>
      %select_n3A_198 = arith.select %gt3A_195, %select_n3A_185, %select_n3A_197 : vector<16xi1>, vector<16xf32>
      %select_n3A_199 = arith.select %gt3A_196, %broadcast_in_dim3A_194, %select_n3A_184 : vector<16xi1>, vector<16xi32>
      %select_n3A_200 = arith.select %gt3A_195, %select_n3A_186, %select_n3A_199 : vector<16xi1>, vector<16xi32>
      %select_n3A_201 = arith.select %gt3A_195, %get3A_192, %select_n3A_185 : vector<16xi1>, vector<16xf32>
      %select_n3A_202 = arith.select %gt3A_195, %broadcast_in_dim3A_194, %select_n3A_186 : vector<16xi1>, vector<16xi32>
      %mul3A_203 = arith.constant 16 : i32
      %mul3A_204 = arith.muli %scan3A_41, %mul3A_203 : i32
      %get3A_205 = arith.constant 10 : i32
      %get3A_206 = arith.index_cast %get3A_205 : i32 to index
      %get3A_207 = arith.index_cast %mul3A_204 : i32 to index
      %get3A_208 = tpu.vector_load %arg5[%get3A_206, %get3A_207] {strides = array<i32>} : memref<64x256xf32, #tpu.memory_space<vmem>>, vector<16xf32>,
      %broadcast_in_dim3A_209 = arith.constant 10 : i32
      %broadcast_in_dim3A_210 = vector.broadcast %broadcast_in_dim3A_209 : i32 to vector<16xi32>
      %gt3A_211 = arith.cmpf ogt, %get3A_208, %select_n3A_201 : vector<16xf32>
      %gt3A_212 = arith.cmpf ogt, %get3A_208, %select_n3A_198 : vector<16xf32>
      %select_n3A_213 = arith.select %gt3A_212, %get3A_208, %select_n3A_198 : vector<16xi1>, vector<16xf32>
      %select_n3A_214 = arith.select %gt3A_211, %select_n3A_201, %select_n3A_213 : vector<16xi1>, vector<16xf32>
      %select_n3A_215 = arith.select %gt3A_212, %broadcast_in_dim3A_210, %select_n3A_200 : vector<16xi1>, vector<16xi32>
      %select_n3A_216 = arith.select %gt3A_211, %select_n3A_202, %select_n3A_215 : vector<16xi1>, vector<16xi32>
      %select_n3A_217 = arith.select %gt3A_211, %get3A_208, %select_n3A_201 : vector<16xi1>, vector<16xf32>
      %select_n3A_218 = arith.select %gt3A_211, %broadcast_in_dim3A_210, %select_n3A_202 : vector<16xi1>, vector<16xi32>
      %mul3A_219 = arith.constant 16 : i32
      %mul3A_220 = arith.muli %scan3A_41, %mul3A_219 : i32
      %get3A_221 = arith.constant 11 : i32
      %get3A_222 = arith.index_cast %get3A_221 : i32 to index
      %get3A_223 = arith.index_cast %mul3A_220 : i32 to index
      %get3A_224 = tpu.vector_load %arg5[%get3A_222, %get3A_223] {strides = array<i32>} : memref<64x256xf32, #tpu.memory_space<vmem>>, vector<16xf32>,
      %broadcast_in_dim3A_225 = arith.constant 11 : i32
      %broadcast_in_dim3A_226 = vector.broadcast %broadcast_in_dim3A_225 : i32 to vector<16xi32>
      %gt3A_227 = arith.cmpf ogt, %get3A_224, %select_n3A_217 : vector<16xf32>
      %gt3A_228 = arith.cmpf ogt, %get3A_224, %select_n3A_214 : vector<16xf32>
      %select_n3A_229 = arith.select %gt3A_228, %get3A_224, %select_n3A_214 : vector<16xi1>, vector<16xf32>
      %select_n3A_230 = arith.select %gt3A_227, %select_n3A_217, %select_n3A_229 : vector<16xi1>, vector<16xf32>
      %select_n3A_231 = arith.select %gt3A_228, %broadcast_in_dim3A_226, %select_n3A_216 : vector<16xi1>, vector<16xi32>
      %select_n3A_232 = arith.select %gt3A_227, %select_n3A_218, %select_n3A_231 : vector<16xi1>, vector<16xi32>
      %select_n3A_233 = arith.select %gt3A_227, %get3A_224, %select_n3A_217 : vector<16xi1>, vector<16xf32>
      %select_n3A_234 = arith.select %gt3A_227, %broadcast_in_dim3A_226, %select_n3A_218 : vector<16xi1>, vector<16xi32>
      %mul3A_235 = arith.constant 16 : i32
      %mul3A_236 = arith.muli %scan3A_41, %mul3A_235 : i32
      %get3A_237 = arith.constant 12 : i32
      %get3A_238 = arith.index_cast %get3A_237 : i32 to index
      %get3A_239 = arith.index_cast %mul3A_236 : i32 to index
      %get3A_240 = tpu.vector_load %arg5[%get3A_238, %get3A_239] {strides = array<i32>} : memref<64x256xf32, #tpu.memory_space<vmem>>, vector<16xf32>,
      %broadcast_in_dim3A_241 = arith.constant 12 : i32
      %broadcast_in_dim3A_242 = vector.broadcast %broadcast_in_dim3A_241 : i32 to vector<16xi32>
      %gt3A_243 = arith.cmpf ogt, %get3A_240, %select_n3A_233 : vector<16xf32>
      %gt3A_244 = arith.cmpf ogt, %get3A_240, %select_n3A_230 : vector<16xf32>
      %select_n3A_245 = arith.select %gt3A_244, %get3A_240, %select_n3A_230 : vector<16xi1>, vector<16xf32>
      %select_n3A_246 = arith.select %gt3A_243, %select_n3A_233, %select_n3A_245 : vector<16xi1>, vector<16xf32>
      %select_n3A_247 = arith.select %gt3A_244, %broadcast_in_dim3A_242, %select_n3A_232 : vector<16xi1>, vector<16xi32>
      %select_n3A_248 = arith.select %gt3A_243, %select_n3A_234, %select_n3A_247 : vector<16xi1>, vector<16xi32>
      %select_n3A_249 = arith.select %gt3A_243, %get3A_240, %select_n3A_233 : vector<16xi1>, vector<16xf32>
      %select_n3A_250 = arith.select %gt3A_243, %broadcast_in_dim3A_242, %select_n3A_234 : vector<16xi1>, vector<16xi32>
      %mul3A_251 = arith.constant 16 : i32
      %mul3A_252 = arith.muli %scan3A_41, %mul3A_251 : i32
      %get3A_253 = arith.constant 13 : i32
      %get3A_254 = arith.index_cast %get3A_253 : i32 to index
      %get3A_255 = arith.index_cast %mul3A_252 : i32 to index
      %get3A_256 = tpu.vector_load %arg5[%get3A_254, %get3A_255] {strides = array<i32>} : memref<64x256xf32, #tpu.memory_space<vmem>>, vector<16xf32>,
      %broadcast_in_dim3A_257 = arith.constant 13 : i32
      %broadcast_in_dim3A_258 = vector.broadcast %broadcast_in_dim3A_257 : i32 to vector<16xi32>
      %gt3A_259 = arith.cmpf ogt, %get3A_256, %select_n3A_249 : vector<16xf32>
      %gt3A_260 = arith.cmpf ogt, %get3A_256, %select_n3A_246 : vector<16xf32>
      %select_n3A_261 = arith.select %gt3A_260, %get3A_256, %select_n3A_246 : vector<16xi1>, vector<16xf32>
      %select_n3A_262 = arith.select %gt3A_259, %select_n3A_249, %select_n3A_261 : vector<16xi1>, vector<16xf32>
      %select_n3A_263 = arith.select %gt3A_260, %broadcast_in_dim3A_258, %select_n3A_248 : vector<16xi1>, vector<16xi32>
      %select_n3A_264 = arith.select %gt3A_259, %select_n3A_250, %select_n3A_263 : vector<16xi1>, vector<16xi32>
      %select_n3A_265 = arith.select %gt3A_259, %get3A_256, %select_n3A_249 : vector<16xi1>, vector<16xf32>
      %select_n3A_266 = arith.select %gt3A_259, %broadcast_in_dim3A_258, %select_n3A_250 : vector<16xi1>, vector<16xi32>
      %mul3A_267 = arith.constant 16 : i32
      %mul3A_268 = arith.muli %scan3A_41, %mul3A_267 : i32
      %get3A_269 = arith.constant 14 : i32
      %get3A_270 = arith.index_cast %get3A_269 : i32 to index
      %get3A_271 = arith.index_cast %mul3A_268 : i32 to index
      %get3A_272 = tpu.vector_load %arg5[%get3A_270, %get3A_271] {strides = array<i32>} : memref<64x256xf32, #tpu.memory_space<vmem>>, vector<16xf32>,
      %broadcast_in_dim3A_273 = arith.constant 14 : i32
      %broadcast_in_dim3A_274 = vector.broadcast %broadcast_in_dim3A_273 : i32 to vector<16xi32>
      %gt3A_275 = arith.cmpf ogt, %get3A_272, %select_n3A_265 : vector<16xf32>
      %gt3A_276 = arith.cmpf ogt, %get3A_272, %select_n3A_262 : vector<16xf32>
      %select_n3A_277 = arith.select %gt3A_276, %get3A_272, %select_n3A_262 : vector<16xi1>, vector<16xf32>
      %select_n3A_278 = arith.select %gt3A_275, %select_n3A_265, %select_n3A_277 : vector<16xi1>, vector<16xf32>
      %select_n3A_279 = arith.select %gt3A_276, %broadcast_in_dim3A_274, %select_n3A_264 : vector<16xi1>, vector<16xi32>
      %select_n3A_280 = arith.select %gt3A_275, %select_n3A_266, %select_n3A_279 : vector<16xi1>, vector<16xi32>
      %select_n3A_281 = arith.select %gt3A_275, %get3A_272, %select_n3A_265 : vector<16xi1>, vector<16xf32>
      %select_n3A_282 = arith.select %gt3A_275, %broadcast_in_dim3A_274, %select_n3A_266 : vector<16xi1>, vector<16xi32>
      %mul3A_283 = arith.constant 16 : i32
      %mul3A_284 = arith.muli %scan3A_41, %mul3A_283 : i32
      %get3A_285 = arith.constant 15 : i32
      %get3A_286 = arith.index_cast %get3A_285 : i32 to index
      %get3A_287 = arith.index_cast %mul3A_284 : i32 to index
      %get3A_288 = tpu.vector_load %arg5[%get3A_286, %get3A_287] {strides = array<i32>} : memref<64x256xf32, #tpu.memory_space<vmem>>, vector<16xf32>,
      %broadcast_in_dim3A_289 = arith.constant 15 : i32
      %broadcast_in_dim3A_290 = vector.broadcast %broadcast_in_dim3A_289 : i32 to vector<16xi32>
      %gt3A_291 = arith.cmpf ogt, %get3A_288, %select_n3A_281 : vector<16xf32>
      %gt3A_292 = arith.cmpf ogt, %get3A_288, %select_n3A_278 : vector<16xf32>
      %select_n3A_293 = arith.select %gt3A_292, %get3A_288, %select_n3A_278 : vector<16xi1>, vector<16xf32>
      %select_n3A_294 = arith.select %gt3A_291, %select_n3A_281, %select_n3A_293 : vector<16xi1>, vector<16xf32>
      %select_n3A_295 = arith.select %gt3A_292, %broadcast_in_dim3A_290, %select_n3A_280 : vector<16xi1>, vector<16xi32>
      %select_n3A_296 = arith.select %gt3A_291, %select_n3A_282, %select_n3A_295 : vector<16xi1>, vector<16xi32>
      %select_n3A_297 = arith.select %gt3A_291, %get3A_288, %select_n3A_281 : vector<16xi1>, vector<16xf32>
      %select_n3A_298 = arith.select %gt3A_291, %broadcast_in_dim3A_290, %select_n3A_282 : vector<16xi1>, vector<16xi32>
      %mul3A_299 = arith.constant 16 : i32
      %mul3A_300 = arith.muli %scan3A_41, %mul3A_299 : i32
      %get3A_301 = arith.constant 16 : i32
      %get3A_302 = arith.index_cast %get3A_301 : i32 to index
      %get3A_303 = arith.index_cast %mul3A_300 : i32 to index
      %get3A_304 = tpu.vector_load %arg5[%get3A_302, %get3A_303] {strides = array<i32>} : memref<64x256xf32, #tpu.memory_space<vmem>>, vector<16xf32>,
      %broadcast_in_dim3A_305 = arith.constant 16 : i32
      %broadcast_in_dim3A_306 = vector.broadcast %broadcast_in_dim3A_305 : i32 to vector<16xi32>
      %gt3A_307 = arith.cmpf ogt, %get3A_304, %select_n3A_297 : vector<16xf32>
      %gt3A_308 = arith.cmpf ogt, %get3A_304, %select_n3A_294 : vector<16xf32>
      %select_n3A_309 = arith.select %gt3A_308, %get3A_304, %select_n3A_294 : vector<16xi1>, vector<16xf32>
      %select_n3A_310 = arith.select %gt3A_307, %select_n3A_297, %select_n3A_309 : vector<16xi1>, vector<16xf32>
      %select_n3A_311 = arith.select %gt3A_308, %broadcast_in_dim3A_306, %select_n3A_296 : vector<16xi1>, vector<16xi32>
      %select_n3A_312 = arith.select %gt3A_307, %select_n3A_298, %select_n3A_311 : vector<16xi1>, vector<16xi32>
      %select_n3A_313 = arith.select %gt3A_307, %get3A_304, %select_n3A_297 : vector<16xi1>, vector<16xf32>
      %select_n3A_314 = arith.select %gt3A_307, %broadcast_in_dim3A_306, %select_n3A_298 : vector<16xi1>, vector<16xi32>
      %mul3A_315 = arith.constant 16 : i32
      %mul3A_316 = arith.muli %scan3A_41, %mul3A_315 : i32
      %get3A_317 = arith.constant 17 : i32
      %get3A_318 = arith.index_cast %get3A_317 : i32 to index
      %get3A_319 = arith.index_cast %mul3A_316 : i32 to index
      %get3A_320 = tpu.vector_load %arg5[%get3A_318, %get3A_319] {strides = array<i32>} : memref<64x256xf32, #tpu.memory_space<vmem>>, vector<16xf32>,
      %broadcast_in_dim3A_321 = arith.constant 17 : i32
      %broadcast_in_dim3A_322 = vector.broadcast %broadcast_in_dim3A_321 : i32 to vector<16xi32>
      %gt3A_323 = arith.cmpf ogt, %get3A_320, %select_n3A_313 : vector<16xf32>
      %gt3A_324 = arith.cmpf ogt, %get3A_320, %select_n3A_310 : vector<16xf32>
      %select_n3A_325 = arith.select %gt3A_324, %get3A_320, %select_n3A_310 : vector<16xi1>, vector<16xf32>
      %select_n3A_326 = arith.select %gt3A_323, %select_n3A_313, %select_n3A_325 : vector<16xi1>, vector<16xf32>
      %select_n3A_327 = arith.select %gt3A_324, %broadcast_in_dim3A_322, %select_n3A_312 : vector<16xi1>, vector<16xi32>
      %select_n3A_328 = arith.select %gt3A_323, %select_n3A_314, %select_n3A_327 : vector<16xi1>, vector<16xi32>
      %select_n3A_329 = arith.select %gt3A_323, %get3A_320, %select_n3A_313 : vector<16xi1>, vector<16xf32>
      %select_n3A_330 = arith.select %gt3A_323, %broadcast_in_dim3A_322, %select_n3A_314 : vector<16xi1>, vector<16xi32>
      %mul3A_331 = arith.constant 16 : i32
      %mul3A_332 = arith.muli %scan3A_41, %mul3A_331 : i32
      %get3A_333 = arith.constant 18 : i32
      %get3A_334 = arith.index_cast %get3A_333 : i32 to index
      %get3A_335 = arith.index_cast %mul3A_332 : i32 to index
      %get3A_336 = tpu.vector_load %arg5[%get3A_334, %get3A_335] {strides = array<i32>} : memref<64x256xf32, #tpu.memory_space<vmem>>, vector<16xf32>,
      %broadcast_in_dim3A_337 = arith.constant 18 : i32
      %broadcast_in_dim3A_338 = vector.broadcast %broadcast_in_dim3A_337 : i32 to vector<16xi32>
      %gt3A_339 = arith.cmpf ogt, %get3A_336, %select_n3A_329 : vector<16xf32>
      %gt3A_340 = arith.cmpf ogt, %get3A_336, %select_n3A_326 : vector<16xf32>
      %select_n3A_341 = arith.select %gt3A_340, %get3A_336, %select_n3A_326 : vector<16xi1>, vector<16xf32>
      %select_n3A_342 = arith.select %gt3A_339, %select_n3A_329, %select_n3A_341 : vector<16xi1>, vector<16xf32>
      %select_n3A_343 = arith.select %gt3A_340, %broadcast_in_dim3A_338, %select_n3A_328 : vector<16xi1>, vector<16xi32>
      %select_n3A_344 = arith.select %gt3A_339, %select_n3A_330, %select_n3A_343 : vector<16xi1>, vector<16xi32>
      %select_n3A_345 = arith.select %gt3A_339, %get3A_336, %select_n3A_329 : vector<16xi1>, vector<16xf32>
      %select_n3A_346 = arith.select %gt3A_339, %broadcast_in_dim3A_338, %select_n3A_330 : vector<16xi1>, vector<16xi32>
      %mul3A_347 = arith.constant 16 : i32
      %mul3A_348 = arith.muli %scan3A_41, %mul3A_347 : i32
      %get3A_349 = arith.constant 19 : i32
      %get3A_350 = arith.index_cast %get3A_349 : i32 to index
      %get3A_351 = arith.index_cast %mul3A_348 : i32 to index
      %get3A_352 = tpu.vector_load %arg5[%get3A_350, %get3A_351] {strides = array<i32>} : memref<64x256xf32, #tpu.memory_space<vmem>>, vector<16xf32>,
      %broadcast_in_dim3A_353 = arith.constant 19 : i32
      %broadcast_in_dim3A_354 = vector.broadcast %broadcast_in_dim3A_353 : i32 to vector<16xi32>
      %gt3A_355 = arith.cmpf ogt, %get3A_352, %select_n3A_345 : vector<16xf32>
      %gt3A_356 = arith.cmpf ogt, %get3A_352, %select_n3A_342 : vector<16xf32>
      %select_n3A_357 = arith.select %gt3A_356, %get3A_352, %select_n3A_342 : vector<16xi1>, vector<16xf32>
      %select_n3A_358 = arith.select %gt3A_355, %select_n3A_345, %select_n3A_357 : vector<16xi1>, vector<16xf32>
      %select_n3A_359 = arith.select %gt3A_356, %broadcast_in_dim3A_354, %select_n3A_344 : vector<16xi1>, vector<16xi32>
      %select_n3A_360 = arith.select %gt3A_355, %select_n3A_346, %select_n3A_359 : vector<16xi1>, vector<16xi32>
      %select_n3A_361 = arith.select %gt3A_355, %get3A_352, %select_n3A_345 : vector<16xi1>, vector<16xf32>
      %select_n3A_362 = arith.select %gt3A_355, %broadcast_in_dim3A_354, %select_n3A_346 : vector<16xi1>, vector<16xi32>
      %mul3A_363 = arith.constant 16 : i32
      %mul3A_364 = arith.muli %scan3A_41, %mul3A_363 : i32
      %get3A_365 = arith.constant 20 : i32
      %get3A_366 = arith.index_cast %get3A_365 : i32 to index
      %get3A_367 = arith.index_cast %mul3A_364 : i32 to index
      %get3A_368 = tpu.vector_load %arg5[%get3A_366, %get3A_367] {strides = array<i32>} : memref<64x256xf32, #tpu.memory_space<vmem>>, vector<16xf32>,
      %broadcast_in_dim3A_369 = arith.constant 20 : i32
      %broadcast_in_dim3A_370 = vector.broadcast %broadcast_in_dim3A_369 : i32 to vector<16xi32>
      %gt3A_371 = arith.cmpf ogt, %get3A_368, %select_n3A_361 : vector<16xf32>
      %gt3A_372 = arith.cmpf ogt, %get3A_368, %select_n3A_358 : vector<16xf32>
      %select_n3A_373 = arith.select %gt3A_372, %get3A_368, %select_n3A_358 : vector<16xi1>, vector<16xf32>
      %select_n3A_374 = arith.select %gt3A_371, %select_n3A_361, %select_n3A_373 : vector<16xi1>, vector<16xf32>
      %select_n3A_375 = arith.select %gt3A_372, %broadcast_in_dim3A_370, %select_n3A_360 : vector<16xi1>, vector<16xi32>
      %select_n3A_376 = arith.select %gt3A_371, %select_n3A_362, %select_n3A_375 : vector<16xi1>, vector<16xi32>
      %select_n3A_377 = arith.select %gt3A_371, %get3A_368, %select_n3A_361 : vector<16xi1>, vector<16xf32>
      %select_n3A_378 = arith.select %gt3A_371, %broadcast_in_dim3A_370, %select_n3A_362 : vector<16xi1>, vector<16xi32>
      %mul3A_379 = arith.constant 16 : i32
      %mul3A_380 = arith.muli %scan3A_41, %mul3A_379 : i32
      %get3A_381 = arith.constant 21 : i32
      %get3A_382 = arith.index_cast %get3A_381 : i32 to index
      %get3A_383 = arith.index_cast %mul3A_380 : i32 to index
      %get3A_384 = tpu.vector_load %arg5[%get3A_382, %get3A_383] {strides = array<i32>} : memref<64x256xf32, #tpu.memory_space<vmem>>, vector<16xf32>,
      %broadcast_in_dim3A_385 = arith.constant 21 : i32
      %broadcast_in_dim3A_386 = vector.broadcast %broadcast_in_dim3A_385 : i32 to vector<16xi32>
      %gt3A_387 = arith.cmpf ogt, %get3A_384, %select_n3A_377 : vector<16xf32>
      %gt3A_388 = arith.cmpf ogt, %get3A_384, %select_n3A_374 : vector<16xf32>
      %select_n3A_389 = arith.select %gt3A_388, %get3A_384, %select_n3A_374 : vector<16xi1>, vector<16xf32>
      %select_n3A_390 = arith.select %gt3A_387, %select_n3A_377, %select_n3A_389 : vector<16xi1>, vector<16xf32>
      %select_n3A_391 = arith.select %gt3A_388, %broadcast_in_dim3A_386, %select_n3A_376 : vector<16xi1>, vector<16xi32>
      %select_n3A_392 = arith.select %gt3A_387, %select_n3A_378, %select_n3A_391 : vector<16xi1>, vector<16xi32>
      %select_n3A_393 = arith.select %gt3A_387, %get3A_384, %select_n3A_377 : vector<16xi1>, vector<16xf32>
      %select_n3A_394 = arith.select %gt3A_387, %broadcast_in_dim3A_386, %select_n3A_378 : vector<16xi1>, vector<16xi32>
      %mul3A_395 = arith.constant 16 : i32
      %mul3A_396 = arith.muli %scan3A_41, %mul3A_395 : i32
      %get3A_397 = arith.constant 22 : i32
      %get3A_398 = arith.index_cast %get3A_397 : i32 to index
      %get3A_399 = arith.index_cast %mul3A_396 : i32 to index
      %get3A_400 = tpu.vector_load %arg5[%get3A_398, %get3A_399] {strides = array<i32>} : memref<64x256xf32, #tpu.memory_space<vmem>>, vector<16xf32>,
      %broadcast_in_dim3A_401 = arith.constant 22 : i32
      %broadcast_in_dim3A_402 = vector.broadcast %broadcast_in_dim3A_401 : i32 to vector<16xi32>
      %gt3A_403 = arith.cmpf ogt, %get3A_400, %select_n3A_393 : vector<16xf32>
      %gt3A_404 = arith.cmpf ogt, %get3A_400, %select_n3A_390 : vector<16xf32>
      %select_n3A_405 = arith.select %gt3A_404, %get3A_400, %select_n3A_390 : vector<16xi1>, vector<16xf32>
      %select_n3A_406 = arith.select %gt3A_403, %select_n3A_393, %select_n3A_405 : vector<16xi1>, vector<16xf32>
      %select_n3A_407 = arith.select %gt3A_404, %broadcast_in_dim3A_402, %select_n3A_392 : vector<16xi1>, vector<16xi32>
      %select_n3A_408 = arith.select %gt3A_403, %select_n3A_394, %select_n3A_407 : vector<16xi1>, vector<16xi32>
      %select_n3A_409 = arith.select %gt3A_403, %get3A_400, %select_n3A_393 : vector<16xi1>, vector<16xf32>
      %select_n3A_410 = arith.select %gt3A_403, %broadcast_in_dim3A_402, %select_n3A_394 : vector<16xi1>, vector<16xi32>
      %mul3A_411 = arith.constant 16 : i32
      %mul3A_412 = arith.muli %scan3A_41, %mul3A_411 : i32
      %get3A_413 = arith.constant 23 : i32
      %get3A_414 = arith.index_cast %get3A_413 : i32 to index
      %get3A_415 = arith.index_cast %mul3A_412 : i32 to index
      %get3A_416 = tpu.vector_load %arg5[%get3A_414, %get3A_415] {strides = array<i32>} : memref<64x256xf32, #tpu.memory_space<vmem>>, vector<16xf32>,
      %broadcast_in_dim3A_417 = arith.constant 23 : i32
      %broadcast_in_dim3A_418 = vector.broadcast %broadcast_in_dim3A_417 : i32 to vector<16xi32>
      %gt3A_419 = arith.cmpf ogt, %get3A_416, %select_n3A_409 : vector<16xf32>
      %gt3A_420 = arith.cmpf ogt, %get3A_416, %select_n3A_406 : vector<16xf32>
      %select_n3A_421 = arith.select %gt3A_420, %get3A_416, %select_n3A_406 : vector<16xi1>, vector<16xf32>
      %select_n3A_422 = arith.select %gt3A_419, %select_n3A_409, %select_n3A_421 : vector<16xi1>, vector<16xf32>
      %select_n3A_423 = arith.select %gt3A_420, %broadcast_in_dim3A_418, %select_n3A_408 : vector<16xi1>, vector<16xi32>
      %select_n3A_424 = arith.select %gt3A_419, %select_n3A_410, %select_n3A_423 : vector<16xi1>, vector<16xi32>
      %select_n3A_425 = arith.select %gt3A_419, %get3A_416, %select_n3A_409 : vector<16xi1>, vector<16xf32>
      %select_n3A_426 = arith.select %gt3A_419, %broadcast_in_dim3A_418, %select_n3A_410 : vector<16xi1>, vector<16xi32>
      %mul3A_427 = arith.constant 16 : i32
      %mul3A_428 = arith.muli %scan3A_41, %mul3A_427 : i32
      %get3A_429 = arith.constant 24 : i32
      %get3A_430 = arith.index_cast %get3A_429 : i32 to index
      %get3A_431 = arith.index_cast %mul3A_428 : i32 to index
      %get3A_432 = tpu.vector_load %arg5[%get3A_430, %get3A_431] {strides = array<i32>} : memref<64x256xf32, #tpu.memory_space<vmem>>, vector<16xf32>,
      %broadcast_in_dim3A_433 = arith.constant 24 : i32
      %broadcast_in_dim3A_434 = vector.broadcast %broadcast_in_dim3A_433 : i32 to vector<16xi32>
      %gt3A_435 = arith.cmpf ogt, %get3A_432, %select_n3A_425 : vector<16xf32>
      %gt3A_436 = arith.cmpf ogt, %get3A_432, %select_n3A_422 : vector<16xf32>
      %select_n3A_437 = arith.select %gt3A_436, %get3A_432, %select_n3A_422 : vector<16xi1>, vector<16xf32>
      %select_n3A_438 = arith.select %gt3A_435, %select_n3A_425, %select_n3A_437 : vector<16xi1>, vector<16xf32>
      %select_n3A_439 = arith.select %gt3A_436, %broadcast_in_dim3A_434, %select_n3A_424 : vector<16xi1>, vector<16xi32>
      %select_n3A_440 = arith.select %gt3A_435, %select_n3A_426, %select_n3A_439 : vector<16xi1>, vector<16xi32>
      %select_n3A_441 = arith.select %gt3A_435, %get3A_432, %select_n3A_425 : vector<16xi1>, vector<16xf32>
      %select_n3A_442 = arith.select %gt3A_435, %broadcast_in_dim3A_434, %select_n3A_426 : vector<16xi1>, vector<16xi32>
      %mul3A_443 = arith.constant 16 : i32
      %mul3A_444 = arith.muli %scan3A_41, %mul3A_443 : i32
      %get3A_445 = arith.constant 25 : i32
      %get3A_446 = arith.index_cast %get3A_445 : i32 to index
      %get3A_447 = arith.index_cast %mul3A_444 : i32 to index
      %get3A_448 = tpu.vector_load %arg5[%get3A_446, %get3A_447] {strides = array<i32>} : memref<64x256xf32, #tpu.memory_space<vmem>>, vector<16xf32>,
      %broadcast_in_dim3A_449 = arith.constant 25 : i32
      %broadcast_in_dim3A_450 = vector.broadcast %broadcast_in_dim3A_449 : i32 to vector<16xi32>
      %gt3A_451 = arith.cmpf ogt, %get3A_448, %select_n3A_441 : vector<16xf32>
      %gt3A_452 = arith.cmpf ogt, %get3A_448, %select_n3A_438 : vector<16xf32>
      %select_n3A_453 = arith.select %gt3A_452, %get3A_448, %select_n3A_438 : vector<16xi1>, vector<16xf32>
      %select_n3A_454 = arith.select %gt3A_451, %select_n3A_441, %select_n3A_453 : vector<16xi1>, vector<16xf32>
      %select_n3A_455 = arith.select %gt3A_452, %broadcast_in_dim3A_450, %select_n3A_440 : vector<16xi1>, vector<16xi32>
      %select_n3A_456 = arith.select %gt3A_451, %select_n3A_442, %select_n3A_455 : vector<16xi1>, vector<16xi32>
      %select_n3A_457 = arith.select %gt3A_451, %get3A_448, %select_n3A_441 : vector<16xi1>, vector<16xf32>
      %select_n3A_458 = arith.select %gt3A_451, %broadcast_in_dim3A_450, %select_n3A_442 : vector<16xi1>, vector<16xi32>
      %mul3A_459 = arith.constant 16 : i32
      %mul3A_460 = arith.muli %scan3A_41, %mul3A_459 : i32
      %get3A_461 = arith.constant 26 : i32
      %get3A_462 = arith.index_cast %get3A_461 : i32 to index
      %get3A_463 = arith.index_cast %mul3A_460 : i32 to index
      %get3A_464 = tpu.vector_load %arg5[%get3A_462, %get3A_463] {strides = array<i32>} : memref<64x256xf32, #tpu.memory_space<vmem>>, vector<16xf32>,
      %broadcast_in_dim3A_465 = arith.constant 26 : i32
      %broadcast_in_dim3A_466 = vector.broadcast %broadcast_in_dim3A_465 : i32 to vector<16xi32>
      %gt3A_467 = arith.cmpf ogt, %get3A_464, %select_n3A_457 : vector<16xf32>
      %gt3A_468 = arith.cmpf ogt, %get3A_464, %select_n3A_454 : vector<16xf32>
      %select_n3A_469 = arith.select %gt3A_468, %get3A_464, %select_n3A_454 : vector<16xi1>, vector<16xf32>
      %select_n3A_470 = arith.select %gt3A_467, %select_n3A_457, %select_n3A_469 : vector<16xi1>, vector<16xf32>
      %select_n3A_471 = arith.select %gt3A_468, %broadcast_in_dim3A_466, %select_n3A_456 : vector<16xi1>, vector<16xi32>
      %select_n3A_472 = arith.select %gt3A_467, %select_n3A_458, %select_n3A_471 : vector<16xi1>, vector<16xi32>
      %select_n3A_473 = arith.select %gt3A_467, %get3A_464, %select_n3A_457 : vector<16xi1>, vector<16xf32>
      %select_n3A_474 = arith.select %gt3A_467, %broadcast_in_dim3A_466, %select_n3A_458 : vector<16xi1>, vector<16xi32>
      %mul3A_475 = arith.constant 16 : i32
      %mul3A_476 = arith.muli %scan3A_41, %mul3A_475 : i32
      %get3A_477 = arith.constant 27 : i32
      %get3A_478 = arith.index_cast %get3A_477 : i32 to index
      %get3A_479 = arith.index_cast %mul3A_476 : i32 to index
      %get3A_480 = tpu.vector_load %arg5[%get3A_478, %get3A_479] {strides = array<i32>} : memref<64x256xf32, #tpu.memory_space<vmem>>, vector<16xf32>,
      %broadcast_in_dim3A_481 = arith.constant 27 : i32
      %broadcast_in_dim3A_482 = vector.broadcast %broadcast_in_dim3A_481 : i32 to vector<16xi32>
      %gt3A_483 = arith.cmpf ogt, %get3A_480, %select_n3A_473 : vector<16xf32>
      %gt3A_484 = arith.cmpf ogt, %get3A_480, %select_n3A_470 : vector<16xf32>
      %select_n3A_485 = arith.select %gt3A_484, %get3A_480, %select_n3A_470 : vector<16xi1>, vector<16xf32>
      %select_n3A_486 = arith.select %gt3A_483, %select_n3A_473, %select_n3A_485 : vector<16xi1>, vector<16xf32>
      %select_n3A_487 = arith.select %gt3A_484, %broadcast_in_dim3A_482, %select_n3A_472 : vector<16xi1>, vector<16xi32>
      %select_n3A_488 = arith.select %gt3A_483, %select_n3A_474, %select_n3A_487 : vector<16xi1>, vector<16xi32>
      %select_n3A_489 = arith.select %gt3A_483, %get3A_480, %select_n3A_473 : vector<16xi1>, vector<16xf32>
      %select_n3A_490 = arith.select %gt3A_483, %broadcast_in_dim3A_482, %select_n3A_474 : vector<16xi1>, vector<16xi32>
      %mul3A_491 = arith.constant 16 : i32
      %mul3A_492 = arith.muli %scan3A_41, %mul3A_491 : i32
      %get3A_493 = arith.constant 28 : i32
      %get3A_494 = arith.index_cast %get3A_493 : i32 to index
      %get3A_495 = arith.index_cast %mul3A_492 : i32 to index
      %get3A_496 = tpu.vector_load %arg5[%get3A_494, %get3A_495] {strides = array<i32>} : memref<64x256xf32, #tpu.memory_space<vmem>>, vector<16xf32>,
      %broadcast_in_dim3A_497 = arith.constant 28 : i32
      %broadcast_in_dim3A_498 = vector.broadcast %broadcast_in_dim3A_497 : i32 to vector<16xi32>
      %gt3A_499 = arith.cmpf ogt, %get3A_496, %select_n3A_489 : vector<16xf32>
      %gt3A_500 = arith.cmpf ogt, %get3A_496, %select_n3A_486 : vector<16xf32>
      %select_n3A_501 = arith.select %gt3A_500, %get3A_496, %select_n3A_486 : vector<16xi1>, vector<16xf32>
      %select_n3A_502 = arith.select %gt3A_499, %select_n3A_489, %select_n3A_501 : vector<16xi1>, vector<16xf32>
      %select_n3A_503 = arith.select %gt3A_500, %broadcast_in_dim3A_498, %select_n3A_488 : vector<16xi1>, vector<16xi32>
      %select_n3A_504 = arith.select %gt3A_499, %select_n3A_490, %select_n3A_503 : vector<16xi1>, vector<16xi32>
      %select_n3A_505 = arith.select %gt3A_499, %get3A_496, %select_n3A_489 : vector<16xi1>, vector<16xf32>
      %select_n3A_506 = arith.select %gt3A_499, %broadcast_in_dim3A_498, %select_n3A_490 : vector<16xi1>, vector<16xi32>
      %mul3A_507 = arith.constant 16 : i32
      %mul3A_508 = arith.muli %scan3A_41, %mul3A_507 : i32
      %get3A_509 = arith.constant 29 : i32
      %get3A_510 = arith.index_cast %get3A_509 : i32 to index
      %get3A_511 = arith.index_cast %mul3A_508 : i32 to index
      %get3A_512 = tpu.vector_load %arg5[%get3A_510, %get3A_511] {strides = array<i32>} : memref<64x256xf32, #tpu.memory_space<vmem>>, vector<16xf32>,
      %broadcast_in_dim3A_513 = arith.constant 29 : i32
      %broadcast_in_dim3A_514 = vector.broadcast %broadcast_in_dim3A_513 : i32 to vector<16xi32>
      %gt3A_515 = arith.cmpf ogt, %get3A_512, %select_n3A_505 : vector<16xf32>
      %gt3A_516 = arith.cmpf ogt, %get3A_512, %select_n3A_502 : vector<16xf32>
      %select_n3A_517 = arith.select %gt3A_516, %get3A_512, %select_n3A_502 : vector<16xi1>, vector<16xf32>
      %select_n3A_518 = arith.select %gt3A_515, %select_n3A_505, %select_n3A_517 : vector<16xi1>, vector<16xf32>
      %select_n3A_519 = arith.select %gt3A_516, %broadcast_in_dim3A_514, %select_n3A_504 : vector<16xi1>, vector<16xi32>
      %select_n3A_520 = arith.select %gt3A_515, %select_n3A_506, %select_n3A_519 : vector<16xi1>, vector<16xi32>
      %select_n3A_521 = arith.select %gt3A_515, %get3A_512, %select_n3A_505 : vector<16xi1>, vector<16xf32>
      %select_n3A_522 = arith.select %gt3A_515, %broadcast_in_dim3A_514, %select_n3A_506 : vector<16xi1>, vector<16xi32>
      %mul3A_523 = arith.constant 16 : i32
      %mul3A_524 = arith.muli %scan3A_41, %mul3A_523 : i32
      %get3A_525 = arith.constant 30 : i32
      %get3A_526 = arith.index_cast %get3A_525 : i32 to index
      %get3A_527 = arith.index_cast %mul3A_524 : i32 to index
      %get3A_528 = tpu.vector_load %arg5[%get3A_526, %get3A_527] {strides = array<i32>} : memref<64x256xf32, #tpu.memory_space<vmem>>, vector<16xf32>,
      %broadcast_in_dim3A_529 = arith.constant 30 : i32
      %broadcast_in_dim3A_530 = vector.broadcast %broadcast_in_dim3A_529 : i32 to vector<16xi32>
      %gt3A_531 = arith.cmpf ogt, %get3A_528, %select_n3A_521 : vector<16xf32>
      %gt3A_532 = arith.cmpf ogt, %get3A_528, %select_n3A_518 : vector<16xf32>
      %select_n3A_533 = arith.select %gt3A_532, %get3A_528, %select_n3A_518 : vector<16xi1>, vector<16xf32>
      %select_n3A_534 = arith.select %gt3A_531, %select_n3A_521, %select_n3A_533 : vector<16xi1>, vector<16xf32>
      %select_n3A_535 = arith.select %gt3A_532, %broadcast_in_dim3A_530, %select_n3A_520 : vector<16xi1>, vector<16xi32>
      %select_n3A_536 = arith.select %gt3A_531, %select_n3A_522, %select_n3A_535 : vector<16xi1>, vector<16xi32>
      %select_n3A_537 = arith.select %gt3A_531, %get3A_528, %select_n3A_521 : vector<16xi1>, vector<16xf32>
      %select_n3A_538 = arith.select %gt3A_531, %broadcast_in_dim3A_530, %select_n3A_522 : vector<16xi1>, vector<16xi32>
      %mul3A_539 = arith.constant 16 : i32
      %mul3A_540 = arith.muli %scan3A_41, %mul3A_539 : i32
      %get3A_541 = arith.constant 31 : i32
      %get3A_542 = arith.index_cast %get3A_541 : i32 to index
      %get3A_543 = arith.index_cast %mul3A_540 : i32 to index
      %get3A_544 = tpu.vector_load %arg5[%get3A_542, %get3A_543] {strides = array<i32>} : memref<64x256xf32, #tpu.memory_space<vmem>>, vector<16xf32>,
      %broadcast_in_dim3A_545 = arith.constant 31 : i32
      %broadcast_in_dim3A_546 = vector.broadcast %broadcast_in_dim3A_545 : i32 to vector<16xi32>
      %gt3A_547 = arith.cmpf ogt, %get3A_544, %select_n3A_537 : vector<16xf32>
      %gt3A_548 = arith.cmpf ogt, %get3A_544, %select_n3A_534 : vector<16xf32>
      %select_n3A_549 = arith.select %gt3A_548, %get3A_544, %select_n3A_534 : vector<16xi1>, vector<16xf32>
      %select_n3A_550 = arith.select %gt3A_547, %select_n3A_537, %select_n3A_549 : vector<16xi1>, vector<16xf32>
      %select_n3A_551 = arith.select %gt3A_548, %broadcast_in_dim3A_546, %select_n3A_536 : vector<16xi1>, vector<16xi32>
      %select_n3A_552 = arith.select %gt3A_547, %select_n3A_538, %select_n3A_551 : vector<16xi1>, vector<16xi32>
      %select_n3A_553 = arith.select %gt3A_547, %get3A_544, %select_n3A_537 : vector<16xi1>, vector<16xf32>
      %select_n3A_554 = arith.select %gt3A_547, %broadcast_in_dim3A_546, %select_n3A_538 : vector<16xi1>, vector<16xi32>
      %mul3A_555 = arith.constant 16 : i32
      %mul3A_556 = arith.muli %scan3A_41, %mul3A_555 : i32
      %get3A_557 = arith.constant 32 : i32
      %get3A_558 = arith.index_cast %get3A_557 : i32 to index
      %get3A_559 = arith.index_cast %mul3A_556 : i32 to index
      %get3A_560 = tpu.vector_load %arg5[%get3A_558, %get3A_559] {strides = array<i32>} : memref<64x256xf32, #tpu.memory_space<vmem>>, vector<16xf32>,
      %broadcast_in_dim3A_561 = arith.constant 32 : i32
      %broadcast_in_dim3A_562 = vector.broadcast %broadcast_in_dim3A_561 : i32 to vector<16xi32>
      %gt3A_563 = arith.cmpf ogt, %get3A_560, %select_n3A_553 : vector<16xf32>
      %gt3A_564 = arith.cmpf ogt, %get3A_560, %select_n3A_550 : vector<16xf32>
      %select_n3A_565 = arith.select %gt3A_564, %get3A_560, %select_n3A_550 : vector<16xi1>, vector<16xf32>
      %select_n3A_566 = arith.select %gt3A_563, %select_n3A_553, %select_n3A_565 : vector<16xi1>, vector<16xf32>
      %select_n3A_567 = arith.select %gt3A_564, %broadcast_in_dim3A_562, %select_n3A_552 : vector<16xi1>, vector<16xi32>
      %select_n3A_568 = arith.select %gt3A_563, %select_n3A_554, %select_n3A_567 : vector<16xi1>, vector<16xi32>
      %select_n3A_569 = arith.select %gt3A_563, %get3A_560, %select_n3A_553 : vector<16xi1>, vector<16xf32>
      %select_n3A_570 = arith.select %gt3A_563, %broadcast_in_dim3A_562, %select_n3A_554 : vector<16xi1>, vector<16xi32>
      %mul3A_571 = arith.constant 16 : i32
      %mul3A_572 = arith.muli %scan3A_41, %mul3A_571 : i32
      %get3A_573 = arith.constant 33 : i32
      %get3A_574 = arith.index_cast %get3A_573 : i32 to index
      %get3A_575 = arith.index_cast %mul3A_572 : i32 to index
      %get3A_576 = tpu.vector_load %arg5[%get3A_574, %get3A_575] {strides = array<i32>} : memref<64x256xf32, #tpu.memory_space<vmem>>, vector<16xf32>,
      %broadcast_in_dim3A_577 = arith.constant 33 : i32
      %broadcast_in_dim3A_578 = vector.broadcast %broadcast_in_dim3A_577 : i32 to vector<16xi32>
      %gt3A_579 = arith.cmpf ogt, %get3A_576, %select_n3A_569 : vector<16xf32>
      %gt3A_580 = arith.cmpf ogt, %get3A_576, %select_n3A_566 : vector<16xf32>
      %select_n3A_581 = arith.select %gt3A_580, %get3A_576, %select_n3A_566 : vector<16xi1>, vector<16xf32>
      %select_n3A_582 = arith.select %gt3A_579, %select_n3A_569, %select_n3A_581 : vector<16xi1>, vector<16xf32>
      %select_n3A_583 = arith.select %gt3A_580, %broadcast_in_dim3A_578, %select_n3A_568 : vector<16xi1>, vector<16xi32>
      %select_n3A_584 = arith.select %gt3A_579, %select_n3A_570, %select_n3A_583 : vector<16xi1>, vector<16xi32>
      %select_n3A_585 = arith.select %gt3A_579, %get3A_576, %select_n3A_569 : vector<16xi1>, vector<16xf32>
      %select_n3A_586 = arith.select %gt3A_579, %broadcast_in_dim3A_578, %select_n3A_570 : vector<16xi1>, vector<16xi32>
      %mul3A_587 = arith.constant 16 : i32
      %mul3A_588 = arith.muli %scan3A_41, %mul3A_587 : i32
      %get3A_589 = arith.constant 34 : i32
      %get3A_590 = arith.index_cast %get3A_589 : i32 to index
      %get3A_591 = arith.index_cast %mul3A_588 : i32 to index
      %get3A_592 = tpu.vector_load %arg5[%get3A_590, %get3A_591] {strides = array<i32>} : memref<64x256xf32, #tpu.memory_space<vmem>>, vector<16xf32>,
      %broadcast_in_dim3A_593 = arith.constant 34 : i32
      %broadcast_in_dim3A_594 = vector.broadcast %broadcast_in_dim3A_593 : i32 to vector<16xi32>
      %gt3A_595 = arith.cmpf ogt, %get3A_592, %select_n3A_585 : vector<16xf32>
      %gt3A_596 = arith.cmpf ogt, %get3A_592, %select_n3A_582 : vector<16xf32>
      %select_n3A_597 = arith.select %gt3A_596, %get3A_592, %select_n3A_582 : vector<16xi1>, vector<16xf32>
      %select_n3A_598 = arith.select %gt3A_595, %select_n3A_585, %select_n3A_597 : vector<16xi1>, vector<16xf32>
      %select_n3A_599 = arith.select %gt3A_596, %broadcast_in_dim3A_594, %select_n3A_584 : vector<16xi1>, vector<16xi32>
      %select_n3A_600 = arith.select %gt3A_595, %select_n3A_586, %select_n3A_599 : vector<16xi1>, vector<16xi32>
      %select_n3A_601 = arith.select %gt3A_595, %get3A_592, %select_n3A_585 : vector<16xi1>, vector<16xf32>
      %select_n3A_602 = arith.select %gt3A_595, %broadcast_in_dim3A_594, %select_n3A_586 : vector<16xi1>, vector<16xi32>
      %mul3A_603 = arith.constant 16 : i32
      %mul3A_604 = arith.muli %scan3A_41, %mul3A_603 : i32
      %get3A_605 = arith.constant 35 : i32
      %get3A_606 = arith.index_cast %get3A_605 : i32 to index
      %get3A_607 = arith.index_cast %mul3A_604 : i32 to index
      %get3A_608 = tpu.vector_load %arg5[%get3A_606, %get3A_607] {strides = array<i32>} : memref<64x256xf32, #tpu.memory_space<vmem>>, vector<16xf32>,
      %broadcast_in_dim3A_609 = arith.constant 35 : i32
      %broadcast_in_dim3A_610 = vector.broadcast %broadcast_in_dim3A_609 : i32 to vector<16xi32>
      %gt3A_611 = arith.cmpf ogt, %get3A_608, %select_n3A_601 : vector<16xf32>
      %gt3A_612 = arith.cmpf ogt, %get3A_608, %select_n3A_598 : vector<16xf32>
      %select_n3A_613 = arith.select %gt3A_612, %get3A_608, %select_n3A_598 : vector<16xi1>, vector<16xf32>
      %select_n3A_614 = arith.select %gt3A_611, %select_n3A_601, %select_n3A_613 : vector<16xi1>, vector<16xf32>
      %select_n3A_615 = arith.select %gt3A_612, %broadcast_in_dim3A_610, %select_n3A_600 : vector<16xi1>, vector<16xi32>
      %select_n3A_616 = arith.select %gt3A_611, %select_n3A_602, %select_n3A_615 : vector<16xi1>, vector<16xi32>
      %select_n3A_617 = arith.select %gt3A_611, %get3A_608, %select_n3A_601 : vector<16xi1>, vector<16xf32>
      %select_n3A_618 = arith.select %gt3A_611, %broadcast_in_dim3A_610, %select_n3A_602 : vector<16xi1>, vector<16xi32>
      %mul3A_619 = arith.constant 16 : i32
      %mul3A_620 = arith.muli %scan3A_41, %mul3A_619 : i32
      %get3A_621 = arith.constant 36 : i32
      %get3A_622 = arith.index_cast %get3A_621 : i32 to index
      %get3A_623 = arith.index_cast %mul3A_620 : i32 to index
      %get3A_624 = tpu.vector_load %arg5[%get3A_622, %get3A_623] {strides = array<i32>} : memref<64x256xf32, #tpu.memory_space<vmem>>, vector<16xf32>,
      %broadcast_in_dim3A_625 = arith.constant 36 : i32
      %broadcast_in_dim3A_626 = vector.broadcast %broadcast_in_dim3A_625 : i32 to vector<16xi32>
      %gt3A_627 = arith.cmpf ogt, %get3A_624, %select_n3A_617 : vector<16xf32>
      %gt3A_628 = arith.cmpf ogt, %get3A_624, %select_n3A_614 : vector<16xf32>
      %select_n3A_629 = arith.select %gt3A_628, %get3A_624, %select_n3A_614 : vector<16xi1>, vector<16xf32>
      %select_n3A_630 = arith.select %gt3A_627, %select_n3A_617, %select_n3A_629 : vector<16xi1>, vector<16xf32>
      %select_n3A_631 = arith.select %gt3A_628, %broadcast_in_dim3A_626, %select_n3A_616 : vector<16xi1>, vector<16xi32>
      %select_n3A_632 = arith.select %gt3A_627, %select_n3A_618, %select_n3A_631 : vector<16xi1>, vector<16xi32>
      %select_n3A_633 = arith.select %gt3A_627, %get3A_624, %select_n3A_617 : vector<16xi1>, vector<16xf32>
      %select_n3A_634 = arith.select %gt3A_627, %broadcast_in_dim3A_626, %select_n3A_618 : vector<16xi1>, vector<16xi32>
      %mul3A_635 = arith.constant 16 : i32
      %mul3A_636 = arith.muli %scan3A_41, %mul3A_635 : i32
      %get3A_637 = arith.constant 37 : i32
      %get3A_638 = arith.index_cast %get3A_637 : i32 to index
      %get3A_639 = arith.index_cast %mul3A_636 : i32 to index
      %get3A_640 = tpu.vector_load %arg5[%get3A_638, %get3A_639] {strides = array<i32>} : memref<64x256xf32, #tpu.memory_space<vmem>>, vector<16xf32>,
      %broadcast_in_dim3A_641 = arith.constant 37 : i32
      %broadcast_in_dim3A_642 = vector.broadcast %broadcast_in_dim3A_641 : i32 to vector<16xi32>
      %gt3A_643 = arith.cmpf ogt, %get3A_640, %select_n3A_633 : vector<16xf32>
      %gt3A_644 = arith.cmpf ogt, %get3A_640, %select_n3A_630 : vector<16xf32>
      %select_n3A_645 = arith.select %gt3A_644, %get3A_640, %select_n3A_630 : vector<16xi1>, vector<16xf32>
      %select_n3A_646 = arith.select %gt3A_643, %select_n3A_633, %select_n3A_645 : vector<16xi1>, vector<16xf32>
      %select_n3A_647 = arith.select %gt3A_644, %broadcast_in_dim3A_642, %select_n3A_632 : vector<16xi1>, vector<16xi32>
      %select_n3A_648 = arith.select %gt3A_643, %select_n3A_634, %select_n3A_647 : vector<16xi1>, vector<16xi32>
      %select_n3A_649 = arith.select %gt3A_643, %get3A_640, %select_n3A_633 : vector<16xi1>, vector<16xf32>
      %select_n3A_650 = arith.select %gt3A_643, %broadcast_in_dim3A_642, %select_n3A_634 : vector<16xi1>, vector<16xi32>
      %mul3A_651 = arith.constant 16 : i32
      %mul3A_652 = arith.muli %scan3A_41, %mul3A_651 : i32
      %get3A_653 = arith.constant 38 : i32
      %get3A_654 = arith.index_cast %get3A_653 : i32 to index
      %get3A_655 = arith.index_cast %mul3A_652 : i32 to index
      %get3A_656 = tpu.vector_load %arg5[%get3A_654, %get3A_655] {strides = array<i32>} : memref<64x256xf32, #tpu.memory_space<vmem>>, vector<16xf32>,
      %broadcast_in_dim3A_657 = arith.constant 38 : i32
      %broadcast_in_dim3A_658 = vector.broadcast %broadcast_in_dim3A_657 : i32 to vector<16xi32>
      %gt3A_659 = arith.cmpf ogt, %get3A_656, %select_n3A_649 : vector<16xf32>
      %gt3A_660 = arith.cmpf ogt, %get3A_656, %select_n3A_646 : vector<16xf32>
      %select_n3A_661 = arith.select %gt3A_660, %get3A_656, %select_n3A_646 : vector<16xi1>, vector<16xf32>
      %select_n3A_662 = arith.select %gt3A_659, %select_n3A_649, %select_n3A_661 : vector<16xi1>, vector<16xf32>
      %select_n3A_663 = arith.select %gt3A_660, %broadcast_in_dim3A_658, %select_n3A_648 : vector<16xi1>, vector<16xi32>
      %select_n3A_664 = arith.select %gt3A_659, %select_n3A_650, %select_n3A_663 : vector<16xi1>, vector<16xi32>
      %select_n3A_665 = arith.select %gt3A_659, %get3A_656, %select_n3A_649 : vector<16xi1>, vector<16xf32>
      %select_n3A_666 = arith.select %gt3A_659, %broadcast_in_dim3A_658, %select_n3A_650 : vector<16xi1>, vector<16xi32>
      %mul3A_667 = arith.constant 16 : i32
      %mul3A_668 = arith.muli %scan3A_41, %mul3A_667 : i32
      %get3A_669 = arith.constant 39 : i32
      %get3A_670 = arith.index_cast %get3A_669 : i32 to index
      %get3A_671 = arith.index_cast %mul3A_668 : i32 to index
      %get3A_672 = tpu.vector_load %arg5[%get3A_670, %get3A_671] {strides = array<i32>} : memref<64x256xf32, #tpu.memory_space<vmem>>, vector<16xf32>,
      %broadcast_in_dim3A_673 = arith.constant 39 : i32
      %broadcast_in_dim3A_674 = vector.broadcast %broadcast_in_dim3A_673 : i32 to vector<16xi32>
      %gt3A_675 = arith.cmpf ogt, %get3A_672, %select_n3A_665 : vector<16xf32>
      %gt3A_676 = arith.cmpf ogt, %get3A_672, %select_n3A_662 : vector<16xf32>
      %select_n3A_677 = arith.select %gt3A_676, %get3A_672, %select_n3A_662 : vector<16xi1>, vector<16xf32>
      %select_n3A_678 = arith.select %gt3A_675, %select_n3A_665, %select_n3A_677 : vector<16xi1>, vector<16xf32>
      %select_n3A_679 = arith.select %gt3A_676, %broadcast_in_dim3A_674, %select_n3A_664 : vector<16xi1>, vector<16xi32>
      %select_n3A_680 = arith.select %gt3A_675, %select_n3A_666, %select_n3A_679 : vector<16xi1>, vector<16xi32>
      %select_n3A_681 = arith.select %gt3A_675, %get3A_672, %select_n3A_665 : vector<16xi1>, vector<16xf32>
      %select_n3A_682 = arith.select %gt3A_675, %broadcast_in_dim3A_674, %select_n3A_666 : vector<16xi1>, vector<16xi32>
      %mul3A_683 = arith.constant 16 : i32
      %mul3A_684 = arith.muli %scan3A_41, %mul3A_683 : i32
      %get3A_685 = arith.constant 40 : i32
      %get3A_686 = arith.index_cast %get3A_685 : i32 to index
      %get3A_687 = arith.index_cast %mul3A_684 : i32 to index
      %get3A_688 = tpu.vector_load %arg5[%get3A_686, %get3A_687] {strides = array<i32>} : memref<64x256xf32, #tpu.memory_space<vmem>>, vector<16xf32>,
      %broadcast_in_dim3A_689 = arith.constant 40 : i32
      %broadcast_in_dim3A_690 = vector.broadcast %broadcast_in_dim3A_689 : i32 to vector<16xi32>
      %gt3A_691 = arith.cmpf ogt, %get3A_688, %select_n3A_681 : vector<16xf32>
      %gt3A_692 = arith.cmpf ogt, %get3A_688, %select_n3A_678 : vector<16xf32>
      %select_n3A_693 = arith.select %gt3A_692, %get3A_688, %select_n3A_678 : vector<16xi1>, vector<16xf32>
      %select_n3A_694 = arith.select %gt3A_691, %select_n3A_681, %select_n3A_693 : vector<16xi1>, vector<16xf32>
      %select_n3A_695 = arith.select %gt3A_692, %broadcast_in_dim3A_690, %select_n3A_680 : vector<16xi1>, vector<16xi32>
      %select_n3A_696 = arith.select %gt3A_691, %select_n3A_682, %select_n3A_695 : vector<16xi1>, vector<16xi32>
      %select_n3A_697 = arith.select %gt3A_691, %get3A_688, %select_n3A_681 : vector<16xi1>, vector<16xf32>
      %select_n3A_698 = arith.select %gt3A_691, %broadcast_in_dim3A_690, %select_n3A_682 : vector<16xi1>, vector<16xi32>
      %mul3A_699 = arith.constant 16 : i32
      %mul3A_700 = arith.muli %scan3A_41, %mul3A_699 : i32
      %get3A_701 = arith.constant 41 : i32
      %get3A_702 = arith.index_cast %get3A_701 : i32 to index
      %get3A_703 = arith.index_cast %mul3A_700 : i32 to index
      %get3A_704 = tpu.vector_load %arg5[%get3A_702, %get3A_703] {strides = array<i32>} : memref<64x256xf32, #tpu.memory_space<vmem>>, vector<16xf32>,
      %broadcast_in_dim3A_705 = arith.constant 41 : i32
      %broadcast_in_dim3A_706 = vector.broadcast %broadcast_in_dim3A_705 : i32 to vector<16xi32>
      %gt3A_707 = arith.cmpf ogt, %get3A_704, %select_n3A_697 : vector<16xf32>
      %gt3A_708 = arith.cmpf ogt, %get3A_704, %select_n3A_694 : vector<16xf32>
      %select_n3A_709 = arith.select %gt3A_708, %get3A_704, %select_n3A_694 : vector<16xi1>, vector<16xf32>
      %select_n3A_710 = arith.select %gt3A_707, %select_n3A_697, %select_n3A_709 : vector<16xi1>, vector<16xf32>
      %select_n3A_711 = arith.select %gt3A_708, %broadcast_in_dim3A_706, %select_n3A_696 : vector<16xi1>, vector<16xi32>
      %select_n3A_712 = arith.select %gt3A_707, %select_n3A_698, %select_n3A_711 : vector<16xi1>, vector<16xi32>
      %select_n3A_713 = arith.select %gt3A_707, %get3A_704, %select_n3A_697 : vector<16xi1>, vector<16xf32>
      %select_n3A_714 = arith.select %gt3A_707, %broadcast_in_dim3A_706, %select_n3A_698 : vector<16xi1>, vector<16xi32>
      %mul3A_715 = arith.constant 16 : i32
      %mul3A_716 = arith.muli %scan3A_41, %mul3A_715 : i32
      %get3A_717 = arith.constant 42 : i32
      %get3A_718 = arith.index_cast %get3A_717 : i32 to index
      %get3A_719 = arith.index_cast %mul3A_716 : i32 to index
      %get3A_720 = tpu.vector_load %arg5[%get3A_718, %get3A_719] {strides = array<i32>} : memref<64x256xf32, #tpu.memory_space<vmem>>, vector<16xf32>,
      %broadcast_in_dim3A_721 = arith.constant 42 : i32
      %broadcast_in_dim3A_722 = vector.broadcast %broadcast_in_dim3A_721 : i32 to vector<16xi32>
      %gt3A_723 = arith.cmpf ogt, %get3A_720, %select_n3A_713 : vector<16xf32>
      %gt3A_724 = arith.cmpf ogt, %get3A_720, %select_n3A_710 : vector<16xf32>
      %select_n3A_725 = arith.select %gt3A_724, %get3A_720, %select_n3A_710 : vector<16xi1>, vector<16xf32>
      %select_n3A_726 = arith.select %gt3A_723, %select_n3A_713, %select_n3A_725 : vector<16xi1>, vector<16xf32>
      %select_n3A_727 = arith.select %gt3A_724, %broadcast_in_dim3A_722, %select_n3A_712 : vector<16xi1>, vector<16xi32>
      %select_n3A_728 = arith.select %gt3A_723, %select_n3A_714, %select_n3A_727 : vector<16xi1>, vector<16xi32>
      %select_n3A_729 = arith.select %gt3A_723, %get3A_720, %select_n3A_713 : vector<16xi1>, vector<16xf32>
      %select_n3A_730 = arith.select %gt3A_723, %broadcast_in_dim3A_722, %select_n3A_714 : vector<16xi1>, vector<16xi32>
      %mul3A_731 = arith.constant 16 : i32
      %mul3A_732 = arith.muli %scan3A_41, %mul3A_731 : i32
      %get3A_733 = arith.constant 43 : i32
      %get3A_734 = arith.index_cast %get3A_733 : i32 to index
      %get3A_735 = arith.index_cast %mul3A_732 : i32 to index
      %get3A_736 = tpu.vector_load %arg5[%get3A_734, %get3A_735] {strides = array<i32>} : memref<64x256xf32, #tpu.memory_space<vmem>>, vector<16xf32>,
      %broadcast_in_dim3A_737 = arith.constant 43 : i32
      %broadcast_in_dim3A_738 = vector.broadcast %broadcast_in_dim3A_737 : i32 to vector<16xi32>
      %gt3A_739 = arith.cmpf ogt, %get3A_736, %select_n3A_729 : vector<16xf32>
      %gt3A_740 = arith.cmpf ogt, %get3A_736, %select_n3A_726 : vector<16xf32>
      %select_n3A_741 = arith.select %gt3A_740, %get3A_736, %select_n3A_726 : vector<16xi1>, vector<16xf32>
      %select_n3A_742 = arith.select %gt3A_739, %select_n3A_729, %select_n3A_741 : vector<16xi1>, vector<16xf32>
      %select_n3A_743 = arith.select %gt3A_740, %broadcast_in_dim3A_738, %select_n3A_728 : vector<16xi1>, vector<16xi32>
      %select_n3A_744 = arith.select %gt3A_739, %select_n3A_730, %select_n3A_743 : vector<16xi1>, vector<16xi32>
      %select_n3A_745 = arith.select %gt3A_739, %get3A_736, %select_n3A_729 : vector<16xi1>, vector<16xf32>
      %select_n3A_746 = arith.select %gt3A_739, %broadcast_in_dim3A_738, %select_n3A_730 : vector<16xi1>, vector<16xi32>
      %mul3A_747 = arith.constant 16 : i32
      %mul3A_748 = arith.muli %scan3A_41, %mul3A_747 : i32
      %get3A_749 = arith.constant 44 : i32
      %get3A_750 = arith.index_cast %get3A_749 : i32 to index
      %get3A_751 = arith.index_cast %mul3A_748 : i32 to index
      %get3A_752 = tpu.vector_load %arg5[%get3A_750, %get3A_751] {strides = array<i32>} : memref<64x256xf32, #tpu.memory_space<vmem>>, vector<16xf32>,
      %broadcast_in_dim3A_753 = arith.constant 44 : i32
      %broadcast_in_dim3A_754 = vector.broadcast %broadcast_in_dim3A_753 : i32 to vector<16xi32>
      %gt3A_755 = arith.cmpf ogt, %get3A_752, %select_n3A_745 : vector<16xf32>
      %gt3A_756 = arith.cmpf ogt, %get3A_752, %select_n3A_742 : vector<16xf32>
      %select_n3A_757 = arith.select %gt3A_756, %get3A_752, %select_n3A_742 : vector<16xi1>, vector<16xf32>
      %select_n3A_758 = arith.select %gt3A_755, %select_n3A_745, %select_n3A_757 : vector<16xi1>, vector<16xf32>
      %select_n3A_759 = arith.select %gt3A_756, %broadcast_in_dim3A_754, %select_n3A_744 : vector<16xi1>, vector<16xi32>
      %select_n3A_760 = arith.select %gt3A_755, %select_n3A_746, %select_n3A_759 : vector<16xi1>, vector<16xi32>
      %select_n3A_761 = arith.select %gt3A_755, %get3A_752, %select_n3A_745 : vector<16xi1>, vector<16xf32>
      %select_n3A_762 = arith.select %gt3A_755, %broadcast_in_dim3A_754, %select_n3A_746 : vector<16xi1>, vector<16xi32>
      %mul3A_763 = arith.constant 16 : i32
      %mul3A_764 = arith.muli %scan3A_41, %mul3A_763 : i32
      %get3A_765 = arith.constant 45 : i32
      %get3A_766 = arith.index_cast %get3A_765 : i32 to index
      %get3A_767 = arith.index_cast %mul3A_764 : i32 to index
      %get3A_768 = tpu.vector_load %arg5[%get3A_766, %get3A_767] {strides = array<i32>} : memref<64x256xf32, #tpu.memory_space<vmem>>, vector<16xf32>,
      %broadcast_in_dim3A_769 = arith.constant 45 : i32
      %broadcast_in_dim3A_770 = vector.broadcast %broadcast_in_dim3A_769 : i32 to vector<16xi32>
      %gt3A_771 = arith.cmpf ogt, %get3A_768, %select_n3A_761 : vector<16xf32>
      %gt3A_772 = arith.cmpf ogt, %get3A_768, %select_n3A_758 : vector<16xf32>
      %select_n3A_773 = arith.select %gt3A_772, %get3A_768, %select_n3A_758 : vector<16xi1>, vector<16xf32>
      %select_n3A_774 = arith.select %gt3A_771, %select_n3A_761, %select_n3A_773 : vector<16xi1>, vector<16xf32>
      %select_n3A_775 = arith.select %gt3A_772, %broadcast_in_dim3A_770, %select_n3A_760 : vector<16xi1>, vector<16xi32>
      %select_n3A_776 = arith.select %gt3A_771, %select_n3A_762, %select_n3A_775 : vector<16xi1>, vector<16xi32>
      %select_n3A_777 = arith.select %gt3A_771, %get3A_768, %select_n3A_761 : vector<16xi1>, vector<16xf32>
      %select_n3A_778 = arith.select %gt3A_771, %broadcast_in_dim3A_770, %select_n3A_762 : vector<16xi1>, vector<16xi32>
      %mul3A_779 = arith.constant 16 : i32
      %mul3A_780 = arith.muli %scan3A_41, %mul3A_779 : i32
      %get3A_781 = arith.constant 46 : i32
      %get3A_782 = arith.index_cast %get3A_781 : i32 to index
      %get3A_783 = arith.index_cast %mul3A_780 : i32 to index
      %get3A_784 = tpu.vector_load %arg5[%get3A_782, %get3A_783] {strides = array<i32>} : memref<64x256xf32, #tpu.memory_space<vmem>>, vector<16xf32>,
      %broadcast_in_dim3A_785 = arith.constant 46 : i32
      %broadcast_in_dim3A_786 = vector.broadcast %broadcast_in_dim3A_785 : i32 to vector<16xi32>
      %gt3A_787 = arith.cmpf ogt, %get3A_784, %select_n3A_777 : vector<16xf32>
      %gt3A_788 = arith.cmpf ogt, %get3A_784, %select_n3A_774 : vector<16xf32>
      %select_n3A_789 = arith.select %gt3A_788, %get3A_784, %select_n3A_774 : vector<16xi1>, vector<16xf32>
      %select_n3A_790 = arith.select %gt3A_787, %select_n3A_777, %select_n3A_789 : vector<16xi1>, vector<16xf32>
      %select_n3A_791 = arith.select %gt3A_788, %broadcast_in_dim3A_786, %select_n3A_776 : vector<16xi1>, vector<16xi32>
      %select_n3A_792 = arith.select %gt3A_787, %select_n3A_778, %select_n3A_791 : vector<16xi1>, vector<16xi32>
      %select_n3A_793 = arith.select %gt3A_787, %get3A_784, %select_n3A_777 : vector<16xi1>, vector<16xf32>
      %select_n3A_794 = arith.select %gt3A_787, %broadcast_in_dim3A_786, %select_n3A_778 : vector<16xi1>, vector<16xi32>
      %mul3A_795 = arith.constant 16 : i32
      %mul3A_796 = arith.muli %scan3A_41, %mul3A_795 : i32
      %get3A_797 = arith.constant 47 : i32
      %get3A_798 = arith.index_cast %get3A_797 : i32 to index
      %get3A_799 = arith.index_cast %mul3A_796 : i32 to index
      %get3A_800 = tpu.vector_load %arg5[%get3A_798, %get3A_799] {strides = array<i32>} : memref<64x256xf32, #tpu.memory_space<vmem>>, vector<16xf32>,
      %broadcast_in_dim3A_801 = arith.constant 47 : i32
      %broadcast_in_dim3A_802 = vector.broadcast %broadcast_in_dim3A_801 : i32 to vector<16xi32>
      %gt3A_803 = arith.cmpf ogt, %get3A_800, %select_n3A_793 : vector<16xf32>
      %gt3A_804 = arith.cmpf ogt, %get3A_800, %select_n3A_790 : vector<16xf32>
      %select_n3A_805 = arith.select %gt3A_804, %get3A_800, %select_n3A_790 : vector<16xi1>, vector<16xf32>
      %select_n3A_806 = arith.select %gt3A_803, %select_n3A_793, %select_n3A_805 : vector<16xi1>, vector<16xf32>
      %select_n3A_807 = arith.select %gt3A_804, %broadcast_in_dim3A_802, %select_n3A_792 : vector<16xi1>, vector<16xi32>
      %select_n3A_808 = arith.select %gt3A_803, %select_n3A_794, %select_n3A_807 : vector<16xi1>, vector<16xi32>
      %select_n3A_809 = arith.select %gt3A_803, %get3A_800, %select_n3A_793 : vector<16xi1>, vector<16xf32>
      %select_n3A_810 = arith.select %gt3A_803, %broadcast_in_dim3A_802, %select_n3A_794 : vector<16xi1>, vector<16xi32>
      %mul3A_811 = arith.constant 16 : i32
      %mul3A_812 = arith.muli %scan3A_41, %mul3A_811 : i32
      %get3A_813 = arith.constant 48 : i32
      %get3A_814 = arith.index_cast %get3A_813 : i32 to index
      %get3A_815 = arith.index_cast %mul3A_812 : i32 to index
      %get3A_816 = tpu.vector_load %arg5[%get3A_814, %get3A_815] {strides = array<i32>} : memref<64x256xf32, #tpu.memory_space<vmem>>, vector<16xf32>,
      %broadcast_in_dim3A_817 = arith.constant 48 : i32
      %broadcast_in_dim3A_818 = vector.broadcast %broadcast_in_dim3A_817 : i32 to vector<16xi32>
      %gt3A_819 = arith.cmpf ogt, %get3A_816, %select_n3A_809 : vector<16xf32>
      %gt3A_820 = arith.cmpf ogt, %get3A_816, %select_n3A_806 : vector<16xf32>
      %select_n3A_821 = arith.select %gt3A_820, %get3A_816, %select_n3A_806 : vector<16xi1>, vector<16xf32>
      %select_n3A_822 = arith.select %gt3A_819, %select_n3A_809, %select_n3A_821 : vector<16xi1>, vector<16xf32>
      %select_n3A_823 = arith.select %gt3A_820, %broadcast_in_dim3A_818, %select_n3A_808 : vector<16xi1>, vector<16xi32>
      %select_n3A_824 = arith.select %gt3A_819, %select_n3A_810, %select_n3A_823 : vector<16xi1>, vector<16xi32>
      %select_n3A_825 = arith.select %gt3A_819, %get3A_816, %select_n3A_809 : vector<16xi1>, vector<16xf32>
      %select_n3A_826 = arith.select %gt3A_819, %broadcast_in_dim3A_818, %select_n3A_810 : vector<16xi1>, vector<16xi32>
      %mul3A_827 = arith.constant 16 : i32
      %mul3A_828 = arith.muli %scan3A_41, %mul3A_827 : i32
      %get3A_829 = arith.constant 49 : i32
      %get3A_830 = arith.index_cast %get3A_829 : i32 to index
      %get3A_831 = arith.index_cast %mul3A_828 : i32 to index
      %get3A_832 = tpu.vector_load %arg5[%get3A_830, %get3A_831] {strides = array<i32>} : memref<64x256xf32, #tpu.memory_space<vmem>>, vector<16xf32>,
      %broadcast_in_dim3A_833 = arith.constant 49 : i32
      %broadcast_in_dim3A_834 = vector.broadcast %broadcast_in_dim3A_833 : i32 to vector<16xi32>
      %gt3A_835 = arith.cmpf ogt, %get3A_832, %select_n3A_825 : vector<16xf32>
      %gt3A_836 = arith.cmpf ogt, %get3A_832, %select_n3A_822 : vector<16xf32>
      %select_n3A_837 = arith.select %gt3A_836, %get3A_832, %select_n3A_822 : vector<16xi1>, vector<16xf32>
      %select_n3A_838 = arith.select %gt3A_835, %select_n3A_825, %select_n3A_837 : vector<16xi1>, vector<16xf32>
      %select_n3A_839 = arith.select %gt3A_836, %broadcast_in_dim3A_834, %select_n3A_824 : vector<16xi1>, vector<16xi32>
      %select_n3A_840 = arith.select %gt3A_835, %select_n3A_826, %select_n3A_839 : vector<16xi1>, vector<16xi32>
      %select_n3A_841 = arith.select %gt3A_835, %get3A_832, %select_n3A_825 : vector<16xi1>, vector<16xf32>
      %select_n3A_842 = arith.select %gt3A_835, %broadcast_in_dim3A_834, %select_n3A_826 : vector<16xi1>, vector<16xi32>
      %mul3A_843 = arith.constant 16 : i32
      %mul3A_844 = arith.muli %scan3A_41, %mul3A_843 : i32
      %get3A_845 = arith.constant 50 : i32
      %get3A_846 = arith.index_cast %get3A_845 : i32 to index
      %get3A_847 = arith.index_cast %mul3A_844 : i32 to index
      %get3A_848 = tpu.vector_load %arg5[%get3A_846, %get3A_847] {strides = array<i32>} : memref<64x256xf32, #tpu.memory_space<vmem>>, vector<16xf32>,
      %broadcast_in_dim3A_849 = arith.constant 50 : i32
      %broadcast_in_dim3A_850 = vector.broadcast %broadcast_in_dim3A_849 : i32 to vector<16xi32>
      %gt3A_851 = arith.cmpf ogt, %get3A_848, %select_n3A_841 : vector<16xf32>
      %gt3A_852 = arith.cmpf ogt, %get3A_848, %select_n3A_838 : vector<16xf32>
      %select_n3A_853 = arith.select %gt3A_852, %get3A_848, %select_n3A_838 : vector<16xi1>, vector<16xf32>
      %select_n3A_854 = arith.select %gt3A_851, %select_n3A_841, %select_n3A_853 : vector<16xi1>, vector<16xf32>
      %select_n3A_855 = arith.select %gt3A_852, %broadcast_in_dim3A_850, %select_n3A_840 : vector<16xi1>, vector<16xi32>
      %select_n3A_856 = arith.select %gt3A_851, %select_n3A_842, %select_n3A_855 : vector<16xi1>, vector<16xi32>
      %select_n3A_857 = arith.select %gt3A_851, %get3A_848, %select_n3A_841 : vector<16xi1>, vector<16xf32>
      %select_n3A_858 = arith.select %gt3A_851, %broadcast_in_dim3A_850, %select_n3A_842 : vector<16xi1>, vector<16xi32>
      %mul3A_859 = arith.constant 16 : i32
      %mul3A_860 = arith.muli %scan3A_41, %mul3A_859 : i32
      %get3A_861 = arith.constant 51 : i32
      %get3A_862 = arith.index_cast %get3A_861 : i32 to index
      %get3A_863 = arith.index_cast %mul3A_860 : i32 to index
      %get3A_864 = tpu.vector_load %arg5[%get3A_862, %get3A_863] {strides = array<i32>} : memref<64x256xf32, #tpu.memory_space<vmem>>, vector<16xf32>,
      %broadcast_in_dim3A_865 = arith.constant 51 : i32
      %broadcast_in_dim3A_866 = vector.broadcast %broadcast_in_dim3A_865 : i32 to vector<16xi32>
      %gt3A_867 = arith.cmpf ogt, %get3A_864, %select_n3A_857 : vector<16xf32>
      %gt3A_868 = arith.cmpf ogt, %get3A_864, %select_n3A_854 : vector<16xf32>
      %select_n3A_869 = arith.select %gt3A_868, %get3A_864, %select_n3A_854 : vector<16xi1>, vector<16xf32>
      %select_n3A_870 = arith.select %gt3A_867, %select_n3A_857, %select_n3A_869 : vector<16xi1>, vector<16xf32>
      %select_n3A_871 = arith.select %gt3A_868, %broadcast_in_dim3A_866, %select_n3A_856 : vector<16xi1>, vector<16xi32>
      %select_n3A_872 = arith.select %gt3A_867, %select_n3A_858, %select_n3A_871 : vector<16xi1>, vector<16xi32>
      %select_n3A_873 = arith.select %gt3A_867, %get3A_864, %select_n3A_857 : vector<16xi1>, vector<16xf32>
      %select_n3A_874 = arith.select %gt3A_867, %broadcast_in_dim3A_866, %select_n3A_858 : vector<16xi1>, vector<16xi32>
      %mul3A_875 = arith.constant 16 : i32
      %mul3A_876 = arith.muli %scan3A_41, %mul3A_875 : i32
      %get3A_877 = arith.constant 52 : i32
      %get3A_878 = arith.index_cast %get3A_877 : i32 to index
      %get3A_879 = arith.index_cast %mul3A_876 : i32 to index
      %get3A_880 = tpu.vector_load %arg5[%get3A_878, %get3A_879] {strides = array<i32>} : memref<64x256xf32, #tpu.memory_space<vmem>>, vector<16xf32>,
      %broadcast_in_dim3A_881 = arith.constant 52 : i32
      %broadcast_in_dim3A_882 = vector.broadcast %broadcast_in_dim3A_881 : i32 to vector<16xi32>
      %gt3A_883 = arith.cmpf ogt, %get3A_880, %select_n3A_873 : vector<16xf32>
      %gt3A_884 = arith.cmpf ogt, %get3A_880, %select_n3A_870 : vector<16xf32>
      %select_n3A_885 = arith.select %gt3A_884, %get3A_880, %select_n3A_870 : vector<16xi1>, vector<16xf32>
      %select_n3A_886 = arith.select %gt3A_883, %select_n3A_873, %select_n3A_885 : vector<16xi1>, vector<16xf32>
      %select_n3A_887 = arith.select %gt3A_884, %broadcast_in_dim3A_882, %select_n3A_872 : vector<16xi1>, vector<16xi32>
      %select_n3A_888 = arith.select %gt3A_883, %select_n3A_874, %select_n3A_887 : vector<16xi1>, vector<16xi32>
      %select_n3A_889 = arith.select %gt3A_883, %get3A_880, %select_n3A_873 : vector<16xi1>, vector<16xf32>
      %select_n3A_890 = arith.select %gt3A_883, %broadcast_in_dim3A_882, %select_n3A_874 : vector<16xi1>, vector<16xi32>
      %mul3A_891 = arith.constant 16 : i32
      %mul3A_892 = arith.muli %scan3A_41, %mul3A_891 : i32
      %get3A_893 = arith.constant 53 : i32
      %get3A_894 = arith.index_cast %get3A_893 : i32 to index
      %get3A_895 = arith.index_cast %mul3A_892 : i32 to index
      %get3A_896 = tpu.vector_load %arg5[%get3A_894, %get3A_895] {strides = array<i32>} : memref<64x256xf32, #tpu.memory_space<vmem>>, vector<16xf32>,
      %broadcast_in_dim3A_897 = arith.constant 53 : i32
      %broadcast_in_dim3A_898 = vector.broadcast %broadcast_in_dim3A_897 : i32 to vector<16xi32>
      %gt3A_899 = arith.cmpf ogt, %get3A_896, %select_n3A_889 : vector<16xf32>
      %gt3A_900 = arith.cmpf ogt, %get3A_896, %select_n3A_886 : vector<16xf32>
      %select_n3A_901 = arith.select %gt3A_900, %get3A_896, %select_n3A_886 : vector<16xi1>, vector<16xf32>
      %select_n3A_902 = arith.select %gt3A_899, %select_n3A_889, %select_n3A_901 : vector<16xi1>, vector<16xf32>
      %select_n3A_903 = arith.select %gt3A_900, %broadcast_in_dim3A_898, %select_n3A_888 : vector<16xi1>, vector<16xi32>
      %select_n3A_904 = arith.select %gt3A_899, %select_n3A_890, %select_n3A_903 : vector<16xi1>, vector<16xi32>
      %select_n3A_905 = arith.select %gt3A_899, %get3A_896, %select_n3A_889 : vector<16xi1>, vector<16xf32>
      %select_n3A_906 = arith.select %gt3A_899, %broadcast_in_dim3A_898, %select_n3A_890 : vector<16xi1>, vector<16xi32>
      %mul3A_907 = arith.constant 16 : i32
      %mul3A_908 = arith.muli %scan3A_41, %mul3A_907 : i32
      %get3A_909 = arith.constant 54 : i32
      %get3A_910 = arith.index_cast %get3A_909 : i32 to index
      %get3A_911 = arith.index_cast %mul3A_908 : i32 to index
      %get3A_912 = tpu.vector_load %arg5[%get3A_910, %get3A_911] {strides = array<i32>} : memref<64x256xf32, #tpu.memory_space<vmem>>, vector<16xf32>,
      %broadcast_in_dim3A_913 = arith.constant 54 : i32
      %broadcast_in_dim3A_914 = vector.broadcast %broadcast_in_dim3A_913 : i32 to vector<16xi32>
      %gt3A_915 = arith.cmpf ogt, %get3A_912, %select_n3A_905 : vector<16xf32>
      %gt3A_916 = arith.cmpf ogt, %get3A_912, %select_n3A_902 : vector<16xf32>
      %select_n3A_917 = arith.select %gt3A_916, %get3A_912, %select_n3A_902 : vector<16xi1>, vector<16xf32>
      %select_n3A_918 = arith.select %gt3A_915, %select_n3A_905, %select_n3A_917 : vector<16xi1>, vector<16xf32>
      %select_n3A_919 = arith.select %gt3A_916, %broadcast_in_dim3A_914, %select_n3A_904 : vector<16xi1>, vector<16xi32>
      %select_n3A_920 = arith.select %gt3A_915, %select_n3A_906, %select_n3A_919 : vector<16xi1>, vector<16xi32>
      %select_n3A_921 = arith.select %gt3A_915, %get3A_912, %select_n3A_905 : vector<16xi1>, vector<16xf32>
      %select_n3A_922 = arith.select %gt3A_915, %broadcast_in_dim3A_914, %select_n3A_906 : vector<16xi1>, vector<16xi32>
      %mul3A_923 = arith.constant 16 : i32
      %mul3A_924 = arith.muli %scan3A_41, %mul3A_923 : i32
      %get3A_925 = arith.constant 55 : i32
      %get3A_926 = arith.index_cast %get3A_925 : i32 to index
      %get3A_927 = arith.index_cast %mul3A_924 : i32 to index
      %get3A_928 = tpu.vector_load %arg5[%get3A_926, %get3A_927] {strides = array<i32>} : memref<64x256xf32, #tpu.memory_space<vmem>>, vector<16xf32>,
      %broadcast_in_dim3A_929 = arith.constant 55 : i32
      %broadcast_in_dim3A_930 = vector.broadcast %broadcast_in_dim3A_929 : i32 to vector<16xi32>
      %gt3A_931 = arith.cmpf ogt, %get3A_928, %select_n3A_921 : vector<16xf32>
      %gt3A_932 = arith.cmpf ogt, %get3A_928, %select_n3A_918 : vector<16xf32>
      %select_n3A_933 = arith.select %gt3A_932, %get3A_928, %select_n3A_918 : vector<16xi1>, vector<16xf32>
      %select_n3A_934 = arith.select %gt3A_931, %select_n3A_921, %select_n3A_933 : vector<16xi1>, vector<16xf32>
      %select_n3A_935 = arith.select %gt3A_932, %broadcast_in_dim3A_930, %select_n3A_920 : vector<16xi1>, vector<16xi32>
      %select_n3A_936 = arith.select %gt3A_931, %select_n3A_922, %select_n3A_935 : vector<16xi1>, vector<16xi32>
      %select_n3A_937 = arith.select %gt3A_931, %get3A_928, %select_n3A_921 : vector<16xi1>, vector<16xf32>
      %select_n3A_938 = arith.select %gt3A_931, %broadcast_in_dim3A_930, %select_n3A_922 : vector<16xi1>, vector<16xi32>
      %mul3A_939 = arith.constant 16 : i32
      %mul3A_940 = arith.muli %scan3A_41, %mul3A_939 : i32
      %get3A_941 = arith.constant 56 : i32
      %get3A_942 = arith.index_cast %get3A_941 : i32 to index
      %get3A_943 = arith.index_cast %mul3A_940 : i32 to index
      %get3A_944 = tpu.vector_load %arg5[%get3A_942, %get3A_943] {strides = array<i32>} : memref<64x256xf32, #tpu.memory_space<vmem>>, vector<16xf32>,
      %broadcast_in_dim3A_945 = arith.constant 56 : i32
      %broadcast_in_dim3A_946 = vector.broadcast %broadcast_in_dim3A_945 : i32 to vector<16xi32>
      %gt3A_947 = arith.cmpf ogt, %get3A_944, %select_n3A_937 : vector<16xf32>
      %gt3A_948 = arith.cmpf ogt, %get3A_944, %select_n3A_934 : vector<16xf32>
      %select_n3A_949 = arith.select %gt3A_948, %get3A_944, %select_n3A_934 : vector<16xi1>, vector<16xf32>
      %select_n3A_950 = arith.select %gt3A_947, %select_n3A_937, %select_n3A_949 : vector<16xi1>, vector<16xf32>
      %select_n3A_951 = arith.select %gt3A_948, %broadcast_in_dim3A_946, %select_n3A_936 : vector<16xi1>, vector<16xi32>
      %select_n3A_952 = arith.select %gt3A_947, %select_n3A_938, %select_n3A_951 : vector<16xi1>, vector<16xi32>
      %select_n3A_953 = arith.select %gt3A_947, %get3A_944, %select_n3A_937 : vector<16xi1>, vector<16xf32>
      %select_n3A_954 = arith.select %gt3A_947, %broadcast_in_dim3A_946, %select_n3A_938 : vector<16xi1>, vector<16xi32>
      %mul3A_955 = arith.constant 16 : i32
      %mul3A_956 = arith.muli %scan3A_41, %mul3A_955 : i32
      %get3A_957 = arith.constant 57 : i32
      %get3A_958 = arith.index_cast %get3A_957 : i32 to index
      %get3A_959 = arith.index_cast %mul3A_956 : i32 to index
      %get3A_960 = tpu.vector_load %arg5[%get3A_958, %get3A_959] {strides = array<i32>} : memref<64x256xf32, #tpu.memory_space<vmem>>, vector<16xf32>,
      %broadcast_in_dim3A_961 = arith.constant 57 : i32
      %broadcast_in_dim3A_962 = vector.broadcast %broadcast_in_dim3A_961 : i32 to vector<16xi32>
      %gt3A_963 = arith.cmpf ogt, %get3A_960, %select_n3A_953 : vector<16xf32>
      %gt3A_964 = arith.cmpf ogt, %get3A_960, %select_n3A_950 : vector<16xf32>
      %select_n3A_965 = arith.select %gt3A_964, %get3A_960, %select_n3A_950 : vector<16xi1>, vector<16xf32>
      %select_n3A_966 = arith.select %gt3A_963, %select_n3A_953, %select_n3A_965 : vector<16xi1>, vector<16xf32>
      %select_n3A_967 = arith.select %gt3A_964, %broadcast_in_dim3A_962, %select_n3A_952 : vector<16xi1>, vector<16xi32>
      %select_n3A_968 = arith.select %gt3A_963, %select_n3A_954, %select_n3A_967 : vector<16xi1>, vector<16xi32>
      %select_n3A_969 = arith.select %gt3A_963, %get3A_960, %select_n3A_953 : vector<16xi1>, vector<16xf32>
      %select_n3A_970 = arith.select %gt3A_963, %broadcast_in_dim3A_962, %select_n3A_954 : vector<16xi1>, vector<16xi32>
      %mul3A_971 = arith.constant 16 : i32
      %mul3A_972 = arith.muli %scan3A_41, %mul3A_971 : i32
      %get3A_973 = arith.constant 58 : i32
      %get3A_974 = arith.index_cast %get3A_973 : i32 to index
      %get3A_975 = arith.index_cast %mul3A_972 : i32 to index
      %get3A_976 = tpu.vector_load %arg5[%get3A_974, %get3A_975] {strides = array<i32>} : memref<64x256xf32, #tpu.memory_space<vmem>>, vector<16xf32>,
      %broadcast_in_dim3A_977 = arith.constant 58 : i32
      %broadcast_in_dim3A_978 = vector.broadcast %broadcast_in_dim3A_977 : i32 to vector<16xi32>
      %gt3A_979 = arith.cmpf ogt, %get3A_976, %select_n3A_969 : vector<16xf32>
      %gt3A_980 = arith.cmpf ogt, %get3A_976, %select_n3A_966 : vector<16xf32>
      %select_n3A_981 = arith.select %gt3A_980, %get3A_976, %select_n3A_966 : vector<16xi1>, vector<16xf32>
      %select_n3A_982 = arith.select %gt3A_979, %select_n3A_969, %select_n3A_981 : vector<16xi1>, vector<16xf32>
      %select_n3A_983 = arith.select %gt3A_980, %broadcast_in_dim3A_978, %select_n3A_968 : vector<16xi1>, vector<16xi32>
      %select_n3A_984 = arith.select %gt3A_979, %select_n3A_970, %select_n3A_983 : vector<16xi1>, vector<16xi32>
      %select_n3A_985 = arith.select %gt3A_979, %get3A_976, %select_n3A_969 : vector<16xi1>, vector<16xf32>
      %select_n3A_986 = arith.select %gt3A_979, %broadcast_in_dim3A_978, %select_n3A_970 : vector<16xi1>, vector<16xi32>
      %mul3A_987 = arith.constant 16 : i32
      %mul3A_988 = arith.muli %scan3A_41, %mul3A_987 : i32
      %get3A_989 = arith.constant 59 : i32
      %get3A_990 = arith.index_cast %get3A_989 : i32 to index
      %get3A_991 = arith.index_cast %mul3A_988 : i32 to index
      %get3A_992 = tpu.vector_load %arg5[%get3A_990, %get3A_991] {strides = array<i32>} : memref<64x256xf32, #tpu.memory_space<vmem>>, vector<16xf32>,
      %broadcast_in_dim3A_993 = arith.constant 59 : i32
      %broadcast_in_dim3A_994 = vector.broadcast %broadcast_in_dim3A_993 : i32 to vector<16xi32>
      %gt3A_995 = arith.cmpf ogt, %get3A_992, %select_n3A_985 : vector<16xf32>
      %gt3A_996 = arith.cmpf ogt, %get3A_992, %select_n3A_982 : vector<16xf32>
      %select_n3A_997 = arith.select %gt3A_996, %get3A_992, %select_n3A_982 : vector<16xi1>, vector<16xf32>
      %select_n3A_998 = arith.select %gt3A_995, %select_n3A_985, %select_n3A_997 : vector<16xi1>, vector<16xf32>
      %select_n3A_999 = arith.select %gt3A_996, %broadcast_in_dim3A_994, %select_n3A_984 : vector<16xi1>, vector<16xi32>
      %select_n3A_1000 = arith.select %gt3A_995, %select_n3A_986, %select_n3A_999 : vector<16xi1>, vector<16xi32>
      %select_n3A_1001 = arith.select %gt3A_995, %get3A_992, %select_n3A_985 : vector<16xi1>, vector<16xf32>
      %select_n3A_1002 = arith.select %gt3A_995, %broadcast_in_dim3A_994, %select_n3A_986 : vector<16xi1>, vector<16xi32>
      %mul3A_1003 = arith.constant 16 : i32
      %mul3A_1004 = arith.muli %scan3A_41, %mul3A_1003 : i32
      %get3A_1005 = arith.constant 60 : i32
      %get3A_1006 = arith.index_cast %get3A_1005 : i32 to index
      %get3A_1007 = arith.index_cast %mul3A_1004 : i32 to index
      %get3A_1008 = tpu.vector_load %arg5[%get3A_1006, %get3A_1007] {strides = array<i32>} : memref<64x256xf32, #tpu.memory_space<vmem>>, vector<16xf32>,
      %broadcast_in_dim3A_1009 = arith.constant 60 : i32
      %broadcast_in_dim3A_1010 = vector.broadcast %broadcast_in_dim3A_1009 : i32 to vector<16xi32>
      %gt3A_1011 = arith.cmpf ogt, %get3A_1008, %select_n3A_1001 : vector<16xf32>
      %gt3A_1012 = arith.cmpf ogt, %get3A_1008, %select_n3A_998 : vector<16xf32>
      %select_n3A_1013 = arith.select %gt3A_1012, %get3A_1008, %select_n3A_998 : vector<16xi1>, vector<16xf32>
      %select_n3A_1014 = arith.select %gt3A_1011, %select_n3A_1001, %select_n3A_1013 : vector<16xi1>, vector<16xf32>
      %select_n3A_1015 = arith.select %gt3A_1012, %broadcast_in_dim3A_1010, %select_n3A_1000 : vector<16xi1>, vector<16xi32>
      %select_n3A_1016 = arith.select %gt3A_1011, %select_n3A_1002, %select_n3A_1015 : vector<16xi1>, vector<16xi32>
      %select_n3A_1017 = arith.select %gt3A_1011, %get3A_1008, %select_n3A_1001 : vector<16xi1>, vector<16xf32>
      %select_n3A_1018 = arith.select %gt3A_1011, %broadcast_in_dim3A_1010, %select_n3A_1002 : vector<16xi1>, vector<16xi32>
      %mul3A_1019 = arith.constant 16 : i32
      %mul3A_1020 = arith.muli %scan3A_41, %mul3A_1019 : i32
      %get3A_1021 = arith.constant 61 : i32
      %get3A_1022 = arith.index_cast %get3A_1021 : i32 to index
      %get3A_1023 = arith.index_cast %mul3A_1020 : i32 to index
      %get3A_1024 = tpu.vector_load %arg5[%get3A_1022, %get3A_1023] {strides = array<i32>} : memref<64x256xf32, #tpu.memory_space<vmem>>, vector<16xf32>,
      %broadcast_in_dim3A_1025 = arith.constant 61 : i32
      %broadcast_in_dim3A_1026 = vector.broadcast %broadcast_in_dim3A_1025 : i32 to vector<16xi32>
      %gt3A_1027 = arith.cmpf ogt, %get3A_1024, %select_n3A_1017 : vector<16xf32>
      %gt3A_1028 = arith.cmpf ogt, %get3A_1024, %select_n3A_1014 : vector<16xf32>
      %select_n3A_1029 = arith.select %gt3A_1028, %get3A_1024, %select_n3A_1014 : vector<16xi1>, vector<16xf32>
      %select_n3A_1030 = arith.select %gt3A_1027, %select_n3A_1017, %select_n3A_1029 : vector<16xi1>, vector<16xf32>
      %select_n3A_1031 = arith.select %gt3A_1028, %broadcast_in_dim3A_1026, %select_n3A_1016 : vector<16xi1>, vector<16xi32>
      %select_n3A_1032 = arith.select %gt3A_1027, %select_n3A_1018, %select_n3A_1031 : vector<16xi1>, vector<16xi32>
      %select_n3A_1033 = arith.select %gt3A_1027, %get3A_1024, %select_n3A_1017 : vector<16xi1>, vector<16xf32>
      %select_n3A_1034 = arith.select %gt3A_1027, %broadcast_in_dim3A_1026, %select_n3A_1018 : vector<16xi1>, vector<16xi32>
      %mul3A_1035 = arith.constant 16 : i32
      %mul3A_1036 = arith.muli %scan3A_41, %mul3A_1035 : i32
      %get3A_1037 = arith.constant 62 : i32
      %get3A_1038 = arith.index_cast %get3A_1037 : i32 to index
      %get3A_1039 = arith.index_cast %mul3A_1036 : i32 to index
      %get3A_1040 = tpu.vector_load %arg5[%get3A_1038, %get3A_1039] {strides = array<i32>} : memref<64x256xf32, #tpu.memory_space<vmem>>, vector<16xf32>,
      %broadcast_in_dim3A_1041 = arith.constant 62 : i32
      %broadcast_in_dim3A_1042 = vector.broadcast %broadcast_in_dim3A_1041 : i32 to vector<16xi32>
      %gt3A_1043 = arith.cmpf ogt, %get3A_1040, %select_n3A_1033 : vector<16xf32>
      %gt3A_1044 = arith.cmpf ogt, %get3A_1040, %select_n3A_1030 : vector<16xf32>
      %select_n3A_1045 = arith.select %gt3A_1044, %get3A_1040, %select_n3A_1030 : vector<16xi1>, vector<16xf32>
      %select_n3A_1046 = arith.select %gt3A_1043, %select_n3A_1033, %select_n3A_1045 : vector<16xi1>, vector<16xf32>
      %select_n3A_1047 = arith.select %gt3A_1044, %broadcast_in_dim3A_1042, %select_n3A_1032 : vector<16xi1>, vector<16xi32>
      %select_n3A_1048 = arith.select %gt3A_1043, %select_n3A_1034, %select_n3A_1047 : vector<16xi1>, vector<16xi32>
      %select_n3A_1049 = arith.select %gt3A_1043, %get3A_1040, %select_n3A_1033 : vector<16xi1>, vector<16xf32>
      %select_n3A_1050 = arith.select %gt3A_1043, %broadcast_in_dim3A_1042, %select_n3A_1034 : vector<16xi1>, vector<16xi32>
      %mul3A_1051 = arith.constant 16 : i32
      %mul3A_1052 = arith.muli %scan3A_41, %mul3A_1051 : i32
      %get3A_1053 = arith.constant 63 : i32
      %get3A_1054 = arith.index_cast %get3A_1053 : i32 to index
      %get3A_1055 = arith.index_cast %mul3A_1052 : i32 to index
      %get3A_1056 = tpu.vector_load %arg5[%get3A_1054, %get3A_1055] {strides = array<i32>} : memref<64x256xf32, #tpu.memory_space<vmem>>, vector<16xf32>,
      %broadcast_in_dim3A_1057 = arith.constant 63 : i32
      %broadcast_in_dim3A_1058 = vector.broadcast %broadcast_in_dim3A_1057 : i32 to vector<16xi32>
      %gt3A_1059 = arith.cmpf ogt, %get3A_1056, %select_n3A_1049 : vector<16xf32>
      %gt3A_1060 = arith.cmpf ogt, %get3A_1056, %select_n3A_1046 : vector<16xf32>
      %select_n3A_1061 = arith.select %gt3A_1060, %get3A_1056, %select_n3A_1046 : vector<16xi1>, vector<16xf32>
      %select_n3A_1062 = arith.select %gt3A_1059, %select_n3A_1049, %select_n3A_1061 : vector<16xi1>, vector<16xf32>
      %select_n3A_1063 = arith.select %gt3A_1060, %broadcast_in_dim3A_1058, %select_n3A_1048 : vector<16xi1>, vector<16xi32>
      %select_n3A_1064 = arith.select %gt3A_1059, %select_n3A_1050, %select_n3A_1063 : vector<16xi1>, vector<16xi32>
      %select_n3A_1065 = arith.select %gt3A_1059, %get3A_1056, %select_n3A_1049 : vector<16xi1>, vector<16xf32>
      %select_n3A_1066 = arith.select %gt3A_1059, %broadcast_in_dim3A_1058, %select_n3A_1050 : vector<16xi1>, vector<16xi32>
      %sub3A_1067 = arith.subf %select_n3A_1062, %select_n3A_1065 : vector<16xf32>
      %exp3A = math.exp %sub3A_1067 : vector<16xf32>
      %add3A_1068 = arith.constant 1.000000e+00 : f32
      %add3A_1069 = vector.broadcast %add3A_1068 : f32 to vector<16xf32>
      %add3A_1070 = arith.addf %add3A_1069, %exp3A : vector<16xf32>
      %div3A_1071 = arith.constant 1.000000e+00 : f32
      %div3A_1072 = vector.broadcast %div3A_1071 : f32 to vector<16xf32>
      %div3A_1073 = arith.divf %div3A_1072, %add3A_1070 : vector<16xf32>
      %mul3A_1074 = arith.constant 32 : i32
      %mul3A_1075 = arith.muli %scan3A_41, %mul3A_1074 : i32
      %iota3A = tpu.iota {dimensions = array<i32: 0>} : vector<16xi32>
      %mul3A_1076 = arith.constant 2 : i32
      %mul3A_1077 = vector.broadcast %mul3A_1076 : i32 to vector<16xi32>
      %mul3A_1078 = arith.muli %mul3A_1077, %iota3A : vector<16xi32>
      %add3A_1079 = vector.broadcast %mul3A_1075 : i32 to vector<16xi32>
      %add3A_1080 = arith.addi %add3A_1079, %mul3A_1078 : vector<16xi32>
      tpu.vector_store_idx %arg6[%add3A_1080], %div3A_1073 : memref<512xf32, #tpu.memory_space<vmem>>[vector<16xi32>], vector<16xf32>,
      %add3A_1081 = arith.constant 1 : i32
      %add3A_1082 = vector.broadcast %add3A_1081 : i32 to vector<16xi32>
      %add3A_1083 = arith.addi %add3A_1080, %add3A_1082 : vector<16xi32>
      %mul3A_1084 = arith.mulf %exp3A, %div3A_1073 : vector<16xf32>
      tpu.vector_store_idx %arg6[%add3A_1083], %mul3A_1084 : memref<512xf32, #tpu.memory_space<vmem>>[vector<16xi32>], vector<16xf32>,
      tpu.vector_store_idx %arg7[%add3A_1080], %select_n3A_1066 : memref<512xi32, #tpu.memory_space<vmem>>[vector<16xi32>], vector<16xi32>,
      %add3A_1085 = arith.constant 1 : i32
      %add3A_1086 = vector.broadcast %add3A_1085 : i32 to vector<16xi32>
      %add3A_1087 = arith.addi %add3A_1080, %add3A_1086 : vector<16xi32>
      tpu.vector_store_idx %arg7[%add3A_1087], %select_n3A_1064 : memref<512xi32, #tpu.memory_space<vmem>>[vector<16xi32>], vector<16xi32>,
    }
    %scan3A_38 = arith.constant 16 : i32
    %mul3A_39 = arith.constant 512 : i32
    %mul3A_40 = arith.muli %add3A, %mul3A_39 : i32
    "tpu.region"() ({
      %run_scoped3A = tpu.sem_alloc : memref<!tpu.dma_semaphore, #tpu.memory_space<semaphore_mem>>
      %dma_start3A = tpu.memref_slice %arg3[%mul3A_40] : memref<16384xf32, #tpu.memory_space<hbm>> -> memref<512xf32, #tpu.memory_space<hbm>>
      %dma_start3A_41 = tpu.memref_slice %arg3[%mul3A_40] : memref<16384xf32, #tpu.memory_space<hbm>> -> memref<512xf32, #tpu.memory_space<hbm>>
      tpu.enqueue_dma source(%arg6 : memref<512xf32, #tpu.memory_space<vmem>>) target(%dma_start3A_41 : memref<512xf32, #tpu.memory_space<hbm>>) target_semaphore(%run_scoped3A : memref<!tpu.dma_semaphore, #tpu.memory_space<semaphore_mem>>)
      %dma_wait3A = tpu.memref_slice %arg3[%mul3A_40] : memref<16384xf32, #tpu.memory_space<hbm>> -> memref<512xf32, #tpu.memory_space<hbm>>
      %dma_wait3A_42 = tpu.memref_slice %arg3[%mul3A_40] : memref<16384xf32, #tpu.memory_space<hbm>> -> memref<512xf32, #tpu.memory_space<hbm>>
      tpu.wait_dma2 semaphore(%run_scoped3A : memref<!tpu.dma_semaphore, #tpu.memory_space<semaphore_mem>>) src(%arg6 : memref<512xf32, #tpu.memory_space<vmem>>) dst(%dma_wait3A_42 : memref<512xf32, #tpu.memory_space<hbm>>)
      tpu.yield
    }) : () -> ()
    "tpu.region"() ({
      %run_scoped3A = tpu.sem_alloc : memref<!tpu.dma_semaphore, #tpu.memory_space<semaphore_mem>>
      %dma_start3A = tpu.memref_slice %arg4[%mul3A_40] : memref<16384xi32, #tpu.memory_space<hbm>> -> memref<512xi32, #tpu.memory_space<hbm>>
      %dma_start3A_41 = tpu.memref_slice %arg4[%mul3A_40] : memref<16384xi32, #tpu.memory_space<hbm>> -> memref<512xi32, #tpu.memory_space<hbm>>
      tpu.enqueue_dma source(%arg7 : memref<512xi32, #tpu.memory_space<vmem>>) target(%dma_start3A_41 : memref<512xi32, #tpu.memory_space<hbm>>) target_semaphore(%run_scoped3A : memref<!tpu.dma_semaphore, #tpu.memory_space<semaphore_mem>>)
      %dma_wait3A = tpu.memref_slice %arg4[%mul3A_40] : memref<16384xi32, #tpu.memory_space<hbm>> -> memref<512xi32, #tpu.memory_space<hbm>>
      %dma_wait3A_42 = tpu.memref_slice %arg4[%mul3A_40] : memref<16384xi32, #tpu.memory_space<hbm>> -> memref<512xi32, #tpu.memory_space<hbm>>
      tpu.wait_dma2 semaphore(%run_scoped3A : memref<!tpu.dma_semaphore, #tpu.memory_space<semaphore_mem>>) src(%arg7 : memref<512xi32, #tpu.memory_space<vmem>>) dst(%dma_wait3A_42 : memref<512xi32, #tpu.memory_space<hbm>>)
      tpu.yield
    }) : () -> ()
    return
  }
}

#map = affine_map<(d0, d1) -> (0, 0, 0)>
#map1 = affine_map<(d0, d1) -> (0)>
module attributes {stable_mosaic.version = 14 : i64} {
  func.func @body(%arg0: i32, %arg1: i32, %arg2: memref<16x64x512xf32, #tpu.memory_space<hbm>>, %arg3: memref<16384xf32, #tpu.memory_space<hbm>>, %arg4: memref<16384xi32, #tpu.memory_space<hbm>>, %arg5: memref<64x256xf32, #tpu.memory_space<vmem>>, %arg6: memref<512xf32, #tpu.memory_space<vmem>>, %arg7: memref<512xi32, #tpu.memory_space<vmem>>) attributes {dimension_semantics = [#tpu.dimension_semantics<core_parallel>, #tpu.dimension_semantics<subcore_parallel>], iteration_bounds = array<i64: 2, 16>, scalar_prefetch = 0 : i64, scratch_operands = 3 : i64, tpu.core_type = #tpu.core_type<sc_vector_subcore>, window_params = [{transform_indices = #map}, {transform_indices = #map1}, {transform_indices = #map1}]} {
    %mul3A = arith.constant 2 : i32
    %mul3A_0 = arith.muli %arg1, %mul3A : i32
    %add3A = arith.addi %mul3A_0, %arg0 : i32
    %mul3A_1 = arith.constant 256 : i32
    %mul3A_2 = arith.muli %add3A, %mul3A_1 : i32
    %jit3A = arith.constant 512 : i32
    %div3A = arith.divsi %mul3A_2, %jit3A : i32
    %sign3A = arith.constant 0 : i32
    %sign3A_3 = arith.cmpi sgt, %mul3A_2, %sign3A : i32
    %sign3A_4 = arith.extui %sign3A_3 : i1 to i32
    %sign3A_5 = arith.constant 0 : i32
    %sign3A_6 = arith.cmpi slt, %mul3A_2, %sign3A_5 : i32
    %sign3A_7 = arith.extui %sign3A_6 : i1 to i32
    %sign3A_8 = arith.subi %sign3A_4, %sign3A_7 : i32
    %sign3A_9 = arith.constant 0 : i32
    %sign3A_10 = arith.cmpi sgt, %jit3A, %sign3A_9 : i32
    %sign3A_11 = arith.extui %sign3A_10 : i1 to i32
    %sign3A_12 = arith.constant 0 : i32
    %sign3A_13 = arith.cmpi slt, %jit3A, %sign3A_12 : i32
    %sign3A_14 = arith.extui %sign3A_13 : i1 to i32
    %sign3A_15 = arith.subi %sign3A_11, %sign3A_14 : i32
    %ne3A = arith.cmpi ne, %sign3A_8, %sign3A_15 : i32
    %rem3A = arith.remsi %mul3A_2, %jit3A : i32
    %ne3A_16 = arith.constant 0 : i32
    %ne3A_17 = arith.cmpi ne, %rem3A, %ne3A_16 : i32
    %and3A = arith.andi %ne3A, %ne3A_17 : i1
    %sub3A = arith.constant 1 : i32
    %sub3A_18 = arith.subi %div3A, %sub3A : i32
    %select_n3A = arith.select %and3A, %sub3A_18, %div3A : i32
    %mul3A_19 = arith.constant 256 : i32
    %mul3A_20 = arith.muli %add3A, %mul3A_19 : i32
    %jit3A_21 = arith.constant 512 : i32
    %eq3A = arith.constant 0 : i32
    %eq3A_22 = arith.cmpi eq, %jit3A_21, %eq3A : i32
    %jit3A_23 = arith.constant 1 : i32
    %select_n3A_24 = arith.select %eq3A_22, %jit3A_23, %jit3A_21 : i32
    %rem3A_25 = arith.remsi %mul3A_20, %select_n3A_24 : i32
    %ne3A_26 = arith.constant 0 : i32
    %ne3A_27 = arith.cmpi ne, %rem3A_25, %ne3A_26 : i32
    %lt3A = arith.constant 0 : i32
    %lt3A_28 = arith.cmpi slt, %rem3A_25, %lt3A : i32
    %lt3A_29 = arith.constant 0 : i32
    %lt3A_30 = arith.cmpi slt, %select_n3A_24, %lt3A_29 : i32
    %ne3A_31 = arith.xori %lt3A_28, %lt3A_30 : i1
    %and3A_32 = arith.andi %ne3A_31, %ne3A_27 : i1
    %add3A_33 = arith.addi %rem3A_25, %select_n3A_24 : i32
    %select_n3A_34 = arith.select %and3A_32, %add3A_33, %rem3A_25 : i32
    "tpu.region"() ({
      %run_scoped3A = tpu.sem_alloc : memref<!tpu.dma_semaphore, #tpu.memory_space<semaphore_mem>>
      %dma_start3A = arith.constant 0 : i32
      %dma_start3A_41 = tpu.memref_slice %arg2[%select_n3A, %dma_start3A, %select_n3A_34] : memref<16x64x512xf32, #tpu.memory_space<hbm>> -> memref<1x64x256xf32, #tpu.memory_space<hbm>>
      %dma_start3A_42 = tpu.memref_squeeze %dma_start3A_41 : memref<1x64x256xf32, #tpu.memory_space<hbm>> -> memref<64x256xf32, #tpu.memory_space<hbm>>
      %dma_start3A_43 = arith.constant 0 : i32
      %dma_start3A_44 = tpu.memref_slice %arg2[%select_n3A, %dma_start3A_43, %select_n3A_34] : memref<16x64x512xf32, #tpu.memory_space<hbm>> -> memref<1x64x256xf32, #tpu.memory_space<hbm>>
      %dma_start3A_45 = tpu.memref_squeeze %dma_start3A_44 : memref<1x64x256xf32, #tpu.memory_space<hbm>> -> memref<64x256xf32, #tpu.memory_space<hbm>>
      tpu.enqueue_dma source(%dma_start3A_45 : memref<64x256xf32, #tpu.memory_space<hbm>>) target(%arg5 : memref<64x256xf32, #tpu.memory_space<vmem>>) target_semaphore(%run_scoped3A : memref<!tpu.dma_semaphore, #tpu.memory_space<semaphore_mem>>)
      %dma_wait3A = arith.constant 0 : i32
      %dma_wait3A_46 = tpu.memref_slice %arg2[%select_n3A, %dma_wait3A, %select_n3A_34] : memref<16x64x512xf32, #tpu.memory_space<hbm>> -> memref<1x64x256xf32, #tpu.memory_space<hbm>>
      %dma_wait3A_47 = tpu.memref_squeeze %dma_wait3A_46 : memref<1x64x256xf32, #tpu.memory_space<hbm>> -> memref<64x256xf32, #tpu.memory_space<hbm>>
      %dma_wait3A_48 = arith.constant 0 : i32
      %dma_wait3A_49 = tpu.memref_slice %arg2[%select_n3A, %dma_wait3A_48, %select_n3A_34] : memref<16x64x512xf32, #tpu.memory_space<hbm>> -> memref<1x64x256xf32, #tpu.memory_space<hbm>>
      %dma_wait3A_50 = tpu.memref_squeeze %dma_wait3A_49 : memref<1x64x256xf32, #tpu.memory_space<hbm>> -> memref<64x256xf32, #tpu.memory_space<hbm>>
      tpu.wait_dma2 semaphore(%run_scoped3A : memref<!tpu.dma_semaphore, #tpu.memory_space<semaphore_mem>>) src(%dma_wait3A_50 : memref<64x256xf32, #tpu.memory_space<hbm>>) dst(%arg5 : memref<64x256xf32, #tpu.memory_space<vmem>>)
      tpu.yield
    }) : () -> ()
    %scan3A = arith.constant 0 : i32
    %scan3A_35 = arith.constant 16 : i32
    %scan3A_36 = arith.addi %scan3A, %scan3A_35 : i32
    %scan3A_37 = arith.constant 1 : i32
    scf.for %scan3A_41 = %scan3A to %scan3A_36 step %scan3A_37  : i32 {
      %broadcast_in_dim3A = arith.constant 0xFF800000 : f32
      %broadcast_in_dim3A_42 = vector.broadcast %broadcast_in_dim3A : f32 to vector<16xf32>
      %broadcast_in_dim3A_43 = arith.constant 0 : i32
      %broadcast_in_dim3A_44 = vector.broadcast %broadcast_in_dim3A_43 : i32 to vector<16xi32>
      %mul3A_45 = arith.constant 16 : i32
      %mul3A_46 = arith.muli %scan3A_41, %mul3A_45 : i32
      %get3A = arith.constant 0 : i32
      %get3A_47 = arith.index_cast %get3A : i32 to index
      %get3A_48 = arith.index_cast %mul3A_46 : i32 to index
      %get3A_49 = tpu.vector_load %arg5[%get3A_47, %get3A_48] {strides = array<i32>} : memref<64x256xf32, #tpu.memory_space<vmem>>, vector<16xf32>,
      %broadcast_in_dim3A_50 = arith.constant 0 : i32
      %broadcast_in_dim3A_51 = vector.broadcast %broadcast_in_dim3A_50 : i32 to vector<16xi32>
      %gt3A = arith.cmpf ogt, %get3A_49, %broadcast_in_dim3A_42 : vector<16xf32>
      %gt3A_52 = arith.cmpf ogt, %get3A_49, %broadcast_in_dim3A_42 : vector<16xf32>
      %select_n3A_53 = arith.select %gt3A_52, %get3A_49, %broadcast_in_dim3A_42 : vector<16xi1>, vector<16xf32>
      %select_n3A_54 = arith.select %gt3A, %broadcast_in_dim3A_42, %select_n3A_53 : vector<16xi1>, vector<16xf32>
      %select_n3A_55 = arith.select %gt3A_52, %broadcast_in_dim3A_51, %broadcast_in_dim3A_44 : vector<16xi1>, vector<16xi32>
      %select_n3A_56 = arith.select %gt3A, %broadcast_in_dim3A_44, %select_n3A_55 : vector<16xi1>, vector<16xi32>
      %select_n3A_57 = arith.select %gt3A, %get3A_49, %broadcast_in_dim3A_42 : vector<16xi1>, vector<16xf32>
      %select_n3A_58 = arith.select %gt3A, %broadcast_in_dim3A_51, %broadcast_in_dim3A_44 : vector<16xi1>, vector<16xi32>
      %mul3A_59 = arith.constant 16 : i32
      %mul3A_60 = arith.muli %scan3A_41, %mul3A_59 : i32
      %get3A_61 = arith.constant 1 : i32
      %get3A_62 = arith.index_cast %get3A_61 : i32 to index
      %get3A_63 = arith.index_cast %mul3A_60 : i32 to index
      %get3A_64 = tpu.vector_load %arg5[%get3A_62, %get3A_63] {strides = array<i32>} : memref<64x256xf32, #tpu.memory_space<vmem>>, vector<16xf32>,
      %broadcast_in_dim3A_65 = arith.constant 1 : i32
      %broadcast_in_dim3A_66 = vector.broadcast %broadcast_in_dim3A_65 : i32 to vector<16xi32>
      %gt3A_67 = arith.cmpf ogt, %get3A_64, %select_n3A_57 : vector<16xf32>
      %gt3A_68 = arith.cmpf ogt, %get3A_64, %select_n3A_54 : vector<16xf32>
      %select_n3A_69 = arith.select %gt3A_68, %get3A_64, %select_n3A_54 : vector<16xi1>, vector<16xf32>
      %select_n3A_70 = arith.select %gt3A_67, %select_n3A_57, %select_n3A_69 : vector<16xi1>, vector<16xf32>
      %select_n3A_71 = arith.select %gt3A_68, %broadcast_in_dim3A_66, %select_n3A_56 : vector<16xi1>, vector<16xi32>
      %select_n3A_72 = arith.select %gt3A_67, %select_n3A_58, %select_n3A_71 : vector<16xi1>, vector<16xi32>
      %select_n3A_73 = arith.select %gt3A_67, %get3A_64, %select_n3A_57 : vector<16xi1>, vector<16xf32>
      %select_n3A_74 = arith.select %gt3A_67, %broadcast_in_dim3A_66, %select_n3A_58 : vector<16xi1>, vector<16xi32>
      %mul3A_75 = arith.constant 16 : i32
      %mul3A_76 = arith.muli %scan3A_41, %mul3A_75 : i32
      %get3A_77 = arith.constant 2 : i32
      %get3A_78 = arith.index_cast %get3A_77 : i32 to index
      %get3A_79 = arith.index_cast %mul3A_76 : i32 to index
      %get3A_80 = tpu.vector_load %arg5[%get3A_78, %get3A_79] {strides = array<i32>} : memref<64x256xf32, #tpu.memory_space<vmem>>, vector<16xf32>,
      %broadcast_in_dim3A_81 = arith.constant 2 : i32
      %broadcast_in_dim3A_82 = vector.broadcast %broadcast_in_dim3A_81 : i32 to vector<16xi32>
      %gt3A_83 = arith.cmpf ogt, %get3A_80, %select_n3A_73 : vector<16xf32>
      %gt3A_84 = arith.cmpf ogt, %get3A_80, %select_n3A_70 : vector<16xf32>
      %select_n3A_85 = arith.select %gt3A_84, %get3A_80, %select_n3A_70 : vector<16xi1>, vector<16xf32>
      %select_n3A_86 = arith.select %gt3A_83, %select_n3A_73, %select_n3A_85 : vector<16xi1>, vector<16xf32>
      %select_n3A_87 = arith.select %gt3A_84, %broadcast_in_dim3A_82, %select_n3A_72 : vector<16xi1>, vector<16xi32>
      %select_n3A_88 = arith.select %gt3A_83, %select_n3A_74, %select_n3A_87 : vector<16xi1>, vector<16xi32>
      %select_n3A_89 = arith.select %gt3A_83, %get3A_80, %select_n3A_73 : vector<16xi1>, vector<16xf32>
      %select_n3A_90 = arith.select %gt3A_83, %broadcast_in_dim3A_82, %select_n3A_74 : vector<16xi1>, vector<16xi32>
      %mul3A_91 = arith.constant 16 : i32
      %mul3A_92 = arith.muli %scan3A_41, %mul3A_91 : i32
      %get3A_93 = arith.constant 3 : i32
      %get3A_94 = arith.index_cast %get3A_93 : i32 to index
      %get3A_95 = arith.index_cast %mul3A_92 : i32 to index
      %get3A_96 = tpu.vector_load %arg5[%get3A_94, %get3A_95] {strides = array<i32>} : memref<64x256xf32, #tpu.memory_space<vmem>>, vector<16xf32>,
      %broadcast_in_dim3A_97 = arith.constant 3 : i32
      %broadcast_in_dim3A_98 = vector.broadcast %broadcast_in_dim3A_97 : i32 to vector<16xi32>
      %gt3A_99 = arith.cmpf ogt, %get3A_96, %select_n3A_89 : vector<16xf32>
      %gt3A_100 = arith.cmpf ogt, %get3A_96, %select_n3A_86 : vector<16xf32>
      %select_n3A_101 = arith.select %gt3A_100, %get3A_96, %select_n3A_86 : vector<16xi1>, vector<16xf32>
      %select_n3A_102 = arith.select %gt3A_99, %select_n3A_89, %select_n3A_101 : vector<16xi1>, vector<16xf32>
      %select_n3A_103 = arith.select %gt3A_100, %broadcast_in_dim3A_98, %select_n3A_88 : vector<16xi1>, vector<16xi32>
      %select_n3A_104 = arith.select %gt3A_99, %select_n3A_90, %select_n3A_103 : vector<16xi1>, vector<16xi32>
      %select_n3A_105 = arith.select %gt3A_99, %get3A_96, %select_n3A_89 : vector<16xi1>, vector<16xf32>
      %select_n3A_106 = arith.select %gt3A_99, %broadcast_in_dim3A_98, %select_n3A_90 : vector<16xi1>, vector<16xi32>
      %mul3A_107 = arith.constant 16 : i32
      %mul3A_108 = arith.muli %scan3A_41, %mul3A_107 : i32
      %get3A_109 = arith.constant 4 : i32
      %get3A_110 = arith.index_cast %get3A_109 : i32 to index
      %get3A_111 = arith.index_cast %mul3A_108 : i32 to index
      %get3A_112 = tpu.vector_load %arg5[%get3A_110, %get3A_111] {strides = array<i32>} : memref<64x256xf32, #tpu.memory_space<vmem>>, vector<16xf32>,
      %broadcast_in_dim3A_113 = arith.constant 4 : i32
      %broadcast_in_dim3A_114 = vector.broadcast %broadcast_in_dim3A_113 : i32 to vector<16xi32>
      %gt3A_115 = arith.cmpf ogt, %get3A_112, %select_n3A_105 : vector<16xf32>
      %gt3A_116 = arith.cmpf ogt, %get3A_112, %select_n3A_102 : vector<16xf32>
      %select_n3A_117 = arith.select %gt3A_116, %get3A_112, %select_n3A_102 : vector<16xi1>, vector<16xf32>
      %select_n3A_118 = arith.select %gt3A_115, %select_n3A_105, %select_n3A_117 : vector<16xi1>, vector<16xf32>
      %select_n3A_119 = arith.select %gt3A_116, %broadcast_in_dim3A_114, %select_n3A_104 : vector<16xi1>, vector<16xi32>
      %select_n3A_120 = arith.select %gt3A_115, %select_n3A_106, %select_n3A_119 : vector<16xi1>, vector<16xi32>
      %select_n3A_121 = arith.select %gt3A_115, %get3A_112, %select_n3A_105 : vector<16xi1>, vector<16xf32>
      %select_n3A_122 = arith.select %gt3A_115, %broadcast_in_dim3A_114, %select_n3A_106 : vector<16xi1>, vector<16xi32>
      %mul3A_123 = arith.constant 16 : i32
      %mul3A_124 = arith.muli %scan3A_41, %mul3A_123 : i32
      %get3A_125 = arith.constant 5 : i32
      %get3A_126 = arith.index_cast %get3A_125 : i32 to index
      %get3A_127 = arith.index_cast %mul3A_124 : i32 to index
      %get3A_128 = tpu.vector_load %arg5[%get3A_126, %get3A_127] {strides = array<i32>} : memref<64x256xf32, #tpu.memory_space<vmem>>, vector<16xf32>,
      %broadcast_in_dim3A_129 = arith.constant 5 : i32
      %broadcast_in_dim3A_130 = vector.broadcast %broadcast_in_dim3A_129 : i32 to vector<16xi32>
      %gt3A_131 = arith.cmpf ogt, %get3A_128, %select_n3A_121 : vector<16xf32>
      %gt3A_132 = arith.cmpf ogt, %get3A_128, %select_n3A_118 : vector<16xf32>
      %select_n3A_133 = arith.select %gt3A_132, %get3A_128, %select_n3A_118 : vector<16xi1>, vector<16xf32>
      %select_n3A_134 = arith.select %gt3A_131, %select_n3A_121, %select_n3A_133 : vector<16xi1>, vector<16xf32>
      %select_n3A_135 = arith.select %gt3A_132, %broadcast_in_dim3A_130, %select_n3A_120 : vector<16xi1>, vector<16xi32>
      %select_n3A_136 = arith.select %gt3A_131, %select_n3A_122, %select_n3A_135 : vector<16xi1>, vector<16xi32>
      %select_n3A_137 = arith.select %gt3A_131, %get3A_128, %select_n3A_121 : vector<16xi1>, vector<16xf32>
      %select_n3A_138 = arith.select %gt3A_131, %broadcast_in_dim3A_130, %select_n3A_122 : vector<16xi1>, vector<16xi32>
      %mul3A_139 = arith.constant 16 : i32
      %mul3A_140 = arith.muli %scan3A_41, %mul3A_139 : i32
      %get3A_141 = arith.constant 6 : i32
      %get3A_142 = arith.index_cast %get3A_141 : i32 to index
      %get3A_143 = arith.index_cast %mul3A_140 : i32 to index
      %get3A_144 = tpu.vector_load %arg5[%get3A_142, %get3A_143] {strides = array<i32>} : memref<64x256xf32, #tpu.memory_space<vmem>>, vector<16xf32>,
      %broadcast_in_dim3A_145 = arith.constant 6 : i32
      %broadcast_in_dim3A_146 = vector.broadcast %broadcast_in_dim3A_145 : i32 to vector<16xi32>
      %gt3A_147 = arith.cmpf ogt, %get3A_144, %select_n3A_137 : vector<16xf32>
      %gt3A_148 = arith.cmpf ogt, %get3A_144, %select_n3A_134 : vector<16xf32>
      %select_n3A_149 = arith.select %gt3A_148, %get3A_144, %select_n3A_134 : vector<16xi1>, vector<16xf32>
      %select_n3A_150 = arith.select %gt3A_147, %select_n3A_137, %select_n3A_149 : vector<16xi1>, vector<16xf32>
      %select_n3A_151 = arith.select %gt3A_148, %broadcast_in_dim3A_146, %select_n3A_136 : vector<16xi1>, vector<16xi32>
      %select_n3A_152 = arith.select %gt3A_147, %select_n3A_138, %select_n3A_151 : vector<16xi1>, vector<16xi32>
      %select_n3A_153 = arith.select %gt3A_147, %get3A_144, %select_n3A_137 : vector<16xi1>, vector<16xf32>
      %select_n3A_154 = arith.select %gt3A_147, %broadcast_in_dim3A_146, %select_n3A_138 : vector<16xi1>, vector<16xi32>
      %mul3A_155 = arith.constant 16 : i32
      %mul3A_156 = arith.muli %scan3A_41, %mul3A_155 : i32
      %get3A_157 = arith.constant 7 : i32
      %get3A_158 = arith.index_cast %get3A_157 : i32 to index
      %get3A_159 = arith.index_cast %mul3A_156 : i32 to index
      %get3A_160 = tpu.vector_load %arg5[%get3A_158, %get3A_159] {strides = array<i32>} : memref<64x256xf32, #tpu.memory_space<vmem>>, vector<16xf32>,
      %broadcast_in_dim3A_161 = arith.constant 7 : i32
      %broadcast_in_dim3A_162 = vector.broadcast %broadcast_in_dim3A_161 : i32 to vector<16xi32>
      %gt3A_163 = arith.cmpf ogt, %get3A_160, %select_n3A_153 : vector<16xf32>
      %gt3A_164 = arith.cmpf ogt, %get3A_160, %select_n3A_150 : vector<16xf32>
      %select_n3A_165 = arith.select %gt3A_164, %get3A_160, %select_n3A_150 : vector<16xi1>, vector<16xf32>
      %select_n3A_166 = arith.select %gt3A_163, %select_n3A_153, %select_n3A_165 : vector<16xi1>, vector<16xf32>
      %select_n3A_167 = arith.select %gt3A_164, %broadcast_in_dim3A_162, %select_n3A_152 : vector<16xi1>, vector<16xi32>
      %select_n3A_168 = arith.select %gt3A_163, %select_n3A_154, %select_n3A_167 : vector<16xi1>, vector<16xi32>
      %select_n3A_169 = arith.select %gt3A_163, %get3A_160, %select_n3A_153 : vector<16xi1>, vector<16xf32>
      %select_n3A_170 = arith.select %gt3A_163, %broadcast_in_dim3A_162, %select_n3A_154 : vector<16xi1>, vector<16xi32>
      %mul3A_171 = arith.constant 16 : i32
      %mul3A_172 = arith.muli %scan3A_41, %mul3A_171 : i32
      %get3A_173 = arith.constant 8 : i32
      %get3A_174 = arith.index_cast %get3A_173 : i32 to index
      %get3A_175 = arith.index_cast %mul3A_172 : i32 to index
      %get3A_176 = tpu.vector_load %arg5[%get3A_174, %get3A_175] {strides = array<i32>} : memref<64x256xf32, #tpu.memory_space<vmem>>, vector<16xf32>,
      %broadcast_in_dim3A_177 = arith.constant 8 : i32
      %broadcast_in_dim3A_178 = vector.broadcast %broadcast_in_dim3A_177 : i32 to vector<16xi32>
      %gt3A_179 = arith.cmpf ogt, %get3A_176, %select_n3A_169 : vector<16xf32>
      %gt3A_180 = arith.cmpf ogt, %get3A_176, %select_n3A_166 : vector<16xf32>
      %select_n3A_181 = arith.select %gt3A_180, %get3A_176, %select_n3A_166 : vector<16xi1>, vector<16xf32>
      %select_n3A_182 = arith.select %gt3A_179, %select_n3A_169, %select_n3A_181 : vector<16xi1>, vector<16xf32>
      %select_n3A_183 = arith.select %gt3A_180, %broadcast_in_dim3A_178, %select_n3A_168 : vector<16xi1>, vector<16xi32>
      %select_n3A_184 = arith.select %gt3A_179, %select_n3A_170, %select_n3A_183 : vector<16xi1>, vector<16xi32>
      %select_n3A_185 = arith.select %gt3A_179, %get3A_176, %select_n3A_169 : vector<16xi1>, vector<16xf32>
      %select_n3A_186 = arith.select %gt3A_179, %broadcast_in_dim3A_178, %select_n3A_170 : vector<16xi1>, vector<16xi32>
      %mul3A_187 = arith.constant 16 : i32
      %mul3A_188 = arith.muli %scan3A_41, %mul3A_187 : i32
      %get3A_189 = arith.constant 9 : i32
      %get3A_190 = arith.index_cast %get3A_189 : i32 to index
      %get3A_191 = arith.index_cast %mul3A_188 : i32 to index
      %get3A_192 = tpu.vector_load %arg5[%get3A_190, %get3A_191] {strides = array<i32>} : memref<64x256xf32, #tpu.memory_space<vmem>>, vector<16xf32>,
      %broadcast_in_dim3A_193 = arith.constant 9 : i32
      %broadcast_in_dim3A_194 = vector.broadcast %broadcast_in_dim3A_193 : i32 to vector<16xi32>
      %gt3A_195 = arith.cmpf ogt, %get3A_192, %select_n3A_185 : vector<16xf32>
      %gt3A_196 = arith.cmpf ogt, %get3A_192, %select_n3A_182 : vector<16xf32>
      %select_n3A_197 = arith.select %gt3A_196, %get3A_192, %select_n3A_182 : vector<16xi1>, vector<16xf32>
      %select_n3A_198 = arith.select %gt3A_195, %select_n3A_185, %select_n3A_197 : vector<16xi1>, vector<16xf32>
      %select_n3A_199 = arith.select %gt3A_196, %broadcast_in_dim3A_194, %select_n3A_184 : vector<16xi1>, vector<16xi32>
      %select_n3A_200 = arith.select %gt3A_195, %select_n3A_186, %select_n3A_199 : vector<16xi1>, vector<16xi32>
      %select_n3A_201 = arith.select %gt3A_195, %get3A_192, %select_n3A_185 : vector<16xi1>, vector<16xf32>
      %select_n3A_202 = arith.select %gt3A_195, %broadcast_in_dim3A_194, %select_n3A_186 : vector<16xi1>, vector<16xi32>
      %mul3A_203 = arith.constant 16 : i32
      %mul3A_204 = arith.muli %scan3A_41, %mul3A_203 : i32
      %get3A_205 = arith.constant 10 : i32
      %get3A_206 = arith.index_cast %get3A_205 : i32 to index
      %get3A_207 = arith.index_cast %mul3A_204 : i32 to index
      %get3A_208 = tpu.vector_load %arg5[%get3A_206, %get3A_207] {strides = array<i32>} : memref<64x256xf32, #tpu.memory_space<vmem>>, vector<16xf32>,
      %broadcast_in_dim3A_209 = arith.constant 10 : i32
      %broadcast_in_dim3A_210 = vector.broadcast %broadcast_in_dim3A_209 : i32 to vector<16xi32>
      %gt3A_211 = arith.cmpf ogt, %get3A_208, %select_n3A_201 : vector<16xf32>
      %gt3A_212 = arith.cmpf ogt, %get3A_208, %select_n3A_198 : vector<16xf32>
      %select_n3A_213 = arith.select %gt3A_212, %get3A_208, %select_n3A_198 : vector<16xi1>, vector<16xf32>
      %select_n3A_214 = arith.select %gt3A_211, %select_n3A_201, %select_n3A_213 : vector<16xi1>, vector<16xf32>
      %select_n3A_215 = arith.select %gt3A_212, %broadcast_in_dim3A_210, %select_n3A_200 : vector<16xi1>, vector<16xi32>
      %select_n3A_216 = arith.select %gt3A_211, %select_n3A_202, %select_n3A_215 : vector<16xi1>, vector<16xi32>
      %select_n3A_217 = arith.select %gt3A_211, %get3A_208, %select_n3A_201 : vector<16xi1>, vector<16xf32>
      %select_n3A_218 = arith.select %gt3A_211, %broadcast_in_dim3A_210, %select_n3A_202 : vector<16xi1>, vector<16xi32>
      %mul3A_219 = arith.constant 16 : i32
      %mul3A_220 = arith.muli %scan3A_41, %mul3A_219 : i32
      %get3A_221 = arith.constant 11 : i32
      %get3A_222 = arith.index_cast %get3A_221 : i32 to index
      %get3A_223 = arith.index_cast %mul3A_220 : i32 to index
      %get3A_224 = tpu.vector_load %arg5[%get3A_222, %get3A_223] {strides = array<i32>} : memref<64x256xf32, #tpu.memory_space<vmem>>, vector<16xf32>,
      %broadcast_in_dim3A_225 = arith.constant 11 : i32
      %broadcast_in_dim3A_226 = vector.broadcast %broadcast_in_dim3A_225 : i32 to vector<16xi32>
      %gt3A_227 = arith.cmpf ogt, %get3A_224, %select_n3A_217 : vector<16xf32>
      %gt3A_228 = arith.cmpf ogt, %get3A_224, %select_n3A_214 : vector<16xf32>
      %select_n3A_229 = arith.select %gt3A_228, %get3A_224, %select_n3A_214 : vector<16xi1>, vector<16xf32>
      %select_n3A_230 = arith.select %gt3A_227, %select_n3A_217, %select_n3A_229 : vector<16xi1>, vector<16xf32>
      %select_n3A_231 = arith.select %gt3A_228, %broadcast_in_dim3A_226, %select_n3A_216 : vector<16xi1>, vector<16xi32>
      %select_n3A_232 = arith.select %gt3A_227, %select_n3A_218, %select_n3A_231 : vector<16xi1>, vector<16xi32>
      %select_n3A_233 = arith.select %gt3A_227, %get3A_224, %select_n3A_217 : vector<16xi1>, vector<16xf32>
      %select_n3A_234 = arith.select %gt3A_227, %broadcast_in_dim3A_226, %select_n3A_218 : vector<16xi1>, vector<16xi32>
      %mul3A_235 = arith.constant 16 : i32
      %mul3A_236 = arith.muli %scan3A_41, %mul3A_235 : i32
      %get3A_237 = arith.constant 12 : i32
      %get3A_238 = arith.index_cast %get3A_237 : i32 to index
      %get3A_239 = arith.index_cast %mul3A_236 : i32 to index
      %get3A_240 = tpu.vector_load %arg5[%get3A_238, %get3A_239] {strides = array<i32>} : memref<64x256xf32, #tpu.memory_space<vmem>>, vector<16xf32>,
      %broadcast_in_dim3A_241 = arith.constant 12 : i32
      %broadcast_in_dim3A_242 = vector.broadcast %broadcast_in_dim3A_241 : i32 to vector<16xi32>
      %gt3A_243 = arith.cmpf ogt, %get3A_240, %select_n3A_233 : vector<16xf32>
      %gt3A_244 = arith.cmpf ogt, %get3A_240, %select_n3A_230 : vector<16xf32>
      %select_n3A_245 = arith.select %gt3A_244, %get3A_240, %select_n3A_230 : vector<16xi1>, vector<16xf32>
      %select_n3A_246 = arith.select %gt3A_243, %select_n3A_233, %select_n3A_245 : vector<16xi1>, vector<16xf32>
      %select_n3A_247 = arith.select %gt3A_244, %broadcast_in_dim3A_242, %select_n3A_232 : vector<16xi1>, vector<16xi32>
      %select_n3A_248 = arith.select %gt3A_243, %select_n3A_234, %select_n3A_247 : vector<16xi1>, vector<16xi32>
      %select_n3A_249 = arith.select %gt3A_243, %get3A_240, %select_n3A_233 : vector<16xi1>, vector<16xf32>
      %select_n3A_250 = arith.select %gt3A_243, %broadcast_in_dim3A_242, %select_n3A_234 : vector<16xi1>, vector<16xi32>
      %mul3A_251 = arith.constant 16 : i32
      %mul3A_252 = arith.muli %scan3A_41, %mul3A_251 : i32
      %get3A_253 = arith.constant 13 : i32
      %get3A_254 = arith.index_cast %get3A_253 : i32 to index
      %get3A_255 = arith.index_cast %mul3A_252 : i32 to index
      %get3A_256 = tpu.vector_load %arg5[%get3A_254, %get3A_255] {strides = array<i32>} : memref<64x256xf32, #tpu.memory_space<vmem>>, vector<16xf32>,
      %broadcast_in_dim3A_257 = arith.constant 13 : i32
      %broadcast_in_dim3A_258 = vector.broadcast %broadcast_in_dim3A_257 : i32 to vector<16xi32>
      %gt3A_259 = arith.cmpf ogt, %get3A_256, %select_n3A_249 : vector<16xf32>
      %gt3A_260 = arith.cmpf ogt, %get3A_256, %select_n3A_246 : vector<16xf32>
      %select_n3A_261 = arith.select %gt3A_260, %get3A_256, %select_n3A_246 : vector<16xi1>, vector<16xf32>
      %select_n3A_262 = arith.select %gt3A_259, %select_n3A_249, %select_n3A_261 : vector<16xi1>, vector<16xf32>
      %select_n3A_263 = arith.select %gt3A_260, %broadcast_in_dim3A_258, %select_n3A_248 : vector<16xi1>, vector<16xi32>
      %select_n3A_264 = arith.select %gt3A_259, %select_n3A_250, %select_n3A_263 : vector<16xi1>, vector<16xi32>
      %select_n3A_265 = arith.select %gt3A_259, %get3A_256, %select_n3A_249 : vector<16xi1>, vector<16xf32>
      %select_n3A_266 = arith.select %gt3A_259, %broadcast_in_dim3A_258, %select_n3A_250 : vector<16xi1>, vector<16xi32>
      %mul3A_267 = arith.constant 16 : i32
      %mul3A_268 = arith.muli %scan3A_41, %mul3A_267 : i32
      %get3A_269 = arith.constant 14 : i32
      %get3A_270 = arith.index_cast %get3A_269 : i32 to index
      %get3A_271 = arith.index_cast %mul3A_268 : i32 to index
      %get3A_272 = tpu.vector_load %arg5[%get3A_270, %get3A_271] {strides = array<i32>} : memref<64x256xf32, #tpu.memory_space<vmem>>, vector<16xf32>,
      %broadcast_in_dim3A_273 = arith.constant 14 : i32
      %broadcast_in_dim3A_274 = vector.broadcast %broadcast_in_dim3A_273 : i32 to vector<16xi32>
      %gt3A_275 = arith.cmpf ogt, %get3A_272, %select_n3A_265 : vector<16xf32>
      %gt3A_276 = arith.cmpf ogt, %get3A_272, %select_n3A_262 : vector<16xf32>
      %select_n3A_277 = arith.select %gt3A_276, %get3A_272, %select_n3A_262 : vector<16xi1>, vector<16xf32>
      %select_n3A_278 = arith.select %gt3A_275, %select_n3A_265, %select_n3A_277 : vector<16xi1>, vector<16xf32>
      %select_n3A_279 = arith.select %gt3A_276, %broadcast_in_dim3A_274, %select_n3A_264 : vector<16xi1>, vector<16xi32>
      %select_n3A_280 = arith.select %gt3A_275, %select_n3A_266, %select_n3A_279 : vector<16xi1>, vector<16xi32>
      %select_n3A_281 = arith.select %gt3A_275, %get3A_272, %select_n3A_265 : vector<16xi1>, vector<16xf32>
      %select_n3A_282 = arith.select %gt3A_275, %broadcast_in_dim3A_274, %select_n3A_266 : vector<16xi1>, vector<16xi32>
      %mul3A_283 = arith.constant 16 : i32
      %mul3A_284 = arith.muli %scan3A_41, %mul3A_283 : i32
      %get3A_285 = arith.constant 15 : i32
      %get3A_286 = arith.index_cast %get3A_285 : i32 to index
      %get3A_287 = arith.index_cast %mul3A_284 : i32 to index
      %get3A_288 = tpu.vector_load %arg5[%get3A_286, %get3A_287] {strides = array<i32>} : memref<64x256xf32, #tpu.memory_space<vmem>>, vector<16xf32>,
      %broadcast_in_dim3A_289 = arith.constant 15 : i32
      %broadcast_in_dim3A_290 = vector.broadcast %broadcast_in_dim3A_289 : i32 to vector<16xi32>
      %gt3A_291 = arith.cmpf ogt, %get3A_288, %select_n3A_281 : vector<16xf32>
      %gt3A_292 = arith.cmpf ogt, %get3A_288, %select_n3A_278 : vector<16xf32>
      %select_n3A_293 = arith.select %gt3A_292, %get3A_288, %select_n3A_278 : vector<16xi1>, vector<16xf32>
      %select_n3A_294 = arith.select %gt3A_291, %select_n3A_281, %select_n3A_293 : vector<16xi1>, vector<16xf32>
      %select_n3A_295 = arith.select %gt3A_292, %broadcast_in_dim3A_290, %select_n3A_280 : vector<16xi1>, vector<16xi32>
      %select_n3A_296 = arith.select %gt3A_291, %select_n3A_282, %select_n3A_295 : vector<16xi1>, vector<16xi32>
      %select_n3A_297 = arith.select %gt3A_291, %get3A_288, %select_n3A_281 : vector<16xi1>, vector<16xf32>
      %select_n3A_298 = arith.select %gt3A_291, %broadcast_in_dim3A_290, %select_n3A_282 : vector<16xi1>, vector<16xi32>
      %mul3A_299 = arith.constant 16 : i32
      %mul3A_300 = arith.muli %scan3A_41, %mul3A_299 : i32
      %get3A_301 = arith.constant 16 : i32
      %get3A_302 = arith.index_cast %get3A_301 : i32 to index
      %get3A_303 = arith.index_cast %mul3A_300 : i32 to index
      %get3A_304 = tpu.vector_load %arg5[%get3A_302, %get3A_303] {strides = array<i32>} : memref<64x256xf32, #tpu.memory_space<vmem>>, vector<16xf32>,
      %broadcast_in_dim3A_305 = arith.constant 16 : i32
      %broadcast_in_dim3A_306 = vector.broadcast %broadcast_in_dim3A_305 : i32 to vector<16xi32>
      %gt3A_307 = arith.cmpf ogt, %get3A_304, %select_n3A_297 : vector<16xf32>
      %gt3A_308 = arith.cmpf ogt, %get3A_304, %select_n3A_294 : vector<16xf32>
      %select_n3A_309 = arith.select %gt3A_308, %get3A_304, %select_n3A_294 : vector<16xi1>, vector<16xf32>
      %select_n3A_310 = arith.select %gt3A_307, %select_n3A_297, %select_n3A_309 : vector<16xi1>, vector<16xf32>
      %select_n3A_311 = arith.select %gt3A_308, %broadcast_in_dim3A_306, %select_n3A_296 : vector<16xi1>, vector<16xi32>
      %select_n3A_312 = arith.select %gt3A_307, %select_n3A_298, %select_n3A_311 : vector<16xi1>, vector<16xi32>
      %select_n3A_313 = arith.select %gt3A_307, %get3A_304, %select_n3A_297 : vector<16xi1>, vector<16xf32>
      %select_n3A_314 = arith.select %gt3A_307, %broadcast_in_dim3A_306, %select_n3A_298 : vector<16xi1>, vector<16xi32>
      %mul3A_315 = arith.constant 16 : i32
      %mul3A_316 = arith.muli %scan3A_41, %mul3A_315 : i32
      %get3A_317 = arith.constant 17 : i32
      %get3A_318 = arith.index_cast %get3A_317 : i32 to index
      %get3A_319 = arith.index_cast %mul3A_316 : i32 to index
      %get3A_320 = tpu.vector_load %arg5[%get3A_318, %get3A_319] {strides = array<i32>} : memref<64x256xf32, #tpu.memory_space<vmem>>, vector<16xf32>,
      %broadcast_in_dim3A_321 = arith.constant 17 : i32
      %broadcast_in_dim3A_322 = vector.broadcast %broadcast_in_dim3A_321 : i32 to vector<16xi32>
      %gt3A_323 = arith.cmpf ogt, %get3A_320, %select_n3A_313 : vector<16xf32>
      %gt3A_324 = arith.cmpf ogt, %get3A_320, %select_n3A_310 : vector<16xf32>
      %select_n3A_325 = arith.select %gt3A_324, %get3A_320, %select_n3A_310 : vector<16xi1>, vector<16xf32>
      %select_n3A_326 = arith.select %gt3A_323, %select_n3A_313, %select_n3A_325 : vector<16xi1>, vector<16xf32>
      %select_n3A_327 = arith.select %gt3A_324, %broadcast_in_dim3A_322, %select_n3A_312 : vector<16xi1>, vector<16xi32>
      %select_n3A_328 = arith.select %gt3A_323, %select_n3A_314, %select_n3A_327 : vector<16xi1>, vector<16xi32>
      %select_n3A_329 = arith.select %gt3A_323, %get3A_320, %select_n3A_313 : vector<16xi1>, vector<16xf32>
      %select_n3A_330 = arith.select %gt3A_323, %broadcast_in_dim3A_322, %select_n3A_314 : vector<16xi1>, vector<16xi32>
      %mul3A_331 = arith.constant 16 : i32
      %mul3A_332 = arith.muli %scan3A_41, %mul3A_331 : i32
      %get3A_333 = arith.constant 18 : i32
      %get3A_334 = arith.index_cast %get3A_333 : i32 to index
      %get3A_335 = arith.index_cast %mul3A_332 : i32 to index
      %get3A_336 = tpu.vector_load %arg5[%get3A_334, %get3A_335] {strides = array<i32>} : memref<64x256xf32, #tpu.memory_space<vmem>>, vector<16xf32>,
      %broadcast_in_dim3A_337 = arith.constant 18 : i32
      %broadcast_in_dim3A_338 = vector.broadcast %broadcast_in_dim3A_337 : i32 to vector<16xi32>
      %gt3A_339 = arith.cmpf ogt, %get3A_336, %select_n3A_329 : vector<16xf32>
      %gt3A_340 = arith.cmpf ogt, %get3A_336, %select_n3A_326 : vector<16xf32>
      %select_n3A_341 = arith.select %gt3A_340, %get3A_336, %select_n3A_326 : vector<16xi1>, vector<16xf32>
      %select_n3A_342 = arith.select %gt3A_339, %select_n3A_329, %select_n3A_341 : vector<16xi1>, vector<16xf32>
      %select_n3A_343 = arith.select %gt3A_340, %broadcast_in_dim3A_338, %select_n3A_328 : vector<16xi1>, vector<16xi32>
      %select_n3A_344 = arith.select %gt3A_339, %select_n3A_330, %select_n3A_343 : vector<16xi1>, vector<16xi32>
      %select_n3A_345 = arith.select %gt3A_339, %get3A_336, %select_n3A_329 : vector<16xi1>, vector<16xf32>
      %select_n3A_346 = arith.select %gt3A_339, %broadcast_in_dim3A_338, %select_n3A_330 : vector<16xi1>, vector<16xi32>
      %mul3A_347 = arith.constant 16 : i32
      %mul3A_348 = arith.muli %scan3A_41, %mul3A_347 : i32
      %get3A_349 = arith.constant 19 : i32
      %get3A_350 = arith.index_cast %get3A_349 : i32 to index
      %get3A_351 = arith.index_cast %mul3A_348 : i32 to index
      %get3A_352 = tpu.vector_load %arg5[%get3A_350, %get3A_351] {strides = array<i32>} : memref<64x256xf32, #tpu.memory_space<vmem>>, vector<16xf32>,
      %broadcast_in_dim3A_353 = arith.constant 19 : i32
      %broadcast_in_dim3A_354 = vector.broadcast %broadcast_in_dim3A_353 : i32 to vector<16xi32>
      %gt3A_355 = arith.cmpf ogt, %get3A_352, %select_n3A_345 : vector<16xf32>
      %gt3A_356 = arith.cmpf ogt, %get3A_352, %select_n3A_342 : vector<16xf32>
      %select_n3A_357 = arith.select %gt3A_356, %get3A_352, %select_n3A_342 : vector<16xi1>, vector<16xf32>
      %select_n3A_358 = arith.select %gt3A_355, %select_n3A_345, %select_n3A_357 : vector<16xi1>, vector<16xf32>
      %select_n3A_359 = arith.select %gt3A_356, %broadcast_in_dim3A_354, %select_n3A_344 : vector<16xi1>, vector<16xi32>
      %select_n3A_360 = arith.select %gt3A_355, %select_n3A_346, %select_n3A_359 : vector<16xi1>, vector<16xi32>
      %select_n3A_361 = arith.select %gt3A_355, %get3A_352, %select_n3A_345 : vector<16xi1>, vector<16xf32>
      %select_n3A_362 = arith.select %gt3A_355, %broadcast_in_dim3A_354, %select_n3A_346 : vector<16xi1>, vector<16xi32>
      %mul3A_363 = arith.constant 16 : i32
      %mul3A_364 = arith.muli %scan3A_41, %mul3A_363 : i32
      %get3A_365 = arith.constant 20 : i32
      %get3A_366 = arith.index_cast %get3A_365 : i32 to index
      %get3A_367 = arith.index_cast %mul3A_364 : i32 to index
      %get3A_368 = tpu.vector_load %arg5[%get3A_366, %get3A_367] {strides = array<i32>} : memref<64x256xf32, #tpu.memory_space<vmem>>, vector<16xf32>,
      %broadcast_in_dim3A_369 = arith.constant 20 : i32
      %broadcast_in_dim3A_370 = vector.broadcast %broadcast_in_dim3A_369 : i32 to vector<16xi32>
      %gt3A_371 = arith.cmpf ogt, %get3A_368, %select_n3A_361 : vector<16xf32>
      %gt3A_372 = arith.cmpf ogt, %get3A_368, %select_n3A_358 : vector<16xf32>
      %select_n3A_373 = arith.select %gt3A_372, %get3A_368, %select_n3A_358 : vector<16xi1>, vector<16xf32>
      %select_n3A_374 = arith.select %gt3A_371, %select_n3A_361, %select_n3A_373 : vector<16xi1>, vector<16xf32>
      %select_n3A_375 = arith.select %gt3A_372, %broadcast_in_dim3A_370, %select_n3A_360 : vector<16xi1>, vector<16xi32>
      %select_n3A_376 = arith.select %gt3A_371, %select_n3A_362, %select_n3A_375 : vector<16xi1>, vector<16xi32>
      %select_n3A_377 = arith.select %gt3A_371, %get3A_368, %select_n3A_361 : vector<16xi1>, vector<16xf32>
      %select_n3A_378 = arith.select %gt3A_371, %broadcast_in_dim3A_370, %select_n3A_362 : vector<16xi1>, vector<16xi32>
      %mul3A_379 = arith.constant 16 : i32
      %mul3A_380 = arith.muli %scan3A_41, %mul3A_379 : i32
      %get3A_381 = arith.constant 21 : i32
      %get3A_382 = arith.index_cast %get3A_381 : i32 to index
      %get3A_383 = arith.index_cast %mul3A_380 : i32 to index
      %get3A_384 = tpu.vector_load %arg5[%get3A_382, %get3A_383] {strides = array<i32>} : memref<64x256xf32, #tpu.memory_space<vmem>>, vector<16xf32>,
      %broadcast_in_dim3A_385 = arith.constant 21 : i32
      %broadcast_in_dim3A_386 = vector.broadcast %broadcast_in_dim3A_385 : i32 to vector<16xi32>
      %gt3A_387 = arith.cmpf ogt, %get3A_384, %select_n3A_377 : vector<16xf32>
      %gt3A_388 = arith.cmpf ogt, %get3A_384, %select_n3A_374 : vector<16xf32>
      %select_n3A_389 = arith.select %gt3A_388, %get3A_384, %select_n3A_374 : vector<16xi1>, vector<16xf32>
      %select_n3A_390 = arith.select %gt3A_387, %select_n3A_377, %select_n3A_389 : vector<16xi1>, vector<16xf32>
      %select_n3A_391 = arith.select %gt3A_388, %broadcast_in_dim3A_386, %select_n3A_376 : vector<16xi1>, vector<16xi32>
      %select_n3A_392 = arith.select %gt3A_387, %select_n3A_378, %select_n3A_391 : vector<16xi1>, vector<16xi32>
      %select_n3A_393 = arith.select %gt3A_387, %get3A_384, %select_n3A_377 : vector<16xi1>, vector<16xf32>
      %select_n3A_394 = arith.select %gt3A_387, %broadcast_in_dim3A_386, %select_n3A_378 : vector<16xi1>, vector<16xi32>
      %mul3A_395 = arith.constant 16 : i32
      %mul3A_396 = arith.muli %scan3A_41, %mul3A_395 : i32
      %get3A_397 = arith.constant 22 : i32
      %get3A_398 = arith.index_cast %get3A_397 : i32 to index
      %get3A_399 = arith.index_cast %mul3A_396 : i32 to index
      %get3A_400 = tpu.vector_load %arg5[%get3A_398, %get3A_399] {strides = array<i32>} : memref<64x256xf32, #tpu.memory_space<vmem>>, vector<16xf32>,
      %broadcast_in_dim3A_401 = arith.constant 22 : i32
      %broadcast_in_dim3A_402 = vector.broadcast %broadcast_in_dim3A_401 : i32 to vector<16xi32>
      %gt3A_403 = arith.cmpf ogt, %get3A_400, %select_n3A_393 : vector<16xf32>
      %gt3A_404 = arith.cmpf ogt, %get3A_400, %select_n3A_390 : vector<16xf32>
      %select_n3A_405 = arith.select %gt3A_404, %get3A_400, %select_n3A_390 : vector<16xi1>, vector<16xf32>
      %select_n3A_406 = arith.select %gt3A_403, %select_n3A_393, %select_n3A_405 : vector<16xi1>, vector<16xf32>
      %select_n3A_407 = arith.select %gt3A_404, %broadcast_in_dim3A_402, %select_n3A_392 : vector<16xi1>, vector<16xi32>
      %select_n3A_408 = arith.select %gt3A_403, %select_n3A_394, %select_n3A_407 : vector<16xi1>, vector<16xi32>
      %select_n3A_409 = arith.select %gt3A_403, %get3A_400, %select_n3A_393 : vector<16xi1>, vector<16xf32>
      %select_n3A_410 = arith.select %gt3A_403, %broadcast_in_dim3A_402, %select_n3A_394 : vector<16xi1>, vector<16xi32>
      %mul3A_411 = arith.constant 16 : i32
      %mul3A_412 = arith.muli %scan3A_41, %mul3A_411 : i32
      %get3A_413 = arith.constant 23 : i32
      %get3A_414 = arith.index_cast %get3A_413 : i32 to index
      %get3A_415 = arith.index_cast %mul3A_412 : i32 to index
      %get3A_416 = tpu.vector_load %arg5[%get3A_414, %get3A_415] {strides = array<i32>} : memref<64x256xf32, #tpu.memory_space<vmem>>, vector<16xf32>,
      %broadcast_in_dim3A_417 = arith.constant 23 : i32
      %broadcast_in_dim3A_418 = vector.broadcast %broadcast_in_dim3A_417 : i32 to vector<16xi32>
      %gt3A_419 = arith.cmpf ogt, %get3A_416, %select_n3A_409 : vector<16xf32>
      %gt3A_420 = arith.cmpf ogt, %get3A_416, %select_n3A_406 : vector<16xf32>
      %select_n3A_421 = arith.select %gt3A_420, %get3A_416, %select_n3A_406 : vector<16xi1>, vector<16xf32>
      %select_n3A_422 = arith.select %gt3A_419, %select_n3A_409, %select_n3A_421 : vector<16xi1>, vector<16xf32>
      %select_n3A_423 = arith.select %gt3A_420, %broadcast_in_dim3A_418, %select_n3A_408 : vector<16xi1>, vector<16xi32>
      %select_n3A_424 = arith.select %gt3A_419, %select_n3A_410, %select_n3A_423 : vector<16xi1>, vector<16xi32>
      %select_n3A_425 = arith.select %gt3A_419, %get3A_416, %select_n3A_409 : vector<16xi1>, vector<16xf32>
      %select_n3A_426 = arith.select %gt3A_419, %broadcast_in_dim3A_418, %select_n3A_410 : vector<16xi1>, vector<16xi32>
      %mul3A_427 = arith.constant 16 : i32
      %mul3A_428 = arith.muli %scan3A_41, %mul3A_427 : i32
      %get3A_429 = arith.constant 24 : i32
      %get3A_430 = arith.index_cast %get3A_429 : i32 to index
      %get3A_431 = arith.index_cast %mul3A_428 : i32 to index
      %get3A_432 = tpu.vector_load %arg5[%get3A_430, %get3A_431] {strides = array<i32>} : memref<64x256xf32, #tpu.memory_space<vmem>>, vector<16xf32>,
      %broadcast_in_dim3A_433 = arith.constant 24 : i32
      %broadcast_in_dim3A_434 = vector.broadcast %broadcast_in_dim3A_433 : i32 to vector<16xi32>
      %gt3A_435 = arith.cmpf ogt, %get3A_432, %select_n3A_425 : vector<16xf32>
      %gt3A_436 = arith.cmpf ogt, %get3A_432, %select_n3A_422 : vector<16xf32>
      %select_n3A_437 = arith.select %gt3A_436, %get3A_432, %select_n3A_422 : vector<16xi1>, vector<16xf32>
      %select_n3A_438 = arith.select %gt3A_435, %select_n3A_425, %select_n3A_437 : vector<16xi1>, vector<16xf32>
      %select_n3A_439 = arith.select %gt3A_436, %broadcast_in_dim3A_434, %select_n3A_424 : vector<16xi1>, vector<16xi32>
      %select_n3A_440 = arith.select %gt3A_435, %select_n3A_426, %select_n3A_439 : vector<16xi1>, vector<16xi32>
      %select_n3A_441 = arith.select %gt3A_435, %get3A_432, %select_n3A_425 : vector<16xi1>, vector<16xf32>
      %select_n3A_442 = arith.select %gt3A_435, %broadcast_in_dim3A_434, %select_n3A_426 : vector<16xi1>, vector<16xi32>
      %mul3A_443 = arith.constant 16 : i32
      %mul3A_444 = arith.muli %scan3A_41, %mul3A_443 : i32
      %get3A_445 = arith.constant 25 : i32
      %get3A_446 = arith.index_cast %get3A_445 : i32 to index
      %get3A_447 = arith.index_cast %mul3A_444 : i32 to index
      %get3A_448 = tpu.vector_load %arg5[%get3A_446, %get3A_447] {strides = array<i32>} : memref<64x256xf32, #tpu.memory_space<vmem>>, vector<16xf32>,
      %broadcast_in_dim3A_449 = arith.constant 25 : i32
      %broadcast_in_dim3A_450 = vector.broadcast %broadcast_in_dim3A_449 : i32 to vector<16xi32>
      %gt3A_451 = arith.cmpf ogt, %get3A_448, %select_n3A_441 : vector<16xf32>
      %gt3A_452 = arith.cmpf ogt, %get3A_448, %select_n3A_438 : vector<16xf32>
      %select_n3A_453 = arith.select %gt3A_452, %get3A_448, %select_n3A_438 : vector<16xi1>, vector<16xf32>
      %select_n3A_454 = arith.select %gt3A_451, %select_n3A_441, %select_n3A_453 : vector<16xi1>, vector<16xf32>
      %select_n3A_455 = arith.select %gt3A_452, %broadcast_in_dim3A_450, %select_n3A_440 : vector<16xi1>, vector<16xi32>
      %select_n3A_456 = arith.select %gt3A_451, %select_n3A_442, %select_n3A_455 : vector<16xi1>, vector<16xi32>
      %select_n3A_457 = arith.select %gt3A_451, %get3A_448, %select_n3A_441 : vector<16xi1>, vector<16xf32>
      %select_n3A_458 = arith.select %gt3A_451, %broadcast_in_dim3A_450, %select_n3A_442 : vector<16xi1>, vector<16xi32>
      %mul3A_459 = arith.constant 16 : i32
      %mul3A_460 = arith.muli %scan3A_41, %mul3A_459 : i32
      %get3A_461 = arith.constant 26 : i32
      %get3A_462 = arith.index_cast %get3A_461 : i32 to index
      %get3A_463 = arith.index_cast %mul3A_460 : i32 to index
      %get3A_464 = tpu.vector_load %arg5[%get3A_462, %get3A_463] {strides = array<i32>} : memref<64x256xf32, #tpu.memory_space<vmem>>, vector<16xf32>,
      %broadcast_in_dim3A_465 = arith.constant 26 : i32
      %broadcast_in_dim3A_466 = vector.broadcast %broadcast_in_dim3A_465 : i32 to vector<16xi32>
      %gt3A_467 = arith.cmpf ogt, %get3A_464, %select_n3A_457 : vector<16xf32>
      %gt3A_468 = arith.cmpf ogt, %get3A_464, %select_n3A_454 : vector<16xf32>
      %select_n3A_469 = arith.select %gt3A_468, %get3A_464, %select_n3A_454 : vector<16xi1>, vector<16xf32>
      %select_n3A_470 = arith.select %gt3A_467, %select_n3A_457, %select_n3A_469 : vector<16xi1>, vector<16xf32>
      %select_n3A_471 = arith.select %gt3A_468, %broadcast_in_dim3A_466, %select_n3A_456 : vector<16xi1>, vector<16xi32>
      %select_n3A_472 = arith.select %gt3A_467, %select_n3A_458, %select_n3A_471 : vector<16xi1>, vector<16xi32>
      %select_n3A_473 = arith.select %gt3A_467, %get3A_464, %select_n3A_457 : vector<16xi1>, vector<16xf32>
      %select_n3A_474 = arith.select %gt3A_467, %broadcast_in_dim3A_466, %select_n3A_458 : vector<16xi1>, vector<16xi32>
      %mul3A_475 = arith.constant 16 : i32
      %mul3A_476 = arith.muli %scan3A_41, %mul3A_475 : i32
      %get3A_477 = arith.constant 27 : i32
      %get3A_478 = arith.index_cast %get3A_477 : i32 to index
      %get3A_479 = arith.index_cast %mul3A_476 : i32 to index
      %get3A_480 = tpu.vector_load %arg5[%get3A_478, %get3A_479] {strides = array<i32>} : memref<64x256xf32, #tpu.memory_space<vmem>>, vector<16xf32>,
      %broadcast_in_dim3A_481 = arith.constant 27 : i32
      %broadcast_in_dim3A_482 = vector.broadcast %broadcast_in_dim3A_481 : i32 to vector<16xi32>
      %gt3A_483 = arith.cmpf ogt, %get3A_480, %select_n3A_473 : vector<16xf32>
      %gt3A_484 = arith.cmpf ogt, %get3A_480, %select_n3A_470 : vector<16xf32>
      %select_n3A_485 = arith.select %gt3A_484, %get3A_480, %select_n3A_470 : vector<16xi1>, vector<16xf32>
      %select_n3A_486 = arith.select %gt3A_483, %select_n3A_473, %select_n3A_485 : vector<16xi1>, vector<16xf32>
      %select_n3A_487 = arith.select %gt3A_484, %broadcast_in_dim3A_482, %select_n3A_472 : vector<16xi1>, vector<16xi32>
      %select_n3A_488 = arith.select %gt3A_483, %select_n3A_474, %select_n3A_487 : vector<16xi1>, vector<16xi32>
      %select_n3A_489 = arith.select %gt3A_483, %get3A_480, %select_n3A_473 : vector<16xi1>, vector<16xf32>
      %select_n3A_490 = arith.select %gt3A_483, %broadcast_in_dim3A_482, %select_n3A_474 : vector<16xi1>, vector<16xi32>
      %mul3A_491 = arith.constant 16 : i32
      %mul3A_492 = arith.muli %scan3A_41, %mul3A_491 : i32
      %get3A_493 = arith.constant 28 : i32
      %get3A_494 = arith.index_cast %get3A_493 : i32 to index
      %get3A_495 = arith.index_cast %mul3A_492 : i32 to index
      %get3A_496 = tpu.vector_load %arg5[%get3A_494, %get3A_495] {strides = array<i32>} : memref<64x256xf32, #tpu.memory_space<vmem>>, vector<16xf32>,
      %broadcast_in_dim3A_497 = arith.constant 28 : i32
      %broadcast_in_dim3A_498 = vector.broadcast %broadcast_in_dim3A_497 : i32 to vector<16xi32>
      %gt3A_499 = arith.cmpf ogt, %get3A_496, %select_n3A_489 : vector<16xf32>
      %gt3A_500 = arith.cmpf ogt, %get3A_496, %select_n3A_486 : vector<16xf32>
      %select_n3A_501 = arith.select %gt3A_500, %get3A_496, %select_n3A_486 : vector<16xi1>, vector<16xf32>
      %select_n3A_502 = arith.select %gt3A_499, %select_n3A_489, %select_n3A_501 : vector<16xi1>, vector<16xf32>
      %select_n3A_503 = arith.select %gt3A_500, %broadcast_in_dim3A_498, %select_n3A_488 : vector<16xi1>, vector<16xi32>
      %select_n3A_504 = arith.select %gt3A_499, %select_n3A_490, %select_n3A_503 : vector<16xi1>, vector<16xi32>
      %select_n3A_505 = arith.select %gt3A_499, %get3A_496, %select_n3A_489 : vector<16xi1>, vector<16xf32>
      %select_n3A_506 = arith.select %gt3A_499, %broadcast_in_dim3A_498, %select_n3A_490 : vector<16xi1>, vector<16xi32>
      %mul3A_507 = arith.constant 16 : i32
      %mul3A_508 = arith.muli %scan3A_41, %mul3A_507 : i32
      %get3A_509 = arith.constant 29 : i32
      %get3A_510 = arith.index_cast %get3A_509 : i32 to index
      %get3A_511 = arith.index_cast %mul3A_508 : i32 to index
      %get3A_512 = tpu.vector_load %arg5[%get3A_510, %get3A_511] {strides = array<i32>} : memref<64x256xf32, #tpu.memory_space<vmem>>, vector<16xf32>,
      %broadcast_in_dim3A_513 = arith.constant 29 : i32
      %broadcast_in_dim3A_514 = vector.broadcast %broadcast_in_dim3A_513 : i32 to vector<16xi32>
      %gt3A_515 = arith.cmpf ogt, %get3A_512, %select_n3A_505 : vector<16xf32>
      %gt3A_516 = arith.cmpf ogt, %get3A_512, %select_n3A_502 : vector<16xf32>
      %select_n3A_517 = arith.select %gt3A_516, %get3A_512, %select_n3A_502 : vector<16xi1>, vector<16xf32>
      %select_n3A_518 = arith.select %gt3A_515, %select_n3A_505, %select_n3A_517 : vector<16xi1>, vector<16xf32>
      %select_n3A_519 = arith.select %gt3A_516, %broadcast_in_dim3A_514, %select_n3A_504 : vector<16xi1>, vector<16xi32>
      %select_n3A_520 = arith.select %gt3A_515, %select_n3A_506, %select_n3A_519 : vector<16xi1>, vector<16xi32>
      %select_n3A_521 = arith.select %gt3A_515, %get3A_512, %select_n3A_505 : vector<16xi1>, vector<16xf32>
      %select_n3A_522 = arith.select %gt3A_515, %broadcast_in_dim3A_514, %select_n3A_506 : vector<16xi1>, vector<16xi32>
      %mul3A_523 = arith.constant 16 : i32
      %mul3A_524 = arith.muli %scan3A_41, %mul3A_523 : i32
      %get3A_525 = arith.constant 30 : i32
      %get3A_526 = arith.index_cast %get3A_525 : i32 to index
      %get3A_527 = arith.index_cast %mul3A_524 : i32 to index
      %get3A_528 = tpu.vector_load %arg5[%get3A_526, %get3A_527] {strides = array<i32>} : memref<64x256xf32, #tpu.memory_space<vmem>>, vector<16xf32>,
      %broadcast_in_dim3A_529 = arith.constant 30 : i32
      %broadcast_in_dim3A_530 = vector.broadcast %broadcast_in_dim3A_529 : i32 to vector<16xi32>
      %gt3A_531 = arith.cmpf ogt, %get3A_528, %select_n3A_521 : vector<16xf32>
      %gt3A_532 = arith.cmpf ogt, %get3A_528, %select_n3A_518 : vector<16xf32>
      %select_n3A_533 = arith.select %gt3A_532, %get3A_528, %select_n3A_518 : vector<16xi1>, vector<16xf32>
      %select_n3A_534 = arith.select %gt3A_531, %select_n3A_521, %select_n3A_533 : vector<16xi1>, vector<16xf32>
      %select_n3A_535 = arith.select %gt3A_532, %broadcast_in_dim3A_530, %select_n3A_520 : vector<16xi1>, vector<16xi32>
      %select_n3A_536 = arith.select %gt3A_531, %select_n3A_522, %select_n3A_535 : vector<16xi1>, vector<16xi32>
      %select_n3A_537 = arith.select %gt3A_531, %get3A_528, %select_n3A_521 : vector<16xi1>, vector<16xf32>
      %select_n3A_538 = arith.select %gt3A_531, %broadcast_in_dim3A_530, %select_n3A_522 : vector<16xi1>, vector<16xi32>
      %mul3A_539 = arith.constant 16 : i32
      %mul3A_540 = arith.muli %scan3A_41, %mul3A_539 : i32
      %get3A_541 = arith.constant 31 : i32
      %get3A_542 = arith.index_cast %get3A_541 : i32 to index
      %get3A_543 = arith.index_cast %mul3A_540 : i32 to index
      %get3A_544 = tpu.vector_load %arg5[%get3A_542, %get3A_543] {strides = array<i32>} : memref<64x256xf32, #tpu.memory_space<vmem>>, vector<16xf32>,
      %broadcast_in_dim3A_545 = arith.constant 31 : i32
      %broadcast_in_dim3A_546 = vector.broadcast %broadcast_in_dim3A_545 : i32 to vector<16xi32>
      %gt3A_547 = arith.cmpf ogt, %get3A_544, %select_n3A_537 : vector<16xf32>
      %gt3A_548 = arith.cmpf ogt, %get3A_544, %select_n3A_534 : vector<16xf32>
      %select_n3A_549 = arith.select %gt3A_548, %get3A_544, %select_n3A_534 : vector<16xi1>, vector<16xf32>
      %select_n3A_550 = arith.select %gt3A_547, %select_n3A_537, %select_n3A_549 : vector<16xi1>, vector<16xf32>
      %select_n3A_551 = arith.select %gt3A_548, %broadcast_in_dim3A_546, %select_n3A_536 : vector<16xi1>, vector<16xi32>
      %select_n3A_552 = arith.select %gt3A_547, %select_n3A_538, %select_n3A_551 : vector<16xi1>, vector<16xi32>
      %select_n3A_553 = arith.select %gt3A_547, %get3A_544, %select_n3A_537 : vector<16xi1>, vector<16xf32>
      %select_n3A_554 = arith.select %gt3A_547, %broadcast_in_dim3A_546, %select_n3A_538 : vector<16xi1>, vector<16xi32>
      %mul3A_555 = arith.constant 16 : i32
      %mul3A_556 = arith.muli %scan3A_41, %mul3A_555 : i32
      %get3A_557 = arith.constant 32 : i32
      %get3A_558 = arith.index_cast %get3A_557 : i32 to index
      %get3A_559 = arith.index_cast %mul3A_556 : i32 to index
      %get3A_560 = tpu.vector_load %arg5[%get3A_558, %get3A_559] {strides = array<i32>} : memref<64x256xf32, #tpu.memory_space<vmem>>, vector<16xf32>,
      %broadcast_in_dim3A_561 = arith.constant 32 : i32
      %broadcast_in_dim3A_562 = vector.broadcast %broadcast_in_dim3A_561 : i32 to vector<16xi32>
      %gt3A_563 = arith.cmpf ogt, %get3A_560, %select_n3A_553 : vector<16xf32>
      %gt3A_564 = arith.cmpf ogt, %get3A_560, %select_n3A_550 : vector<16xf32>
      %select_n3A_565 = arith.select %gt3A_564, %get3A_560, %select_n3A_550 : vector<16xi1>, vector<16xf32>
      %select_n3A_566 = arith.select %gt3A_563, %select_n3A_553, %select_n3A_565 : vector<16xi1>, vector<16xf32>
      %select_n3A_567 = arith.select %gt3A_564, %broadcast_in_dim3A_562, %select_n3A_552 : vector<16xi1>, vector<16xi32>
      %select_n3A_568 = arith.select %gt3A_563, %select_n3A_554, %select_n3A_567 : vector<16xi1>, vector<16xi32>
      %select_n3A_569 = arith.select %gt3A_563, %get3A_560, %select_n3A_553 : vector<16xi1>, vector<16xf32>
      %select_n3A_570 = arith.select %gt3A_563, %broadcast_in_dim3A_562, %select_n3A_554 : vector<16xi1>, vector<16xi32>
      %mul3A_571 = arith.constant 16 : i32
      %mul3A_572 = arith.muli %scan3A_41, %mul3A_571 : i32
      %get3A_573 = arith.constant 33 : i32
      %get3A_574 = arith.index_cast %get3A_573 : i32 to index
      %get3A_575 = arith.index_cast %mul3A_572 : i32 to index
      %get3A_576 = tpu.vector_load %arg5[%get3A_574, %get3A_575] {strides = array<i32>} : memref<64x256xf32, #tpu.memory_space<vmem>>, vector<16xf32>,
      %broadcast_in_dim3A_577 = arith.constant 33 : i32
      %broadcast_in_dim3A_578 = vector.broadcast %broadcast_in_dim3A_577 : i32 to vector<16xi32>
      %gt3A_579 = arith.cmpf ogt, %get3A_576, %select_n3A_569 : vector<16xf32>
      %gt3A_580 = arith.cmpf ogt, %get3A_576, %select_n3A_566 : vector<16xf32>
      %select_n3A_581 = arith.select %gt3A_580, %get3A_576, %select_n3A_566 : vector<16xi1>, vector<16xf32>
      %select_n3A_582 = arith.select %gt3A_579, %select_n3A_569, %select_n3A_581 : vector<16xi1>, vector<16xf32>
      %select_n3A_583 = arith.select %gt3A_580, %broadcast_in_dim3A_578, %select_n3A_568 : vector<16xi1>, vector<16xi32>
      %select_n3A_584 = arith.select %gt3A_579, %select_n3A_570, %select_n3A_583 : vector<16xi1>, vector<16xi32>
      %select_n3A_585 = arith.select %gt3A_579, %get3A_576, %select_n3A_569 : vector<16xi1>, vector<16xf32>
      %select_n3A_586 = arith.select %gt3A_579, %broadcast_in_dim3A_578, %select_n3A_570 : vector<16xi1>, vector<16xi32>
      %mul3A_587 = arith.constant 16 : i32
      %mul3A_588 = arith.muli %scan3A_41, %mul3A_587 : i32
      %get3A_589 = arith.constant 34 : i32
      %get3A_590 = arith.index_cast %get3A_589 : i32 to index
      %get3A_591 = arith.index_cast %mul3A_588 : i32 to index
      %get3A_592 = tpu.vector_load %arg5[%get3A_590, %get3A_591] {strides = array<i32>} : memref<64x256xf32, #tpu.memory_space<vmem>>, vector<16xf32>,
      %broadcast_in_dim3A_593 = arith.constant 34 : i32
      %broadcast_in_dim3A_594 = vector.broadcast %broadcast_in_dim3A_593 : i32 to vector<16xi32>
      %gt3A_595 = arith.cmpf ogt, %get3A_592, %select_n3A_585 : vector<16xf32>
      %gt3A_596 = arith.cmpf ogt, %get3A_592, %select_n3A_582 : vector<16xf32>
      %select_n3A_597 = arith.select %gt3A_596, %get3A_592, %select_n3A_582 : vector<16xi1>, vector<16xf32>
      %select_n3A_598 = arith.select %gt3A_595, %select_n3A_585, %select_n3A_597 : vector<16xi1>, vector<16xf32>
      %select_n3A_599 = arith.select %gt3A_596, %broadcast_in_dim3A_594, %select_n3A_584 : vector<16xi1>, vector<16xi32>
      %select_n3A_600 = arith.select %gt3A_595, %select_n3A_586, %select_n3A_599 : vector<16xi1>, vector<16xi32>
      %select_n3A_601 = arith.select %gt3A_595, %get3A_592, %select_n3A_585 : vector<16xi1>, vector<16xf32>
      %select_n3A_602 = arith.select %gt3A_595, %broadcast_in_dim3A_594, %select_n3A_586 : vector<16xi1>, vector<16xi32>
      %mul3A_603 = arith.constant 16 : i32
      %mul3A_604 = arith.muli %scan3A_41, %mul3A_603 : i32
      %get3A_605 = arith.constant 35 : i32
      %get3A_606 = arith.index_cast %get3A_605 : i32 to index
      %get3A_607 = arith.index_cast %mul3A_604 : i32 to index
      %get3A_608 = tpu.vector_load %arg5[%get3A_606, %get3A_607] {strides = array<i32>} : memref<64x256xf32, #tpu.memory_space<vmem>>, vector<16xf32>,
      %broadcast_in_dim3A_609 = arith.constant 35 : i32
      %broadcast_in_dim3A_610 = vector.broadcast %broadcast_in_dim3A_609 : i32 to vector<16xi32>
      %gt3A_611 = arith.cmpf ogt, %get3A_608, %select_n3A_601 : vector<16xf32>
      %gt3A_612 = arith.cmpf ogt, %get3A_608, %select_n3A_598 : vector<16xf32>
      %select_n3A_613 = arith.select %gt3A_612, %get3A_608, %select_n3A_598 : vector<16xi1>, vector<16xf32>
      %select_n3A_614 = arith.select %gt3A_611, %select_n3A_601, %select_n3A_613 : vector<16xi1>, vector<16xf32>
      %select_n3A_615 = arith.select %gt3A_612, %broadcast_in_dim3A_610, %select_n3A_600 : vector<16xi1>, vector<16xi32>
      %select_n3A_616 = arith.select %gt3A_611, %select_n3A_602, %select_n3A_615 : vector<16xi1>, vector<16xi32>
      %select_n3A_617 = arith.select %gt3A_611, %get3A_608, %select_n3A_601 : vector<16xi1>, vector<16xf32>
      %select_n3A_618 = arith.select %gt3A_611, %broadcast_in_dim3A_610, %select_n3A_602 : vector<16xi1>, vector<16xi32>
      %mul3A_619 = arith.constant 16 : i32
      %mul3A_620 = arith.muli %scan3A_41, %mul3A_619 : i32
      %get3A_621 = arith.constant 36 : i32
      %get3A_622 = arith.index_cast %get3A_621 : i32 to index
      %get3A_623 = arith.index_cast %mul3A_620 : i32 to index
      %get3A_624 = tpu.vector_load %arg5[%get3A_622, %get3A_623] {strides = array<i32>} : memref<64x256xf32, #tpu.memory_space<vmem>>, vector<16xf32>,
      %broadcast_in_dim3A_625 = arith.constant 36 : i32
      %broadcast_in_dim3A_626 = vector.broadcast %broadcast_in_dim3A_625 : i32 to vector<16xi32>
      %gt3A_627 = arith.cmpf ogt, %get3A_624, %select_n3A_617 : vector<16xf32>
      %gt3A_628 = arith.cmpf ogt, %get3A_624, %select_n3A_614 : vector<16xf32>
      %select_n3A_629 = arith.select %gt3A_628, %get3A_624, %select_n3A_614 : vector<16xi1>, vector<16xf32>
      %select_n3A_630 = arith.select %gt3A_627, %select_n3A_617, %select_n3A_629 : vector<16xi1>, vector<16xf32>
      %select_n3A_631 = arith.select %gt3A_628, %broadcast_in_dim3A_626, %select_n3A_616 : vector<16xi1>, vector<16xi32>
      %select_n3A_632 = arith.select %gt3A_627, %select_n3A_618, %select_n3A_631 : vector<16xi1>, vector<16xi32>
      %select_n3A_633 = arith.select %gt3A_627, %get3A_624, %select_n3A_617 : vector<16xi1>, vector<16xf32>
      %select_n3A_634 = arith.select %gt3A_627, %broadcast_in_dim3A_626, %select_n3A_618 : vector<16xi1>, vector<16xi32>
      %mul3A_635 = arith.constant 16 : i32
      %mul3A_636 = arith.muli %scan3A_41, %mul3A_635 : i32
      %get3A_637 = arith.constant 37 : i32
      %get3A_638 = arith.index_cast %get3A_637 : i32 to index
      %get3A_639 = arith.index_cast %mul3A_636 : i32 to index
      %get3A_640 = tpu.vector_load %arg5[%get3A_638, %get3A_639] {strides = array<i32>} : memref<64x256xf32, #tpu.memory_space<vmem>>, vector<16xf32>,
      %broadcast_in_dim3A_641 = arith.constant 37 : i32
      %broadcast_in_dim3A_642 = vector.broadcast %broadcast_in_dim3A_641 : i32 to vector<16xi32>
      %gt3A_643 = arith.cmpf ogt, %get3A_640, %select_n3A_633 : vector<16xf32>
      %gt3A_644 = arith.cmpf ogt, %get3A_640, %select_n3A_630 : vector<16xf32>
      %select_n3A_645 = arith.select %gt3A_644, %get3A_640, %select_n3A_630 : vector<16xi1>, vector<16xf32>
      %select_n3A_646 = arith.select %gt3A_643, %select_n3A_633, %select_n3A_645 : vector<16xi1>, vector<16xf32>
      %select_n3A_647 = arith.select %gt3A_644, %broadcast_in_dim3A_642, %select_n3A_632 : vector<16xi1>, vector<16xi32>
      %select_n3A_648 = arith.select %gt3A_643, %select_n3A_634, %select_n3A_647 : vector<16xi1>, vector<16xi32>
      %select_n3A_649 = arith.select %gt3A_643, %get3A_640, %select_n3A_633 : vector<16xi1>, vector<16xf32>
      %select_n3A_650 = arith.select %gt3A_643, %broadcast_in_dim3A_642, %select_n3A_634 : vector<16xi1>, vector<16xi32>
      %mul3A_651 = arith.constant 16 : i32
      %mul3A_652 = arith.muli %scan3A_41, %mul3A_651 : i32
      %get3A_653 = arith.constant 38 : i32
      %get3A_654 = arith.index_cast %get3A_653 : i32 to index
      %get3A_655 = arith.index_cast %mul3A_652 : i32 to index
      %get3A_656 = tpu.vector_load %arg5[%get3A_654, %get3A_655] {strides = array<i32>} : memref<64x256xf32, #tpu.memory_space<vmem>>, vector<16xf32>,
      %broadcast_in_dim3A_657 = arith.constant 38 : i32
      %broadcast_in_dim3A_658 = vector.broadcast %broadcast_in_dim3A_657 : i32 to vector<16xi32>
      %gt3A_659 = arith.cmpf ogt, %get3A_656, %select_n3A_649 : vector<16xf32>
      %gt3A_660 = arith.cmpf ogt, %get3A_656, %select_n3A_646 : vector<16xf32>
      %select_n3A_661 = arith.select %gt3A_660, %get3A_656, %select_n3A_646 : vector<16xi1>, vector<16xf32>
      %select_n3A_662 = arith.select %gt3A_659, %select_n3A_649, %select_n3A_661 : vector<16xi1>, vector<16xf32>
      %select_n3A_663 = arith.select %gt3A_660, %broadcast_in_dim3A_658, %select_n3A_648 : vector<16xi1>, vector<16xi32>
      %select_n3A_664 = arith.select %gt3A_659, %select_n3A_650, %select_n3A_663 : vector<16xi1>, vector<16xi32>
      %select_n3A_665 = arith.select %gt3A_659, %get3A_656, %select_n3A_649 : vector<16xi1>, vector<16xf32>
      %select_n3A_666 = arith.select %gt3A_659, %broadcast_in_dim3A_658, %select_n3A_650 : vector<16xi1>, vector<16xi32>
      %mul3A_667 = arith.constant 16 : i32
      %mul3A_668 = arith.muli %scan3A_41, %mul3A_667 : i32
      %get3A_669 = arith.constant 39 : i32
      %get3A_670 = arith.index_cast %get3A_669 : i32 to index
      %get3A_671 = arith.index_cast %mul3A_668 : i32 to index
      %get3A_672 = tpu.vector_load %arg5[%get3A_670, %get3A_671] {strides = array<i32>} : memref<64x256xf32, #tpu.memory_space<vmem>>, vector<16xf32>,
      %broadcast_in_dim3A_673 = arith.constant 39 : i32
      %broadcast_in_dim3A_674 = vector.broadcast %broadcast_in_dim3A_673 : i32 to vector<16xi32>
      %gt3A_675 = arith.cmpf ogt, %get3A_672, %select_n3A_665 : vector<16xf32>
      %gt3A_676 = arith.cmpf ogt, %get3A_672, %select_n3A_662 : vector<16xf32>
      %select_n3A_677 = arith.select %gt3A_676, %get3A_672, %select_n3A_662 : vector<16xi1>, vector<16xf32>
      %select_n3A_678 = arith.select %gt3A_675, %select_n3A_665, %select_n3A_677 : vector<16xi1>, vector<16xf32>
      %select_n3A_679 = arith.select %gt3A_676, %broadcast_in_dim3A_674, %select_n3A_664 : vector<16xi1>, vector<16xi32>
      %select_n3A_680 = arith.select %gt3A_675, %select_n3A_666, %select_n3A_679 : vector<16xi1>, vector<16xi32>
      %select_n3A_681 = arith.select %gt3A_675, %get3A_672, %select_n3A_665 : vector<16xi1>, vector<16xf32>
      %select_n3A_682 = arith.select %gt3A_675, %broadcast_in_dim3A_674, %select_n3A_666 : vector<16xi1>, vector<16xi32>
      %mul3A_683 = arith.constant 16 : i32
      %mul3A_684 = arith.muli %scan3A_41, %mul3A_683 : i32
      %get3A_685 = arith.constant 40 : i32
      %get3A_686 = arith.index_cast %get3A_685 : i32 to index
      %get3A_687 = arith.index_cast %mul3A_684 : i32 to index
      %get3A_688 = tpu.vector_load %arg5[%get3A_686, %get3A_687] {strides = array<i32>} : memref<64x256xf32, #tpu.memory_space<vmem>>, vector<16xf32>,
      %broadcast_in_dim3A_689 = arith.constant 40 : i32
      %broadcast_in_dim3A_690 = vector.broadcast %broadcast_in_dim3A_689 : i32 to vector<16xi32>
      %gt3A_691 = arith.cmpf ogt, %get3A_688, %select_n3A_681 : vector<16xf32>
      %gt3A_692 = arith.cmpf ogt, %get3A_688, %select_n3A_678 : vector<16xf32>
      %select_n3A_693 = arith.select %gt3A_692, %get3A_688, %select_n3A_678 : vector<16xi1>, vector<16xf32>
      %select_n3A_694 = arith.select %gt3A_691, %select_n3A_681, %select_n3A_693 : vector<16xi1>, vector<16xf32>
      %select_n3A_695 = arith.select %gt3A_692, %broadcast_in_dim3A_690, %select_n3A_680 : vector<16xi1>, vector<16xi32>
      %select_n3A_696 = arith.select %gt3A_691, %select_n3A_682, %select_n3A_695 : vector<16xi1>, vector<16xi32>
      %select_n3A_697 = arith.select %gt3A_691, %get3A_688, %select_n3A_681 : vector<16xi1>, vector<16xf32>
      %select_n3A_698 = arith.select %gt3A_691, %broadcast_in_dim3A_690, %select_n3A_682 : vector<16xi1>, vector<16xi32>
      %mul3A_699 = arith.constant 16 : i32
      %mul3A_700 = arith.muli %scan3A_41, %mul3A_699 : i32
      %get3A_701 = arith.constant 41 : i32
      %get3A_702 = arith.index_cast %get3A_701 : i32 to index
      %get3A_703 = arith.index_cast %mul3A_700 : i32 to index
      %get3A_704 = tpu.vector_load %arg5[%get3A_702, %get3A_703] {strides = array<i32>} : memref<64x256xf32, #tpu.memory_space<vmem>>, vector<16xf32>,
      %broadcast_in_dim3A_705 = arith.constant 41 : i32
      %broadcast_in_dim3A_706 = vector.broadcast %broadcast_in_dim3A_705 : i32 to vector<16xi32>
      %gt3A_707 = arith.cmpf ogt, %get3A_704, %select_n3A_697 : vector<16xf32>
      %gt3A_708 = arith.cmpf ogt, %get3A_704, %select_n3A_694 : vector<16xf32>
      %select_n3A_709 = arith.select %gt3A_708, %get3A_704, %select_n3A_694 : vector<16xi1>, vector<16xf32>
      %select_n3A_710 = arith.select %gt3A_707, %select_n3A_697, %select_n3A_709 : vector<16xi1>, vector<16xf32>
      %select_n3A_711 = arith.select %gt3A_708, %broadcast_in_dim3A_706, %select_n3A_696 : vector<16xi1>, vector<16xi32>
      %select_n3A_712 = arith.select %gt3A_707, %select_n3A_698, %select_n3A_711 : vector<16xi1>, vector<16xi32>
      %select_n3A_713 = arith.select %gt3A_707, %get3A_704, %select_n3A_697 : vector<16xi1>, vector<16xf32>
      %select_n3A_714 = arith.select %gt3A_707, %broadcast_in_dim3A_706, %select_n3A_698 : vector<16xi1>, vector<16xi32>
      %mul3A_715 = arith.constant 16 : i32
      %mul3A_716 = arith.muli %scan3A_41, %mul3A_715 : i32
      %get3A_717 = arith.constant 42 : i32
      %get3A_718 = arith.index_cast %get3A_717 : i32 to index
      %get3A_719 = arith.index_cast %mul3A_716 : i32 to index
      %get3A_720 = tpu.vector_load %arg5[%get3A_718, %get3A_719] {strides = array<i32>} : memref<64x256xf32, #tpu.memory_space<vmem>>, vector<16xf32>,
      %broadcast_in_dim3A_721 = arith.constant 42 : i32
      %broadcast_in_dim3A_722 = vector.broadcast %broadcast_in_dim3A_721 : i32 to vector<16xi32>
      %gt3A_723 = arith.cmpf ogt, %get3A_720, %select_n3A_713 : vector<16xf32>
      %gt3A_724 = arith.cmpf ogt, %get3A_720, %select_n3A_710 : vector<16xf32>
      %select_n3A_725 = arith.select %gt3A_724, %get3A_720, %select_n3A_710 : vector<16xi1>, vector<16xf32>
      %select_n3A_726 = arith.select %gt3A_723, %select_n3A_713, %select_n3A_725 : vector<16xi1>, vector<16xf32>
      %select_n3A_727 = arith.select %gt3A_724, %broadcast_in_dim3A_722, %select_n3A_712 : vector<16xi1>, vector<16xi32>
      %select_n3A_728 = arith.select %gt3A_723, %select_n3A_714, %select_n3A_727 : vector<16xi1>, vector<16xi32>
      %select_n3A_729 = arith.select %gt3A_723, %get3A_720, %select_n3A_713 : vector<16xi1>, vector<16xf32>
      %select_n3A_730 = arith.select %gt3A_723, %broadcast_in_dim3A_722, %select_n3A_714 : vector<16xi1>, vector<16xi32>
      %mul3A_731 = arith.constant 16 : i32
      %mul3A_732 = arith.muli %scan3A_41, %mul3A_731 : i32
      %get3A_733 = arith.constant 43 : i32
      %get3A_734 = arith.index_cast %get3A_733 : i32 to index
      %get3A_735 = arith.index_cast %mul3A_732 : i32 to index
      %get3A_736 = tpu.vector_load %arg5[%get3A_734, %get3A_735] {strides = array<i32>} : memref<64x256xf32, #tpu.memory_space<vmem>>, vector<16xf32>,
      %broadcast_in_dim3A_737 = arith.constant 43 : i32
      %broadcast_in_dim3A_738 = vector.broadcast %broadcast_in_dim3A_737 : i32 to vector<16xi32>
      %gt3A_739 = arith.cmpf ogt, %get3A_736, %select_n3A_729 : vector<16xf32>
      %gt3A_740 = arith.cmpf ogt, %get3A_736, %select_n3A_726 : vector<16xf32>
      %select_n3A_741 = arith.select %gt3A_740, %get3A_736, %select_n3A_726 : vector<16xi1>, vector<16xf32>
      %select_n3A_742 = arith.select %gt3A_739, %select_n3A_729, %select_n3A_741 : vector<16xi1>, vector<16xf32>
      %select_n3A_743 = arith.select %gt3A_740, %broadcast_in_dim3A_738, %select_n3A_728 : vector<16xi1>, vector<16xi32>
      %select_n3A_744 = arith.select %gt3A_739, %select_n3A_730, %select_n3A_743 : vector<16xi1>, vector<16xi32>
      %select_n3A_745 = arith.select %gt3A_739, %get3A_736, %select_n3A_729 : vector<16xi1>, vector<16xf32>
      %select_n3A_746 = arith.select %gt3A_739, %broadcast_in_dim3A_738, %select_n3A_730 : vector<16xi1>, vector<16xi32>
      %mul3A_747 = arith.constant 16 : i32
      %mul3A_748 = arith.muli %scan3A_41, %mul3A_747 : i32
      %get3A_749 = arith.constant 44 : i32
      %get3A_750 = arith.index_cast %get3A_749 : i32 to index
      %get3A_751 = arith.index_cast %mul3A_748 : i32 to index
      %get3A_752 = tpu.vector_load %arg5[%get3A_750, %get3A_751] {strides = array<i32>} : memref<64x256xf32, #tpu.memory_space<vmem>>, vector<16xf32>,
      %broadcast_in_dim3A_753 = arith.constant 44 : i32
      %broadcast_in_dim3A_754 = vector.broadcast %broadcast_in_dim3A_753 : i32 to vector<16xi32>
      %gt3A_755 = arith.cmpf ogt, %get3A_752, %select_n3A_745 : vector<16xf32>
      %gt3A_756 = arith.cmpf ogt, %get3A_752, %select_n3A_742 : vector<16xf32>
      %select_n3A_757 = arith.select %gt3A_756, %get3A_752, %select_n3A_742 : vector<16xi1>, vector<16xf32>
      %select_n3A_758 = arith.select %gt3A_755, %select_n3A_745, %select_n3A_757 : vector<16xi1>, vector<16xf32>
      %select_n3A_759 = arith.select %gt3A_756, %broadcast_in_dim3A_754, %select_n3A_744 : vector<16xi1>, vector<16xi32>
      %select_n3A_760 = arith.select %gt3A_755, %select_n3A_746, %select_n3A_759 : vector<16xi1>, vector<16xi32>
      %select_n3A_761 = arith.select %gt3A_755, %get3A_752, %select_n3A_745 : vector<16xi1>, vector<16xf32>
      %select_n3A_762 = arith.select %gt3A_755, %broadcast_in_dim3A_754, %select_n3A_746 : vector<16xi1>, vector<16xi32>
      %mul3A_763 = arith.constant 16 : i32
      %mul3A_764 = arith.muli %scan3A_41, %mul3A_763 : i32
      %get3A_765 = arith.constant 45 : i32
      %get3A_766 = arith.index_cast %get3A_765 : i32 to index
      %get3A_767 = arith.index_cast %mul3A_764 : i32 to index
      %get3A_768 = tpu.vector_load %arg5[%get3A_766, %get3A_767] {strides = array<i32>} : memref<64x256xf32, #tpu.memory_space<vmem>>, vector<16xf32>,
      %broadcast_in_dim3A_769 = arith.constant 45 : i32
      %broadcast_in_dim3A_770 = vector.broadcast %broadcast_in_dim3A_769 : i32 to vector<16xi32>
      %gt3A_771 = arith.cmpf ogt, %get3A_768, %select_n3A_761 : vector<16xf32>
      %gt3A_772 = arith.cmpf ogt, %get3A_768, %select_n3A_758 : vector<16xf32>
      %select_n3A_773 = arith.select %gt3A_772, %get3A_768, %select_n3A_758 : vector<16xi1>, vector<16xf32>
      %select_n3A_774 = arith.select %gt3A_771, %select_n3A_761, %select_n3A_773 : vector<16xi1>, vector<16xf32>
      %select_n3A_775 = arith.select %gt3A_772, %broadcast_in_dim3A_770, %select_n3A_760 : vector<16xi1>, vector<16xi32>
      %select_n3A_776 = arith.select %gt3A_771, %select_n3A_762, %select_n3A_775 : vector<16xi1>, vector<16xi32>
      %select_n3A_777 = arith.select %gt3A_771, %get3A_768, %select_n3A_761 : vector<16xi1>, vector<16xf32>
      %select_n3A_778 = arith.select %gt3A_771, %broadcast_in_dim3A_770, %select_n3A_762 : vector<16xi1>, vector<16xi32>
      %mul3A_779 = arith.constant 16 : i32
      %mul3A_780 = arith.muli %scan3A_41, %mul3A_779 : i32
      %get3A_781 = arith.constant 46 : i32
      %get3A_782 = arith.index_cast %get3A_781 : i32 to index
      %get3A_783 = arith.index_cast %mul3A_780 : i32 to index
      %get3A_784 = tpu.vector_load %arg5[%get3A_782, %get3A_783] {strides = array<i32>} : memref<64x256xf32, #tpu.memory_space<vmem>>, vector<16xf32>,
      %broadcast_in_dim3A_785 = arith.constant 46 : i32
      %broadcast_in_dim3A_786 = vector.broadcast %broadcast_in_dim3A_785 : i32 to vector<16xi32>
      %gt3A_787 = arith.cmpf ogt, %get3A_784, %select_n3A_777 : vector<16xf32>
      %gt3A_788 = arith.cmpf ogt, %get3A_784, %select_n3A_774 : vector<16xf32>
      %select_n3A_789 = arith.select %gt3A_788, %get3A_784, %select_n3A_774 : vector<16xi1>, vector<16xf32>
      %select_n3A_790 = arith.select %gt3A_787, %select_n3A_777, %select_n3A_789 : vector<16xi1>, vector<16xf32>
      %select_n3A_791 = arith.select %gt3A_788, %broadcast_in_dim3A_786, %select_n3A_776 : vector<16xi1>, vector<16xi32>
      %select_n3A_792 = arith.select %gt3A_787, %select_n3A_778, %select_n3A_791 : vector<16xi1>, vector<16xi32>
      %select_n3A_793 = arith.select %gt3A_787, %get3A_784, %select_n3A_777 : vector<16xi1>, vector<16xf32>
      %select_n3A_794 = arith.select %gt3A_787, %broadcast_in_dim3A_786, %select_n3A_778 : vector<16xi1>, vector<16xi32>
      %mul3A_795 = arith.constant 16 : i32
      %mul3A_796 = arith.muli %scan3A_41, %mul3A_795 : i32
      %get3A_797 = arith.constant 47 : i32
      %get3A_798 = arith.index_cast %get3A_797 : i32 to index
      %get3A_799 = arith.index_cast %mul3A_796 : i32 to index
      %get3A_800 = tpu.vector_load %arg5[%get3A_798, %get3A_799] {strides = array<i32>} : memref<64x256xf32, #tpu.memory_space<vmem>>, vector<16xf32>,
      %broadcast_in_dim3A_801 = arith.constant 47 : i32
      %broadcast_in_dim3A_802 = vector.broadcast %broadcast_in_dim3A_801 : i32 to vector<16xi32>
      %gt3A_803 = arith.cmpf ogt, %get3A_800, %select_n3A_793 : vector<16xf32>
      %gt3A_804 = arith.cmpf ogt, %get3A_800, %select_n3A_790 : vector<16xf32>
      %select_n3A_805 = arith.select %gt3A_804, %get3A_800, %select_n3A_790 : vector<16xi1>, vector<16xf32>
      %select_n3A_806 = arith.select %gt3A_803, %select_n3A_793, %select_n3A_805 : vector<16xi1>, vector<16xf32>
      %select_n3A_807 = arith.select %gt3A_804, %broadcast_in_dim3A_802, %select_n3A_792 : vector<16xi1>, vector<16xi32>
      %select_n3A_808 = arith.select %gt3A_803, %select_n3A_794, %select_n3A_807 : vector<16xi1>, vector<16xi32>
      %select_n3A_809 = arith.select %gt3A_803, %get3A_800, %select_n3A_793 : vector<16xi1>, vector<16xf32>
      %select_n3A_810 = arith.select %gt3A_803, %broadcast_in_dim3A_802, %select_n3A_794 : vector<16xi1>, vector<16xi32>
      %mul3A_811 = arith.constant 16 : i32
      %mul3A_812 = arith.muli %scan3A_41, %mul3A_811 : i32
      %get3A_813 = arith.constant 48 : i32
      %get3A_814 = arith.index_cast %get3A_813 : i32 to index
      %get3A_815 = arith.index_cast %mul3A_812 : i32 to index
      %get3A_816 = tpu.vector_load %arg5[%get3A_814, %get3A_815] {strides = array<i32>} : memref<64x256xf32, #tpu.memory_space<vmem>>, vector<16xf32>,
      %broadcast_in_dim3A_817 = arith.constant 48 : i32
      %broadcast_in_dim3A_818 = vector.broadcast %broadcast_in_dim3A_817 : i32 to vector<16xi32>
      %gt3A_819 = arith.cmpf ogt, %get3A_816, %select_n3A_809 : vector<16xf32>
      %gt3A_820 = arith.cmpf ogt, %get3A_816, %select_n3A_806 : vector<16xf32>
      %select_n3A_821 = arith.select %gt3A_820, %get3A_816, %select_n3A_806 : vector<16xi1>, vector<16xf32>
      %select_n3A_822 = arith.select %gt3A_819, %select_n3A_809, %select_n3A_821 : vector<16xi1>, vector<16xf32>
      %select_n3A_823 = arith.select %gt3A_820, %broadcast_in_dim3A_818, %select_n3A_808 : vector<16xi1>, vector<16xi32>
      %select_n3A_824 = arith.select %gt3A_819, %select_n3A_810, %select_n3A_823 : vector<16xi1>, vector<16xi32>
      %select_n3A_825 = arith.select %gt3A_819, %get3A_816, %select_n3A_809 : vector<16xi1>, vector<16xf32>
      %select_n3A_826 = arith.select %gt3A_819, %broadcast_in_dim3A_818, %select_n3A_810 : vector<16xi1>, vector<16xi32>
      %mul3A_827 = arith.constant 16 : i32
      %mul3A_828 = arith.muli %scan3A_41, %mul3A_827 : i32
      %get3A_829 = arith.constant 49 : i32
      %get3A_830 = arith.index_cast %get3A_829 : i32 to index
      %get3A_831 = arith.index_cast %mul3A_828 : i32 to index
      %get3A_832 = tpu.vector_load %arg5[%get3A_830, %get3A_831] {strides = array<i32>} : memref<64x256xf32, #tpu.memory_space<vmem>>, vector<16xf32>,
      %broadcast_in_dim3A_833 = arith.constant 49 : i32
      %broadcast_in_dim3A_834 = vector.broadcast %broadcast_in_dim3A_833 : i32 to vector<16xi32>
      %gt3A_835 = arith.cmpf ogt, %get3A_832, %select_n3A_825 : vector<16xf32>
      %gt3A_836 = arith.cmpf ogt, %get3A_832, %select_n3A_822 : vector<16xf32>
      %select_n3A_837 = arith.select %gt3A_836, %get3A_832, %select_n3A_822 : vector<16xi1>, vector<16xf32>
      %select_n3A_838 = arith.select %gt3A_835, %select_n3A_825, %select_n3A_837 : vector<16xi1>, vector<16xf32>
      %select_n3A_839 = arith.select %gt3A_836, %broadcast_in_dim3A_834, %select_n3A_824 : vector<16xi1>, vector<16xi32>
      %select_n3A_840 = arith.select %gt3A_835, %select_n3A_826, %select_n3A_839 : vector<16xi1>, vector<16xi32>
      %select_n3A_841 = arith.select %gt3A_835, %get3A_832, %select_n3A_825 : vector<16xi1>, vector<16xf32>
      %select_n3A_842 = arith.select %gt3A_835, %broadcast_in_dim3A_834, %select_n3A_826 : vector<16xi1>, vector<16xi32>
      %mul3A_843 = arith.constant 16 : i32
      %mul3A_844 = arith.muli %scan3A_41, %mul3A_843 : i32
      %get3A_845 = arith.constant 50 : i32
      %get3A_846 = arith.index_cast %get3A_845 : i32 to index
      %get3A_847 = arith.index_cast %mul3A_844 : i32 to index
      %get3A_848 = tpu.vector_load %arg5[%get3A_846, %get3A_847] {strides = array<i32>} : memref<64x256xf32, #tpu.memory_space<vmem>>, vector<16xf32>,
      %broadcast_in_dim3A_849 = arith.constant 50 : i32
      %broadcast_in_dim3A_850 = vector.broadcast %broadcast_in_dim3A_849 : i32 to vector<16xi32>
      %gt3A_851 = arith.cmpf ogt, %get3A_848, %select_n3A_841 : vector<16xf32>
      %gt3A_852 = arith.cmpf ogt, %get3A_848, %select_n3A_838 : vector<16xf32>
      %select_n3A_853 = arith.select %gt3A_852, %get3A_848, %select_n3A_838 : vector<16xi1>, vector<16xf32>
      %select_n3A_854 = arith.select %gt3A_851, %select_n3A_841, %select_n3A_853 : vector<16xi1>, vector<16xf32>
      %select_n3A_855 = arith.select %gt3A_852, %broadcast_in_dim3A_850, %select_n3A_840 : vector<16xi1>, vector<16xi32>
      %select_n3A_856 = arith.select %gt3A_851, %select_n3A_842, %select_n3A_855 : vector<16xi1>, vector<16xi32>
      %select_n3A_857 = arith.select %gt3A_851, %get3A_848, %select_n3A_841 : vector<16xi1>, vector<16xf32>
      %select_n3A_858 = arith.select %gt3A_851, %broadcast_in_dim3A_850, %select_n3A_842 : vector<16xi1>, vector<16xi32>
      %mul3A_859 = arith.constant 16 : i32
      %mul3A_860 = arith.muli %scan3A_41, %mul3A_859 : i32
      %get3A_861 = arith.constant 51 : i32
      %get3A_862 = arith.index_cast %get3A_861 : i32 to index
      %get3A_863 = arith.index_cast %mul3A_860 : i32 to index
      %get3A_864 = tpu.vector_load %arg5[%get3A_862, %get3A_863] {strides = array<i32>} : memref<64x256xf32, #tpu.memory_space<vmem>>, vector<16xf32>,
      %broadcast_in_dim3A_865 = arith.constant 51 : i32
      %broadcast_in_dim3A_866 = vector.broadcast %broadcast_in_dim3A_865 : i32 to vector<16xi32>
      %gt3A_867 = arith.cmpf ogt, %get3A_864, %select_n3A_857 : vector<16xf32>
      %gt3A_868 = arith.cmpf ogt, %get3A_864, %select_n3A_854 : vector<16xf32>
      %select_n3A_869 = arith.select %gt3A_868, %get3A_864, %select_n3A_854 : vector<16xi1>, vector<16xf32>
      %select_n3A_870 = arith.select %gt3A_867, %select_n3A_857, %select_n3A_869 : vector<16xi1>, vector<16xf32>
      %select_n3A_871 = arith.select %gt3A_868, %broadcast_in_dim3A_866, %select_n3A_856 : vector<16xi1>, vector<16xi32>
      %select_n3A_872 = arith.select %gt3A_867, %select_n3A_858, %select_n3A_871 : vector<16xi1>, vector<16xi32>
      %select_n3A_873 = arith.select %gt3A_867, %get3A_864, %select_n3A_857 : vector<16xi1>, vector<16xf32>
      %select_n3A_874 = arith.select %gt3A_867, %broadcast_in_dim3A_866, %select_n3A_858 : vector<16xi1>, vector<16xi32>
      %mul3A_875 = arith.constant 16 : i32
      %mul3A_876 = arith.muli %scan3A_41, %mul3A_875 : i32
      %get3A_877 = arith.constant 52 : i32
      %get3A_878 = arith.index_cast %get3A_877 : i32 to index
      %get3A_879 = arith.index_cast %mul3A_876 : i32 to index
      %get3A_880 = tpu.vector_load %arg5[%get3A_878, %get3A_879] {strides = array<i32>} : memref<64x256xf32, #tpu.memory_space<vmem>>, vector<16xf32>,
      %broadcast_in_dim3A_881 = arith.constant 52 : i32
      %broadcast_in_dim3A_882 = vector.broadcast %broadcast_in_dim3A_881 : i32 to vector<16xi32>
      %gt3A_883 = arith.cmpf ogt, %get3A_880, %select_n3A_873 : vector<16xf32>
      %gt3A_884 = arith.cmpf ogt, %get3A_880, %select_n3A_870 : vector<16xf32>
      %select_n3A_885 = arith.select %gt3A_884, %get3A_880, %select_n3A_870 : vector<16xi1>, vector<16xf32>
      %select_n3A_886 = arith.select %gt3A_883, %select_n3A_873, %select_n3A_885 : vector<16xi1>, vector<16xf32>
      %select_n3A_887 = arith.select %gt3A_884, %broadcast_in_dim3A_882, %select_n3A_872 : vector<16xi1>, vector<16xi32>
      %select_n3A_888 = arith.select %gt3A_883, %select_n3A_874, %select_n3A_887 : vector<16xi1>, vector<16xi32>
      %select_n3A_889 = arith.select %gt3A_883, %get3A_880, %select_n3A_873 : vector<16xi1>, vector<16xf32>
      %select_n3A_890 = arith.select %gt3A_883, %broadcast_in_dim3A_882, %select_n3A_874 : vector<16xi1>, vector<16xi32>
      %mul3A_891 = arith.constant 16 : i32
      %mul3A_892 = arith.muli %scan3A_41, %mul3A_891 : i32
      %get3A_893 = arith.constant 53 : i32
      %get3A_894 = arith.index_cast %get3A_893 : i32 to index
      %get3A_895 = arith.index_cast %mul3A_892 : i32 to index
      %get3A_896 = tpu.vector_load %arg5[%get3A_894, %get3A_895] {strides = array<i32>} : memref<64x256xf32, #tpu.memory_space<vmem>>, vector<16xf32>,
      %broadcast_in_dim3A_897 = arith.constant 53 : i32
      %broadcast_in_dim3A_898 = vector.broadcast %broadcast_in_dim3A_897 : i32 to vector<16xi32>
      %gt3A_899 = arith.cmpf ogt, %get3A_896, %select_n3A_889 : vector<16xf32>
      %gt3A_900 = arith.cmpf ogt, %get3A_896, %select_n3A_886 : vector<16xf32>
      %select_n3A_901 = arith.select %gt3A_900, %get3A_896, %select_n3A_886 : vector<16xi1>, vector<16xf32>
      %select_n3A_902 = arith.select %gt3A_899, %select_n3A_889, %select_n3A_901 : vector<16xi1>, vector<16xf32>
      %select_n3A_903 = arith.select %gt3A_900, %broadcast_in_dim3A_898, %select_n3A_888 : vector<16xi1>, vector<16xi32>
      %select_n3A_904 = arith.select %gt3A_899, %select_n3A_890, %select_n3A_903 : vector<16xi1>, vector<16xi32>
      %select_n3A_905 = arith.select %gt3A_899, %get3A_896, %select_n3A_889 : vector<16xi1>, vector<16xf32>
      %select_n3A_906 = arith.select %gt3A_899, %broadcast_in_dim3A_898, %select_n3A_890 : vector<16xi1>, vector<16xi32>
      %mul3A_907 = arith.constant 16 : i32
      %mul3A_908 = arith.muli %scan3A_41, %mul3A_907 : i32
      %get3A_909 = arith.constant 54 : i32
      %get3A_910 = arith.index_cast %get3A_909 : i32 to index
      %get3A_911 = arith.index_cast %mul3A_908 : i32 to index
      %get3A_912 = tpu.vector_load %arg5[%get3A_910, %get3A_911] {strides = array<i32>} : memref<64x256xf32, #tpu.memory_space<vmem>>, vector<16xf32>,
      %broadcast_in_dim3A_913 = arith.constant 54 : i32
      %broadcast_in_dim3A_914 = vector.broadcast %broadcast_in_dim3A_913 : i32 to vector<16xi32>
      %gt3A_915 = arith.cmpf ogt, %get3A_912, %select_n3A_905 : vector<16xf32>
      %gt3A_916 = arith.cmpf ogt, %get3A_912, %select_n3A_902 : vector<16xf32>
      %select_n3A_917 = arith.select %gt3A_916, %get3A_912, %select_n3A_902 : vector<16xi1>, vector<16xf32>
      %select_n3A_918 = arith.select %gt3A_915, %select_n3A_905, %select_n3A_917 : vector<16xi1>, vector<16xf32>
      %select_n3A_919 = arith.select %gt3A_916, %broadcast_in_dim3A_914, %select_n3A_904 : vector<16xi1>, vector<16xi32>
      %select_n3A_920 = arith.select %gt3A_915, %select_n3A_906, %select_n3A_919 : vector<16xi1>, vector<16xi32>
      %select_n3A_921 = arith.select %gt3A_915, %get3A_912, %select_n3A_905 : vector<16xi1>, vector<16xf32>
      %select_n3A_922 = arith.select %gt3A_915, %broadcast_in_dim3A_914, %select_n3A_906 : vector<16xi1>, vector<16xi32>
      %mul3A_923 = arith.constant 16 : i32
      %mul3A_924 = arith.muli %scan3A_41, %mul3A_923 : i32
      %get3A_925 = arith.constant 55 : i32
      %get3A_926 = arith.index_cast %get3A_925 : i32 to index
      %get3A_927 = arith.index_cast %mul3A_924 : i32 to index
      %get3A_928 = tpu.vector_load %arg5[%get3A_926, %get3A_927] {strides = array<i32>} : memref<64x256xf32, #tpu.memory_space<vmem>>, vector<16xf32>,
      %broadcast_in_dim3A_929 = arith.constant 55 : i32
      %broadcast_in_dim3A_930 = vector.broadcast %broadcast_in_dim3A_929 : i32 to vector<16xi32>
      %gt3A_931 = arith.cmpf ogt, %get3A_928, %select_n3A_921 : vector<16xf32>
      %gt3A_932 = arith.cmpf ogt, %get3A_928, %select_n3A_918 : vector<16xf32>
      %select_n3A_933 = arith.select %gt3A_932, %get3A_928, %select_n3A_918 : vector<16xi1>, vector<16xf32>
      %select_n3A_934 = arith.select %gt3A_931, %select_n3A_921, %select_n3A_933 : vector<16xi1>, vector<16xf32>
      %select_n3A_935 = arith.select %gt3A_932, %broadcast_in_dim3A_930, %select_n3A_920 : vector<16xi1>, vector<16xi32>
      %select_n3A_936 = arith.select %gt3A_931, %select_n3A_922, %select_n3A_935 : vector<16xi1>, vector<16xi32>
      %select_n3A_937 = arith.select %gt3A_931, %get3A_928, %select_n3A_921 : vector<16xi1>, vector<16xf32>
      %select_n3A_938 = arith.select %gt3A_931, %broadcast_in_dim3A_930, %select_n3A_922 : vector<16xi1>, vector<16xi32>
      %mul3A_939 = arith.constant 16 : i32
      %mul3A_940 = arith.muli %scan3A_41, %mul3A_939 : i32
      %get3A_941 = arith.constant 56 : i32
      %get3A_942 = arith.index_cast %get3A_941 : i32 to index
      %get3A_943 = arith.index_cast %mul3A_940 : i32 to index
      %get3A_944 = tpu.vector_load %arg5[%get3A_942, %get3A_943] {strides = array<i32>} : memref<64x256xf32, #tpu.memory_space<vmem>>, vector<16xf32>,
      %broadcast_in_dim3A_945 = arith.constant 56 : i32
      %broadcast_in_dim3A_946 = vector.broadcast %broadcast_in_dim3A_945 : i32 to vector<16xi32>
      %gt3A_947 = arith.cmpf ogt, %get3A_944, %select_n3A_937 : vector<16xf32>
      %gt3A_948 = arith.cmpf ogt, %get3A_944, %select_n3A_934 : vector<16xf32>
      %select_n3A_949 = arith.select %gt3A_948, %get3A_944, %select_n3A_934 : vector<16xi1>, vector<16xf32>
      %select_n3A_950 = arith.select %gt3A_947, %select_n3A_937, %select_n3A_949 : vector<16xi1>, vector<16xf32>
      %select_n3A_951 = arith.select %gt3A_948, %broadcast_in_dim3A_946, %select_n3A_936 : vector<16xi1>, vector<16xi32>
      %select_n3A_952 = arith.select %gt3A_947, %select_n3A_938, %select_n3A_951 : vector<16xi1>, vector<16xi32>
      %select_n3A_953 = arith.select %gt3A_947, %get3A_944, %select_n3A_937 : vector<16xi1>, vector<16xf32>
      %select_n3A_954 = arith.select %gt3A_947, %broadcast_in_dim3A_946, %select_n3A_938 : vector<16xi1>, vector<16xi32>
      %mul3A_955 = arith.constant 16 : i32
      %mul3A_956 = arith.muli %scan3A_41, %mul3A_955 : i32
      %get3A_957 = arith.constant 57 : i32
      %get3A_958 = arith.index_cast %get3A_957 : i32 to index
      %get3A_959 = arith.index_cast %mul3A_956 : i32 to index
      %get3A_960 = tpu.vector_load %arg5[%get3A_958, %get3A_959] {strides = array<i32>} : memref<64x256xf32, #tpu.memory_space<vmem>>, vector<16xf32>,
      %broadcast_in_dim3A_961 = arith.constant 57 : i32
      %broadcast_in_dim3A_962 = vector.broadcast %broadcast_in_dim3A_961 : i32 to vector<16xi32>
      %gt3A_963 = arith.cmpf ogt, %get3A_960, %select_n3A_953 : vector<16xf32>
      %gt3A_964 = arith.cmpf ogt, %get3A_960, %select_n3A_950 : vector<16xf32>
      %select_n3A_965 = arith.select %gt3A_964, %get3A_960, %select_n3A_950 : vector<16xi1>, vector<16xf32>
      %select_n3A_966 = arith.select %gt3A_963, %select_n3A_953, %select_n3A_965 : vector<16xi1>, vector<16xf32>
      %select_n3A_967 = arith.select %gt3A_964, %broadcast_in_dim3A_962, %select_n3A_952 : vector<16xi1>, vector<16xi32>
      %select_n3A_968 = arith.select %gt3A_963, %select_n3A_954, %select_n3A_967 : vector<16xi1>, vector<16xi32>
      %select_n3A_969 = arith.select %gt3A_963, %get3A_960, %select_n3A_953 : vector<16xi1>, vector<16xf32>
      %select_n3A_970 = arith.select %gt3A_963, %broadcast_in_dim3A_962, %select_n3A_954 : vector<16xi1>, vector<16xi32>
      %mul3A_971 = arith.constant 16 : i32
      %mul3A_972 = arith.muli %scan3A_41, %mul3A_971 : i32
      %get3A_973 = arith.constant 58 : i32
      %get3A_974 = arith.index_cast %get3A_973 : i32 to index
      %get3A_975 = arith.index_cast %mul3A_972 : i32 to index
      %get3A_976 = tpu.vector_load %arg5[%get3A_974, %get3A_975] {strides = array<i32>} : memref<64x256xf32, #tpu.memory_space<vmem>>, vector<16xf32>,
      %broadcast_in_dim3A_977 = arith.constant 58 : i32
      %broadcast_in_dim3A_978 = vector.broadcast %broadcast_in_dim3A_977 : i32 to vector<16xi32>
      %gt3A_979 = arith.cmpf ogt, %get3A_976, %select_n3A_969 : vector<16xf32>
      %gt3A_980 = arith.cmpf ogt, %get3A_976, %select_n3A_966 : vector<16xf32>
      %select_n3A_981 = arith.select %gt3A_980, %get3A_976, %select_n3A_966 : vector<16xi1>, vector<16xf32>
      %select_n3A_982 = arith.select %gt3A_979, %select_n3A_969, %select_n3A_981 : vector<16xi1>, vector<16xf32>
      %select_n3A_983 = arith.select %gt3A_980, %broadcast_in_dim3A_978, %select_n3A_968 : vector<16xi1>, vector<16xi32>
      %select_n3A_984 = arith.select %gt3A_979, %select_n3A_970, %select_n3A_983 : vector<16xi1>, vector<16xi32>
      %select_n3A_985 = arith.select %gt3A_979, %get3A_976, %select_n3A_969 : vector<16xi1>, vector<16xf32>
      %select_n3A_986 = arith.select %gt3A_979, %broadcast_in_dim3A_978, %select_n3A_970 : vector<16xi1>, vector<16xi32>
      %mul3A_987 = arith.constant 16 : i32
      %mul3A_988 = arith.muli %scan3A_41, %mul3A_987 : i32
      %get3A_989 = arith.constant 59 : i32
      %get3A_990 = arith.index_cast %get3A_989 : i32 to index
      %get3A_991 = arith.index_cast %mul3A_988 : i32 to index
      %get3A_992 = tpu.vector_load %arg5[%get3A_990, %get3A_991] {strides = array<i32>} : memref<64x256xf32, #tpu.memory_space<vmem>>, vector<16xf32>,
      %broadcast_in_dim3A_993 = arith.constant 59 : i32
      %broadcast_in_dim3A_994 = vector.broadcast %broadcast_in_dim3A_993 : i32 to vector<16xi32>
      %gt3A_995 = arith.cmpf ogt, %get3A_992, %select_n3A_985 : vector<16xf32>
      %gt3A_996 = arith.cmpf ogt, %get3A_992, %select_n3A_982 : vector<16xf32>
      %select_n3A_997 = arith.select %gt3A_996, %get3A_992, %select_n3A_982 : vector<16xi1>, vector<16xf32>
      %select_n3A_998 = arith.select %gt3A_995, %select_n3A_985, %select_n3A_997 : vector<16xi1>, vector<16xf32>
      %select_n3A_999 = arith.select %gt3A_996, %broadcast_in_dim3A_994, %select_n3A_984 : vector<16xi1>, vector<16xi32>
      %select_n3A_1000 = arith.select %gt3A_995, %select_n3A_986, %select_n3A_999 : vector<16xi1>, vector<16xi32>
      %select_n3A_1001 = arith.select %gt3A_995, %get3A_992, %select_n3A_985 : vector<16xi1>, vector<16xf32>
      %select_n3A_1002 = arith.select %gt3A_995, %broadcast_in_dim3A_994, %select_n3A_986 : vector<16xi1>, vector<16xi32>
      %mul3A_1003 = arith.constant 16 : i32
      %mul3A_1004 = arith.muli %scan3A_41, %mul3A_1003 : i32
      %get3A_1005 = arith.constant 60 : i32
      %get3A_1006 = arith.index_cast %get3A_1005 : i32 to index
      %get3A_1007 = arith.index_cast %mul3A_1004 : i32 to index
      %get3A_1008 = tpu.vector_load %arg5[%get3A_1006, %get3A_1007] {strides = array<i32>} : memref<64x256xf32, #tpu.memory_space<vmem>>, vector<16xf32>,
      %broadcast_in_dim3A_1009 = arith.constant 60 : i32
      %broadcast_in_dim3A_1010 = vector.broadcast %broadcast_in_dim3A_1009 : i32 to vector<16xi32>
      %gt3A_1011 = arith.cmpf ogt, %get3A_1008, %select_n3A_1001 : vector<16xf32>
      %gt3A_1012 = arith.cmpf ogt, %get3A_1008, %select_n3A_998 : vector<16xf32>
      %select_n3A_1013 = arith.select %gt3A_1012, %get3A_1008, %select_n3A_998 : vector<16xi1>, vector<16xf32>
      %select_n3A_1014 = arith.select %gt3A_1011, %select_n3A_1001, %select_n3A_1013 : vector<16xi1>, vector<16xf32>
      %select_n3A_1015 = arith.select %gt3A_1012, %broadcast_in_dim3A_1010, %select_n3A_1000 : vector<16xi1>, vector<16xi32>
      %select_n3A_1016 = arith.select %gt3A_1011, %select_n3A_1002, %select_n3A_1015 : vector<16xi1>, vector<16xi32>
      %select_n3A_1017 = arith.select %gt3A_1011, %get3A_1008, %select_n3A_1001 : vector<16xi1>, vector<16xf32>
      %select_n3A_1018 = arith.select %gt3A_1011, %broadcast_in_dim3A_1010, %select_n3A_1002 : vector<16xi1>, vector<16xi32>
      %mul3A_1019 = arith.constant 16 : i32
      %mul3A_1020 = arith.muli %scan3A_41, %mul3A_1019 : i32
      %get3A_1021 = arith.constant 61 : i32
      %get3A_1022 = arith.index_cast %get3A_1021 : i32 to index
      %get3A_1023 = arith.index_cast %mul3A_1020 : i32 to index
      %get3A_1024 = tpu.vector_load %arg5[%get3A_1022, %get3A_1023] {strides = array<i32>} : memref<64x256xf32, #tpu.memory_space<vmem>>, vector<16xf32>,
      %broadcast_in_dim3A_1025 = arith.constant 61 : i32
      %broadcast_in_dim3A_1026 = vector.broadcast %broadcast_in_dim3A_1025 : i32 to vector<16xi32>
      %gt3A_1027 = arith.cmpf ogt, %get3A_1024, %select_n3A_1017 : vector<16xf32>
      %gt3A_1028 = arith.cmpf ogt, %get3A_1024, %select_n3A_1014 : vector<16xf32>
      %select_n3A_1029 = arith.select %gt3A_1028, %get3A_1024, %select_n3A_1014 : vector<16xi1>, vector<16xf32>
      %select_n3A_1030 = arith.select %gt3A_1027, %select_n3A_1017, %select_n3A_1029 : vector<16xi1>, vector<16xf32>
      %select_n3A_1031 = arith.select %gt3A_1028, %broadcast_in_dim3A_1026, %select_n3A_1016 : vector<16xi1>, vector<16xi32>
      %select_n3A_1032 = arith.select %gt3A_1027, %select_n3A_1018, %select_n3A_1031 : vector<16xi1>, vector<16xi32>
      %select_n3A_1033 = arith.select %gt3A_1027, %get3A_1024, %select_n3A_1017 : vector<16xi1>, vector<16xf32>
      %select_n3A_1034 = arith.select %gt3A_1027, %broadcast_in_dim3A_1026, %select_n3A_1018 : vector<16xi1>, vector<16xi32>
      %mul3A_1035 = arith.constant 16 : i32
      %mul3A_1036 = arith.muli %scan3A_41, %mul3A_1035 : i32
      %get3A_1037 = arith.constant 62 : i32
      %get3A_1038 = arith.index_cast %get3A_1037 : i32 to index
      %get3A_1039 = arith.index_cast %mul3A_1036 : i32 to index
      %get3A_1040 = tpu.vector_load %arg5[%get3A_1038, %get3A_1039] {strides = array<i32>} : memref<64x256xf32, #tpu.memory_space<vmem>>, vector<16xf32>,
      %broadcast_in_dim3A_1041 = arith.constant 62 : i32
      %broadcast_in_dim3A_1042 = vector.broadcast %broadcast_in_dim3A_1041 : i32 to vector<16xi32>
      %gt3A_1043 = arith.cmpf ogt, %get3A_1040, %select_n3A_1033 : vector<16xf32>
      %gt3A_1044 = arith.cmpf ogt, %get3A_1040, %select_n3A_1030 : vector<16xf32>
      %select_n3A_1045 = arith.select %gt3A_1044, %get3A_1040, %select_n3A_1030 : vector<16xi1>, vector<16xf32>
      %select_n3A_1046 = arith.select %gt3A_1043, %select_n3A_1033, %select_n3A_1045 : vector<16xi1>, vector<16xf32>
      %select_n3A_1047 = arith.select %gt3A_1044, %broadcast_in_dim3A_1042, %select_n3A_1032 : vector<16xi1>, vector<16xi32>
      %select_n3A_1048 = arith.select %gt3A_1043, %select_n3A_1034, %select_n3A_1047 : vector<16xi1>, vector<16xi32>
      %select_n3A_1049 = arith.select %gt3A_1043, %get3A_1040, %select_n3A_1033 : vector<16xi1>, vector<16xf32>
      %select_n3A_1050 = arith.select %gt3A_1043, %broadcast_in_dim3A_1042, %select_n3A_1034 : vector<16xi1>, vector<16xi32>
      %mul3A_1051 = arith.constant 16 : i32
      %mul3A_1052 = arith.muli %scan3A_41, %mul3A_1051 : i32
      %get3A_1053 = arith.constant 63 : i32
      %get3A_1054 = arith.index_cast %get3A_1053 : i32 to index
      %get3A_1055 = arith.index_cast %mul3A_1052 : i32 to index
      %get3A_1056 = tpu.vector_load %arg5[%get3A_1054, %get3A_1055] {strides = array<i32>} : memref<64x256xf32, #tpu.memory_space<vmem>>, vector<16xf32>,
      %broadcast_in_dim3A_1057 = arith.constant 63 : i32
      %broadcast_in_dim3A_1058 = vector.broadcast %broadcast_in_dim3A_1057 : i32 to vector<16xi32>
      %gt3A_1059 = arith.cmpf ogt, %get3A_1056, %select_n3A_1049 : vector<16xf32>
      %gt3A_1060 = arith.cmpf ogt, %get3A_1056, %select_n3A_1046 : vector<16xf32>
      %select_n3A_1061 = arith.select %gt3A_1060, %get3A_1056, %select_n3A_1046 : vector<16xi1>, vector<16xf32>
      %select_n3A_1062 = arith.select %gt3A_1059, %select_n3A_1049, %select_n3A_1061 : vector<16xi1>, vector<16xf32>
      %select_n3A_1063 = arith.select %gt3A_1060, %broadcast_in_dim3A_1058, %select_n3A_1048 : vector<16xi1>, vector<16xi32>
      %select_n3A_1064 = arith.select %gt3A_1059, %select_n3A_1050, %select_n3A_1063 : vector<16xi1>, vector<16xi32>
      %select_n3A_1065 = arith.select %gt3A_1059, %get3A_1056, %select_n3A_1049 : vector<16xi1>, vector<16xf32>
      %select_n3A_1066 = arith.select %gt3A_1059, %broadcast_in_dim3A_1058, %select_n3A_1050 : vector<16xi1>, vector<16xi32>
      %sub3A_1067 = arith.subf %select_n3A_1062, %select_n3A_1065 : vector<16xf32>
      %exp3A = math.exp %sub3A_1067 : vector<16xf32>
      %add3A_1068 = arith.constant 1.000000e+00 : f32
      %add3A_1069 = vector.broadcast %add3A_1068 : f32 to vector<16xf32>
      %add3A_1070 = arith.addf %add3A_1069, %exp3A : vector<16xf32>
      %div3A_1071 = arith.constant 1.000000e+00 : f32
      %div3A_1072 = vector.broadcast %div3A_1071 : f32 to vector<16xf32>
      %div3A_1073 = arith.divf %div3A_1072, %add3A_1070 : vector<16xf32>
      %mul3A_1074 = arith.constant 32 : i32
      %mul3A_1075 = arith.muli %scan3A_41, %mul3A_1074 : i32
      %iota3A = tpu.iota {dimensions = array<i32: 0>} : vector<16xi32>
      %mul3A_1076 = arith.constant 2 : i32
      %mul3A_1077 = vector.broadcast %mul3A_1076 : i32 to vector<16xi32>
      %mul3A_1078 = arith.muli %mul3A_1077, %iota3A : vector<16xi32>
      %add3A_1079 = vector.broadcast %mul3A_1075 : i32 to vector<16xi32>
      %add3A_1080 = arith.addi %add3A_1079, %mul3A_1078 : vector<16xi32>
      tpu.vector_store_idx %arg6[%add3A_1080], %div3A_1073 : memref<512xf32, #tpu.memory_space<vmem>>[vector<16xi32>], vector<16xf32>,
      %add3A_1081 = arith.constant 1 : i32
      %add3A_1082 = vector.broadcast %add3A_1081 : i32 to vector<16xi32>
      %add3A_1083 = arith.addi %add3A_1080, %add3A_1082 : vector<16xi32>
      %mul3A_1084 = arith.mulf %exp3A, %div3A_1073 : vector<16xf32>
      tpu.vector_store_idx %arg6[%add3A_1083], %mul3A_1084 : memref<512xf32, #tpu.memory_space<vmem>>[vector<16xi32>], vector<16xf32>,
      tpu.vector_store_idx %arg7[%add3A_1080], %select_n3A_1066 : memref<512xi32, #tpu.memory_space<vmem>>[vector<16xi32>], vector<16xi32>,
      %add3A_1085 = arith.constant 1 : i32
      %add3A_1086 = vector.broadcast %add3A_1085 : i32 to vector<16xi32>
      %add3A_1087 = arith.addi %add3A_1080, %add3A_1086 : vector<16xi32>
      tpu.vector_store_idx %arg7[%add3A_1087], %select_n3A_1064 : memref<512xi32, #tpu.memory_space<vmem>>[vector<16xi32>], vector<16xi32>,
    }
    %scan3A_38 = arith.constant 16 : i32
    %mul3A_39 = arith.constant 512 : i32
    %mul3A_40 = arith.muli %add3A, %mul3A_39 : i32
    "tpu.region"() ({
      %run_scoped3A = tpu.sem_alloc : memref<!tpu.dma_semaphore, #tpu.memory_space<semaphore_mem>>
      %dma_start3A = tpu.memref_slice %arg3[%mul3A_40] : memref<16384xf32, #tpu.memory_space<hbm>> -> memref<512xf32, #tpu.memory_space<hbm>>
      %dma_start3A_41 = tpu.memref_slice %arg3[%mul3A_40] : memref<16384xf32, #tpu.memory_space<hbm>> -> memref<512xf32, #tpu.memory_space<hbm>>
      tpu.enqueue_dma source(%arg6 : memref<512xf32, #tpu.memory_space<vmem>>) target(%dma_start3A_41 : memref<512xf32, #tpu.memory_space<hbm>>) target_semaphore(%run_scoped3A : memref<!tpu.dma_semaphore, #tpu.memory_space<semaphore_mem>>)
      %dma_wait3A = tpu.memref_slice %arg3[%mul3A_40] : memref<16384xf32, #tpu.memory_space<hbm>> -> memref<512xf32, #tpu.memory_space<hbm>>
      %dma_wait3A_42 = tpu.memref_slice %arg3[%mul3A_40] : memref<16384xf32, #tpu.memory_space<hbm>> -> memref<512xf32, #tpu.memory_space<hbm>>
      tpu.wait_dma2 semaphore(%run_scoped3A : memref<!tpu.dma_semaphore, #tpu.memory_space<semaphore_mem>>) src(%arg6 : memref<512xf32, #tpu.memory_space<vmem>>) dst(%dma_wait3A_42 : memref<512xf32, #tpu.memory_space<hbm>>)
      tpu.yield
    }) : () -> ()
    "tpu.region"() ({
      %run_scoped3A = tpu.sem_alloc : memref<!tpu.dma_semaphore, #tpu.memory_space<semaphore_mem>>
      %dma_start3A = tpu.memref_slice %arg4[%mul3A_40] : memref<16384xi32, #tpu.memory_space<hbm>> -> memref<512xi32, #tpu.memory_space<hbm>>
      %dma_start3A_41 = tpu.memref_slice %arg4[%mul3A_40] : memref<16384xi32, #tpu.memory_space<hbm>> -> memref<512xi32, #tpu.memory_space<hbm>>
      tpu.enqueue_dma source(%arg7 : memref<512xi32, #tpu.memory_space<vmem>>) target(%dma_start3A_41 : memref<512xi32, #tpu.memory_space<hbm>>) target_semaphore(%run_scoped3A : memref<!tpu.dma_semaphore, #tpu.memory_space<semaphore_mem>>)
      %dma_wait3A = tpu.memref_slice %arg4[%mul3A_40] : memref<16384xi32, #tpu.memory_space<hbm>> -> memref<512xi32, #tpu.memory_space<hbm>>
      %dma_wait3A_42 = tpu.memref_slice %arg4[%mul3A_40] : memref<16384xi32, #tpu.memory_space<hbm>> -> memref<512xi32, #tpu.memory_space<hbm>>
      tpu.wait_dma2 semaphore(%run_scoped3A : memref<!tpu.dma_semaphore, #tpu.memory_space<semaphore_mem>>) src(%arg7 : memref<512xi32, #tpu.memory_space<vmem>>) dst(%dma_wait3A_42 : memref<512xi32, #tpu.memory_space<hbm>>)
      tpu.yield
    }) : () -> ()
    return
  }
}

module attributes {stable_mosaic.version = 14 : i64} {
  func.func @_logits_kernel(%arg0: i32, %arg1: memref<512x2048xf32, #tpu.memory_space<vmem>>, %arg2: memref<64x2048xf32, #tpu.memory_space<vmem>>, %arg3: memref<1x64x512xf32, #tpu.memory_space<vmem>>) attributes {dimension_semantics = [#tpu.dimension_semantics<arbitrary>], iteration_bounds = array<i64: 16>, scalar_prefetch = 0 : i64, scratch_operands = 0 : i64, tpu.core_type = #tpu.core_type<tc>, window_params = [{transform_indices = @transform_0, window_bounds = array<i64: 512, 2048>}, {pipeline_mode = #tpu.pipeline_mode<synchronous>, transform_indices = @transform_1, window_bounds = array<i64: 64, 2048>}, {transform_indices = @transform_2, window_bounds = array<i64: 1, 64, 512>}]} {
    %get3A = arith.constant 0 : index
    %get3A_0 = arith.constant 0 : index
    %get3A_1 = vector.load %arg2[%get3A, %get3A_0] : memref<64x2048xf32, #tpu.memory_space<vmem>>, vector<64x2048xf32>
    %get3A_2 = arith.constant 0 : index
    %get3A_3 = arith.constant 0 : index
    %get3A_4 = vector.load %arg1[%get3A_2, %get3A_3] : memref<512x2048xf32, #tpu.memory_space<vmem>>, vector<512x2048xf32>
    %dot_general3A = arith.constant dense<0.000000e+00> : vector<64x512xf32>
    %dot_general3A_5 = tpu.matmul %get3A_1, %get3A_4, %dot_general3A {dimension_numbers = #tpu.dot_dimension_numbers<[1], [1], [0], [0], [0, 0, 1, 0], [], []>, transpose_lhs_hint = false} : vector<64x2048xf32>, vector<512x2048xf32>, vector<64x512xf32> -> vector<64x512xf32>
    %swap3A = arith.constant 0 : index
    %swap3A_6 = arith.constant 0 : index
    %swap3A_7 = arith.constant 0 : index
    %swap3A_8 = vector.load %arg3[%swap3A, %swap3A_6, %swap3A_7] : memref<1x64x512xf32, #tpu.memory_space<vmem>>, vector<1x64x512xf32>
    %swap3A_9 = vector.shape_cast %swap3A_8 : vector<1x64x512xf32> to vector<64x512xf32>
    %swap3A_10 = vector.shape_cast %dot_general3A_5 : vector<64x512xf32> to vector<1x64x512xf32>
    tpu.vector_store %arg3[%swap3A, %swap3A_6, %swap3A_7], %swap3A_10 {strides = array<i32>} : memref<1x64x512xf32, #tpu.memory_space<vmem>>, vector<1x64x512xf32>,
    return
  }
  func.func @transform_0(%arg0: i32) -> (i32, i32) {
    %c0_i32 = arith.constant 0 : i32
    %c0_i32_0 = arith.constant 0 : i32
    return %arg0, %c0_i32 : i32, i32
  }
  func.func @transform_1(%arg0: i32) -> (i32, i32) {
    %c0_i32 = arith.constant 0 : i32
    %c0_i32_0 = arith.constant 0 : i32
    %c0_i32_1 = arith.constant 0 : i32
    return %c0_i32, %c0_i32_0 : i32, i32
  }
  func.func @transform_2(%arg0: i32) -> (i32, i32, i32) {
    %c0_i32 = arith.constant 0 : i32
    %c0_i32_0 = arith.constant 0 : i32
    %c0_i32_1 = arith.constant 0 : i32
    return %arg0, %c0_i32, %c0_i32_0 : i32, i32, i32
  }
}

</mosaic_0001>

<sc_bundles>
// kernel: kernel.6.cloned.1.call-start
scs
__scs_entry_jumppad:
0x0: {  	(pc) =	sbr.rel $0x88, $3  }
0x1: {  	(tag) =	ssettag $0x0;
	lr =	simm.s32 $0x1  }
0x2: {  	[smem:$0x3F9F] =	sst lr;
	_ =	strace $0xD0000000  }
0x3: {  	_ = 	snop  }
0x4: {  	_ = 	snop  }
0x5: {  	_ = 	snop  }
0x6: {  	_ = 	snop  }
0x7: {  	_ = 	snop  }
__scs_overlays_trampoline_lowered:
0x8: {  	[smem:$0x3FAE] =	sst s0  }
0x9: {  	[smem:$0x3FAF] =	sst s1  }
0xa: {  	[smem:$0x3FB0] =	sst s2  }
0xb: {  	[smem:$0x3FB1] =	sst s3  }
0xc: {  	[smem:$0x3FB2] =	sst s4  }
0xd: {  	[smem:$0x3FB3] =	sst s5  }
0xe: {  	[smem:$0x3FB4] =	sst s6  }
0xf: {  	[smem:$0x3FB5] =	sst s7  }
0x10: {  	[smem:$0x3FB6] =	sst s8  }
0x11: {  	[smem:$0x3FB7] =	sst s9;
	s0 =	simm.s32 @!p0 $0x0  }
0x12: {  	s1 =	sld [smem:$0x3F9D];
	s0 =	simm.s32 @p0 $0x1  }
0x13: {  	[smem:$0x3FB8] =	sst s0;
	s0 =	simm.s32 @!p1 $0x0  }
0x14: {  	s2 =	sld [smem:$0x3F9C];
	s0 =	simm.s32 @p1 $0x1  }
0x15: {  	[smem:$0x3FB9] =	sst s0;
	s0 =	simm.s32 @!p2 $0x0  }
0x16: {  	s3 =	sld [smem:$0x3FDB];
	s0 =	simm.s32 @p2 $0x1  }
0x17: {  	s4 =	simm.s32 $0x1BF5;
	[smem:$0x3FBB] =	sst s0  }
0x18: {  	s0 =	sld [smem:$0x3F9E];
	_ =	swait.ge [sflag:s4], $0x0  }
0x19: {  	s7 =	sld [smem:$0x3F9F]  }
0x1a: {  	s8 =	sadd.s32 $0xFFFFE003, lr  }
0x1b: {  	s9 =	sadd.s32 $0xFFFFFEF7, lr;
	s5 =	simm.s32 $0xFFFFFFFF;
	p2 =	slt.u32 s8, $0xFFFFF086  }
0x1c: {  	p1 =	slt.u32 s9, $0xF7A;
	s5 =	simm.s32 @!p2 $0x0  }
0x1d: {  	s5 =	simm.s32 @p1 $0x1;
	p0 =	seq.s32 s7, s2  }
0x1e: {  	s7 =	smul.u32 @!p0 $0xF7A, s2;
	p2 =	seq.s32 @!p0 s5, $0x0  }
0x1f: {  	s9 =	smul.u32 $0xF7A, s1;
	s8 =	simm.s32 @!p0 $0x1BF5;
	p2 =	por !p2, p0  }
0x20: {  	[sflag:s8] =	ssyncset.s32 @!p0 $0xFFFFF086;
	s6 =	sadd.s32 @!p0 s3, s7;
	s7 =	simm.s32 @!p0 $0x108  }
0x21: {  	s3 =	sadd.s32 s3, s9;
	s6 =	sadd.s32 @!p0 $0x88, s6;
	s7 =	simm.s32 @p2 $0x1082  }
0x22: {  	[simem:s7], [sflag:s8] =	dma.local @!p0 [hbm:s6], $0xF7A  }
0x23: {  	s9 =	sor.u32 $0xD0000000, s2;
	s6 =	simm.s32 $0x108;
	_ =	swait.ge @!p0 [sflag:s8], $0x0  }
0x24: {  	s3 =	sadd.s32 $0x88, s3;
	s6 =	simm.s32 @!p1 $0x1082;
	[sflag:s4] =	ssyncset.s32 $0xFFFFF086  }
0x25: {  	[simem:s6], [sflag:s4] =	dma.local [hbm:s3], $0xF7A  }
0x26: {  	[smem:$0x3F9F] =	sst s1;
	(tag) =	ssettag s2;
	_ =	strace s9  }
0x27: {  	s1 =	sld [smem:$0x3FAF]  }
0x28: {  	s2 =	sld [smem:$0x3FB0]  }
0x29: {  	s4 =	sld [smem:$0x3FB2]  }
0x2a: {  	p0 =	seq.s32 s5, $0x0;
	s5 =	sld [smem:$0x3FB3]  }
0x2b: {  	s6 =	sld [smem:$0x3FB4]  }
0x2c: {  	s7 =	sld [smem:$0x3FB5]  }
0x2d: {  	s3 =	simm.s32 $0x108;
	s8 =	sld [smem:$0x3FB6]  }
0x2e: {  	s3 =	simm.s32 @!p0 $0x1082;
	s9 =	sld [smem:$0x3FB7]  }
0x2f: {  	lr =	sadd.s32 s0, s3;
	s0 =	sld [smem:$0x3FAE]  }
0x30: {  	s3 =	sld [smem:$0x3FB1]  }
0x31: {  	[smem:$0x3FBA] =	sst s10  }
0x32: {  	s10 =	sld [smem:$0x3FB8];
	_ =	sdelay $0x3  }
0x33: {  	p0 =	seq.s32 s10, $0x1;
	s10 =	sld [smem:$0x3FBA];
	_ =	sdelay $0x3  }
0x34: {  	[smem:$0x3FBA] =	sst s10  }
0x35: {  	s10 =	sld [smem:$0x3FB9];
	_ =	sdelay $0x3  }
0x36: {  	p1 =	seq.s32 s10, $0x1;
	s10 =	sld [smem:$0x3FBA];
	_ =	sdelay $0x3  }
0x37: {  	[smem:$0x3FBA] =	sst s10  }
0x38: {  	s10 =	sld [smem:$0x3FBB]  }
0x39: {  	_ = 	snop;
	(pc) =	sbr.ind lr, $3  }
0x3a: {  	_ = 	snop  }
0x3b: {  	_ = 	snop  }
0x3c: {  	p2 =	seq.s32 s10, $0x1;
	s10 =	sld [smem:$0x3FBA]  }
0x3d: {  	_ =	shalt  }
0x3e: {  	_ =	shalt  }
0x3f: {  	_ =	shalt  }
0x40: {  	_ =	shalt  }
0x41: {  	_ =	shalt  }
0x42: {  	_ =	shalt  }
0x43: {  	_ =	shalt  }
0x44: {  	_ =	shalt  }
0x45: {  	_ =	shalt  }
0x46: {  	_ =	shalt  }
0x47: {  	_ =	shalt  }
0x48: {  	_ =	shalt  }
0x49: {  	_ =	shalt  }
0x4a: {  	_ =	shalt  }
0x4b: {  	_ =	shalt  }
0x4c: {  	_ =	shalt  }
0x4d: {  	_ =	shalt  }
0x4e: {  	_ =	shalt  }
0x4f: {  	_ =	shalt  }
0x50: {  	_ =	shalt  }
0x51: {  	_ =	shalt  }
0x52: {  	_ =	shalt  }
0x53: {  	_ =	shalt  }
0x54: {  	_ =	shalt  }
0x55: {  	_ =	shalt  }
0x56: {  	_ =	shalt  }
0x57: {  	_ =	shalt  }
0x58: {  	_ =	shalt  }
0x59: {  	_ =	shalt  }
0x5a: {  	_ =	shalt  }
0x5b: {  	_ =	shalt  }
0x5c: {  	_ =	shalt  }
0x5d: {  	_ =	shalt  }
0x5e: {  	_ =	shalt  }
0x5f: {  	_ =	shalt  }
0x60: {  	_ =	shalt  }
0x61: {  	_ =	shalt  }
0x62: {  	_ =	shalt  }
0x63: {  	_ =	shalt  }
0x64: {  	_ =	shalt  }
0x65: {  	_ =	shalt  }
0x66: {  	_ =	shalt  }
0x67: {  	_ =	shalt  }
0x68: {  	_ =	shalt  }
0x69: {  	_ =	shalt  }
0x6a: {  	_ =	shalt  }
0x6b: {  	_ =	shalt  }
0x6c: {  	_ =	shalt  }
0x6d: {  	_ =	shalt  }
0x6e: {  	_ =	shalt  }
0x6f: {  	_ =	shalt  }
0x70: {  	_ =	shalt  }
0x71: {  	_ =	shalt  }
0x72: {  	_ =	shalt  }
0x73: {  	_ =	shalt  }
0x74: {  	_ =	shalt  }
0x75: {  	_ =	shalt  }
0x76: {  	_ =	shalt  }
0x77: {  	_ =	shalt  }
0x78: {  	_ =	shalt  }
0x79: {  	_ =	shalt  }
0x7a: {  	_ =	shalt  }
0x7b: {  	_ =	shalt  }
0x7c: {  	_ =	shalt  }
0x7d: {  	_ =	shalt  }
0x7e: {  	_ =	shalt  }
0x7f: {  	_ =	shalt  }
0x80: {  	_ =	shalt  }
0x81: {  	_ =	shalt  }
0x82: {  	_ =	shalt  }
0x83: {  	_ =	shalt  }
0x84: {  	_ =	shalt  }
0x85: {  	_ =	shalt  }
0x86: {  	_ =	shalt  }
0x87: {  	_ =	shalt  }
.Lfunc_end0:
.L_simem_size_0:
called_computation_lowered:
.L_overlay_start_0:
0x88: {  	s2 =	sld [smem:$0x3FD9]  }
0x89: {  	s3 =	sld [smem:$0x3FFE];
	_ =	sdelay $0x1  }
0x8a: {  	s1 =	srdreg.scid  }
0x8b: {  	s0 =	sand.u32 $0x1, s1  }
0x8c: {  	s16 =	sshll.u32 s0, $0xA;
	s2 =	sadd.s32 s3, s2  }
0x8d: {  	s2 =	sadd.s32 s2, s16  }
0x8e: {  	[smem:$0x3FC6] =	sst s2  }
0x8f: {  	_ = 	snop  }
0x90: {  	(tm) =	ssettm $0x1  }
0x91: {  	s17 =	sld [smem:$0x3FFB];
	_ =	sdelay $0x3  }
0x92: {  	_ =	strace s17  }
0x93: {  	s2 =	sld [smem:$0x3FFC];
	_ =	sdelay $0x3  }
0x94: {  	_ =	strace s2  }
0x95: {  	s2 =	sld [smem:$0x3FFD];
	_ =	sdelay $0x3  }
0x96: {  	_ =	strace s2  }
0x97: {  	_ =	strace $0x8FFFFFFF  }
0x98: {  	s18 =	sld [smem:$0x3FDB];
	_ =	sdelay $0x1  }
0x99: {  	s19 =	simm.s32 $_scs_section_size  }
0x9a: {  	s4 =	simm.s32 $_size__tile_overlayer_lowered;
	s5 =	simm.s32 $_tile_overlayer_lowered  }
0x9b: {  	s22 =	simm.s32 $0x1BFF;
	s21 =	sshll.u32 s5, $0x1;
	s2 =	sadd.s32 s19, s18  }
0x9c: {  	s6 =	simm.s32 $0x0;
	s20 =	sshll.u32 s4, $0x1;
	s4 =	sadd.s32 s21, s2  }
0x9d: {  	[timem:s6], [sflag:s22] =	dma.local [hbm:s4], s20  }
0x9e: {  	_ =	swait.ge [sflag:s22], s20  }
0x9f: {  	s3 =	ssub.s32 $0x0, s20;
	[sflag:s22] =	ssyncset.done $0x0  }
0xa0: {  	[sflag:s22] =	ssyncadd.s32 s3;
	_ =	sdelay $0x1  }
0xa1: {  	s23 =	simm.s32 $0x1B8B  }
0xa2: {  	_ =	swait.ge [sflag:s23], $0x1  }
0xa3: {  	[sflag:s23] =	ssyncset.done $0x0  }
0xa4: {  	s25 =	simm.s32 $0x1B8E;
	s24 =	sld [smem:$0x3FFE];
	[sflag:s23] =	ssyncadd.s32 $0xFFFFFFFF  }
0xa5: {  	s26 =	simm.s32 $execute0_lowered;
	[smem:$0x3FD2] =	sst s25  }
0xa6: {  	s4 =	sshll.u32 s26, $0x1;
	_ =	strace $0x80000046;
	[dreg:$0x1] =	wrdreg $0xFFFFFFFF  }
0xa7: {  	s28 =	simm.s32 $_size_execute0_lowered;
	s2 =	sadd.s32 s2, s4;
	[dreg:$0x0] =	wrdreg $0x0  }
0xa8: {  	s4 =	sshll.u32 s28, $0x1;
	[dreg:$0x2] =	wrdreg s2  }
0xa9: {  	[dreg:$0x3] =	wrdreg s4  }
0xaa: {  	[dreg:$0x4] =	wrdreg $0xC0  }
0xab: {  	_ =	task [dreg:s6], $0x5FFFF  }
0xac: {  	[dreg:$0x1] =	wrdreg $0xFFFFFFFF  }
0xad: {  	[dreg:$0x0] =	wrdreg $0x60  }
0xae: {  	[dreg:$0x2] =	wrdreg s24  }
0xaf: {  	[dreg:$0x3] =	wrdreg $0x9  }
0xb0: {  	_ =	task.clear_ibuf [dreg:s6], $0x4FFFF;
	_ =	strace $0x90000046  }
0xb1: {  	s29 =	simm.s32 $0x9;
	_ =	strace $0x80000048  }
0xb2: {  	_ =	swait.ge [sflag:s29], $0x1  }
0xb3: {  	[sflag:s29] =	ssyncadd.s32 $0xFFFFFFFF  }
0xb4: {  	_ =	strace $0x90000048  }
0xb5: {  	_ =	sfence  }
0xb6: {  	s30 =	sld [smem:$0x0];
	_ =	sdelay $0x2  }
0xb7: {  	s31 =	sshll.u32 s1, $0xD;
	s1 =	sshrl.u32 s1, $0x2  }
0xb8: {  	s3 =	sand.u32 $0x4000, s31;
	s1 =	sadd.s32 s1, s30  }
0xb9: {  	s0 =	sor.u32 s3, s0;
	s1 =	sshll.u32 s1, $0x11  }
0xba: {  	s0 =	sor.u32 s1, s0  }
0xbb: {  	s0 =	sadd.s32 $0x8F2B, s0  }
0xbc: {  	[sflag:s0] =	ssyncadd.remote.s32 $0x1  }
0xbd: {  	_ =	sfence.sel $0xFFFF  }
0xbe: {  	[dreg:$0x0] =	wrdreg $0xFFFFFFFF;
	(pc) =	sbr.abs _section_cstart, $3  }
0xbf: {  	[dreg:$0x1] =	wrdreg $0xFFFFFFFF  }
0xc0: {  	_ =	task.clear_ibuf [dreg:s6], $0x2FFFF;
	_ =	strace $0x9FFFFFFF  }
0xc1: {  	(tm) =	ssettm $0x7FFFFFFF  }
tec
execute0_lowered:
.L_overlay_start_1:
0x0: {  	(tag) =	ssettag $0x1  }
0x1: {  	s3 =	rddreg [dreg:$0x0];
	s1 =	srdreg.scid  }
0x2: {  	s0 =	rddreg [dreg:$0x1];
	s2 =	simm.s32 $0x0;
	s9 =	simm.s32 $0x1  }
0x3: {  	s10 =	simm.s32 $0x4000;
	s11 =	simm.s32 $0x4200;
	s12 =	simm.s32 $0x0  }
0x4: {  	s4 =	sand.u32 $0x1, s1;
	[smem:$0x7FF] =	sst s2;
	s1 =	stileid.u32  }
0x5: {  	s5 =	sshll.u32 s4, $0x8;
	_ =	strace $0x80000047;
	s6 =	sshll.u32 s1, $0x7  }
0x6: {  	s7 =	sshll.u32 s4, $0x6;
	s4 =	ssub.s32 $0x2, s4;
	s8 =	sshll.u32 s1, $0xC  }
0x7: {  	v0 =	vlaneseq.u32;
	s5 =	sadd.s32 s5, s3;
	s6 =	sor.u32 s7, s6;
	s31 =	sshrl.u32 s4, $0x1  }
0x8: {  	v0 =	vmul.u32 $0x2, v0;
	s5 =	sadd.s32 s8, s5;
	s6 =	sadd.s32 s6, s3;
	s7 =	ssub.s32 s4, s31  }
0x9: {  	s8 =	simm.s32 $0x1000;
	s3 =	sadd.s32 $0x1800, s5;
	s4 =	sadd.s32 $0x11800, s6  }
0xa: {  	v1 =	vimm.s32 $0x0;
	v2 =	vor.u32 $0x1, v0;
	s5 =	sadd.s32 $0x12000, s6;
	s6 =	smax.u32 s7, $0x1;
	s7 =	simm.s32 $0x800  }
.LBB2_1:
0xb: {  	[tilespmem:s2], [sflag:$0x1] =	stream.strided.gather [hbm4b:s3+s7], $0x4000, s8, s7, $0x38;
	[tilespmem:$0x4400] =	vst v63  }
0xc: {  	_ =	swait.ge [sflag:s9], $0x4000  }
0xd: {  	s13 =	sand.u32 $0x70, s2;
	s14 =	sand.u32 $0x400, s2;
	[sflag:s9] =	ssyncset.done $0x0  }
0xe: {  	s13 =	sor.u32 s13, s14;
	[sflag:s9] =	ssyncadd.s32 $0xFFFFC000  }
0xf: {  	v3 =	vld [tilespmem:s13+$0x0];
	_ =	sdelay $0x1  }
0x10: {  	v4 =	vld [tilespmem:s13+$0x80];
	_ =	sdelay $0x2  }
0x11: {  	vm0 =	vgt.f32 v3, $-Inf  }
0x12: {  	v3 =	vnsel vm0, $0xFF800000, v3  }
0x13: {  	v6 =	vimm.s32 $0x0;
	vm2 =	vgt.f32 v4, v3  }
0x14: {  	v5 =	vld [tilespmem:s13+$0x100];
	vm9 =	vlt.f32 v4, $-Inf;
	vm1 =	vgt.f32 v4, $-Inf;
	v6 =	vsel vm2, $0xFFFFFFFF, v6  }
0x15: {  	vm0 =	vmor vm1, vm9;
	[tilespmem:$0x1FB30] =	vst v6;
	v6 =	vimm.s32 $0x0  }
0x16: {  	v6 =	vsel vm0, $0xFFFFFFFF, v6  }
0x17: {  	vm2 =	vmneg vm2;
	[tilespmem:$0x1FB40] =	vst v6;
	v6 =	vnsel vm0, $0xFF800000, v4  }
0x18: {  	v7 =	vld [tilespmem:s13+$0x180];
	v6 =	vsel vm2, v6, v3  }
0x19: {  	v3 =	vsel vm2, v3, v4;
	v4 =	vimm.s32 $0x0;
	vm10 =	vgt.f32 v5, v6  }
0x1a: {  	v4 =	vsel vm10, $0xFFFFFFFF, v4  }
0x1b: {  	vm4 =	vgt.f32 v5, v3;
	[tilespmem:$0x1FB50] =	vst v4;
	v4 =	vsel vm10, v5, v6  }
0x1c: {  	v6 =	vld [tilespmem:s13+$0x200];
	v4 =	vsel vm4, v3, v4  }
0x1d: {  	v3 =	vsel vm4, v5, v3;
	v5 =	vimm.s32 $0x0;
	vm11 =	vgt.f32 v7, v4  }
0x1e: {  	v5 =	vsel vm11, $0xFFFFFFFF, v5  }
0x1f: {  	vm5 =	vgt.f32 v7, v3;
	v4 =	vsel vm11, v7, v4;
	[tilespmem:$0x1FB60] =	vst v5;
	v5 =	vld [tilespmem:s13+$0x280]  }
0x20: {  	v4 =	vsel vm5, v3, v4  }
0x21: {  	v3 =	vsel vm5, v7, v3;
	v7 =	vimm.s32 $0x0;
	vm12 =	vgt.f32 v6, v4  }
0x22: {  	vm6 =	vgt.f32 v6, v3;
	v7 =	vsel vm12, $0xFFFFFFFF, v7;
	v4 =	vsel vm12, v6, v4  }
0x23: {  	[tilespmem:$0x1FB70] =	vst v7;
	v7 =	vld [tilespmem:s13+$0x300];
	v4 =	vsel vm6, v3, v4  }
0x24: {  	s31 =	sor.u32 s2, s2;
	v3 =	vsel vm6, v6, v3;
	v6 =	vimm.s32 $0x0;
	vm13 =	vgt.f32 v5, v4  }
0x25: {  	s14 =	sor.u32 $0x380, s31;
	v6 =	vsel vm13, $0xFFFFFFFF, v6  }
0x26: {  	vm1 =	vgt.f32 v5, v3;
	v4 =	vsel vm13, v5, v4;
	[tilespmem:$0x1FB80] =	vst v6;
	v6 =	vld [tilespmem:s14+$0x0]  }
0x27: {  	v4 =	vsel vm1, v3, v4  }
0x28: {  	v3 =	vsel vm1, v5, v3;
	v5 =	vimm.s32 $0x0;
	vm14 =	vgt.f32 v7, v4  }
0x29: {  	vm7 =	vgt.f32 v7, v3;
	v5 =	vsel vm14, $0xFFFFFFFF, v5;
	v4 =	vsel vm14, v7, v4  }
0x2a: {  	[tilespmem:$0x1FB90] =	vst v5;
	v5 =	vld [tilespmem:s13+$0x800];
	v4 =	vsel vm7, v3, v4  }
0x2b: {  	v3 =	vsel vm7, v7, v3;
	v7 =	vimm.s32 $0x0;
	vm15 =	vgt.f32 v6, v4  }
0x2c: {  	v7 =	vsel vm15, $0xFFFFFFFF, v7  }
0x2d: {  	vm8 =	vgt.f32 v6, v3;
	v4 =	vsel vm15, v6, v4;
	[tilespmem:$0x1FBA0] =	vst v7;
	v7 =	vld [tilespmem:s13+$0x880]  }
0x2e: {  	v4 =	vsel vm8, v3, v4  }
0x2f: {  	v3 =	vsel vm8, v6, v3;
	v6 =	vimm.s32 $0x0;
	vm12 =	vgt.f32 v5, v4  }
0x30: {  	vm3 =	vgt.f32 v5, v3;
	v6 =	vsel vm12, $0xFFFFFFFF, v6;
	v4 =	vsel vm12, v5, v4  }
0x31: {  	[tilespmem:$0x1FBB0] =	vst v6;
	v6 =	vld [tilespmem:s13+$0x900];
	v4 =	vsel vm3, v3, v4  }
0x32: {  	v3 =	vsel vm3, v5, v3;
	v5 =	vimm.s32 $0x0;
	vm13 =	vgt.f32 v7, v4  }
0x33: {  	v5 =	vsel vm13, $0xFFFFFFFF, v5  }
0x34: {  	vm10 =	vgt.f32 v7, v3;
	v4 =	vsel vm13, v7, v4;
	[tilespmem:$0x1FBC0] =	vst v5;
	v5 =	vld [tilespmem:s13+$0x980]  }
0x35: {  	v4 =	vsel vm10, v3, v4  }
0x36: {  	v3 =	vsel vm10, v7, v3;
	v7 =	vimm.s32 $0x0;
	vm14 =	vgt.f32 v6, v4  }
0x37: {  	vm11 =	vgt.f32 v6, v3;
	v7 =	vsel vm14, $0xFFFFFFFF, v7;
	v4 =	vsel vm14, v6, v4  }
0x38: {  	[tilespmem:$0x1FBD0] =	vst v7;
	v7 =	vld [tilespmem:s13+$0xA00];
	v4 =	vsel vm11, v3, v4  }
0x39: {  	v3 =	vsel vm11, v6, v3;
	v6 =	vimm.s32 $0x0;
	vm15 =	vgt.f32 v5, v4  }
0x3a: {  	v6 =	vsel vm15, $0xFFFFFFFF, v6  }
0x3b: {  	vm12 =	vgt.f32 v5, v3;
	v4 =	vsel vm15, v5, v4;
	[tilespmem:$0x1FBE0] =	vst v6;
	v6 =	vld [tilespmem:s13+$0xA80]  }
0x3c: {  	v4 =	vsel vm12, v3, v4  }
0x3d: {  	v3 =	vsel vm12, v5, v3;
	v5 =	vimm.s32 $0x0;
	vm9 =	vgt.f32 v7, v4  }
0x3e: {  	v5 =	vsel vm9, $0xFFFFFFFF, v5;
	v4 =	vsel vm9, v7, v4;
	vm9 =	vgt.f32 v7, v3  }
0x3f: {  	[tilespmem:$0x1FBF0] =	vst v5;
	v5 =	vld [tilespmem:s13+$0xB00];
	v4 =	vsel vm9, v3, v4  }
0x40: {  	v3 =	vsel vm9, v7, v3;
	v7 =	vimm.s32 $0x0;
	vm13 =	vgt.f32 v6, v4  }
0x41: {  	v7 =	vsel vm13, $0xFFFFFFFF, v7  }
0x42: {  	v4 =	vsel vm13, v6, v4;
	vm13 =	vgt.f32 v6, v3;
	[tilespmem:$0x1FC00] =	vst v7;
	v7 =	vld [tilespmem:s13+$0xB80]  }
0x43: {  	v4 =	vsel vm13, v3, v4  }
0x44: {  	v3 =	vsel vm13, v6, v3;
	v6 =	vimm.s32 $0x0;
	vm14 =	vgt.f32 v5, v4  }
0x45: {  	v6 =	vsel vm14, $0xFFFFFFFF, v6;
	v4 =	vsel vm14, v5, v4;
	vm14 =	vgt.f32 v5, v3  }
0x46: {  	[tilespmem:$0x1FC10] =	vst v6;
	v6 =	vld [tilespmem:s13+$0x1000];
	v4 =	vsel vm14, v3, v4  }
0x47: {  	v3 =	vsel vm14, v5, v3;
	v5 =	vimm.s32 $0x0;
	vm15 =	vgt.f32 v7, v4  }
0x48: {  	v5 =	vsel vm15, $0xFFFFFFFF, v5  }
0x49: {  	v8 =	vimm.s32 $0x0;
	v4 =	vsel vm15, v7, v4;
	vm15 =	vgt.f32 v7, v3;
	[tilespmem:$0x1FC20] =	vst v5;
	v5 =	vld [tilespmem:s13+$0x1080]  }
0x4a: {  	v8 =	vsel vm15, $0xFFFFFFFF, v8;
	v4 =	vsel vm15, v3, v4;
	v3 =	vsel vm15, v7, v3  }
0x4b: {  	[tilespmem:$0x1FC30] =	vst v8;
	vm15 =	vgt.f32 v6, v4;
	vm0 =	vgt.f32 v6, v3;
	v8 =	vimm.s32 $0x0  }
0x4c: {  	v4 =	vsel vm15, v6, v4;
	v8 =	vsel vm0, $0xFFFFFFFF, v8  }
0x4d: {  	[tilespmem:$0x1FC50] =	vst v8;
	v8 =	vld [tilespmem:$0x1FB30];
	v4 =	vsel vm0, v3, v4  }
0x4e: {  	v9 =	vld [tilespmem:$0x1FB40];
	v3 =	vsel vm0, v6, v3;
	v6 =	vimm.s32 $0x0;
	vm0 =	vgt.f32 v5, v4  }
0x4f: {  	v6 =	vsel vm0, $0xFFFFFFFF, v6  }
0x50: {  	[tilespmem:$0x1FC60] =	vst v6;
	v6 =	vld [tilespmem:$0x1FB50]  }
0x51: {  	v7 =	vimm.s32 $0x0  }
0x52: {  	v7 =	vsel vm15, $0xFFFFFFFF, v7;
	vm15 =	vnez.u8 v8  }
0x53: {  	[tilespmem:$0x1FC40] =	vst v7;
	v7 =	vld [tilespmem:s13+$0x1100];
	v8 =	vsel vm15, $0x1, v1;
	vm15 =	vnez.u8 v9  }
0x54: {  	vm2 =	vmand vm15, vm2  }
0x55: {  	v10 =	vimm.s32 $0x0;
	v43 =	vsel vm2, $0x1, v1;
	vm15 =	vnez.u8 v6  }
0x56: {  	v4 =	vsel vm0, v5, v4;
	v6 =	vsel vm15, $0x2, v43;
	vm15 =	vgt.f32 v5, v3  }
0x57: {  	v10 =	vsel vm15, $0xFFFFFFFF, v10;
	v4 =	vsel vm15, v3, v4  }
0x58: {  	v3 =	vsel vm15, v5, v3;
	v5 =	vimm.s32 $0x0;
	vm15 =	vgt.f32 v7, v4  }
0x59: {  	v5 =	vsel vm15, $0xFFFFFFFF, v5  }
0x5a: {  	[tilespmem:$0x1FC80] =	vst v5;
	v5 =	vld [tilespmem:$0x1FB60];
	_ =	sdelay $0x2  }
0x5b: {  	v44 =	vld [tilespmem:s13+$0x1180];
	_ =	sdelay $0x1  }
0x5c: {  	v6 =	vsel vm4, v8, v6;
	v8 =	vsel vm4, $0x2, v8;
	vm4 =	vnez.u8 v5  }
0x5d: {  	v4 =	vsel vm15, v7, v4;
	v5 =	vsel vm4, $0x3, v6;
	vm4 =	vgt.f32 v7, v3  }
0x5e: {  	v4 =	vsel vm4, v3, v4  }
0x5f: {  	v3 =	vsel vm4, v7, v3;
	v7 =	vimm.s32 $0x0;
	vm15 =	vgt.f32 v44, v4  }
0x60: {  	v7 =	vsel vm15, $0xFFFFFFFF, v7  }
0x61: {  	[tilespmem:$0x1FC90] =	vst v7;
	v7 =	vld [tilespmem:$0x1FB70];
	_ =	sdelay $0x1  }
0x62: {  	v46 =	vld [tilespmem:$0x1FB80]  }
0x63: {  	v6 =	vld [tilespmem:s13+$0x1200];
	_ =	sdelay $0x1  }
0x64: {  	v5 =	vsel vm5, v8, v5;
	v8 =	vsel vm5, $0x3, v8;
	vm5 =	vnez.u8 v7  }
0x65: {  	v4 =	vsel vm15, v44, v4;
	v7 =	vld [tilespmem:s13+$0x1280];
	v5 =	vsel vm5, $0x4, v5;
	vm5 =	vgt.f32 v44, v3  }
0x66: {  	v5 =	vsel vm6, v8, v5;
	v4 =	vsel vm5, v3, v4;
	v8 =	vsel vm6, $0x4, v8  }
0x67: {  	v3 =	vsel vm5, v44, v3;
	vm6 =	vnez.u8 v46;
	vm15 =	vgt.f32 v6, v4  }
0x68: {  	v5 =	vsel vm6, $0x5, v5;
	vm6 =	vgt.f32 v6, v3;
	v4 =	vsel vm15, v6, v4  }
0x69: {  	v4 =	vsel vm6, v3, v4  }
0x6a: {  	v3 =	vsel vm6, v6, v3;
	v6 =	vimm.s32 $0x0;
	vm0 =	vgt.f32 v7, v4  }
0x6b: {  	v6 =	vsel vm0, $0xFFFFFFFF, v6  }
0x6c: {  	[tilespmem:$0x1FCB0] =	vst v6;
	v6 =	vld [tilespmem:$0x1FB90];
	_ =	sdelay $0x2  }
0x6d: {  	v47 =	vld [tilespmem:s13+$0x1300]  }
0x6e: {  	v45 =	vimm.s32 $0x0;
	v48 =	vimm.s32 $0x0  }
0x6f: {  	v9 =	vsel vm15, $0xFFFFFFFF, v45;
	v5 =	vsel vm1, v8, v5;
	vm15 =	vnez.u8 v6  }
0x70: {  	v4 =	vsel vm0, v7, v4;
	v5 =	vsel vm15, $0x6, v5;
	vm15 =	vgt.f32 v7, v3  }
0x71: {  	[tilespmem:$0x1FC70] =	vst v10;
	v10 =	vsel vm15, $0xFFFFFFFF, v48;
	v4 =	vsel vm15, v3, v4  }
0x72: {  	v3 =	vsel vm15, v7, v3;
	v7 =	vimm.s32 $0x0;
	vm15 =	vgt.f32 v47, v4  }
0x73: {  	v7 =	vsel vm15, $0xFFFFFFFF, v7  }
0x74: {  	[tilespmem:$0x1FCD0] =	vst v7;
	v7 =	vld [tilespmem:$0x1FBA0];
	_ =	sdelay $0x1  }
0x75: {  	v50 =	vld [tilespmem:$0x1FBB0]  }
0x76: {  	v6 =	vld [tilespmem:s13+$0x1380]  }
0x77: {  	v8 =	vsel vm1, $0x5, v8  }
0x78: {  	v5 =	vsel vm7, v8, v5;
	v8 =	vsel vm7, $0x6, v8;
	vm7 =	vnez.u8 v7  }
0x79: {  	v4 =	vsel vm15, v47, v4;
	v7 =	vld [tilespmem:s13+$0x1800];
	v5 =	vsel vm7, $0x7, v5;
	vm7 =	vgt.f32 v47, v3  }
0x7a: {  	v5 =	vsel vm8, v8, v5;
	v4 =	vsel vm7, v3, v4;
	v8 =	vsel vm8, $0x7, v8  }
0x7b: {  	v3 =	vsel vm7, v47, v3;
	vm8 =	vnez.u8 v50;
	vm15 =	vgt.f32 v6, v4  }
0x7c: {  	v5 =	vsel vm8, $0x8, v5;
	vm8 =	vgt.f32 v6, v3;
	v4 =	vsel vm15, v6, v4  }
0x7d: {  	v4 =	vsel vm8, v3, v4  }
0x7e: {  	v3 =	vsel vm8, v6, v3;
	v6 =	vimm.s32 $0x0;
	vm0 =	vgt.f32 v7, v4  }
0x7f: {  	v6 =	vsel vm0, $0xFFFFFFFF, v6  }
0x80: {  	[tilespmem:$0x1FCF0] =	vst v6;
	v6 =	vld [tilespmem:$0x1FBC0];
	_ =	sdelay $0x2  }
0x81: {  	v51 =	vld [tilespmem:s13+$0x1880]  }
0x82: {  	v49 =	vimm.s32 $0x0;
	v52 =	vimm.s32 $0x0  }
0x83: {  	[tilespmem:$0x1FCA0] =	vst v9;
	v9 =	vsel vm15, $0xFFFFFFFF, v49;
	v5 =	vsel vm3, v8, v5;
	vm15 =	vnez.u8 v6  }
0x84: {  	v4 =	vsel vm0, v7, v4;
	v5 =	vsel vm15, $0x9, v5;
	vm15 =	vgt.f32 v7, v3  }
0x85: {  	[tilespmem:$0x1FCC0] =	vst v10;
	v10 =	vsel vm15, $0xFFFFFFFF, v52;
	v4 =	vsel vm15, v3, v4  }
0x86: {  	v3 =	vsel vm15, v7, v3;
	v7 =	vimm.s32 $0x0;
	vm15 =	vgt.f32 v51, v4  }
0x87: {  	v7 =	vsel vm15, $0xFFFFFFFF, v7  }
0x88: {  	[tilespmem:$0x1FD10] =	vst v7;
	v7 =	vld [tilespmem:$0x1FBD0];
	_ =	sdelay $0x1  }
0x89: {  	v54 =	vld [tilespmem:$0x1FBE0]  }
0x8a: {  	v6 =	vld [tilespmem:s13+$0x1900]  }
0x8b: {  	v8 =	vsel vm3, $0x8, v8  }
0x8c: {  	v5 =	vsel vm10, v8, v5;
	v8 =	vsel vm10, $0x9, v8;
	vm10 =	vnez.u8 v7  }
0x8d: {  	v4 =	vsel vm15, v51, v4;
	v7 =	vld [tilespmem:s13+$0x1980];
	v5 =	vsel vm10, $0xA, v5;
	vm10 =	vgt.f32 v51, v3  }
0x8e: {  	v5 =	vsel vm11, v8, v5;
	v4 =	vsel vm10, v3, v4;
	v8 =	vsel vm11, $0xA, v8  }
0x8f: {  	v3 =	vsel vm10, v51, v3;
	vm11 =	vnez.u8 v54;
	vm15 =	vgt.f32 v6, v4  }
0x90: {  	v5 =	vsel vm11, $0xB, v5;
	vm11 =	vgt.f32 v6, v3;
	v4 =	vsel vm15, v6, v4  }
0x91: {  	v5 =	vsel vm12, v8, v5;
	v8 =	vsel vm12, $0xB, v8;
	v4 =	vsel vm11, v3, v4  }
0x92: {  	v3 =	vsel vm11, v6, v3;
	v6 =	vimm.s32 $0x0;
	vm12 =	vgt.f32 v7, v4  }
0x93: {  	v6 =	vsel vm12, $0xFFFFFFFF, v6  }
0x94: {  	[tilespmem:$0x1FD30] =	vst v6;
	v6 =	vld [tilespmem:$0x1FBF0];
	_ =	sdelay $0x1  }
0x95: {  	v55 =	vld [tilespmem:s13+$0x1A00];
	_ =	sdelay $0x1  }
0x96: {  	v53 =	vimm.s32 $0x0;
	v4 =	vsel vm12, v7, v4;
	vm12 =	vgt.f32 v7, v3  }
0x97: {  	[tilespmem:$0x1FCE0] =	vst v9;
	v9 =	vsel vm15, $0xFFFFFFFF, v53;
	v4 =	vsel vm12, v3, v4;
	vm15 =	vnez.u8 v6  }
0x98: {  	v3 =	vsel vm12, v7, v3;
	v7 =	vimm.s32 $0x0;
	v5 =	vsel vm15, $0xC, v5  }
0x99: {  	v5 =	vsel vm9, v8, v5;
	v8 =	vsel vm9, $0xC, v8;
	vm9 =	vgt.f32 v55, v4  }
0x9a: {  	v7 =	vsel vm9, $0xFFFFFFFF, v7  }
0x9b: {  	[tilespmem:$0x1FD40] =	vst v7;
	v7 =	vld [tilespmem:$0x1FC00];
	_ =	sdelay $0x1  }
0x9c: {  	v6 =	vld [tilespmem:s13+$0x1A80];
	_ =	sdelay $0x1  }
0x9d: {  	v56 =	vimm.s32 $0x0;
	v57 =	vimm.s32 $0x0  }
0x9e: {  	v4 =	vsel vm9, v55, v4;
	vm9 =	vgt.f32 v55, v3;
	vm15 =	vnez.u8 v7;
	v7 =	vld [tilespmem:s13+$0x1B00]  }
0x9f: {  	v4 =	vsel vm9, v3, v4;
	v3 =	vsel vm9, v55, v3;
	v5 =	vsel vm15, $0xD, v5  }
0xa0: {  	v5 =	vsel vm13, v8, v5;
	v8 =	vsel vm13, $0xD, v8;
	vm13 =	vgt.f32 v6, v4  }
0xa1: {  	[tilespmem:$0x1FD20] =	vst v9;
	v9 =	vsel vm13, $0xFFFFFFFF, v57;
	v4 =	vsel vm13, v6, v4;
	vm13 =	vgt.f32 v6, v3  }
0xa2: {  	[tilespmem:$0x1FD00] =	vst v10;
	v10 =	vsel vm9, $0xFFFFFFFF, v56;
	v4 =	vsel vm13, v3, v4  }
0xa3: {  	v58 =	vld [tilespmem:$0x1FC10];
	v3 =	vsel vm13, v6, v3;
	v6 =	vimm.s32 $0x0;
	vm9 =	vgt.f32 v7, v4  }
0xa4: {  	v6 =	vsel vm9, $0xFFFFFFFF, v6  }
0xa5: {  	[tilespmem:$0x1FD70] =	vst v6;
	v6 =	vld [tilespmem:$0x1FC20];
	_ =	sdelay $0x2  }
0xa6: {  	v59 =	vld [tilespmem:s13+$0x1B80];
	vm15 =	vnez.u8 v58  }
0xa7: {  	v5 =	vsel vm15, $0xE, v5  }
0xa8: {  	v5 =	vsel vm14, v8, v5;
	v8 =	vsel vm14, $0xE, v8;
	vm14 =	vnez.u8 v6  }
0xa9: {  	v4 =	vsel vm9, v7, v4;
	v5 =	vsel vm14, $0xF, v5;
	vm14 =	vgt.f32 v7, v3  }
0xaa: {  	v4 =	vsel vm14, v3, v4  }
0xab: {  	v3 =	vsel vm14, v7, v3;
	v7 =	vimm.s32 $0x0;
	vm9 =	vgt.f32 v59, v4  }
0xac: {  	v60 =	vld [tilespmem:$0x1FC30];
	v7 =	vsel vm9, $0xFFFFFFFF, v7  }
0xad: {  	[tilespmem:$0x1FD80] =	vst v7;
	v7 =	vld [tilespmem:$0x1FC40];
	_ =	sdelay $0x2  }
0xae: {  	v6 =	vld [tilespmem:s13+$0x2000]  }
0xaf: {  	vm15 =	vnez.u8 v60  }
0xb0: {  	v5 =	vsel vm15, v8, v5;
	v8 =	vsel vm15, $0xF, v8;
	vm15 =	vnez.u8 v7  }
0xb1: {  	v4 =	vsel vm9, v59, v4;
	v7 =	vld [tilespmem:s13+$0x2080];
	v5 =	vsel vm15, $0x10, v5;
	vm15 =	vgt.f32 v59, v3  }
0xb2: {  	v4 =	vsel vm15, v3, v4  }
0xb3: {  	v61 =	vld [tilespmem:$0x1FC50];
	v3 =	vsel vm15, v59, v3;
	vm0 =	vgt.f32 v6, v4  }
0xb4: {  	v62 =	vimm.s32 $0x0;
	v63 =	vld [tilespmem:$0x1FC60];
	vm2 =	vgt.f32 v6, v3;
	v4 =	vsel vm0, v6, v4  }
0xb5: {  	v13 =	vld [tilespmem:$0x1FC70];
	[tilespmem:$0x1FD60] =	vst v9;
	v9 =	vsel vm0, $0xFFFFFFFF, v62;
	v4 =	vsel vm2, v3, v4  }
0xb6: {  	v3 =	vsel vm2, v6, v3;
	v6 =	vimm.s32 $0x0;
	vm0 =	vgt.f32 v7, v4  }
0xb7: {  	v6 =	vsel vm0, $0xFFFFFFFF, v6  }
0xb8: {  	vm9 =	vnez.u8 v61;
	[tilespmem:$0x1FDA0] =	vst v6;
	v6 =	vld [tilespmem:$0x1FC80]  }
0xb9: {  	v12 =	vld [tilespmem:s13+$0x2100];
	v5 =	vsel vm9, v8, v5;
	v8 =	vsel vm9, $0x10, v8;
	vm9 =	vnez.u8 v63  }
0xba: {  	v5 =	vsel vm9, $0x11, v5;
	vm9 =	vnez.u8 v13  }
0xbb: {  	v5 =	vsel vm9, v8, v5  }
0xbc: {  	v8 =	vsel vm9, $0x11, v8;
	vm3 =	vgt.f32 v7, v3;
	v4 =	vsel vm0, v7, v4  }
0xbd: {  	v4 =	vsel vm3, v3, v4;
	v3 =	vsel vm3, v7, v3;
	vm9 =	vnez.u8 v6  }
0xbe: {  	v7 =	vimm.s32 $0x0;
	v5 =	vsel vm9, $0x12, v5;
	vm9 =	vgt.f32 v12, v4  }
0xbf: {  	v7 =	vsel vm9, $0xFFFFFFFF, v7  }
0xc0: {  	[tilespmem:$0x1FDB0] =	vst v7;
	v7 =	vld [tilespmem:$0x1FC90];
	_ =	sdelay $0x1  }
0xc1: {  	v6 =	vld [tilespmem:s13+$0x2180];
	_ =	sdelay $0x1  }
0xc2: {  	vm0 =	vgt.f32 v12, v3;
	v5 =	vsel vm4, v8, v5  }
0xc3: {  	v8 =	vsel vm4, $0x12, v8;
	v4 =	vsel vm9, v12, v4;
	vm4 =	vnez.u8 v7;
	v7 =	vld [tilespmem:s13+$0x2200]  }
0xc4: {  	v4 =	vsel vm0, v3, v4  }
0xc5: {  	v14 =	vimm.s32 $0x0;
	v3 =	vsel vm0, v12, v3;
	vm1 =	vgt.f32 v6, v4  }
0xc6: {  	[tilespmem:$0x1FD90] =	vst v9;
	v9 =	vsel vm1, $0xFFFFFFFF, v14;
	v4 =	vsel vm1, v6, v4;
	vm1 =	vgt.f32 v6, v3  }
0xc7: {  	v15 =	vld [tilespmem:$0x1FCA0];
	v4 =	vsel vm1, v3, v4;
	v3 =	vsel vm1, v6, v3  }
0xc8: {  	v6 =	vimm.s32 $0x0;
	v5 =	vsel vm4, $0x13, v5;
	vm4 =	vgt.f32 v7, v4  }
0xc9: {  	v17 =	vld [tilespmem:$0x1FCC0];
	v6 =	vsel vm4, $0xFFFFFFFF, v6  }
0xca: {  	[tilespmem:$0x1FDD0] =	vst v6;
	v6 =	vld [tilespmem:$0x1FCB0];
	_ =	sdelay $0x1  }
0xcb: {  	v18 =	vld [tilespmem:$0x1FCD0];
	vm9 =	vnez.u8 v15;
	v5 =	vsel vm5, v8, v5  }
0xcc: {  	v16 =	vld [tilespmem:s13+$0x2280];
	v8 =	vsel vm5, $0x13, v8;
	v5 =	vsel vm9, $0x14, v5  }
0xcd: {  	vm5 =	vnez.u8 v17;
	v5 =	vsel vm6, v8, v5  }
0xce: {  	v4 =	vsel vm4, v7, v4;
	vm4 =	vgt.f32 v7, v3;
	vm9 =	vnez.u8 v6  }
0xcf: {  	v8 =	vsel vm6, $0x14, v8;
	v4 =	vsel vm4, v3, v4;
	v5 =	vsel vm9, $0x15, v5  }
0xd0: {  	v3 =	vsel vm4, v7, v3;
	v6 =	vld [tilespmem:s13+$0x2300];
	vm9 =	vnez.u8 v18;
	v5 =	vsel vm5, v8, v5  }
0xd1: {  	v7 =	vimm.s32 $0x0;
	v5 =	vsel vm9, $0x16, v5;
	vm9 =	vgt.f32 v16, v4  }
0xd2: {  	v7 =	vsel vm9, $0xFFFFFFFF, v7  }
0xd3: {  	v4 =	vsel vm9, v16, v4;
	[tilespmem:$0x1FDE0] =	vst v7;
	v7 =	vsel vm5, $0x15, v8;
	v8 =	vld [tilespmem:s13+$0x2380];
	vm5 =	vgt.f32 v16, v3  }
0xd4: {  	v4 =	vsel vm5, v3, v4  }
0xd5: {  	v19 =	vimm.s32 $0x0;
	v3 =	vsel vm5, v16, v3;
	vm6 =	vgt.f32 v6, v4  }
0xd6: {  	v20 =	vld [tilespmem:$0x1FCE0];
	[tilespmem:$0x1FDC0] =	vst v9;
	v9 =	vsel vm6, $0xFFFFFFFF, v19;
	v4 =	vsel vm6, v6, v4;
	vm6 =	vgt.f32 v6, v3  }
0xd7: {  	v5 =	vsel vm7, v7, v5;
	v7 =	vsel vm7, $0x16, v7;
	v4 =	vsel vm6, v3, v4  }
0xd8: {  	v3 =	vsel vm6, v6, v3;
	v6 =	vimm.s32 $0x0;
	vm7 =	vgt.f32 v8, v4  }
0xd9: {  	v6 =	vsel vm7, $0xFFFFFFFF, v6  }
0xda: {  	[tilespmem:$0x1FE00] =	vst v6;
	v6 =	vld [tilespmem:$0x1FCF0]  }
0xdb: {  	v22 =	vld [tilespmem:$0x1FD00];
	vm9 =	vnez.u8 v20  }
0xdc: {  	v21 =	vld [tilespmem:s13+$0x2800];
	v5 =	vsel vm9, $0x17, v5  }
0xdd: {  	v5 =	vsel vm8, v7, v5  }
0xde: {  	v7 =	vsel vm8, $0x17, v7;
	v4 =	vsel vm7, v8, v4;
	vm7 =	vgt.f32 v8, v3  }
0xdf: {  	v4 =	vsel vm7, v3, v4;
	v3 =	vsel vm7, v8, v3;
	vm8 =	vnez.u8 v6  }
0xe0: {  	v8 =	vimm.s32 $0x0;
	v5 =	vsel vm8, $0x18, v5;
	vm8 =	vnez.u8 v22  }
0xe1: {  	v5 =	vsel vm8, v7, v5;
	v7 =	vsel vm8, $0x18, v7;
	vm8 =	vgt.f32 v21, v4  }
0xe2: {  	v8 =	vsel vm8, $0xFFFFFFFF, v8  }
0xe3: {  	[tilespmem:$0x1FE10] =	vst v8;
	v8 =	vld [tilespmem:$0x1FD10];
	_ =	sdelay $0x1  }
0xe4: {  	v6 =	vld [tilespmem:s13+$0x2880];
	_ =	sdelay $0x1  }
0xe5: {  	v23 =	vimm.s32 $0x0  }
0xe6: {  	v4 =	vsel vm8, v21, v4;
	vm8 =	vgt.f32 v21, v3;
	vm9 =	vnez.u8 v8;
	v8 =	vld [tilespmem:s13+$0x2900]  }
0xe7: {  	v24 =	vimm.s32 $0x0;
	v27 =	vimm.s32 $0x0;
	v4 =	vsel vm8, v3, v4  }
0xe8: {  	[tilespmem:$0x1FD50] =	vst v10;
	v10 =	vsel vm8, $0xFFFFFFFF, v23;
	v3 =	vsel vm8, v21, v3;
	vm8 =	vgt.f32 v6, v4  }
0xe9: {  	v26 =	vld [tilespmem:s13+$0x2980];
	[tilespmem:$0x1FDF0] =	vst v9;
	v9 =	vsel vm8, $0xFFFFFFFF, v24;
	v4 =	vsel vm8, v6, v4;
	vm8 =	vgt.f32 v6, v3  }
0xea: {  	v28 =	vimm.s32 $0x0;
	[tilespmem:$0x1FE20] =	vst v10;
	v10 =	vsel vm8, $0xFFFFFFFF, v27;
	v4 =	vsel vm8, v3, v4  }
0xeb: {  	v3 =	vsel vm8, v6, v3;
	v6 =	vimm.s32 $0x0;
	vm8 =	vgt.f32 v8, v4  }
0xec: {  	v25 =	vld [tilespmem:$0x1FD20];
	v6 =	vsel vm8, $0xFFFFFFFF, v6;
	v4 =	vsel vm8, v8, v4;
	vm8 =	vgt.f32 v8, v3  }
0xed: {  	[tilespmem:$0x1FE40] =	vst v10;
	v10 =	vsel vm8, $0xFFFFFFFF, v28;
	v4 =	vsel vm8, v3, v4  }
0xee: {  	[tilespmem:$0x1FE50] =	vst v6;
	v6 =	vld [tilespmem:$0x1FD30];
	v3 =	vsel vm8, v8, v3;
	v8 =	vimm.s32 $0x0;
	vm8 =	vgt.f32 v26, v4  }
0xef: {  	v8 =	vsel vm8, $0xFFFFFFFF, v8  }
0xf0: {  	v29 =	vimm.s32 $0x0;
	v5 =	vsel vm9, $0x19, v5;
	[tilespmem:$0x1FE70] =	vst v8;
	v8 =	vld [tilespmem:$0x1FD40]  }
0xf1: {  	v32 =	vimm.s32 $0x0;
	v30 =	vld [tilespmem:$0x1FD50];
	vm9 =	vnez.u8 v25;
	v5 =	vsel vm10, v7, v5  }
0xf2: {  	v34 =	vimm.s32 $0x0;
	v31 =	vld [tilespmem:$0x1FD60];
	v7 =	vsel vm10, $0x19, v7;
	v5 =	vsel vm9, $0x1A, v5  }
0xf3: {  	v5 =	vsel vm11, v7, v5;
	v7 =	vsel vm11, $0x1A, v7;
	vm9 =	vnez.u8 v6;
	v6 =	vld [tilespmem:s13+$0x2A00]  }
0xf4: {  	v4 =	vsel vm8, v26, v4;
	vm8 =	vgt.f32 v26, v3;
	v5 =	vsel vm9, $0x1B, v5  }
0xf5: {  	v5 =	vsel vm12, v7, v5;
	v7 =	vsel vm12, $0x1B, v7;
	vm12 =	vnez.u8 v8  }
0xf6: {  	[tilespmem:$0x1FE60] =	vst v10;
	v10 =	vsel vm8, $0xFFFFFFFF, v29;
	vm9 =	vnez.u8 v30;
	v8 =	vld [tilespmem:s13+$0x2A80];
	v5 =	vsel vm12, $0x1C, v5  }
0xf7: {  	v4 =	vsel vm8, v3, v4;
	vm12 =	vnez.u8 v31;
	v5 =	vsel vm9, v7, v5  }
0xf8: {  	v3 =	vsel vm8, v26, v3;
	v5 =	vsel vm12, $0x1D, v5;
	vm12 =	vgt.f32 v6, v4  }
0xf9: {  	[tilespmem:$0x1FE30] =	vst v9;
	v9 =	vsel vm12, $0xFFFFFFFF, v32;
	v4 =	vsel vm12, v6, v4;
	vm12 =	vgt.f32 v6, v3  }
0xfa: {  	[tilespmem:$0x1FE80] =	vst v10;
	v10 =	vsel vm12, $0xFFFFFFFF, v34;
	v4 =	vsel vm12, v3, v4  }
0xfb: {  	v3 =	vsel vm12, v6, v3;
	v6 =	vimm.s32 $0x0;
	vm12 =	vgt.f32 v8, v4  }
0xfc: {  	v6 =	vsel vm12, $0xFFFFFFFF, v6  }
0xfd: {  	[tilespmem:$0x1FEB0] =	vst v6;
	v6 =	vld [tilespmem:$0x1FD70];
	_ =	sdelay $0x2  }
0xfe: {  	v33 =	vld [tilespmem:s13+$0x2B00]  }
0xff: {  	v7 =	vsel vm9, $0x1C, v7  }
0x100: {  	v5 =	vsel vm13, v7, v5;
	v7 =	vsel vm13, $0x1D, v7;
	vm13 =	vnez.u8 v6  }
0x101: {  	v4 =	vsel vm12, v8, v4;
	v5 =	vsel vm13, $0x1E, v5;
	vm13 =	vgt.f32 v8, v3  }
0x102: {  	v5 =	vsel vm14, v7, v5;
	v4 =	vsel vm13, v3, v4;
	v7 =	vsel vm14, $0x1E, v7  }
0x103: {  	v3 =	vsel vm13, v8, v3;
	v8 =	vimm.s32 $0x0;
	vm14 =	vgt.f32 v33, v4  }
0x104: {  	v8 =	vsel vm14, $0xFFFFFFFF, v8  }
0x105: {  	[tilespmem:$0x1FEC0] =	vst v8;
	v8 =	vld [tilespmem:$0x1FD80];
	_ =	sdelay $0x1  }
0x106: {  	v36 =	vld [tilespmem:$0x1FD90]  }
0x107: {  	v6 =	vld [tilespmem:s13+$0x2B80];
	_ =	sdelay $0x1  }
0x108: {  	v35 =	vimm.s32 $0x0;
	vm12 =	vnez.u8 v8  }
0x109: {  	v4 =	vsel vm14, v33, v4;
	v8 =	vld [tilespmem:s13+$0x3000];
	v5 =	vsel vm12, $0x1F, v5;
	vm12 =	vgt.f32 v33, v3  }
0x10a: {  	v5 =	vsel vm15, v7, v5;
	v4 =	vsel vm12, v3, v4;
	v7 =	vsel vm15, $0x1F, v7  }
0x10b: {  	v3 =	vsel vm12, v33, v3;
	vm15 =	vnez.u8 v36;
	vm14 =	vgt.f32 v6, v4  }
0x10c: {  	v37 =	vld [tilespmem:s13+$0x3080];
	[tilespmem:$0x1FE90] =	vst v9;
	v9 =	vsel vm14, $0xFFFFFFFF, v35;
	v4 =	vsel vm14, v6, v4;
	vm14 =	vgt.f32 v6, v3  }
0x10d: {  	v38 =	vimm.s32 $0x0;
	v5 =	vsel vm15, $0x20, v5;
	v4 =	vsel vm14, v3, v4  }
0x10e: {  	v3 =	vsel vm14, v6, v3;
	v6 =	vimm.s32 $0x0;
	vm15 =	vgt.f32 v8, v4  }
0x10f: {  	[tilespmem:$0x1FEA0] =	vst v10;
	vm11 =	vgt.f32 v8, v3;
	v6 =	vsel vm15, $0xFFFFFFFF, v6;
	v4 =	vsel vm15, v8, v4  }
0x110: {  	v10 =	vsel vm14, $0xFFFFFFFF, v38;
	[tilespmem:$0x1FEF0] =	vst v6;
	v6 =	vld [tilespmem:$0x1FDA0];
	v4 =	vsel vm11, v3, v4  }
0x111: {  	v3 =	vsel vm11, v8, v3;
	v8 =	vimm.s32 $0x0;
	vm14 =	vgt.f32 v37, v4  }
0x112: {  	v8 =	vsel vm14, $0xFFFFFFFF, v8  }
0x113: {  	[tilespmem:$0x1FF10] =	vst v8;
	v8 =	vld [tilespmem:$0x1FDB0];
	_ =	sdelay $0x1  }
0x114: {  	vm10 =	vnez.u8 v6;
	v6 =	vld [tilespmem:s13+$0x3100];
	_ =	sdelay $0x2  }
0x115: {  	vm8 =	vgt.f32 v37, v3;
	v4 =	vsel vm14, v37, v4;
	vm15 =	vnez.u8 v8;
	v8 =	vld [tilespmem:s13+$0x3180]  }
0x116: {  	v4 =	vsel vm8, v3, v4  }
0x117: {  	v39 =	vimm.s32 $0x0;
	v3 =	vsel vm8, v37, v3;
	vm9 =	vgt.f32 v6, v4  }
0x118: {  	[tilespmem:$0x1FEE0] =	vst v10;
	v10 =	vsel vm11, $0xFFFFFFFF, v39;
	vm11 =	vgt.f32 v6, v3;
	v4 =	vsel vm9, v6, v4  }
0x119: {  	v4 =	vsel vm11, v3, v4  }
0x11a: {  	v42 =	vld [tilespmem:$0x1FDC0];
	v3 =	vsel vm11, v6, v3;
	v6 =	vimm.s32 $0x0;
	vm14 =	vgt.f32 v8, v4  }
0x11b: {  	v5 =	vsel vm2, v7, v5;
	v6 =	vsel vm14, $0xFFFFFFFF, v6  }
0x11c: {  	v7 =	vsel vm2, $0x20, v7;
	v5 =	vsel vm10, $0x21, v5;
	[tilespmem:$0x1FF50] =	vst v6;
	v6 =	vld [tilespmem:$0x1FDD0]  }
0x11d: {  	v5 =	vsel vm3, v7, v5  }
0x11e: {  	v7 =	vsel vm3, $0x21, v7;
	v5 =	vsel vm15, $0x22, v5  }
0x11f: {  	v43 =	vld [tilespmem:s13+$0x3200];
	vm10 =	vnez.u8 v42;
	v5 =	vsel vm0, v7, v5  }
0x120: {  	v7 =	vsel vm0, $0x22, v7;
	v5 =	vsel vm10, $0x23, v5  }
0x121: {  	v5 =	vsel vm1, v7, v5;
	v7 =	vsel vm1, $0x23, v7;
	vm15 =	vnez.u8 v6  }
0x122: {  	v4 =	vsel vm14, v8, v4;
	v5 =	vsel vm15, $0x24, v5;
	vm15 =	vgt.f32 v8, v3  }
0x123: {  	v5 =	vsel vm4, v7, v5;
	v4 =	vsel vm15, v3, v4;
	v7 =	vsel vm4, $0x24, v7  }
0x124: {  	v3 =	vsel vm15, v8, v3;
	v8 =	vimm.s32 $0x0;
	vm4 =	vgt.f32 v43, v4  }
0x125: {  	v8 =	vsel vm4, $0xFFFFFFFF, v8  }
0x126: {  	[tilespmem:$0x1FF60] =	vst v8;
	v8 =	vld [tilespmem:$0x1FDE0]  }
0x127: {  	v46 =	vld [tilespmem:$0x1FDF0]  }
0x128: {  	v40 =	vimm.s32 $0x0;
	[tilespmem:$0x1FED0] =	vst v9;
	v6 =	vld [tilespmem:s13+$0x3280]  }
0x129: {  	v41 =	vimm.s32 $0x0;
	v44 =	vimm.s32 $0x0;
	[tilespmem:$0x1FF00] =	vst v10;
	v10 =	vsel vm8, $0xFFFFFFFF, v40  }
0x12a: {  	v45 =	vimm.s32 $0x0;
	[tilespmem:$0x1FF20] =	vst v10;
	v9 =	vsel vm9, $0xFFFFFFFF, v41;
	v10 =	vsel vm11, $0xFFFFFFFF, v44  }
0x12b: {  	vm11 =	vgt.f32 v43, v3;
	v4 =	vsel vm4, v43, v4;
	vm8 =	vnez.u8 v8;
	v8 =	vld [tilespmem:s13+$0x3300]  }
0x12c: {  	vm10 =	vnez.u8 v46;
	v4 =	vsel vm11, v3, v4;
	v5 =	vsel vm8, $0x25, v5  }
0x12d: {  	v3 =	vsel vm11, v43, v3;
	vm9 =	vgt.f32 v6, v4;
	v5 =	vsel vm5, v7, v5  }
0x12e: {  	v47 =	vld [tilespmem:s13+$0x3380];
	v4 =	vsel vm9, v6, v4;
	v5 =	vsel vm10, $0x26, v5;
	vm10 =	vgt.f32 v6, v3  }
0x12f: {  	[tilespmem:$0x1FF30] =	vst v9;
	v9 =	vsel vm9, $0xFFFFFFFF, v45;
	v4 =	vsel vm10, v3, v4  }
0x130: {  	v3 =	vsel vm10, v6, v3;
	v6 =	vimm.s32 $0x0;
	vm14 =	vgt.f32 v8, v4  }
0x131: {  	vm9 =	vgt.f32 v8, v3;
	v6 =	vsel vm14, $0xFFFFFFFF, v6;
	v4 =	vsel vm14, v8, v4  }
0x132: {  	v7 =	vsel vm5, $0x25, v7;
	[tilespmem:$0x1FF80] =	vst v6;
	v6 =	vld [tilespmem:$0x1FE00];
	v4 =	vsel vm9, v3, v4  }
0x133: {  	v3 =	vsel vm9, v8, v3;
	v8 =	vimm.s32 $0x0;
	vm5 =	vgt.f32 v47, v4  }
0x134: {  	v48 =	vld [tilespmem:$0x1FE20];
	v8 =	vsel vm5, $0xFFFFFFFF, v8  }
0x135: {  	[tilespmem:$0x1FF90] =	vst v8;
	v8 =	vld [tilespmem:$0x1FE10]  }
0x136: {  	v50 =	vld [tilespmem:$0x1FE30]  }
0x137: {  	vm4 =	vnez.u8 v6;
	v6 =	vld [tilespmem:s13+$0x3800]  }
0x138: {  	v5 =	vsel vm6, v7, v5;
	vm8 =	vgt.f32 v47, v3;
	v4 =	vsel vm5, v47, v4  }
0x139: {  	v52 =	vld [tilespmem:$0x1FE40];
	v7 =	vsel vm6, $0x26, v7;
	v4 =	vsel vm8, v3, v4;
	v5 =	vsel vm4, $0x27, v5  }
0x13a: {  	v3 =	vsel vm8, v47, v3;
	v5 =	vsel vm7, v7, v5;
	vm6 =	vnez.u8 v8;
	v8 =	vld [tilespmem:s13+$0x3880]  }
0x13b: {  	v7 =	vsel vm7, $0x27, v7;
	vm7 =	vnez.u8 v48;
	v5 =	vsel vm6, $0x28, v5  }
0x13c: {  	vm4 =	vnez.u8 v50;
	v5 =	vsel vm7, v7, v5;
	vm14 =	vgt.f32 v6, v4  }
0x13d: {  	v51 =	vld [tilespmem:s13+$0x3900];
	v7 =	vsel vm7, $0x28, v7;
	vm7 =	vgt.f32 v6, v3;
	v4 =	vsel vm14, v6, v4  }
0x13e: {  	vm5 =	vnez.u8 v52;
	v5 =	vsel vm4, $0x29, v5;
	v4 =	vsel vm7, v3, v4  }
0x13f: {  	v3 =	vsel vm7, v6, v3;
	v6 =	vimm.s32 $0x0;
	vm6 =	vgt.f32 v8, v4  }
0x140: {  	v6 =	vsel vm6, $0xFFFFFFFF, v6;
	v4 =	vsel vm6, v8, v4;
	vm6 =	vgt.f32 v8, v3  }
0x141: {  	v5 =	vsel vm5, v7, v5;
	v7 =	vsel vm5, $0x29, v7;
	v4 =	vsel vm6, v3, v4  }
0x142: {  	[tilespmem:$0x1FFB0] =	vst v6;
	v6 =	vld [tilespmem:$0x1FE50];
	v3 =	vsel vm6, v8, v3;
	v8 =	vimm.s32 $0x0;
	vm5 =	vgt.f32 v51, v4  }
0x143: {  	v53 =	vld [tilespmem:$0x1FE60];
	v8 =	vsel vm5, $0xFFFFFFFF, v8  }
0x144: {  	[tilespmem:$0x1FFC0] =	vst v8;
	v8 =	vld [tilespmem:$0x1FE70]  }
0x145: {  	v54 =	vld [tilespmem:$0x1FE80]  }
0x146: {  	v49 =	vimm.s32 $0x0;
	v56 =	vld [tilespmem:$0x1FE90]  }
0x147: {  	[tilespmem:$0x1FF70] =	vst v9;
	v9 =	vsel vm14, $0xFFFFFFFF, v49;
	vm14 =	vnez.u8 v6;
	v6 =	vld [tilespmem:s13+$0x3980]  }
0x148: {  	vm4 =	vnez.u8 v53;
	v4 =	vsel vm5, v51, v4;
	v5 =	vsel vm14, $0x2A, v5  }
0x149: {  	vm5 =	vgt.f32 v51, v3;
	v5 =	vsel vm4, v7, v5;
	vm14 =	vnez.u8 v8  }
0x14a: {  	v7 =	vsel vm4, $0x2A, v7;
	vm4 =	vnez.u8 v54;
	v8 =	vld [tilespmem:s13+$0x3A00];
	v5 =	vsel vm14, $0x2B, v5  }
0x14b: {  	v4 =	vsel vm5, v3, v4;
	v3 =	vsel vm5, v51, v3;
	v5 =	vsel vm4, v7, v5  }
0x14c: {  	v7 =	vsel vm4, $0x2B, v7;
	vm14 =	vgt.f32 v6, v4;
	vm4 =	vnez.u8 v56  }
0x14d: {  	v5 =	vsel vm4, $0x2C, v5;
	v4 =	vsel vm14, v6, v4;
	vm4 =	vgt.f32 v6, v3  }
0x14e: {  	v58 =	vld [tilespmem:$0x1FEA0];
	v4 =	vsel vm4, v3, v4  }
0x14f: {  	v3 =	vsel vm4, v6, v3;
	v6 =	vimm.s32 $0x0;
	vm1 =	vgt.f32 v8, v4  }
0x150: {  	v6 =	vsel vm1, $0xFFFFFFFF, v6  }
0x151: {  	[tilespmem:$0x1FFE0] =	vst v6;
	v6 =	vld [tilespmem:$0x1FEB0]  }
0x152: {  	v55 =	vimm.s32 $0x0;
	v57 =	vld [tilespmem:s13+$0x3A80]  }
0x153: {  	[tilespmem:$0x1FFA0] =	vst v9;
	v9 =	vsel vm14, $0xFFFFFFFF, v55;
	vm14 =	vnez.u8 v58  }
0x154: {  	v5 =	vsel vm14, v7, v5  }
0x155: {  	v7 =	vsel vm14, $0x2C, v7;
	vm3 =	vgt.f32 v8, v3;
	v4 =	vsel vm1, v8, v4  }
0x156: {  	v4 =	vsel vm3, v3, v4;
	v3 =	vsel vm3, v8, v3;
	vm14 =	vnez.u8 v6  }
0x157: {  	v8 =	vimm.s32 $0x0;
	v5 =	vsel vm14, $0x2D, v5;
	vm14 =	vgt.f32 v57, v4  }
0x158: {  	v8 =	vsel vm14, $0xFFFFFFFF, v8  }
0x159: {  	[tilespmem:$0x1FFF0] =	vst v8;
	v8 =	vld [tilespmem:$0x1FEC0]  }
0x15a: {  	v59 =	vld [tilespmem:$0x1FED0];
	_ =	sdelay $0x1  }
0x15b: {  	v60 =	vld [tilespmem:$0x1FEE0]  }
0x15c: {  	v6 =	vld [tilespmem:s13+$0x3B00];
	v5 =	vsel vm13, v7, v5  }
0x15d: {  	v61 =	vld [tilespmem:$0x1FEF0];
	v7 =	vsel vm13, $0x2D, v7;
	v4 =	vsel vm14, v57, v4;
	vm13 =	vnez.u8 v8  }
0x15e: {  	v62 =	vld [tilespmem:$0x1FF00];
	vm14 =	vnez.u8 v59;
	v5 =	vsel vm13, $0x2E, v5;
	vm13 =	vgt.f32 v57, v3  }
0x15f: {  	v5 =	vsel vm12, v7, v5;
	v7 =	vsel vm12, $0x2E, v7;
	v4 =	vsel vm13, v3, v4  }
0x160: {  	v3 =	vsel vm13, v57, v3;
	vm12 =	vnez.u8 v60;
	v5 =	vsel vm14, $0x2F, v5  }
0x161: {  	vm14 =	vgt.f32 v6, v4;
	vm2 =	vgt.f32 v6, v3;
	v5 =	vsel vm12, v7, v5  }
0x162: {  	v8 =	vld [tilespmem:s13+$0x3B80];
	v4 =	vsel vm14, v6, v4;
	v7 =	vsel vm12, $0x2F, v7;
	vm12 =	vnez.u8 v61  }
0x163: {  	vm0 =	vnez.u8 v62;
	v5 =	vsel vm12, $0x30, v5;
	v4 =	vsel vm2, v3, v4  }
0x164: {  	v3 =	vsel vm2, v6, v3;
	v6 =	vsel vm0, $0x30, v7;
	v5 =	vsel vm0, v7, v5;
	v7 =	vld [tilespmem:$0x1FF10];
	_ =	sdelay $0x2  }
0x165: {  	vm12 =	vgt.f32 v8, v4  }
0x166: {  	vm1 =	vgt.f32 v8, v3;
	v4 =	vsel vm12, v8, v4  }
0x167: {  	vm0 =	vnez.u8 v7;
	v7 =	vsel vm1, v8, v3;
	v3 =	vsel vm1, v3, v4;
	v4 =	vld [tilespmem:$0x1FF20];
	_ =	sdelay $0x4  }
0x168: {  	v5 =	vsel vm0, $0x31, v5;
	vm0 =	vnez.u8 v4  }
0x169: {  	v4 =	vsel vm0, v6, v5;
	v5 =	vsel vm0, $0x31, v6;
	v6 =	vld [tilespmem:$0x1FF30];
	_ =	sdelay $0x3  }
0x16a: {  	[tilespmem:$0x1FF40] =	vst v10  }
0x16b: {  	vm0 =	vnez.u8 v6;
	v6 =	vld [tilespmem:$0x1FF40];
	_ =	sdelay $0x4  }
0x16c: {  	v4 =	vsel vm0, $0x32, v4;
	vm0 =	vnez.u8 v6;
	v6 =	vld [tilespmem:$0x1FF50];
	_ =	sdelay $0x1  }
0x16d: {  	v3 =	vsub.f32 v3, v7;
	_ =	sdelay $0x1  }
0x16e: {  	v3 =	vmul.f32 $1.442695020e+00, v3  }
0x16f: {  	v4 =	vsel vm0, v5, v4;
	v5 =	vsel vm0, $0x32, v5;
	vm0 =	vnez.u8 v6  }
0x170: {  	v4 =	vsel vm0, $0x33, v4  }
0x171: {  	(erf) = vpow2.f32 v3;
	v3 =	vsel vm15, v5, v4;
	v4 =	vsel vm15, $0x33, v5;
	v5 =	vld [tilespmem:$0x1FF60];
	_ =	sdelay $0x4  }
0x172: {  	vm15 =	vnez.u8 v5;
	v5 =	vld [tilespmem:$0x1FF70];
	_ =	sdelay $0x4  }
0x173: {  	v3 =	vsel vm15, $0x34, v3;
	vm15 =	vnez.u8 v5;
	v5 =	vld [tilespmem:$0x1FF80];
	_ =	sdelay $0x2  }
0x174: {  	v3 =	vsel vm11, v4, v3  }
0x175: {  	v4 =	vsel vm11, $0x34, v4;
	v3 =	vsel vm15, $0x35, v3  }
0x176: {  	v3 =	vsel vm10, v4, v3;
	v4 =	vsel vm10, $0x35, v4;
	vm10 =	vnez.u8 v5;
	v5 =	vld [tilespmem:$0x1FF90];
	_ =	sdelay $0x4  }
0x177: {  	vm11 =	vnez.u8 v5;
	v5 =	vld [tilespmem:$0x1FFA0];
	_ =	sdelay $0x3  }
0x178: {  	v7 =	vpop (erf)  }
0x179: {  	vm15 =	vnez.u8 v5;
	v5 =	vadd.f32 $1.000000000e+00, v7;
	_ =	sdelay $0x1  }
0x17a: {  	(erf) = vrcp.f32 v5;
	v5 =	vld [tilespmem:$0x1FFC0];
	_ =	sdelay $0x3  }
0x17b: {  	[tilespmem:$0x1FFD0] =	vst v9;
	v3 =	vsel vm10, $0x36, v3  }
0x17c: {  	v3 =	vsel vm9, v4, v3;
	v4 =	vsel vm9, $0x36, v4;
	vm9 =	vnez.u8 v5;
	v5 =	vld [tilespmem:$0x1FFD0];
	_ =	sdelay $0x1  }
0x17d: {  	v6 =	vld [tilespmem:$0x1FFB0];
	_ =	sdelay $0x1  }
0x17e: {  	v3 =	vsel vm11, $0x37, v3  }
0x17f: {  	v3 =	vsel vm8, v4, v3;
	vm10 =	vnez.u8 v5;
	v5 =	vld [tilespmem:$0x1FFE0]  }
0x180: {  	v4 =	vsel vm8, $0x37, v4;
	v3 =	vsel vm15, $0x38, v3  }
0x181: {  	vm8 =	vnez.u8 v6;
	v3 =	vsel vm7, v4, v3  }
0x182: {  	v4 =	vsel vm7, $0x38, v4;
	v3 =	vsel vm8, $0x39, v3  }
0x183: {  	v3 =	vsel vm6, v4, v3  }
0x184: {  	v4 =	vsel vm6, $0x39, v4;
	v3 =	vsel vm9, $0x3A, v3;
	vm11 =	vnez.u8 v5;
	v5 =	vld [tilespmem:$0x1FFF0]  }
0x185: {  	v3 =	vsel vm5, v4, v3  }
0x186: {  	v4 =	vsel vm5, $0x3A, v4;
	v3 =	vsel vm10, $0x3B, v3  }
0x187: {  	v3 =	vsel vm4, v4, v3  }
0x188: {  	v4 =	vsel vm4, $0x3B, v4;
	v3 =	vsel vm11, $0x3C, v3  }
0x189: {  	v6 =	vor.u32 s2, v0;
	v3 =	vsel vm3, v4, v3;
	vm15 =	vnez.u8 v5  }
0x18a: {  	v4 =	vsel vm3, $0x3C, v4;
	v5 =	vor.u32 s2, v2;
	v3 =	vsel vm15, $0x3D, v3  }
0x18b: {  	v3 =	vsel vm13, v4, v3  }
0x18c: {  	v8 =	vpop (erf);
	v4 =	vsel vm13, $0x3D, v4;
	v3 =	vsel vm14, $0x3E, v3  }
0x18d: {  	v7 =	vmul.f32 v8, v7;
	v3 =	vsel vm2, v4, v3  }
0x18e: {  	s19 =	simm.s32 $0x20;
	s15 =	simm.s32 $0x80;
	s14 =	simm.s32 $0x10;
	[tilespmem:v6+s10+$0x0] =	vst.idx.msk $0xffff, v8;
	v63 =	vsel vm2, $0x3E, v4;
	v3 =	vsel vm12, $0x3F, v3  }
0x18f: {  	s18 =	sand.u32 $0x400, s15;
	s17 =	sand.u32 $0x70, s14;
	s13 =	simm.s32 $0x0;
	v4 =	vsel vm1, $0x3F, v63;
	[tilespmem:v5+s10+$0x0] =	vst.idx.msk $0xffff, v7;
	v3 =	vsel vm1, v63, v3  }
.LBB2_2:
0x190: {  	s17 =	sor.u32 s17, s18  }
0x191: {  	[tilespmem:v6+s11+$0x0] =	vst.idx.msk $0xffff, v4;
	s13 =	sadd.s32 $0x20, s13;
	s18 =	smov.u32 s19;
	s16 =	sadd.s32 $0x10, s19  }
0x192: {  	p0 =	sne.s32 s19, $0xF0;
	[tilespmem:v5+s11+$0x0] =	vst.idx.msk $0xffff, v3  }
0x193: {  	v3 =	vld [tilespmem:s17+$0x0]  }
0x194: {  	v4 =	vld [tilespmem:s17+$0x80];
	_ =	sdelay $0x3  }
0x195: {  	vm0 =	vgt.f32 v3, $-Inf;
	v5 =	vld [tilespmem:s17+$0x100]  }
0x196: {  	v3 =	vnsel vm0, $0xFF800000, v3;
	vm0 =	vlt.f32 v4, $-Inf;
	vm1 =	vgt.f32 v4, $-Inf  }
0x197: {  	vm2 =	vgt.f32 v4, v3;
	vm0 =	vmor vm1, vm0  }
0x198: {  	vm1 =	vmneg vm2;
	v6 =	vnsel vm0, $0xFF800000, v4;
	v7 =	vsel vm2, $0x1, v1;
	v8 =	vld [tilespmem:s17+$0x180]  }
0x199: {  	v6 =	vsel vm1, v6, v3;
	vm0 =	vmand vm0, vm1;
	v3 =	vsel vm1, v3, v4  }
0x19a: {  	v4 =	vsel vm0, $0x1, v1;
	vm0 =	vgt.f32 v5, v6  }
0x19b: {  	vm1 =	vgt.f32 v5, v3;
	v6 =	vsel vm0, v5, v6;
	v4 =	vsel vm0, $0x2, v4;
	v9 =	vld [tilespmem:s17+$0x200]  }
0x19c: {  	v6 =	vsel vm1, v3, v6;
	v4 =	vsel vm1, v7, v4;
	v3 =	vsel vm1, v5, v3  }
0x19d: {  	v5 =	vsel vm1, $0x2, v7;
	vm0 =	vgt.f32 v8, v6  }
0x19e: {  	vm1 =	vgt.f32 v8, v3;
	v6 =	vsel vm0, v8, v6;
	v4 =	vsel vm0, $0x3, v4;
	v7 =	vld [tilespmem:s17+$0x280]  }
0x19f: {  	v6 =	vsel vm1, v3, v6;
	v4 =	vsel vm1, v5, v4;
	v3 =	vsel vm1, v8, v3  }
0x1a0: {  	v5 =	vsel vm1, $0x3, v5;
	vm0 =	vgt.f32 v9, v6  }
0x1a1: {  	vm1 =	vgt.f32 v9, v3;
	v6 =	vsel vm0, v9, v6;
	v4 =	vsel vm0, $0x4, v4;
	v8 =	vld [tilespmem:s17+$0x300]  }
0x1a2: {  	s19 =	sor.u32 s15, s14;
	s14 =	smov.u32 s18;
	v6 =	vsel vm1, v3, v6;
	v4 =	vsel vm1, v5, v4;
	v3 =	vsel vm1, v9, v3  }
0x1a3: {  	s18 =	sor.u32 $0x380, s19;
	v5 =	vsel vm1, $0x4, v5;
	vm0 =	vgt.f32 v7, v6  }
0x1a4: {  	vm1 =	vgt.f32 v7, v3;
	v6 =	vsel vm0, v7, v6;
	v4 =	vsel vm0, $0x5, v4;
	v9 =	vld [tilespmem:s18+$0x0]  }
0x1a5: {  	v6 =	vsel vm1, v3, v6;
	v4 =	vsel vm1, v5, v4;
	v3 =	vsel vm1, v7, v3  }
0x1a6: {  	v5 =	vsel vm1, $0x5, v5;
	vm0 =	vgt.f32 v8, v6  }
0x1a7: {  	vm1 =	vgt.f32 v8, v3;
	v6 =	vsel vm0, v8, v6;
	v4 =	vsel vm0, $0x6, v4;
	v7 =	vld [tilespmem:s17+$0x800]  }
0x1a8: {  	v6 =	vsel vm1, v3, v6;
	v4 =	vsel vm1, v5, v4;
	v3 =	vsel vm1, v8, v3  }
0x1a9: {  	v5 =	vsel vm1, $0x6, v5;
	vm0 =	vgt.f32 v9, v6;
	v8 =	vld [tilespmem:s17+$0x880]  }
0x1aa: {  	vm1 =	vgt.f32 v9, v3;
	v6 =	vsel vm0, v9, v6;
	v4 =	vsel vm0, $0x7, v4  }
0x1ab: {  	v6 =	vsel vm1, v3, v6;
	v4 =	vsel vm1, v5, v4;
	v3 =	vsel vm1, v9, v3  }
0x1ac: {  	v5 =	vsel vm1, $0x7, v5;
	vm0 =	vgt.f32 v7, v6;
	v9 =	vld [tilespmem:s17+$0x900]  }
0x1ad: {  	vm1 =	vgt.f32 v7, v3;
	v6 =	vsel vm0, v7, v6;
	v4 =	vsel vm0, $0x8, v4  }
0x1ae: {  	v6 =	vsel vm1, v3, v6;
	v3 =	vsel vm1, v7, v3;
	v7 =	vsel vm1, $0x8, v5  }
0x1af: {  	v4 =	vsel vm1, v5, v4;
	vm0 =	vgt.f32 v8, v6  }
0x1b0: {  	vm1 =	vgt.f32 v8, v3;
	v5 =	vsel vm0, v8, v6;
	v4 =	vsel vm0, $0x9, v4;
	v6 =	vld [tilespmem:s17+$0x980]  }
0x1b1: {  	v5 =	vsel vm1, v3, v5;
	v4 =	vsel vm1, v7, v4;
	v3 =	vsel vm1, v8, v3  }
0x1b2: {  	vm0 =	vgt.f32 v9, v3;
	vm2 =	vgt.f32 v9, v5  }
0x1b3: {  	v7 =	vsel vm1, $0x9, v7;
	v5 =	vsel vm2, v9, v5;
	v4 =	vsel vm2, $0xA, v4;
	v8 =	vld [tilespmem:s17+$0xA00]  }
0x1b4: {  	v5 =	vsel vm0, v3, v5;
	v4 =	vsel vm0, v7, v4;
	v3 =	vsel vm0, v9, v3  }
0x1b5: {  	vm1 =	vgt.f32 v6, v3;
	vm2 =	vgt.f32 v6, v5  }
0x1b6: {  	v7 =	vsel vm0, $0xA, v7;
	v5 =	vsel vm2, v6, v5;
	v4 =	vsel vm2, $0xB, v4;
	v9 =	vld [tilespmem:s17+$0xA80]  }
0x1b7: {  	v5 =	vsel vm1, v3, v5;
	v4 =	vsel vm1, v7, v4;
	v3 =	vsel vm1, v6, v3  }
0x1b8: {  	v6 =	vsel vm1, $0xB, v7;
	vm0 =	vgt.f32 v8, v3;
	vm1 =	vgt.f32 v8, v5  }
0x1b9: {  	v5 =	vsel vm1, v8, v5;
	v4 =	vsel vm1, $0xC, v4;
	v7 =	vsel vm0, v8, v3;
	v8 =	vld [tilespmem:s17+$0xB00]  }
0x1ba: {  	v3 =	vsel vm0, v3, v5;
	v4 =	vsel vm0, v6, v4  }
0x1bb: {  	v5 =	vsel vm0, $0xC, v6;
	vm0 =	vgt.f32 v9, v7;
	vm1 =	vgt.f32 v9, v3  }
0x1bc: {  	v3 =	vsel vm1, v9, v3;
	v4 =	vsel vm1, $0xD, v4;
	v6 =	vsel vm0, v9, v7;
	v9 =	vld [tilespmem:s17+$0xB80]  }
0x1bd: {  	v3 =	vsel vm0, v7, v3;
	v4 =	vsel vm0, v5, v4  }
0x1be: {  	vm1 =	vgt.f32 v8, v6;
	vm2 =	vgt.f32 v8, v3  }
0x1bf: {  	v5 =	vsel vm0, $0xD, v5;
	v3 =	vsel vm2, v8, v3;
	v4 =	vsel vm2, $0xE, v4;
	v7 =	vld [tilespmem:s17+$0x1000]  }
0x1c0: {  	v3 =	vsel vm1, v6, v3;
	v4 =	vsel vm1, v5, v4;
	v6 =	vsel vm1, v8, v6  }
0x1c1: {  	v5 =	vsel vm1, $0xE, v5;
	vm0 =	vgt.f32 v9, v6;
	vm1 =	vgt.f32 v9, v3  }
0x1c2: {  	v3 =	vsel vm1, v9, v3;
	v4 =	vsel vm1, $0xF, v4;
	v8 =	vsel vm0, $0xF, v5;
	v10 =	vld [tilespmem:s17+$0x1080]  }
0x1c3: {  	v3 =	vsel vm0, v6, v3;
	v4 =	vsel vm0, v5, v4;
	v5 =	vsel vm0, v9, v6  }
0x1c4: {  	vm0 =	vgt.f32 v7, v5;
	vm1 =	vgt.f32 v7, v3  }
0x1c5: {  	v3 =	vsel vm1, v7, v3;
	v4 =	vsel vm1, $0x10, v4;
	v6 =	vsel vm0, v7, v5;
	v7 =	vld [tilespmem:s17+$0x1100]  }
0x1c6: {  	v3 =	vsel vm0, v5, v3;
	v4 =	vsel vm0, v8, v4;
	v5 =	vsel vm0, $0x10, v8  }
0x1c7: {  	vm0 =	vgt.f32 v10, v6;
	vm1 =	vgt.f32 v10, v3  }
0x1c8: {  	v3 =	vsel vm1, v10, v3;
	v4 =	vsel vm1, $0x11, v4;
	v8 =	vsel vm0, v10, v6;
	v9 =	vld [tilespmem:s17+$0x1180]  }
0x1c9: {  	v3 =	vsel vm0, v6, v3;
	v4 =	vsel vm0, v5, v4;
	v5 =	vsel vm0, $0x11, v5  }
0x1ca: {  	vm0 =	vgt.f32 v7, v8;
	vm1 =	vgt.f32 v7, v3  }
0x1cb: {  	v3 =	vsel vm1, v7, v3;
	v4 =	vsel vm1, $0x12, v4;
	v6 =	vld [tilespmem:s17+$0x1200]  }
0x1cc: {  	v7 =	vsel vm0, v7, v8;
	v3 =	vsel vm0, v8, v3;
	v4 =	vsel vm0, v5, v4  }
0x1cd: {  	vm1 =	vgt.f32 v9, v7;
	vm2 =	vgt.f32 v9, v3  }
0x1ce: {  	v5 =	vsel vm0, $0x12, v5;
	v3 =	vsel vm2, v9, v3;
	v4 =	vsel vm2, $0x13, v4;
	v8 =	vld [tilespmem:s17+$0x1280]  }
0x1cf: {  	v3 =	vsel vm1, v7, v3;
	v4 =	vsel vm1, v5, v4;
	v7 =	vsel vm1, v9, v7  }
0x1d0: {  	v5 =	vsel vm1, $0x13, v5;
	vm0 =	vgt.f32 v6, v7;
	vm1 =	vgt.f32 v6, v3  }
0x1d1: {  	v3 =	vsel vm1, v6, v3;
	v4 =	vsel vm1, $0x14, v4;
	v6 =	vsel vm0, v6, v7;
	v9 =	vld [tilespmem:s17+$0x1300]  }
0x1d2: {  	v3 =	vsel vm0, v7, v3;
	v4 =	vsel vm0, v5, v4  }
0x1d3: {  	vm1 =	vgt.f32 v8, v6;
	vm2 =	vgt.f32 v8, v3  }
0x1d4: {  	v3 =	vsel vm2, v8, v3;
	v7 =	vsel vm1, v8, v6;
	v8 =	vld [tilespmem:s17+$0x1380]  }
0x1d5: {  	v5 =	vsel vm0, $0x14, v5;
	v4 =	vsel vm2, $0x15, v4;
	v3 =	vsel vm1, v6, v3  }
0x1d6: {  	v4 =	vsel vm1, v5, v4;
	vm0 =	vgt.f32 v9, v7;
	vm2 =	vgt.f32 v9, v3  }
0x1d7: {  	v3 =	vsel vm2, v9, v3;
	v4 =	vsel vm2, $0x16, v4;
	v6 =	vsel vm0, v9, v7;
	v9 =	vld [tilespmem:s17+$0x1800]  }
0x1d8: {  	v5 =	vsel vm1, $0x15, v5;
	v3 =	vsel vm0, v7, v3  }
0x1d9: {  	v4 =	vsel vm0, v5, v4;
	vm1 =	vgt.f32 v8, v6;
	vm2 =	vgt.f32 v8, v3  }
0x1da: {  	v3 =	vsel vm2, v8, v3;
	v7 =	vsel vm1, v8, v6;
	v8 =	vld [tilespmem:s17+$0x1880]  }
0x1db: {  	v5 =	vsel vm0, $0x16, v5;
	v4 =	vsel vm2, $0x17, v4;
	v3 =	vsel vm1, v6, v3  }
0x1dc: {  	v4 =	vsel vm1, v5, v4;
	vm0 =	vgt.f32 v9, v7;
	vm2 =	vgt.f32 v9, v3  }
0x1dd: {  	v5 =	vsel vm1, $0x17, v5;
	v3 =	vsel vm2, v9, v3;
	v4 =	vsel vm2, $0x18, v4;
	v6 =	vld [tilespmem:s17+$0x1900]  }
0x1de: {  	v3 =	vsel vm0, v7, v3;
	v4 =	vsel vm0, v5, v4;
	v7 =	vsel vm0, v9, v7  }
0x1df: {  	v5 =	vsel vm0, $0x18, v5;
	vm0 =	vgt.f32 v8, v7;
	vm1 =	vgt.f32 v8, v3  }
0x1e0: {  	v3 =	vsel vm1, v8, v3;
	v4 =	vsel vm1, $0x19, v4;
	v9 =	vld [tilespmem:s17+$0x1980]  }
0x1e1: {  	v3 =	vsel vm0, v7, v3;
	v4 =	vsel vm0, v5, v4;
	v7 =	vsel vm0, v8, v7  }
0x1e2: {  	vm1 =	vgt.f32 v6, v7;
	vm2 =	vgt.f32 v6, v3  }
0x1e3: {  	v5 =	vsel vm0, $0x19, v5;
	v3 =	vsel vm2, v6, v3;
	v4 =	vsel vm2, $0x1A, v4;
	v8 =	vld [tilespmem:s17+$0x1A00]  }
0x1e4: {  	v6 =	vsel vm1, v6, v7;
	v3 =	vsel vm1, v7, v3;
	v4 =	vsel vm1, v5, v4  }
0x1e5: {  	vm0 =	vgt.f32 v9, v6;
	vm2 =	vgt.f32 v9, v3  }
0x1e6: {  	v5 =	vsel vm1, $0x1A, v5;
	v3 =	vsel vm2, v9, v3;
	v4 =	vsel vm2, $0x1B, v4;
	v7 =	vld [tilespmem:s17+$0x1A80]  }
0x1e7: {  	v3 =	vsel vm0, v6, v3;
	v4 =	vsel vm0, v5, v4;
	v6 =	vsel vm0, v9, v6  }
0x1e8: {  	vm1 =	vgt.f32 v8, v6;
	vm2 =	vgt.f32 v8, v3  }
0x1e9: {  	v5 =	vsel vm0, $0x1B, v5;
	v3 =	vsel vm2, v8, v3;
	v4 =	vsel vm2, $0x1C, v4;
	v9 =	vld [tilespmem:s17+$0x1B00]  }
0x1ea: {  	v3 =	vsel vm1, v6, v3;
	v4 =	vsel vm1, v5, v4;
	v6 =	vsel vm1, v8, v6  }
0x1eb: {  	vm0 =	vgt.f32 v7, v6;
	vm2 =	vgt.f32 v7, v3  }
0x1ec: {  	v3 =	vsel vm2, v7, v3;
	v4 =	vsel vm2, $0x1D, v4;
	v8 =	vld [tilespmem:s17+$0x1B80]  }
0x1ed: {  	v5 =	vsel vm1, $0x1C, v5;
	v3 =	vsel vm0, v6, v3;
	v6 =	vsel vm0, v7, v6  }
0x1ee: {  	v7 =	vsel vm0, $0x1D, v5;
	vm1 =	vgt.f32 v9, v6;
	vm2 =	vgt.f32 v9, v3  }
0x1ef: {  	v4 =	vsel vm0, v5, v4;
	v3 =	vsel vm2, v9, v3;
	v5 =	vsel vm1, $0x1E, v7;
	v10 =	vld [tilespmem:s17+$0x2000]  }
0x1f0: {  	v4 =	vsel vm2, $0x1E, v4;
	v3 =	vsel vm1, v6, v3;
	v6 =	vsel vm1, v9, v6  }
0x1f1: {  	v4 =	vsel vm1, v7, v4;
	vm0 =	vgt.f32 v8, v6;
	vm1 =	vgt.f32 v8, v3  }
0x1f2: {  	v3 =	vsel vm1, v8, v3;
	v4 =	vsel vm1, $0x1F, v4;
	v7 =	vsel vm0, $0x1F, v5;
	v9 =	vld [tilespmem:s17+$0x2080]  }
0x1f3: {  	v3 =	vsel vm0, v6, v3;
	v4 =	vsel vm0, v5, v4;
	v5 =	vsel vm0, v8, v6  }
0x1f4: {  	vm0 =	vgt.f32 v10, v5;
	vm1 =	vgt.f32 v10, v3  }
0x1f5: {  	v3 =	vsel vm1, v10, v3;
	v4 =	vsel vm1, $0x20, v4;
	v6 =	vsel vm0, $0x20, v7;
	v8 =	vld [tilespmem:s17+$0x2100]  }
0x1f6: {  	v3 =	vsel vm0, v5, v3;
	v4 =	vsel vm0, v7, v4;
	v5 =	vsel vm0, v10, v5  }
0x1f7: {  	vm0 =	vgt.f32 v9, v5;
	vm1 =	vgt.f32 v9, v3  }
0x1f8: {  	v3 =	vsel vm1, v9, v3;
	v4 =	vsel vm1, $0x21, v4;
	v7 =	vsel vm0, v9, v5;
	v9 =	vld [tilespmem:s17+$0x2180]  }
0x1f9: {  	v3 =	vsel vm0, v5, v3;
	v4 =	vsel vm0, v6, v4  }
0x1fa: {  	v5 =	vsel vm0, $0x21, v6;
	vm0 =	vgt.f32 v8, v7;
	vm1 =	vgt.f32 v8, v3  }
0x1fb: {  	v3 =	vsel vm1, v8, v3;
	v6 =	vsel vm0, v8, v7;
	v8 =	vsel vm0, $0x22, v5;
	v10 =	vld [tilespmem:s17+$0x2200]  }
0x1fc: {  	v4 =	vsel vm1, $0x22, v4;
	v3 =	vsel vm0, v7, v3  }
0x1fd: {  	v4 =	vsel vm0, v5, v4;
	vm0 =	vgt.f32 v9, v6;
	vm1 =	vgt.f32 v9, v3  }
0x1fe: {  	v3 =	vsel vm1, v9, v3;
	v4 =	vsel vm1, $0x23, v4;
	v5 =	vsel vm0, $0x23, v8;
	v7 =	vld [tilespmem:s17+$0x2280]  }
0x1ff: {  	v3 =	vsel vm0, v6, v3;
	v4 =	vsel vm0, v8, v4;
	v6 =	vsel vm0, v9, v6  }
0x200: {  	vm5 =	vgt.f32 v10, v6;
	vm0 =	vgt.f32 v10, v3  }
0x201: {  	v3 =	vsel vm0, v10, v3;
	v4 =	vsel vm0, $0x24, v4;
	v8 =	vld [tilespmem:s17+$0x2300]  }
0x202: {  	v3 =	vsel vm5, v6, v3;
	v4 =	vsel vm5, v5, v4;
	v6 =	vsel vm5, v10, v6  }
0x203: {  	vm2 =	vgt.f32 v7, v6;
	vm6 =	vgt.f32 v7, v3  }
0x204: {  	v3 =	vsel vm6, v7, v3;
	v9 =	vld [tilespmem:s17+$0x2380]  }
0x205: {  	v3 =	vsel vm2, v6, v3;
	v6 =	vsel vm2, v7, v6  }
0x206: {  	vm0 =	vgt.f32 v8, v6;
	vm3 =	vgt.f32 v8, v3  }
0x207: {  	v3 =	vsel vm3, v8, v3;
	v7 =	vld [tilespmem:s17+$0x2800]  }
0x208: {  	v3 =	vsel vm0, v6, v3;
	v6 =	vsel vm0, v8, v6  }
0x209: {  	vm1 =	vgt.f32 v9, v6;
	vm4 =	vgt.f32 v9, v3  }
0x20a: {  	v5 =	vsel vm5, $0x24, v5;
	v4 =	vsel vm6, $0x25, v4;
	v3 =	vsel vm4, v9, v3;
	v8 =	vld [tilespmem:s17+$0x2880]  }
0x20b: {  	v10 =	vsel vm2, $0x25, v5;
	v3 =	vsel vm1, v6, v3;
	v6 =	vsel vm1, v9, v6  }
0x20c: {  	v9 =	vsel vm0, $0x26, v10;
	vm5 =	vgt.f32 v7, v6;
	vm6 =	vgt.f32 v7, v3  }
0x20d: {  	v4 =	vsel vm2, v5, v4;
	v5 =	vsel vm1, $0x27, v9;
	v3 =	vsel vm6, v7, v3;
	v11 =	vld [tilespmem:s17+$0x2900]  }
0x20e: {  	v3 =	vsel vm5, v6, v3;
	v6 =	vsel vm5, v7, v6;
	v7 =	vsel vm5, $0x28, v5  }
0x20f: {  	v4 =	vsel vm3, $0x26, v4;
	vm2 =	vgt.f32 v8, v6;
	vm3 =	vgt.f32 v8, v3;
	v12 =	vld [tilespmem:s17+$0x2980]  }
0x210: {  	v4 =	vsel vm0, v10, v4;
	v3 =	vsel vm3, v8, v3;
	v8 =	vsel vm2, v8, v6  }
0x211: {  	v4 =	vsel vm4, $0x27, v4;
	v3 =	vsel vm2, v6, v3  }
0x212: {  	v4 =	vsel vm1, v9, v4;
	vm0 =	vgt.f32 v11, v8;
	vm1 =	vgt.f32 v11, v3  }
0x213: {  	v4 =	vsel vm6, $0x28, v4;
	v3 =	vsel vm1, v11, v3;
	v6 =	vsel vm0, v11, v8;
	v9 =	vld [tilespmem:s17+$0x2A00]  }
0x214: {  	v4 =	vsel vm5, v5, v4;
	v3 =	vsel vm0, v8, v3;
	vm4 =	vgt.f32 v12, v6  }
0x215: {  	v4 =	vsel vm3, $0x29, v4;
	v5 =	vsel vm2, $0x29, v7;
	vm3 =	vgt.f32 v12, v3  }
0x216: {  	v8 =	vsel vm0, $0x2A, v5;
	v10 =	vsel vm4, v12, v6;
	v3 =	vsel vm3, v12, v3;
	v11 =	vld [tilespmem:s17+$0x2A80]  }
0x217: {  	v4 =	vsel vm2, v7, v4;
	v3 =	vsel vm4, v6, v3;
	v6 =	vsel vm4, $0x2B, v8  }
0x218: {  	v4 =	vsel vm1, $0x2A, v4;
	vm1 =	vgt.f32 v9, v10;
	vm2 =	vgt.f32 v9, v3  }
0x219: {  	v4 =	vsel vm0, v5, v4;
	v3 =	vsel vm2, v9, v3;
	v5 =	vsel vm1, $0x2C, v6;
	v7 =	vld [tilespmem:s17+$0x2B00]  }
0x21a: {  	v4 =	vsel vm3, $0x2B, v4;
	v9 =	vsel vm1, v9, v10;
	v3 =	vsel vm1, v10, v3  }
0x21b: {  	v4 =	vsel vm4, v8, v4;
	vm0 =	vgt.f32 v11, v9;
	vm3 =	vgt.f32 v11, v3  }
0x21c: {  	v4 =	vsel vm2, $0x2C, v4;
	v3 =	vsel vm3, v11, v3;
	v8 =	vsel vm0, $0x2D, v5;
	v10 =	vld [tilespmem:s17+$0x2B80]  }
0x21d: {  	v4 =	vsel vm1, v6, v4;
	v3 =	vsel vm0, v9, v3  }
0x21e: {  	v4 =	vsel vm3, $0x2D, v4;
	v6 =	vsel vm0, v11, v9;
	vm1 =	vgt.f32 v7, v3  }
0x21f: {  	v4 =	vsel vm0, v5, v4;
	vm0 =	vgt.f32 v7, v6;
	v3 =	vsel vm1, v7, v3;
	v5 =	vld [tilespmem:s17+$0x3000]  }
0x220: {  	v4 =	vsel vm1, $0x2E, v4;
	v3 =	vsel vm0, v6, v3;
	v6 =	vsel vm0, v7, v6  }
0x221: {  	v4 =	vsel vm0, v8, v4;
	vm1 =	vgt.f32 v10, v6;
	vm2 =	vgt.f32 v10, v3  }
0x222: {  	v7 =	vsel vm0, $0x2E, v8;
	v3 =	vsel vm2, v10, v3;
	v4 =	vsel vm2, $0x2F, v4;
	v8 =	vld [tilespmem:s17+$0x3080]  }
0x223: {  	v3 =	vsel vm1, v6, v3;
	v4 =	vsel vm1, v7, v4;
	v6 =	vsel vm1, v10, v6  }
0x224: {  	vm0 =	vgt.f32 v5, v6;
	vm2 =	vgt.f32 v5, v3  }
0x225: {  	v7 =	vsel vm1, $0x2F, v7;
	v3 =	vsel vm2, v5, v3;
	v4 =	vsel vm2, $0x30, v4;
	v9 =	vld [tilespmem:s17+$0x3100]  }
0x226: {  	v5 =	vsel vm0, v5, v6;
	v3 =	vsel vm0, v6, v3;
	v6 =	vsel vm0, $0x30, v7  }
0x227: {  	v4 =	vsel vm0, v7, v4;
	vm0 =	vgt.f32 v8, v5;
	vm1 =	vgt.f32 v8, v3;
	v7 =	vld [tilespmem:s17+$0x3180]  }
0x228: {  	v3 =	vsel vm1, v8, v3;
	v4 =	vsel vm1, $0x31, v4;
	v10 =	vsel vm0, $0x31, v6  }
0x229: {  	v3 =	vsel vm0, v5, v3;
	v4 =	vsel vm0, v6, v4;
	v5 =	vsel vm0, v8, v5;
	v6 =	vld [tilespmem:s17+$0x3200]  }
0x22a: {  	vm0 =	vgt.f32 v9, v5;
	vm1 =	vgt.f32 v9, v3  }
0x22b: {  	v3 =	vsel vm1, v9, v3;
	v8 =	vsel vm0, v9, v5;
	v9 =	vsel vm0, $0x32, v10;
	v11 =	vld [tilespmem:s17+$0x3280]  }
0x22c: {  	v4 =	vsel vm1, $0x32, v4;
	v3 =	vsel vm0, v5, v3;
	vm1 =	vgt.f32 v7, v8  }
0x22d: {  	vm2 =	vgt.f32 v7, v3;
	v5 =	vsel vm1, v7, v8;
	v12 =	vsel vm1, $0x33, v9;
	v13 =	vld [tilespmem:s17+$0x3300]  }
0x22e: {  	v4 =	vsel vm0, v10, v4;
	v3 =	vsel vm2, v7, v3;
	vm0 =	vgt.f32 v6, v5  }
0x22f: {  	v4 =	vsel vm2, $0x33, v4;
	v3 =	vsel vm1, v8, v3;
	v7 =	vsel vm0, v6, v5;
	v8 =	vld [tilespmem:s17+$0x3380]  }
0x230: {  	v10 =	vsel vm0, $0x34, v12;
	vm2 =	vgt.f32 v6, v3;
	vm3 =	vgt.f32 v11, v7  }
0x231: {  	v3 =	vsel vm2, v6, v3;
	v6 =	vsel vm3, v11, v7;
	v14 =	vsel vm3, $0x35, v10  }
0x232: {  	v4 =	vsel vm1, v9, v4;
	v3 =	vsel vm0, v5, v3;
	vm1 =	vgt.f32 v13, v6  }
0x233: {  	vm4 =	vgt.f32 v11, v3;
	v5 =	vsel vm1, v13, v6;
	v9 =	vsel vm1, $0x36, v14  }
0x234: {  	v4 =	vsel vm2, $0x34, v4;
	v3 =	vsel vm4, v11, v3;
	vm2 =	vgt.f32 v8, v5  }
0x235: {  	v4 =	vsel vm0, v12, v4;
	v3 =	vsel vm3, v7, v3;
	v7 =	vsel vm2, $0x37, v9  }
0x236: {  	v4 =	vsel vm4, $0x35, v4;
	vm0 =	vgt.f32 v13, v3  }
0x237: {  	v4 =	vsel vm3, v10, v4;
	v3 =	vsel vm0, v13, v3;
	v10 =	vld [tilespmem:s17+$0x3800]  }
0x238: {  	v4 =	vsel vm0, $0x36, v4;
	v3 =	vsel vm1, v6, v3  }
0x239: {  	v4 =	vsel vm1, v14, v4;
	vm0 =	vgt.f32 v8, v3  }
0x23a: {  	v3 =	vsel vm0, v8, v3;
	v4 =	vsel vm0, $0x37, v4;
	v6 =	vld [tilespmem:s17+$0x3880]  }
0x23b: {  	v3 =	vsel vm2, v5, v3;
	v4 =	vsel vm2, v9, v4  }
0x23c: {  	v5 =	vsel vm2, v8, v5;
	vm0 =	vgt.f32 v10, v3  }
0x23d: {  	vm1 =	vgt.f32 v10, v5;
	v3 =	vsel vm0, v10, v3;
	v4 =	vsel vm0, $0x38, v4;
	v8 =	vld [tilespmem:s17+$0x3900]  }
0x23e: {  	v9 =	vsel vm1, $0x38, v7;
	v3 =	vsel vm1, v5, v3;
	v5 =	vsel vm1, v10, v5  }
0x23f: {  	v4 =	vsel vm1, v7, v4;
	vm0 =	vgt.f32 v6, v5;
	vm1 =	vgt.f32 v6, v3  }
0x240: {  	v3 =	vsel vm1, v6, v3;
	v4 =	vsel vm1, $0x39, v4;
	v7 =	vld [tilespmem:s17+$0x3980]  }
0x241: {  	v3 =	vsel vm0, v5, v3;
	v4 =	vsel vm0, v9, v4;
	v5 =	vsel vm0, v6, v5  }
0x242: {  	vm1 =	vgt.f32 v8, v5;
	vm2 =	vgt.f32 v8, v3  }
0x243: {  	v6 =	vsel vm0, $0x39, v9;
	v3 =	vsel vm2, v8, v3;
	v4 =	vsel vm2, $0x3A, v4;
	v9 =	vld [tilespmem:s17+$0x3A00]  }
0x244: {  	v3 =	vsel vm1, v5, v3;
	v4 =	vsel vm1, v6, v4;
	v5 =	vsel vm1, v8, v5  }
0x245: {  	vm0 =	vgt.f32 v7, v5;
	vm2 =	vgt.f32 v7, v3  }
0x246: {  	v6 =	vsel vm1, $0x3A, v6;
	v3 =	vsel vm2, v7, v3;
	v4 =	vsel vm2, $0x3B, v4;
	v8 =	vld [tilespmem:s17+$0x3A80]  }
0x247: {  	v3 =	vsel vm0, v5, v3;
	v5 =	vsel vm0, v7, v5;
	v7 =	vsel vm0, $0x3B, v6  }
0x248: {  	v4 =	vsel vm0, v6, v4;
	vm0 =	vgt.f32 v9, v5;
	vm1 =	vgt.f32 v9, v3  }
0x249: {  	v3 =	vsel vm1, v9, v3;
	v4 =	vsel vm1, $0x3C, v4;
	v6 =	vld [tilespmem:s17+$0x3B00]  }
0x24a: {  	v3 =	vsel vm0, v5, v3;
	v4 =	vsel vm0, v7, v4;
	v5 =	vsel vm0, v9, v5  }
0x24b: {  	vm1 =	vgt.f32 v8, v5;
	vm2 =	vgt.f32 v8, v3  }
0x24c: {  	v3 =	vsel vm2, v8, v3;
	v4 =	vsel vm2, $0x3D, v4;
	v9 =	vld [tilespmem:s17+$0x3B80]  }
0x24d: {  	v3 =	vsel vm1, v5, v3;
	v5 =	vsel vm1, v8, v5  }
0x24e: {  	vm2 =	vgt.f32 v6, v5;
	vm3 =	vgt.f32 v6, v3  }
0x24f: {  	v7 =	vsel vm0, $0x3C, v7;
	v3 =	vsel vm3, v6, v3  }
0x250: {  	v8 =	vsel vm1, $0x3D, v7;
	v3 =	vsel vm2, v5, v3;
	v5 =	vsel vm2, v6, v5  }
0x251: {  	v4 =	vsel vm1, v7, v4;
	vm0 =	vgt.f32 v9, v5;
	vm1 =	vgt.f32 v9, v3  }
0x252: {  	v4 =	vsel vm3, $0x3E, v4;
	v3 =	vsel vm1, v9, v3;
	v6 =	vsel vm0, v9, v5  }
0x253: {  	v7 =	vsel vm2, $0x3E, v8;
	v4 =	vsel vm2, v8, v4;
	v3 =	vsel vm0, v5, v3  }
0x254: {  	v5 =	vsel vm1, $0x3F, v4;
	v4 =	vsel vm0, $0x3F, v7;
	v6 =	vsub.f32 v3, v6  }
0x255: {  	v3 =	vsel vm0, v7, v5  }
0x256: {  	v5 =	vmul.f32 $1.442695020e+00, v6;
	_ =	sdelay $0x1  }
0x257: {  	(erf) = vpow2.f32 v5;
	_ =	sdelay $0x8  }
0x258: {  	v7 =	vpop (erf)  }
0x259: {  	v5 =	vadd.f32 $1.000000000e+00, v7;
	_ =	sdelay $0x1  }
0x25a: {  	(erf) = vrcp.f32 v5;
	_ =	sdelay $0x4  }
0x25b: {  	v6 =	vor.u32 s13, v0;
	_ =	sdelay $0x1  }
0x25c: {  	v5 =	vor.u32 s13, v2  }
.Ltmp0:
0x25d: {  	(pc) =	sbr.rel @p0 .LBB2_2-.Ltmp0, $4  }
0x25e: {  	v8 =	vpop (erf)  }
0x25f: {  	[tilespmem:v6+s10+$0x0] =	vst.idx.msk $0xffff, v8;
	v7 =	vmul.f32 v8, v7  }
0x260: {  	s15 =	sadd.s32 $0x80, s15  }
0x261: {  	s19 =	smov.u32 s16;
	s18 =	sand.u32 $0x400, s15;
	s17 =	sand.u32 $0x70, s14;
	[tilespmem:v5+s10+$0x0] =	vst.idx.msk $0xffff, v7  }
0x262: {  	_ =	sdelay $0x3  }
0x263: {  	[tilespmem:v6+s11+$0x0] =	vst.idx.msk $0xffff, v4  }
0x264: {  	s16 =	sor.u32 s17, s18;
	[tilespmem:v5+s11+$0x0] =	vst.idx.msk $0xffff, v3  }
0x265: {  	v3 =	vld [tilespmem:s16+$0x0];
	_ =	sdelay $0x1  }
0x266: {  	v4 =	vld [tilespmem:s16+$0x80];
	_ =	sdelay $0x2  }
0x267: {  	vm0 =	vgt.f32 v3, $-Inf  }
0x268: {  	v52 =	vimm.s32 $0x0;
	v5 =	vld [tilespmem:s16+$0x100];
	v3 =	vnsel vm0, $0xFF800000, v3  }
0x269: {  	vm9 =	vlt.f32 v4, $-Inf;
	vm1 =	vgt.f32 v4, $-Inf;
	vm2 =	vgt.f32 v4, v3  }
0x26a: {  	v53 =	vimm.s32 $0x0;
	vm0 =	vmor vm1, vm9;
	v6 =	vsel vm2, $0xFFFFFFFF, v52  }
0x26b: {  	v7 =	vld [tilespmem:s16+$0x180];
	v54 =	vnsel vm0, $0xFF800000, v4;
	vm2 =	vmneg vm2;
	[tilespmem:$0x1F660] =	vst v6;
	v6 =	vsel vm0, $0xFFFFFFFF, v53  }
0x26c: {  	[tilespmem:$0x1F670] =	vst v6;
	v6 =	vsel vm2, v54, v3  }
0x26d: {  	v55 =	vimm.s32 $0x0;
	v3 =	vsel vm2, v3, v4;
	vm10 =	vgt.f32 v5, v6  }
0x26e: {  	v57 =	vld [tilespmem:s16+$0x200];
	vm4 =	vgt.f32 v5, v3;
	v4 =	vsel vm10, $0xFFFFFFFF, v55;
	v56 =	vsel vm10, v5, v6  }
0x26f: {  	[tilespmem:$0x1F680] =	vst v4;
	v4 =	vsel vm4, v3, v56  }
0x270: {  	v3 =	vsel vm4, v5, v3;
	vm11 =	vgt.f32 v7, v4  }
0x271: {  	v59 =	vld [tilespmem:s16+$0x280];
	vm5 =	vgt.f32 v7, v3;
	v4 =	vsel vm11, v7, v4  }
0x272: {  	v4 =	vsel vm5, v3, v4  }
0x273: {  	v3 =	vsel vm5, v7, v3;
	vm12 =	vgt.f32 v57, v4  }
0x274: {  	v61 =	vld [tilespmem:s16+$0x300];
	vm6 =	vgt.f32 v57, v3;
	v4 =	vsel vm12, v57, v4  }
0x275: {  	s14 =	sor.u32 s15, s14;
	v4 =	vsel vm6, v3, v4  }
0x276: {  	v58 =	vimm.s32 $0x0;
	s14 =	sor.u32 $0x380, s14;
	v3 =	vsel vm6, v57, v3;
	vm13 =	vgt.f32 v59, v4  }
0x277: {  	v60 =	vimm.s32 $0x0;
	v63 =	vld [tilespmem:s14+$0x0];
	vm1 =	vgt.f32 v59, v3;
	v4 =	vsel vm13, v59, v4  }
0x278: {  	v62 =	vimm.s32 $0x0;
	v8 =	vimm.s32 $0x0;
	v4 =	vsel vm1, v3, v4  }
0x279: {  	v10 =	vimm.s32 $0x0;
	v3 =	vsel vm1, v59, v3;
	vm14 =	vgt.f32 v61, v4  }
0x27a: {  	v12 =	vimm.s32 $0x0;
	v9 =	vld [tilespmem:s16+$0x800];
	vm7 =	vgt.f32 v61, v3;
	v4 =	vsel vm14, v61, v4  }
0x27b: {  	v14 =	vimm.s32 $0x0;
	v16 =	vimm.s32 $0x0;
	v4 =	vsel vm7, v3, v4  }
0x27c: {  	v18 =	vimm.s32 $0x0;
	v3 =	vsel vm7, v61, v3;
	vm15 =	vgt.f32 v63, v4  }
0x27d: {  	v20 =	vimm.s32 $0x0;
	v11 =	vld [tilespmem:s16+$0x880];
	vm8 =	vgt.f32 v63, v3;
	v4 =	vsel vm15, v63, v4  }
0x27e: {  	v22 =	vimm.s32 $0x0;
	v24 =	vimm.s32 $0x0;
	v4 =	vsel vm8, v3, v4  }
0x27f: {  	v7 =	vsel vm12, $0xFFFFFFFF, v60;
	v3 =	vsel vm8, v63, v3;
	vm12 =	vgt.f32 v9, v4  }
0x280: {  	v26 =	vimm.s32 $0x0;
	v13 =	vld [tilespmem:s16+$0x900];
	vm9 =	vgt.f32 v9, v3;
	v4 =	vsel vm12, v9, v4  }
0x281: {  	v28 =	vimm.s32 $0x0;
	v30 =	vimm.s32 $0x0;
	v4 =	vsel vm9, v3, v4  }
0x282: {  	v6 =	vsel vm13, $0xFFFFFFFF, v62;
	v3 =	vsel vm9, v9, v3;
	vm13 =	vgt.f32 v11, v4  }
0x283: {  	v33 =	vimm.s32 $0x0;
	v15 =	vld [tilespmem:s16+$0x980];
	vm10 =	vgt.f32 v11, v3;
	v4 =	vsel vm13, v11, v4  }
0x284: {  	v36 =	vimm.s32 $0x0;
	v5 =	vsel vm11, $0xFFFFFFFF, v58;
	v4 =	vsel vm10, v3, v4  }
0x285: {  	[tilespmem:$0x1F690] =	vst v5;
	v5 =	vsel vm14, $0xFFFFFFFF, v8;
	v3 =	vsel vm10, v11, v3;
	vm14 =	vgt.f32 v13, v4  }
0x286: {  	v39 =	vimm.s32 $0x0;
	v17 =	vld [tilespmem:s16+$0xA00];
	vm3 =	vgt.f32 v13, v3;
	v4 =	vsel vm14, v13, v4  }
0x287: {  	v42 =	vimm.s32 $0x0;
	v45 =	vimm.s32 $0x0;
	v4 =	vsel vm3, v3, v4  }
0x288: {  	[tilespmem:$0x1F6A0] =	vst v7;
	v7 =	vsel vm15, $0xFFFFFFFF, v10;
	v3 =	vsel vm3, v13, v3;
	vm15 =	vgt.f32 v15, v4  }
0x289: {  	v19 =	vld [tilespmem:s16+$0xA80];
	[tilespmem:$0x1F6B0] =	vst v6;
	v6 =	vsel vm12, $0xFFFFFFFF, v12;
	vm12 =	vgt.f32 v15, v3;
	v4 =	vsel vm15, v15, v4  }
0x28a: {  	v48 =	vimm.s32 $0x0;
	v49 =	vimm.s32 $0x0;
	v4 =	vsel vm12, v3, v4  }
0x28b: {  	[tilespmem:$0x1F6C0] =	vst v5;
	v5 =	vsel vm13, $0xFFFFFFFF, v14;
	v3 =	vsel vm12, v15, v3;
	vm11 =	vgt.f32 v17, v4  }
0x28c: {  	v21 =	vld [tilespmem:s16+$0xB00];
	[tilespmem:$0x1F6F0] =	vst v5;
	v5 =	vsel vm11, $0xFFFFFFFF, v20;
	v4 =	vsel vm11, v17, v4;
	vm11 =	vgt.f32 v17, v3  }
0x28d: {  	v52 =	vimm.s32 $0x0;
	v55 =	vimm.s32 $0x0;
	v4 =	vsel vm11, v3, v4  }
0x28e: {  	[tilespmem:$0x1F6D0] =	vst v7;
	v7 =	vsel vm14, $0xFFFFFFFF, v16;
	v3 =	vsel vm11, v17, v3;
	vm13 =	vgt.f32 v19, v4  }
0x28f: {  	v23 =	vld [tilespmem:s16+$0xB80];
	[tilespmem:$0x1F700] =	vst v7;
	v7 =	vsel vm13, $0xFFFFFFFF, v22;
	v4 =	vsel vm13, v19, v4;
	vm13 =	vgt.f32 v19, v3  }
0x290: {  	v58 =	vimm.s32 $0x0;
	v8 =	vimm.s32 $0x0;
	v4 =	vsel vm13, v3, v4  }
0x291: {  	[tilespmem:$0x1F6E0] =	vst v6;
	v6 =	vsel vm15, $0xFFFFFFFF, v18;
	v3 =	vsel vm13, v19, v3;
	vm14 =	vgt.f32 v21, v4  }
0x292: {  	v25 =	vld [tilespmem:s16+$0x1000];
	[tilespmem:$0x1F710] =	vst v6;
	v6 =	vsel vm14, $0xFFFFFFFF, v24;
	v4 =	vsel vm14, v21, v4;
	vm14 =	vgt.f32 v21, v3  }
0x293: {  	v61 =	vimm.s32 $0x0;
	v10 =	vimm.s32 $0x0;
	v4 =	vsel vm14, v3, v4  }
0x294: {  	v31 =	vld [tilespmem:$0x1F660];
	v12 =	vimm.s32 $0x0;
	v3 =	vsel vm14, v21, v3;
	vm15 =	vgt.f32 v23, v4  }
0x295: {  	v9 =	vld [tilespmem:$0x1F670];
	[tilespmem:$0x1F720] =	vst v5;
	v5 =	vsel vm15, $0xFFFFFFFF, v26;
	v4 =	vsel vm15, v23, v4;
	vm15 =	vgt.f32 v23, v3  }
0x296: {  	v27 =	vld [tilespmem:s16+$0x1080];
	v18 =	vimm.s32 $0x0;
	v15 =	vimm.s32 $0x0;
	v4 =	vsel vm15, v3, v4  }
0x297: {  	v34 =	vld [tilespmem:$0x1F680];
	v8 =	vsel vm15, $0xFFFFFFFF, v8;
	v3 =	vsel vm15, v23, v3;
	vm15 =	vgt.f32 v25, v4  }
0x298: {  	[tilespmem:$0x1F730] =	vst v7;
	v21 =	vimm.s32 $0x0;
	vm0 =	vgt.f32 v25, v3;
	v7 =	vsel vm15, $0xFFFFFFFF, v28  }
0x299: {  	[tilespmem:$0x1F760] =	vst v8;
	v4 =	vsel vm15, v25, v4;
	v8 =	vsel vm0, $0xFFFFFFFF, v30;
	vm15 =	vnez.u8 v31  }
0x29a: {  	v29 =	vld [tilespmem:s16+$0x1100];
	[tilespmem:$0x1F780] =	vst v8;
	v8 =	vsel vm15, $0x1, v1;
	vm15 =	vnez.u8 v9;
	v4 =	vsel vm0, v3, v4  }
0x29b: {  	v37 =	vld [tilespmem:$0x1F690];
	v3 =	vsel vm0, v25, v3;
	vm2 =	vmand vm15, vm2;
	vm0 =	vgt.f32 v27, v4  }
0x29c: {  	[tilespmem:$0x1F740] =	vst v6;
	vm15 =	vnez.u8 v34;
	v32 =	vsel vm2, $0x1, v1;
	v6 =	vsel vm0, $0xFFFFFFFF, v33  }
0x29d: {  	v25 =	vimm.s32 $0x0;
	[tilespmem:$0x1F790] =	vst v6;
	v6 =	vsel vm15, $0x2, v32;
	vm15 =	vgt.f32 v27, v3  }
0x29e: {  	v4 =	vsel vm0, v27, v4;
	v33 =	vimm.s32 $0x0;
	v10 =	vsel vm15, $0xFFFFFFFF, v10  }
0x29f: {  	v40 =	vld [tilespmem:$0x1F6A0];
	v6 =	vsel vm4, v8, v6;
	v4 =	vsel vm15, v3, v4;
	v8 =	vsel vm4, $0x2, v8  }
0x2a0: {  	v35 =	vld [tilespmem:s16+$0x1180];
	v3 =	vsel vm15, v27, v3;
	vm4 =	vnez.u8 v37;
	vm15 =	vgt.f32 v29, v4  }
0x2a1: {  	[tilespmem:$0x1F750] =	vst v5;
	v37 =	vimm.s32 $0x0;
	v5 =	vsel vm15, $0xFFFFFFFF, v36;
	v4 =	vsel vm15, v29, v4  }
0x2a2: {  	v43 =	vld [tilespmem:$0x1F6B0];
	v36 =	vimm.s32 $0x0;
	[tilespmem:$0x1F7B0] =	vst v5;
	v5 =	vsel vm4, $0x3, v6;
	vm4 =	vgt.f32 v29, v3  }
0x2a3: {  	v5 =	vsel vm5, v8, v5;
	v4 =	vsel vm4, v3, v4;
	v8 =	vsel vm5, $0x3, v8  }
0x2a4: {  	v38 =	vld [tilespmem:s16+$0x1200];
	v3 =	vsel vm4, v29, v3;
	vm5 =	vnez.u8 v40;
	v29 =	vimm.s32 $0x0  }
0x2a5: {  	v30 =	vld [tilespmem:$0x1F790];
	v40 =	vimm.s32 $0x0;
	vm15 =	vgt.f32 v35, v4;
	v5 =	vsel vm5, $0x4, v5  }
0x2a6: {  	v46 =	vld [tilespmem:$0x1F6C0];
	[tilespmem:$0x1F770] =	vst v7;
	vm5 =	vgt.f32 v35, v3;
	v7 =	vsel vm15, $0xFFFFFFFF, v39;
	v4 =	vsel vm15, v35, v4  }
0x2a7: {  	v5 =	vsel vm6, v8, v5;
	v8 =	vsel vm6, $0x4, v8;
	vm6 =	vnez.u8 v43  }
0x2a8: {  	v41 =	vld [tilespmem:s16+$0x1280];
	v43 =	vimm.s32 $0x0;
	v4 =	vsel vm5, v3, v4;
	v3 =	vsel vm5, v35, v3  }
0x2a9: {  	v50 =	vld [tilespmem:$0x1F6D0];
	v5 =	vsel vm6, $0x5, v5;
	vm15 =	vgt.f32 v38, v4;
	vm6 =	vgt.f32 v38, v3  }
0x2aa: {  	v5 =	vsel vm1, v8, v5;
	v8 =	vsel vm1, $0x5, v8;
	vm1 =	vnez.u8 v30  }
0x2ab: {  	v9 =	vsel vm15, $0xFFFFFFFF, v42;
	v4 =	vsel vm15, v38, v4;
	vm15 =	vnez.u8 v46  }
0x2ac: {  	v53 =	vld [tilespmem:$0x1F6E0];
	v4 =	vsel vm6, v3, v4;
	v3 =	vsel vm6, v38, v3;
	v5 =	vsel vm15, $0x6, v5  }
0x2ad: {  	v44 =	vld [tilespmem:s16+$0x1300];
	vm0 =	vgt.f32 v41, v4;
	vm15 =	vgt.f32 v41, v3;
	v5 =	vsel vm7, v8, v5  }
0x2ae: {  	v8 =	vsel vm7, $0x6, v8;
	vm7 =	vnez.u8 v50;
	v6 =	vsel vm0, $0xFFFFFFFF, v45  }
0x2af: {  	v56 =	vld [tilespmem:$0x1F6F0];
	[tilespmem:$0x1F7A0] =	vst v10;
	v4 =	vsel vm0, v41, v4;
	v10 =	vsel vm15, $0xFFFFFFFF, v48;
	v5 =	vsel vm7, $0x7, v5  }
0x2b0: {  	v47 =	vld [tilespmem:s16+$0x1380];
	v48 =	vimm.s32 $0x0;
	v4 =	vsel vm15, v3, v4;
	v3 =	vsel vm15, v41, v3  }
0x2b1: {  	v5 =	vsel vm8, v8, v5;
	v8 =	vsel vm8, $0x7, v8;
	vm8 =	vnez.u8 v53  }
0x2b2: {  	v59 =	vld [tilespmem:$0x1F700];
	vm15 =	vgt.f32 v44, v4;
	vm7 =	vgt.f32 v44, v3;
	v5 =	vsel vm8, $0x8, v5  }
0x2b3: {  	v51 =	vld [tilespmem:s16+$0x1800];
	[tilespmem:$0x1F7C0] =	vst v7;
	v7 =	vsel vm15, $0xFFFFFFFF, v49;
	v4 =	vsel vm15, v44, v4;
	v5 =	vsel vm9, v8, v5  }
0x2b4: {  	v8 =	vsel vm9, $0x8, v8;
	vm9 =	vnez.u8 v56;
	v4 =	vsel vm7, v3, v4  }
0x2b5: {  	v3 =	vsel vm7, v44, v3;
	v5 =	vsel vm9, $0x9, v5;
	vm15 =	vgt.f32 v47, v4  }
0x2b6: {  	v54 =	vld [tilespmem:s16+$0x1880];
	vm8 =	vgt.f32 v47, v3;
	v5 =	vsel vm10, v8, v5;
	v4 =	vsel vm15, v47, v4  }
0x2b7: {  	v8 =	vsel vm10, $0x9, v8;
	vm10 =	vnez.u8 v59;
	v4 =	vsel vm8, v3, v4  }
0x2b8: {  	v62 =	vld [tilespmem:$0x1F710];
	[tilespmem:$0x1F7D0] =	vst v9;
	v9 =	vsel vm15, $0xFFFFFFFF, v52;
	v3 =	vsel vm8, v47, v3;
	vm15 =	vgt.f32 v51, v4  }
0x2b9: {  	v5 =	vsel vm10, $0xA, v5;
	vm9 =	vgt.f32 v51, v3;
	v4 =	vsel vm15, v51, v4  }
0x2ba: {  	v57 =	vld [tilespmem:s16+$0x1900];
	v5 =	vsel vm3, v8, v5;
	v8 =	vsel vm3, $0xA, v8;
	v4 =	vsel vm9, v3, v4  }
0x2bb: {  	[tilespmem:$0x1F7E0] =	vst v6;
	v6 =	vsel vm15, $0xFFFFFFFF, v55;
	v3 =	vsel vm9, v51, v3;
	vm15 =	vgt.f32 v54, v4  }
0x2bc: {  	v13 =	vld [tilespmem:$0x1F720];
	[tilespmem:$0x1F800] =	vst v7;
	v51 =	vimm.s32 $0x0;
	vm10 =	vgt.f32 v54, v3;
	v7 =	vsel vm15, $0xFFFFFFFF, v58  }
0x2bd: {  	v4 =	vsel vm15, v54, v4;
	vm15 =	vnez.u8 v62;
	v58 =	vimm.s32 $0x0  }
0x2be: {  	v62 =	vimm.s32 $0x0;
	v4 =	vsel vm10, v3, v4;
	v3 =	vsel vm10, v54, v3  }
0x2bf: {  	v16 =	vld [tilespmem:$0x1F730];
	v5 =	vsel vm15, $0xB, v5;
	v54 =	vimm.s32 $0x0;
	vm0 =	vgt.f32 v57, v4  }
0x2c0: {  	v60 =	vld [tilespmem:s16+$0x1980];
	vm3 =	vgt.f32 v57, v3;
	v5 =	vsel vm12, v8, v5;
	v8 =	vsel vm12, $0xB, v8  }
0x2c1: {  	[tilespmem:$0x1F810] =	vst v9;
	vm12 =	vnez.u8 v13;
	v13 =	vimm.s32 $0x0;
	v9 =	vsel vm0, $0xFFFFFFFF, v61  }
0x2c2: {  	v19 =	vld [tilespmem:$0x1F740];
	v4 =	vsel vm0, v57, v4;
	v5 =	vsel vm12, $0xC, v5;
	v61 =	vimm.s32 $0x0  }
0x2c3: {  	v63 =	vld [tilespmem:s16+$0x1A00];
	v4 =	vsel vm3, v3, v4;
	v3 =	vsel vm3, v57, v3;
	v5 =	vsel vm11, v8, v5  }
0x2c4: {  	v8 =	vsel vm11, $0xC, v8;
	vm11 =	vnez.u8 v16;
	v57 =	vimm.s32 $0x0  }
0x2c5: {  	v22 =	vld [tilespmem:$0x1F750];
	vm15 =	vgt.f32 v60, v4;
	vm12 =	vgt.f32 v60, v3;
	v5 =	vsel vm11, $0xD, v5  }
0x2c6: {  	v14 =	vld [tilespmem:s16+$0x1A80];
	[tilespmem:$0x1F820] =	vst v6;
	v6 =	vsel vm15, $0xFFFFFFFF, v12;
	v4 =	vsel vm15, v60, v4;
	v5 =	vsel vm13, v8, v5  }
0x2c7: {  	v8 =	vsel vm13, $0xD, v8;
	vm13 =	vnez.u8 v19;
	v4 =	vsel vm12, v3, v4  }
0x2c8: {  	v3 =	vsel vm12, v60, v3;
	v5 =	vsel vm13, $0xE, v5;
	vm15 =	vgt.f32 v63, v4  }
0x2c9: {  	v17 =	vld [tilespmem:s16+$0x1B00];
	vm11 =	vgt.f32 v63, v3;
	v5 =	vsel vm14, v8, v5;
	v4 =	vsel vm15, v63, v4  }
0x2ca: {  	v24 =	vld [tilespmem:$0x1F760];
	v8 =	vsel vm14, $0xE, v8;
	vm14 =	vnez.u8 v22;
	v4 =	vsel vm11, v3, v4  }
0x2cb: {  	[tilespmem:$0x1F830] =	vst v7;
	v7 =	vsel vm15, $0xFFFFFFFF, v15;
	v3 =	vsel vm11, v63, v3;
	vm15 =	vgt.f32 v14, v4  }
0x2cc: {  	v5 =	vsel vm14, $0xF, v5;
	vm13 =	vgt.f32 v14, v3;
	v4 =	vsel vm15, v14, v4  }
0x2cd: {  	v26 =	vld [tilespmem:$0x1F770];
	[tilespmem:$0x1F840] =	vst v9;
	v9 =	vsel vm15, $0xFFFFFFFF, v18;
	v18 =	vimm.s32 $0x0;
	v4 =	vsel vm13, v3, v4  }
0x2ce: {  	v20 =	vld [tilespmem:s16+$0x1B80];
	v3 =	vsel vm13, v14, v3;
	v14 =	vimm.s32 $0x0;
	vm15 =	vgt.f32 v17, v4  }
0x2cf: {  	v28 =	vld [tilespmem:$0x1F780];
	[tilespmem:$0x1F850] =	vst v6;
	v6 =	vsel vm15, $0xFFFFFFFF, v21;
	v4 =	vsel vm15, v17, v4;
	vm15 =	vnez.u8 v24  }
0x2d0: {  	vm14 =	vgt.f32 v17, v3;
	v21 =	vimm.s32 $0x0;
	v5 =	vsel vm15, v8, v5  }
0x2d1: {  	v23 =	vld [tilespmem:s16+$0x2000];
	v4 =	vsel vm14, v3, v4;
	v8 =	vsel vm15, $0xF, v8;
	v3 =	vsel vm14, v17, v3  }
0x2d2: {  	v34 =	vld [tilespmem:$0x1F7B0];
	vm15 =	vnez.u8 v26;
	v17 =	vimm.s32 $0x0;
	v26 =	vimm.s32 $0x0  }
0x2d3: {  	v32 =	vld [tilespmem:$0x1F7A0];
	vm0 =	vgt.f32 v20, v4;
	v5 =	vsel vm15, $0x10, v5;
	vm15 =	vgt.f32 v20, v3  }
0x2d4: {  	[tilespmem:$0x1F860] =	vst v7;
	v7 =	vsel vm0, $0xFFFFFFFF, v25;
	v4 =	vsel vm0, v20, v4;
	vm0 =	vnez.u8 v28  }
0x2d5: {  	v25 =	vimm.s32 $0x0;
	v5 =	vsel vm0, v8, v5;
	v4 =	vsel vm15, v3, v4  }
0x2d6: {  	v27 =	vld [tilespmem:s16+$0x2080];
	v8 =	vsel vm0, $0x10, v8;
	v3 =	vsel vm15, v20, v3;
	vm0 =	vgt.f32 v23, v4  }
0x2d7: {  	v5 =	vsel vm1, $0x11, v5;
	vm2 =	vgt.f32 v23, v3;
	vm1 =	vnez.u8 v34  }
0x2d8: {  	v38 =	vld [tilespmem:$0x1F7C0];
	[tilespmem:$0x1F870] =	vst v9;
	v9 =	vsel vm0, $0xFFFFFFFF, v29;
	v4 =	vsel vm0, v23, v4;
	vm0 =	vnez.u8 v32  }
0x2d9: {  	v29 =	vimm.s32 $0x0;
	v32 =	vimm.s32 $0x0;
	v5 =	vsel vm0, v8, v5  }
0x2da: {  	v47 =	vld [tilespmem:$0x1F800];
	v4 =	vsel vm2, v3, v4;
	v8 =	vsel vm0, $0x11, v8;
	v3 =	vsel vm2, v23, v3  }
0x2db: {  	v31 =	vld [tilespmem:s16+$0x2100];
	v23 =	vimm.s32 $0x0;
	vm0 =	vgt.f32 v27, v4;
	v5 =	vsel vm1, $0x12, v5  }
0x2dc: {  	v41 =	vld [tilespmem:$0x1F7D0];
	[tilespmem:$0x1F880] =	vst v6;
	v6 =	vsel vm0, $0xFFFFFFFF, v33;
	v4 =	vsel vm0, v27, v4;
	vm0 =	vgt.f32 v27, v3  }
0x2dd: {  	v5 =	vsel vm4, v8, v5;
	v8 =	vsel vm4, $0x12, v8;
	vm4 =	vnez.u8 v38  }
0x2de: {  	v35 =	vld [tilespmem:s16+$0x2180];
	[tilespmem:$0x1F7F0] =	vst v10;
	v10 =	vsel vm0, $0xFFFFFFFF, v36;
	v4 =	vsel vm0, v3, v4;
	v3 =	vsel vm0, v27, v3  }
0x2df: {  	v44 =	vld [tilespmem:$0x1F7E0];
	v5 =	vsel vm4, $0x13, v5;
	vm0 =	vnez.u8 v47;
	v36 =	vimm.s32 $0x0  }
0x2e0: {  	v46 =	vld [tilespmem:$0x1F7F0];
	vm1 =	vgt.f32 v31, v4;
	v5 =	vsel vm5, v8, v5;
	v8 =	vsel vm5, $0x13, v8  }
0x2e1: {  	[tilespmem:$0x1F890] =	vst v7;
	vm5 =	vnez.u8 v41;
	v41 =	vimm.s32 $0x0;
	v7 =	vsel vm1, $0xFFFFFFFF, v37  }
0x2e2: {  	v4 =	vsel vm1, v31, v4;
	vm1 =	vgt.f32 v31, v3;
	v5 =	vsel vm5, $0x14, v5  }
0x2e3: {  	v39 =	vld [tilespmem:s16+$0x2200];
	v4 =	vsel vm1, v3, v4;
	v3 =	vsel vm1, v31, v3;
	v5 =	vsel vm6, v8, v5  }
0x2e4: {  	v8 =	vsel vm6, $0x14, v8;
	vm6 =	vnez.u8 v44;
	v44 =	vimm.s32 $0x0  }
0x2e5: {  	vm4 =	vgt.f32 v35, v4;
	v5 =	vsel vm6, $0x15, v5;
	vm6 =	vnez.u8 v46  }
0x2e6: {  	v42 =	vld [tilespmem:s16+$0x2280];
	[tilespmem:$0x1F8A0] =	vst v9;
	v9 =	vsel vm4, $0xFFFFFFFF, v40;
	v4 =	vsel vm4, v35, v4;
	vm4 =	vgt.f32 v35, v3  }
0x2e7: {  	v5 =	vsel vm6, v8, v5;
	v49 =	vsel vm6, $0x15, v8;
	v4 =	vsel vm4, v3, v4  }
0x2e8: {  	v3 =	vsel vm4, v35, v3;
	v5 =	vsel vm0, $0x16, v5;
	vm5 =	vgt.f32 v39, v4  }
0x2e9: {  	v52 =	vld [tilespmem:$0x1F810];
	[tilespmem:$0x1F8B0] =	vst v6;
	v6 =	vsel vm5, $0xFFFFFFFF, v43;
	v4 =	vsel vm5, v39, v4;
	vm5 =	vgt.f32 v39, v3  }
0x2ea: {  	v45 =	vld [tilespmem:s16+$0x2300];
	v35 =	vimm.s32 $0x0;
	v5 =	vsel vm7, v49, v5;
	v4 =	vsel vm5, v3, v4  }
0x2eb: {  	v3 =	vsel vm5, v39, v3;
	v39 =	vimm.s32 $0x0;
	vm0 =	vgt.f32 v42, v4  }
0x2ec: {  	v55 =	vld [tilespmem:$0x1F820];
	[tilespmem:$0x1F8D0] =	vst v7;
	vm6 =	vgt.f32 v42, v3;
	v7 =	vsel vm0, $0xFFFFFFFF, v48;
	v4 =	vsel vm0, v42, v4  }
0x2ed: {  	v48 =	vimm.s32 $0x0;
	[tilespmem:$0x1F900] =	vst v7;
	v4 =	vsel vm6, v3, v4;
	v7 =	vsel vm7, $0x16, v49  }
0x2ee: {  	v50 =	vld [tilespmem:s16+$0x2380];
	v3 =	vsel vm6, v42, v3;
	vm7 =	vnez.u8 v52;
	v49 =	vimm.s32 $0x0  }
0x2ef: {  	v59 =	vld [tilespmem:$0x1F830];
	v52 =	vimm.s32 $0x0;
	vm0 =	vgt.f32 v45, v4;
	v5 =	vsel vm7, $0x17, v5  }
0x2f0: {  	[tilespmem:$0x1F8E0] =	vst v9;
	vm7 =	vgt.f32 v45, v3;
	v9 =	vsel vm0, $0xFFFFFFFF, v51;
	v4 =	vsel vm0, v45, v4  }
0x2f1: {  	v5 =	vsel vm8, v7, v5;
	v7 =	vsel vm8, $0x17, v7;
	vm0 =	vnez.u8 v55  }
0x2f2: {  	v53 =	vld [tilespmem:s16+$0x2800];
	v55 =	vimm.s32 $0x0;
	v4 =	vsel vm7, v3, v4;
	v3 =	vsel vm7, v45, v3  }
0x2f3: {  	v63 =	vld [tilespmem:$0x1F840];
	v5 =	vsel vm0, $0x18, v5;
	v45 =	vimm.s32 $0x0;
	vm8 =	vgt.f32 v50, v4  }
0x2f4: {  	v5 =	vsel vm9, v7, v5;
	v7 =	vsel vm9, $0x18, v7;
	vm9 =	vnez.u8 v59  }
0x2f5: {  	[tilespmem:$0x1F8F0] =	vst v6;
	v6 =	vsel vm8, $0xFFFFFFFF, v54;
	v4 =	vsel vm8, v50, v4;
	vm8 =	vgt.f32 v50, v3  }
0x2f6: {  	v56 =	vld [tilespmem:s16+$0x2880];
	[tilespmem:$0x1F8C0] =	vst v10;
	v5 =	vsel vm9, $0x19, v5;
	v10 =	vsel vm8, $0xFFFFFFFF, v57;
	v4 =	vsel vm8, v3, v4  }
0x2f7: {  	v3 =	vsel vm8, v50, v3;
	v5 =	vsel vm10, v7, v5;
	v7 =	vsel vm10, $0x19, v7  }
0x2f8: {  	v15 =	vld [tilespmem:$0x1F850];
	vm10 =	vnez.u8 v63;
	vm8 =	vgt.f32 v53, v4;
	vm9 =	vgt.f32 v53, v3  }
0x2f9: {  	v5 =	vsel vm10, $0x1A, v5;
	v8 =	vsel vm8, $0xFFFFFFFF, v58;
	v4 =	vsel vm8, v53, v4  }
0x2fa: {  	v60 =	vld [tilespmem:s16+$0x2900];
	[tilespmem:$0x1F930] =	vst v10;
	v10 =	vsel vm9, $0xFFFFFFFF, v61;
	v5 =	vsel vm3, v7, v5;
	v4 =	vsel vm9, v3, v4  }
0x2fb: {  	v19 =	vld [tilespmem:$0x1F860];
	v7 =	vsel vm3, $0x1A, v7;
	v3 =	vsel vm9, v53, v3;
	vm8 =	vgt.f32 v56, v4  }
0x2fc: {  	[tilespmem:$0x1F910] =	vst v9;
	v58 =	vimm.s32 $0x0;
	vm9 =	vgt.f32 v56, v3;
	v9 =	vsel vm8, $0xFFFFFFFF, v62  }
0x2fd: {  	[tilespmem:$0x1F950] =	vst v10;
	v4 =	vsel vm8, v56, v4;
	v10 =	vsel vm9, $0xFFFFFFFF, v13;
	vm8 =	vnez.u8 v15  }
0x2fe: {  	v22 =	vld [tilespmem:$0x1F870];
	v62 =	vimm.s32 $0x0;
	v4 =	vsel vm9, v3, v4;
	v3 =	vsel vm9, v56, v3  }
0x2ff: {  	v12 =	vld [tilespmem:s16+$0x2980];
	v5 =	vsel vm8, $0x1B, v5;
	vm10 =	vgt.f32 v60, v4;
	vm9 =	vgt.f32 v60, v3  }
0x300: {  	[tilespmem:$0x1F920] =	vst v6;
	v5 =	vsel vm12, v7, v5;
	v7 =	vsel vm12, $0x1B, v7;
	vm12 =	vnez.u8 v19  }
0x301: {  	[tilespmem:$0x1F970] =	vst v10;
	v6 =	vsel vm10, $0xFFFFFFFF, v14;
	v4 =	vsel vm10, v60, v4;
	v10 =	vsel vm9, $0xFFFFFFFF, v17  }
0x302: {  	v16 =	vld [tilespmem:s16+$0x2A00];
	v5 =	vsel vm12, $0x1C, v5;
	v14 =	vimm.s32 $0x0;
	v4 =	vsel vm9, v3, v4  }
0x303: {  	v27 =	vld [tilespmem:$0x1F880];
	v3 =	vsel vm9, v60, v3;
	v5 =	vsel vm11, v7, v5;
	vm9 =	vnez.u8 v22  }
0x304: {  	v7 =	vsel vm11, $0x1C, v7;
	v22 =	vimm.s32 $0x0;
	vm10 =	vgt.f32 v12, v4  }
0x305: {  	v30 =	vld [tilespmem:$0x1F890];
	[tilespmem:$0x1F940] =	vst v8;
	vm8 =	vgt.f32 v12, v3;
	v5 =	vsel vm9, $0x1D, v5;
	v8 =	vsel vm10, $0xFFFFFFFF, v18  }
0x306: {  	v33 =	vld [tilespmem:$0x1F8A0];
	[tilespmem:$0x1F990] =	vst v10;
	v4 =	vsel vm10, v12, v4;
	v10 =	vsel vm8, $0xFFFFFFFF, v21;
	v5 =	vsel vm13, v7, v5  }
0x307: {  	v7 =	vsel vm13, $0x1D, v7;
	v18 =	vimm.s32 $0x0;
	v4 =	vsel vm8, v3, v4  }
0x308: {  	v20 =	vld [tilespmem:s16+$0x2A80];
	v3 =	vsel vm8, v12, v3;
	vm8 =	vnez.u8 v27;
	vm10 =	vgt.f32 v16, v4  }
0x309: {  	[tilespmem:$0x1F960] =	vst v9;
	vm12 =	vgt.f32 v16, v3;
	v5 =	vsel vm8, $0x1E, v5;
	v9 =	vsel vm10, $0xFFFFFFFF, v23  }
0x30a: {  	[tilespmem:$0x1F9B0] =	vst v10;
	v4 =	vsel vm10, v16, v4;
	v10 =	vsel vm12, $0xFFFFFFFF, v25;
	v5 =	vsel vm14, v7, v5  }
0x30b: {  	v7 =	vsel vm14, $0x1E, v7;
	vm10 =	vnez.u8 v30;
	vm14 =	vnez.u8 v33  }
0x30c: {  	v24 =	vld [tilespmem:s16+$0x2B00];
	v30 =	vimm.s32 $0x0;
	v33 =	vimm.s32 $0x0;
	v4 =	vsel vm12, v3, v4  }
0x30d: {  	v3 =	vsel vm12, v16, v3;
	v5 =	vsel vm10, $0x1F, v5;
	vm13 =	vgt.f32 v20, v4  }
0x30e: {  	v37 =	vld [tilespmem:$0x1F8B0];
	[tilespmem:$0x1F980] =	vst v6;
	v5 =	vsel vm15, v7, v5;
	v7 =	vsel vm15, $0x1F, v7;
	v6 =	vsel vm13, $0xFFFFFFFF, v26  }
0x30f: {  	v28 =	vld [tilespmem:s16+$0x2B80];
	v4 =	vsel vm13, v20, v4;
	vm13 =	vgt.f32 v20, v3;
	v5 =	vsel vm14, $0x20, v5  }
0x310: {  	v26 =	vimm.s32 $0x0;
	v4 =	vsel vm13, v3, v4;
	v3 =	vsel vm13, v20, v3  }
0x311: {  	v40 =	vld [tilespmem:$0x1F8C0];
	v5 =	vsel vm2, v7, v5;
	v7 =	vsel vm2, $0x20, v7;
	vm9 =	vgt.f32 v24, v4  }
0x312: {  	v42 =	vld [tilespmem:$0x1F8D0];
	[tilespmem:$0x1F9A0] =	vst v8;
	vm12 =	vgt.f32 v24, v3;
	v8 =	vsel vm9, $0xFFFFFFFF, v29;
	v4 =	vsel vm9, v24, v4  }
0x313: {  	v31 =	vld [tilespmem:s16+$0x3000];
	vm9 =	vnez.u8 v37;
	v4 =	vsel vm12, v3, v4;
	v3 =	vsel vm12, v24, v3  }
0x314: {  	v50 =	vld [tilespmem:$0x1F8F0];
	[tilespmem:$0x1F9C0] =	vst v9;
	v5 =	vsel vm9, $0x21, v5;
	vm11 =	vgt.f32 v28, v4;
	vm15 =	vgt.f32 v28, v3  }
0x315: {  	[tilespmem:$0x1F9D0] =	vst v10;
	v9 =	vsel vm11, $0xFFFFFFFF, v32;
	v4 =	vsel vm11, v28, v4;
	v10 =	vsel vm15, $0xFFFFFFFF, v35  }
0x316: {  	v46 =	vld [tilespmem:$0x1F8E0];
	vm11 =	vnez.u8 v40;
	v4 =	vsel vm15, v3, v4;
	v3 =	vsel vm15, v28, v3  }
0x317: {  	v34 =	vld [tilespmem:s16+$0x3080];
	v5 =	vsel vm11, v7, v5;
	v7 =	vsel vm11, $0x21, v7;
	vm15 =	vnez.u8 v42  }
0x318: {  	vm8 =	vgt.f32 v31, v4;
	vm10 =	vgt.f32 v31, v3;
	v5 =	vsel vm15, $0x22, v5  }
0x319: {  	v38 =	vld [tilespmem:s16+$0x3100];
	[tilespmem:$0x1F9E0] =	vst v6;
	vm15 =	vnez.u8 v50;
	v6 =	vsel vm8, $0xFFFFFFFF, v36;
	v4 =	vsel vm8, v31, v4  }
0x31a: {  	v56 =	vld [tilespmem:$0x1F910];
	[tilespmem:$0x1FA10] =	vst v10;
	v10 =	vsel vm10, $0xFFFFFFFF, v39;
	v5 =	vsel vm1, v7, v5;
	v7 =	vsel vm1, $0x22, v7  }
0x31b: {  	v59 =	vld [tilespmem:$0x1F920];
	v4 =	vsel vm10, v3, v4;
	v3 =	vsel vm10, v31, v3;
	vm10 =	vnez.u8 v46  }
0x31c: {  	v53 =	vld [tilespmem:$0x1F900];
	[tilespmem:$0x1F9F0] =	vst v8;
	vm14 =	vgt.f32 v34, v4;
	vm8 =	vgt.f32 v34, v3;
	v5 =	vsel vm10, $0x23, v5  }
0x31d: {  	[tilespmem:$0x1FA30] =	vst v10;
	v8 =	vsel vm14, $0xFFFFFFFF, v41;
	v4 =	vsel vm14, v34, v4;
	v10 =	vsel vm8, $0xFFFFFFFF, v44  }
0x31e: {  	v5 =	vsel vm4, v7, v5;
	v7 =	vsel vm4, $0x23, v7;
	v4 =	vsel vm8, v3, v4  }
0x31f: {  	v43 =	vld [tilespmem:s16+$0x3180];
	v3 =	vsel vm8, v34, v3;
	v5 =	vsel vm15, $0x24, v5;
	vm8 =	vnez.u8 v56  }
0x320: {  	vm15 =	vnez.u8 v59;
	vm9 =	vgt.f32 v38, v4;
	vm11 =	vgt.f32 v38, v3  }
0x321: {  	[tilespmem:$0x1FA00] =	vst v9;
	v5 =	vsel vm5, v7, v5;
	v7 =	vsel vm5, $0x24, v7;
	vm5 =	vnez.u8 v53  }
0x322: {  	v13 =	vld [tilespmem:$0x1F950];
	[tilespmem:$0x1FA50] =	vst v10;
	v9 =	vsel vm9, $0xFFFFFFFF, v45;
	v4 =	vsel vm9, v38, v4;
	v10 =	vsel vm11, $0xFFFFFFFF, v48  }
0x323: {  	v47 =	vld [tilespmem:s16+$0x3200];
	v5 =	vsel vm5, $0x25, v5;
	v4 =	vsel vm11, v3, v4;
	v3 =	vsel vm11, v38, v3  }
0x324: {  	v61 =	vld [tilespmem:$0x1F930];
	v5 =	vsel vm6, v7, v5;
	v7 =	vsel vm6, $0x25, v7;
	vm14 =	vgt.f32 v43, v4  }
0x325: {  	[tilespmem:$0x1FA20] =	vst v6;
	v5 =	vsel vm8, $0x26, v5;
	v6 =	vsel vm14, $0xFFFFFFFF, v49;
	v4 =	vsel vm14, v43, v4  }
0x326: {  	v51 =	vld [tilespmem:s16+$0x3280];
	vm14 =	vgt.f32 v43, v3;
	v5 =	vsel vm7, v7, v5;
	v7 =	vsel vm7, $0x26, v7  }
0x327: {  	v63 =	vld [tilespmem:$0x1F940];
	vm7 =	vnez.u8 v13;
	v4 =	vsel vm14, v3, v4;
	v3 =	vsel vm14, v43, v3  }
0x328: {  	v15 =	vld [tilespmem:$0x1F960];
	v5 =	vsel vm15, $0x27, v5;
	vm4 =	vgt.f32 v47, v4;
	vm11 =	vgt.f32 v47, v3  }
0x329: {  	v54 =	vld [tilespmem:s16+$0x3300];
	[tilespmem:$0x1FA40] =	vst v8;
	v8 =	vsel vm4, $0xFFFFFFFF, v52;
	v4 =	vsel vm4, v47, v4;
	vm4 =	vnez.u8 v61  }
0x32a: {  	v4 =	vsel vm11, v3, v4;
	v3 =	vsel vm11, v47, v3;
	v5 =	vsel vm4, v7, v5  }
0x32b: {  	v57 =	vld [tilespmem:s16+$0x3380];
	v7 =	vsel vm4, $0x27, v7;
	vm6 =	vgt.f32 v51, v4;
	vm10 =	vgt.f32 v51, v3  }
0x32c: {  	v21 =	vld [tilespmem:$0x1F990];
	[tilespmem:$0x1FA60] =	vst v9;
	v9 =	vsel vm6, $0xFFFFFFFF, v55;
	v4 =	vsel vm6, v51, v4;
	vm6 =	vnez.u8 v63  }
0x32d: {  	vm4 =	vnez.u8 v15;
	v4 =	vsel vm10, v3, v4;
	v5 =	vsel vm6, $0x28, v5  }
0x32e: {  	v17 =	vld [tilespmem:$0x1F970];
	v3 =	vsel vm10, v51, v3;
	vm9 =	vgt.f32 v54, v4;
	v5 =	vsel vm7, v7, v5  }
0x32f: {  	v60 =	vld [tilespmem:s16+$0x3800];
	[tilespmem:$0x1FA80] =	vst v6;
	v6 =	vsel vm9, $0xFFFFFFFF, v58;
	v4 =	vsel vm9, v54, v4;
	vm9 =	vgt.f32 v54, v3  }
0x330: {  	v19 =	vld [tilespmem:$0x1F980];
	v7 =	vsel vm7, $0x28, v7;
	v5 =	vsel vm4, $0x29, v5;
	v4 =	vsel vm9, v3, v4  }
0x331: {  	v12 =	vld [tilespmem:s16+$0x3880];
	vm4 =	vnez.u8 v21;
	v3 =	vsel vm9, v54, v3;
	vm5 =	vgt.f32 v57, v4  }
0x332: {  	v23 =	vld [tilespmem:$0x1F9A0];
	[tilespmem:$0x1FA90] =	vst v8;
	vm8 =	vgt.f32 v57, v3;
	v8 =	vsel vm5, $0xFFFFFFFF, v62;
	v4 =	vsel vm5, v57, v4  }
0x333: {  	v25 =	vld [tilespmem:$0x1F9B0];
	vm5 =	vnez.u8 v17;
	v4 =	vsel vm8, v3, v4;
	v3 =	vsel vm8, v57, v3  }
0x334: {  	v5 =	vsel vm5, v7, v5;
	v7 =	vsel vm5, $0x29, v7;
	vm15 =	vgt.f32 v60, v4  }
0x335: {  	[tilespmem:$0x1FAA0] =	vst v9;
	vm7 =	vgt.f32 v60, v3;
	v9 =	vsel vm15, $0xFFFFFFFF, v14;
	v4 =	vsel vm15, v60, v4  }
0x336: {  	v16 =	vld [tilespmem:s16+$0x3900];
	vm15 =	vnez.u8 v19;
	v4 =	vsel vm7, v3, v4;
	v3 =	vsel vm7, v60, v3  }
0x337: {  	v5 =	vsel vm15, $0x2A, v5;
	vm15 =	vnez.u8 v23;
	vm6 =	vgt.f32 v12, v4  }
0x338: {  	v27 =	vld [tilespmem:$0x1F9C0];
	v5 =	vsel vm4, v7, v5;
	v7 =	vsel vm4, $0x2A, v7;
	vm4 =	vnez.u8 v25  }
0x339: {  	v20 =	vld [tilespmem:s16+$0x3980];
	[tilespmem:$0x1FAB0] =	vst v6;
	v6 =	vsel vm6, $0xFFFFFFFF, v18;
	v4 =	vsel vm6, v12, v4;
	vm6 =	vgt.f32 v12, v3  }
0x33a: {  	v29 =	vld [tilespmem:$0x1F9D0];
	v5 =	vsel vm15, $0x2B, v5;
	v4 =	vsel vm6, v3, v4;
	v3 =	vsel vm6, v12, v3  }
0x33b: {  	v38 =	vld [tilespmem:$0x1FA20];
	v5 =	vsel vm4, v7, v5;
	v7 =	vsel vm4, $0x2B, v7;
	vm5 =	vgt.f32 v16, v4  }
0x33c: {  	v31 =	vld [tilespmem:$0x1F9E0];
	[tilespmem:$0x1FAC0] =	vst v8;
	v8 =	vsel vm5, $0xFFFFFFFF, v22;
	v4 =	vsel vm5, v16, v4;
	vm5 =	vgt.f32 v16, v3  }
0x33d: {  	v24 =	vld [tilespmem:s16+$0x3A00];
	vm4 =	vnez.u8 v27;
	v4 =	vsel vm5, v3, v4;
	v3 =	vsel vm5, v16, v3  }
0x33e: {  	v34 =	vld [tilespmem:$0x1F9F0];
	v5 =	vsel vm4, $0x2C, v5;
	vm15 =	vgt.f32 v20, v4;
	vm4 =	vgt.f32 v20, v3  }
0x33f: {  	[tilespmem:$0x1FAD0] =	vst v9;
	v9 =	vsel vm15, $0xFFFFFFFF, v26;
	v4 =	vsel vm15, v20, v4;
	vm15 =	vnez.u8 v29  }
0x340: {  	v28 =	vld [tilespmem:s16+$0x3A80];
	vm0 =	vnez.u8 v38;
	v5 =	vsel vm15, v7, v5;
	v4 =	vsel vm4, v3, v4  }
0x341: {  	v36 =	vld [tilespmem:$0x1FA00];
	v7 =	vsel vm15, $0x2C, v7;
	v3 =	vsel vm4, v20, v3;
	vm15 =	vnez.u8 v31  }
0x342: {  	vm1 =	vgt.f32 v24, v4;
	v5 =	vsel vm15, $0x2D, v5;
	vm3 =	vgt.f32 v24, v3  }
0x343: {  	v37 =	vld [tilespmem:$0x1FA10];
	[tilespmem:$0x1FAE0] =	vst v6;
	vm15 =	vnez.u8 v34;
	v6 =	vsel vm1, $0xFFFFFFFF, v30;
	v4 =	vsel vm1, v24, v4  }
0x344: {  	v32 =	vld [tilespmem:s16+$0x3B00];
	v5 =	vsel vm13, v7, v5;
	v7 =	vsel vm13, $0x2D, v7;
	v4 =	vsel vm3, v3, v4  }
0x345: {  	v3 =	vsel vm3, v24, v3;
	v5 =	vsel vm15, $0x2E, v5;
	vm13 =	vgt.f32 v28, v4  }
0x346: {  	v35 =	vld [tilespmem:s16+$0x3B80];
	v5 =	vsel vm12, v7, v5;
	v7 =	vsel vm12, $0x2E, v7;
	vm12 =	vnez.u8 v36  }
0x347: {  	v40 =	vld [tilespmem:$0x1FA30];
	[tilespmem:$0x1FAF0] =	vst v8;
	v8 =	vsel vm13, $0xFFFFFFFF, v33;
	v4 =	vsel vm13, v28, v4;
	vm13 =	vgt.f32 v28, v3  }
0x348: {  	v5 =	vsel vm12, $0x2F, v5;
	vm12 =	vnez.u8 v37;
	v4 =	vsel vm13, v3, v4  }
0x349: {  	v42 =	vld [tilespmem:$0x1FA40];
	v3 =	vsel vm13, v28, v3;
	v5 =	vsel vm12, v7, v5;
	vm15 =	vgt.f32 v32, v4  }
0x34a: {  	v43 =	vld [tilespmem:$0x1FA50];
	v7 =	vsel vm12, $0x2F, v7;
	vm2 =	vgt.f32 v32, v3;
	v4 =	vsel vm15, v32, v4  }
0x34b: {  	[tilespmem:$0x1FA70] =	vst v10;
	v44 =	vld [tilespmem:$0x1FA60];
	v5 =	vsel vm0, $0x30, v5;
	v4 =	vsel vm2, v3, v4;
	v3 =	vsel vm2, v32, v3  }
0x34c: {  	v45 =	vld [tilespmem:$0x1FA70];
	vm0 =	vnez.u8 v40;
	vm12 =	vgt.f32 v35, v4;
	vm1 =	vgt.f32 v35, v3  }
0x34d: {  	v46 =	vld [tilespmem:$0x1FA80];
	v41 =	vsel vm0, $0x30, v7;
	v4 =	vsel vm12, v35, v4;
	v39 =	vsel vm1, v35, v3  }
0x34e: {  	v3 =	vsel vm1, v3, v4;
	v4 =	vsel vm0, v7, v5;
	vm0 =	vnez.u8 v42  }
0x34f: {  	v48 =	vld [tilespmem:$0x1FA90];
	v4 =	vsel vm0, $0x31, v4;
	v3 =	vsub.f32 v3, v39;
	vm0 =	vnez.u8 v43  }
0x350: {  	v4 =	vsel vm0, v41, v4;
	v5 =	vsel vm0, $0x31, v41;
	vm0 =	vnez.u8 v44  }
0x351: {  	v49 =	vld [tilespmem:$0x1FAA0];
	v4 =	vsel vm0, $0x32, v4;
	v3 =	vmul.f32 $1.442695020e+00, v3;
	vm0 =	vnez.u8 v45  }
0x352: {  	v4 =	vsel vm0, v5, v4;
	v5 =	vsel vm0, $0x32, v5;
	vm0 =	vnez.u8 v46  }
0x353: {  	v50 =	vld [tilespmem:$0x1FAB0];
	v4 =	vsel vm0, $0x33, v4;
	(erf) = vpow2.f32 v3  }
0x354: {  	v47 =	vsel vm14, $0x33, v5;
	v3 =	vsel vm14, v5, v4;
	vm14 =	vnez.u8 v48  }
0x355: {  	v51 =	vld [tilespmem:$0x1FAC0];
	v3 =	vsel vm14, $0x34, v3  }
0x356: {  	vm14 =	vnez.u8 v49;
	v3 =	vsel vm11, v47, v3  }
0x357: {  	v53 =	vld [tilespmem:$0x1FAD0];
	v4 =	vsel vm11, $0x34, v47;
	v3 =	vsel vm14, $0x35, v3  }
0x358: {  	v3 =	vsel vm10, v4, v3;
	v4 =	vsel vm10, $0x35, v4;
	vm10 =	vnez.u8 v50  }
0x359: {  	v55 =	vld [tilespmem:$0x1FAE0];
	v3 =	vsel vm10, $0x36, v3  }
0x35a: {  	vm11 =	vnez.u8 v51;
	v3 =	vsel vm9, v4, v3  }
0x35b: {  	v56 =	vld [tilespmem:$0x1FAF0];
	v4 =	vsel vm9, $0x36, v4;
	v3 =	vsel vm11, $0x37, v3  }
0x35c: {  	[tilespmem:$0x1FB00] =	vst v9;
	vm14 =	vnez.u8 v53;
	v3 =	vsel vm8, v4, v3;
	v52 =	vpop (erf)  }
0x35d: {  	v57 =	vld [tilespmem:$0x1FB00];
	v4 =	vsel vm8, $0x37, v4;
	v3 =	vsel vm14, $0x38, v3;
	v54 =	vadd.f32 $1.000000000e+00, v52  }
0x35e: {  	[tilespmem:$0x1FB10] =	vst v6;
	vm8 =	vnez.u8 v55;
	v3 =	vsel vm7, v4, v3  }
0x35f: {  	v58 =	vld [tilespmem:$0x1FB10];
	v4 =	vsel vm7, $0x38, v4;
	v3 =	vsel vm8, $0x39, v3;
	(erf) = vrcp.f32 v54  }
0x360: {  	[tilespmem:$0x1FB20] =	vst v8;
	vm9 =	vnez.u8 v56;
	v3 =	vsel vm6, v4, v3  }
0x361: {  	v61 =	vld [tilespmem:$0x1FB20];
	v4 =	vsel vm6, $0x39, v4;
	v3 =	vsel vm9, $0x3A, v3  }
0x362: {  	vm10 =	vnez.u8 v57;
	v3 =	vsel vm5, v4, v3  }
0x363: {  	v4 =	vsel vm5, $0x3A, v4;
	v3 =	vsel vm10, $0x3B, v3  }
0x364: {  	s13 =	sadd.s32 $0x20, s13;
	vm11 =	vnez.u8 v58;
	v3 =	vsel vm4, v4, v3  }
0x365: {  	v59 =	vor.u32 s13, v0;
	v4 =	vsel vm4, $0x3B, v4;
	v3 =	vsel vm11, $0x3C, v3  }
0x366: {  	v60 =	vor.u32 s13, v2;
	vm14 =	vnez.u8 v61;
	v3 =	vsel vm3, v4, v3  }
0x367: {  	v4 =	vsel vm3, $0x3C, v4;
	v3 =	vsel vm14, $0x3D, v3  }
0x368: {  	v3 =	vsel vm13, v4, v3;
	v62 =	vpop (erf)  }
0x369: {  	v4 =	vsel vm13, $0x3D, v4;
	v3 =	vsel vm15, $0x3E, v3;
	v5 =	vmul.f32 v62, v52  }
0x36a: {  	[tilespmem:v59+s10+$0x0] =	vst.idx.msk $0xffff, v62;
	v3 =	vsel vm2, v4, v3;
	v4 =	vsel vm2, $0x3E, v4  }
0x36b: {  	v3 =	vsel vm12, $0x3F, v3;
	v63 =	vsel vm1, $0x3F, v4;
	[tilespmem:v60+s10+$0x0] =	vst.idx.msk $0xffff, v5  }
0x36c: {  	v3 =	vsel vm1, v4, v3;
	[tilespmem:v59+s11+$0x0] =	vst.idx.msk $0xffff, v63  }
0x36d: {  	[tilespmem:v60+s11+$0x0] =	vst.idx.msk $0xffff, v3  }
0x36e: {  	[hbm4b:s4+s2] =	stream.linear.scatter [tilespmem:s10], [sflag:$0x1], $0x200, $0x38;
	[tilespmem:$0x4400] =	vst v63  }
0x36f: {  	s12 =	sadd.s32 $0x1, s12;
	_ =	swait.ge [sflag:s9], $0x200  }
0x370: {  	p0 =	sne.s32 s12, s6;
	[sflag:s9] =	ssyncset.done $0x0  }
.Ltmp1:
0x371: {  	[sflag:s9] =	ssyncadd.s32 $0xFFFFFE00;
	(pc) =	sbr.rel @p0 .LBB2_1-.Ltmp1, $4  }
0x372: {  	[hbm4b:s5+s2] =	stream.linear.scatter [tilespmem:s11], [sflag:$0x1], $0x200, $0x38;
	[tilespmem:$0x4400] =	vst v63  }
0x373: {  	_ =	swait.ge [sflag:s9], $0x200  }
0x374: {  	[sflag:s9] =	ssyncset.done $0x0  }
0x375: {  	[sflag:s9] =	ssyncadd.s32 $0xFFFFFE00  }
0x376: {  	_ =	sfence.sel $0x180000  }
0x377: {  	[bflag:$0x0] =	sbarrier.arrive $0xFFFF  }
0x378: {  	p0 =	sne.s32 s1, $0x0;
	_ =	strace $0x90000047  }
0x379: {  	s0 =	sadd.s32 @!p0 $0x100000, s0;
	[bflag:$0x2] =	sbarrier.arrive $0xFFFF  }
0x37a: {  	[sflag:s0] =	ssyncadd.tile.s32 @!p0 $0x1;
	_ =	shalt  }
.Lfunc_end2:
_tile_overlayer_lowered:
.L_overlay_start_2:
0x37b: {  	(tag) =	ssettag $0x2  }
0x37c: {  	s0 =	rddreg [dreg:$0x0];
	s2 =	stileid.u32  }
0x37d: {  	s1 =	rddreg [dreg:$0x1];
	p0 =	sne.s32 s2, $0x0  }
0x37e: {  	s3 =	rddreg [dreg:$0x2];
	[bflag:$0x3] =	sbarrier.arrive $0xFFFF;
	s2 =	simm.s32 @!p0 $0x1C01  }
0x37f: {  	[timem:s3], [sflag:s2] =	dma.local @!p0 [hbm:s0], s1  }
0x380: {  	s0 =	simm.s32 @!p0 $0x1  }
0x381: {  	_ =	swait.ge @!p0 [sflag:s0], s1  }
0x382: {  	s1 =	ssub.s32 @!p0 $0x0, s1;
	[sflag:s0] =	ssyncset.done @!p0 $0x0  }
0x383: {  	[sflag:s0] =	ssyncadd.s32 @!p0 s1  }
0x384: {  	[bflag:$0x3] =	sbarrier.arrive $0xFFFF  }
0x385: {  	_ =	shalt  }

// kernel: kernel.9.cloned.1.call-start
scs
__scs_entry_jumppad:
0x0: {  	(pc) =	sbr.rel $0x88, $3  }
0x1: {  	(tag) =	ssettag $0x0;
	lr =	simm.s32 $0x1  }
0x2: {  	[smem:$0x3F9F] =	sst lr;
	_ =	strace $0xD0000000  }
0x3: {  	_ = 	snop  }
0x4: {  	_ = 	snop  }
0x5: {  	_ = 	snop  }
0x6: {  	_ = 	snop  }
0x7: {  	_ = 	snop  }
__scs_overlays_trampoline_lowered:
0x8: {  	[smem:$0x3FAE] =	sst s0  }
0x9: {  	[smem:$0x3FAF] =	sst s1  }
0xa: {  	[smem:$0x3FB0] =	sst s2  }
0xb: {  	[smem:$0x3FB1] =	sst s3  }
0xc: {  	[smem:$0x3FB2] =	sst s4  }
0xd: {  	[smem:$0x3FB3] =	sst s5  }
0xe: {  	[smem:$0x3FB4] =	sst s6  }
0xf: {  	[smem:$0x3FB5] =	sst s7  }
0x10: {  	[smem:$0x3FB6] =	sst s8  }
0x11: {  	[smem:$0x3FB7] =	sst s9;
	s0 =	simm.s32 @!p0 $0x0  }
0x12: {  	s1 =	sld [smem:$0x3F9D];
	s0 =	simm.s32 @p0 $0x1  }
0x13: {  	[smem:$0x3FB8] =	sst s0;
	s0 =	simm.s32 @!p1 $0x0  }
0x14: {  	s2 =	sld [smem:$0x3F9C];
	s0 =	simm.s32 @p1 $0x1  }
0x15: {  	[smem:$0x3FB9] =	sst s0;
	s0 =	simm.s32 @!p2 $0x0  }
0x16: {  	s3 =	sld [smem:$0x3FDB];
	s0 =	simm.s32 @p2 $0x1  }
0x17: {  	s4 =	simm.s32 $0x1BF5;
	[smem:$0x3FBB] =	sst s0  }
0x18: {  	s0 =	sld [smem:$0x3F9E];
	_ =	swait.ge [sflag:s4], $0x0  }
0x19: {  	s7 =	sld [smem:$0x3F9F]  }
0x1a: {  	s8 =	sadd.s32 $0xFFFFE003, lr  }
0x1b: {  	s9 =	sadd.s32 $0xFFFFFEF7, lr;
	s5 =	simm.s32 $0xFFFFFFFF;
	p2 =	slt.u32 s8, $0xFFFFF086  }
0x1c: {  	p1 =	slt.u32 s9, $0xF7A;
	s5 =	simm.s32 @!p2 $0x0  }
0x1d: {  	s5 =	simm.s32 @p1 $0x1;
	p0 =	seq.s32 s7, s2  }
0x1e: {  	s7 =	smul.u32 @!p0 $0xF7A, s2;
	p2 =	seq.s32 @!p0 s5, $0x0  }
0x1f: {  	s9 =	smul.u32 $0xF7A, s1;
	s8 =	simm.s32 @!p0 $0x1BF5;
	p2 =	por !p2, p0  }
0x20: {  	[sflag:s8] =	ssyncset.s32 @!p0 $0xFFFFF086;
	s6 =	sadd.s32 @!p0 s3, s7;
	s7 =	simm.s32 @!p0 $0x108  }
0x21: {  	s3 =	sadd.s32 s3, s9;
	s6 =	sadd.s32 @!p0 $0x88, s6;
	s7 =	simm.s32 @p2 $0x1082  }
0x22: {  	[simem:s7], [sflag:s8] =	dma.local @!p0 [hbm:s6], $0xF7A  }
0x23: {  	s9 =	sor.u32 $0xD0000000, s2;
	s6 =	simm.s32 $0x108;
	_ =	swait.ge @!p0 [sflag:s8], $0x0  }
0x24: {  	s3 =	sadd.s32 $0x88, s3;
	s6 =	simm.s32 @!p1 $0x1082;
	[sflag:s4] =	ssyncset.s32 $0xFFFFF086  }
0x25: {  	[simem:s6], [sflag:s4] =	dma.local [hbm:s3], $0xF7A  }
0x26: {  	[smem:$0x3F9F] =	sst s1;
	(tag) =	ssettag s2;
	_ =	strace s9  }
0x27: {  	s1 =	sld [smem:$0x3FAF]  }
0x28: {  	s2 =	sld [smem:$0x3FB0]  }
0x29: {  	s4 =	sld [smem:$0x3FB2]  }
0x2a: {  	p0 =	seq.s32 s5, $0x0;
	s5 =	sld [smem:$0x3FB3]  }
0x2b: {  	s6 =	sld [smem:$0x3FB4]  }
0x2c: {  	s7 =	sld [smem:$0x3FB5]  }
0x2d: {  	s3 =	simm.s32 $0x108;
	s8 =	sld [smem:$0x3FB6]  }
0x2e: {  	s3 =	simm.s32 @!p0 $0x1082;
	s9 =	sld [smem:$0x3FB7]  }
0x2f: {  	lr =	sadd.s32 s0, s3;
	s0 =	sld [smem:$0x3FAE]  }
0x30: {  	s3 =	sld [smem:$0x3FB1]  }
0x31: {  	[smem:$0x3FBA] =	sst s10  }
0x32: {  	s10 =	sld [smem:$0x3FB8];
	_ =	sdelay $0x3  }
0x33: {  	p0 =	seq.s32 s10, $0x1;
	s10 =	sld [smem:$0x3FBA];
	_ =	sdelay $0x3  }
0x34: {  	[smem:$0x3FBA] =	sst s10  }
0x35: {  	s10 =	sld [smem:$0x3FB9];
	_ =	sdelay $0x3  }
0x36: {  	p1 =	seq.s32 s10, $0x1;
	s10 =	sld [smem:$0x3FBA];
	_ =	sdelay $0x3  }
0x37: {  	[smem:$0x3FBA] =	sst s10  }
0x38: {  	s10 =	sld [smem:$0x3FBB]  }
0x39: {  	_ = 	snop;
	(pc) =	sbr.ind lr, $3  }
0x3a: {  	_ = 	snop  }
0x3b: {  	_ = 	snop  }
0x3c: {  	p2 =	seq.s32 s10, $0x1;
	s10 =	sld [smem:$0x3FBA]  }
0x3d: {  	_ =	shalt  }
0x3e: {  	_ =	shalt  }
0x3f: {  	_ =	shalt  }
0x40: {  	_ =	shalt  }
0x41: {  	_ =	shalt  }
0x42: {  	_ =	shalt  }
0x43: {  	_ =	shalt  }
0x44: {  	_ =	shalt  }
0x45: {  	_ =	shalt  }
0x46: {  	_ =	shalt  }
0x47: {  	_ =	shalt  }
0x48: {  	_ =	shalt  }
0x49: {  	_ =	shalt  }
0x4a: {  	_ =	shalt  }
0x4b: {  	_ =	shalt  }
0x4c: {  	_ =	shalt  }
0x4d: {  	_ =	shalt  }
0x4e: {  	_ =	shalt  }
0x4f: {  	_ =	shalt  }
0x50: {  	_ =	shalt  }
0x51: {  	_ =	shalt  }
0x52: {  	_ =	shalt  }
0x53: {  	_ =	shalt  }
0x54: {  	_ =	shalt  }
0x55: {  	_ =	shalt  }
0x56: {  	_ =	shalt  }
0x57: {  	_ =	shalt  }
0x58: {  	_ =	shalt  }
0x59: {  	_ =	shalt  }
0x5a: {  	_ =	shalt  }
0x5b: {  	_ =	shalt  }
0x5c: {  	_ =	shalt  }
0x5d: {  	_ =	shalt  }
0x5e: {  	_ =	shalt  }
0x5f: {  	_ =	shalt  }
0x60: {  	_ =	shalt  }
0x61: {  	_ =	shalt  }
0x62: {  	_ =	shalt  }
0x63: {  	_ =	shalt  }
0x64: {  	_ =	shalt  }
0x65: {  	_ =	shalt  }
0x66: {  	_ =	shalt  }
0x67: {  	_ =	shalt  }
0x68: {  	_ =	shalt  }
0x69: {  	_ =	shalt  }
0x6a: {  	_ =	shalt  }
0x6b: {  	_ =	shalt  }
0x6c: {  	_ =	shalt  }
0x6d: {  	_ =	shalt  }
0x6e: {  	_ =	shalt  }
0x6f: {  	_ =	shalt  }
0x70: {  	_ =	shalt  }
0x71: {  	_ =	shalt  }
0x72: {  	_ =	shalt  }
0x73: {  	_ =	shalt  }
0x74: {  	_ =	shalt  }
0x75: {  	_ =	shalt  }
0x76: {  	_ =	shalt  }
0x77: {  	_ =	shalt  }
0x78: {  	_ =	shalt  }
0x79: {  	_ =	shalt  }
0x7a: {  	_ =	shalt  }
0x7b: {  	_ =	shalt  }
0x7c: {  	_ =	shalt  }
0x7d: {  	_ =	shalt  }
0x7e: {  	_ =	shalt  }
0x7f: {  	_ =	shalt  }
0x80: {  	_ =	shalt  }
0x81: {  	_ =	shalt  }
0x82: {  	_ =	shalt  }
0x83: {  	_ =	shalt  }
0x84: {  	_ =	shalt  }
0x85: {  	_ =	shalt  }
0x86: {  	_ =	shalt  }
0x87: {  	_ =	shalt  }
.Lfunc_end0:
.L_simem_size_0:
called_computation.1_lowered:
.L_overlay_start_0:
0x88: {  	s2 =	sld [smem:$0x3FD9]  }
0x89: {  	s3 =	sld [smem:$0x3FFE];
	_ =	sdelay $0x1  }
0x8a: {  	s1 =	srdreg.scid  }
0x8b: {  	s0 =	sand.u32 $0x1, s1  }
0x8c: {  	s15 =	sshll.u32 s0, $0xA;
	s2 =	sadd.s32 s3, s2  }
0x8d: {  	s2 =	sadd.s32 s2, s15  }
0x8e: {  	[smem:$0x3FC6] =	sst s2  }
0x8f: {  	_ = 	snop  }
0x90: {  	s2 =	sld [smem:$0x3FD0];
	_ =	sdelay $0x2  }
0x91: {  	s4 =	simm.s32 $0xB;
	s16 =	simm.s32 $0x10  }
0x92: {  	[smem:s16], [sflag:s4] =	dma.local [hbm:s2], $0x1  }
0x93: {  	_ =	swait.eq [sflag:s4], $0x1  }
0x94: {  	[sflag:s4] =	ssyncset.done $0x0  }
0x95: {  	s17 =	sld [smem:$0x10];
	[sflag:s4] =	ssyncadd.s32 $0xFFFFFFFF  }
0x96: {  	s18 =	sld [smem:$0x11];
	(tm) =	ssettm $0x1  }
0x97: {  	s19 =	sld [smem:$0x3FFB];
	_ =	sdelay $0x3  }
0x98: {  	_ =	strace s19  }
0x99: {  	s2 =	sld [smem:$0x3FFC];
	_ =	sdelay $0x3  }
0x9a: {  	_ =	strace s2  }
0x9b: {  	s2 =	sld [smem:$0x3FFD];
	_ =	sdelay $0x3  }
0x9c: {  	_ =	strace s2  }
0x9d: {  	_ =	strace $0x8FFFFFFF  }
0x9e: {  	s20 =	sld [smem:$0x3FDB];
	_ =	sdelay $0x1  }
0x9f: {  	s5 =	simm.s32 $_scs_section_size  }
0xa0: {  	s6 =	simm.s32 $_size__tile_overlayer_lowered;
	s7 =	simm.s32 $_tile_overlayer_lowered  }
0xa1: {  	s8 =	simm.s32 $0x1BFF;
	s21 =	sshll.u32 s7, $0x1;
	s5 =	sadd.s32 s5, s20  }
0xa2: {  	s22 =	simm.s32 $0x0;
	s6 =	sshll.u32 s6, $0x1;
	s7 =	sadd.s32 s21, s5  }
0xa3: {  	[timem:s22], [sflag:s8] =	dma.local [hbm:s7], s6  }
0xa4: {  	_ =	swait.ge [sflag:s8], s6  }
0xa5: {  	s6 =	ssub.s32 $0x0, s6;
	[sflag:s8] =	ssyncset.done $0x0  }
0xa6: {  	[sflag:s8] =	ssyncadd.s32 s6;
	_ =	sdelay $0x1  }
0xa7: {  	s23 =	simm.s32 $0x1B8B  }
0xa8: {  	_ =	swait.ge [sflag:s23], $0x1  }
0xa9: {  	[sflag:s23] =	ssyncset.done $0x0  }
0xaa: {  	[sflag:s23] =	ssyncadd.s32 $0xFFFFFFFF  }
0xab: {  	s6 =	sld [smem:$0x0]  }
0xac: {  	s7 =	sand.u32 $0xFFFFFFFE, s1  }
0xad: {  	p0 =	sne.s32 s1, s7  }
0xae: {  	s7 =	sshll.u32 @p0 s7, $0xE  }
0xaf: {  	s7 =	sadd.s32 @p0 $0x11B8D, s7;
	s8 =	sshll.u32 @p0 s6, $0x11  }
0xb0: {  	s7 =	sor.u32 @p0 s8, s7  }
0xb1: {  	[sflag:s7] =	ssyncadd.remote.s32 @p0 $0x1;
	_ =	sdelay $0x1  }
0xb2: {  	s7 =	simm.s32 @p0 $0x1B8D  }
0xb3: {  	_ =	swait.eq @p0 [sflag:s7], $0x1  }
0xb4: {  	[sflag:s7] =	ssyncadd.s32 @p0 $0xFFFFFFFF  }
0xb5: {  	s8 =	sshll.u32 @!p0 s1, $0xE  }
0xb6: {  	s8 =	sor.u32 @!p0 $0x4000, s8;
	s7 =	simm.s32 @!p0 $0x1B8D  }
0xb7: {  	s6 =	sshll.u32 @!p0 s6, $0x11;
	s8 =	sadd.s32 @!p0 $0x11B8D, s8;
	_ =	swait.eq @!p0 [sflag:s7], $0x1  }
0xb8: {  	s6 =	sor.u32 @!p0 s6, s8;
	[sflag:s7] =	ssyncadd.s32 @!p0 $0xFFFFFFFF  }
0xb9: {  	s25 =	simm.s32 $0x1B8E;
	s24 =	sld [smem:$0x3FFE];
	[sflag:s6] =	ssyncadd.remote.s32 @!p0 $0x1  }
0xba: {  	s26 =	simm.s32 $execute0_lowered;
	[smem:$0x3FD2] =	sst s25  }
0xbb: {  	s7 =	sshll.u32 s26, $0x1;
	_ =	strace $0x80000049;
	[dreg:$0x1] =	wrdreg $0xFFFFFFFF  }
0xbc: {  	s28 =	simm.s32 $_size_execute0_lowered;
	s5 =	sadd.s32 s5, s7;
	[dreg:$0x0] =	wrdreg $0x0  }
0xbd: {  	s7 =	sshll.u32 s28, $0x1;
	[dreg:$0x2] =	wrdreg s5  }
0xbe: {  	[dreg:$0x3] =	wrdreg s7  }
0xbf: {  	[dreg:$0x4] =	wrdreg $0xC0  }
0xc0: {  	_ =	task [dreg:s22], $0x5FFFF  }
0xc1: {  	[dreg:$0x1] =	wrdreg $0xFFFFFFFF  }
0xc2: {  	[dreg:$0x0] =	wrdreg $0x60  }
0xc3: {  	[dreg:$0x2] =	wrdreg s24  }
0xc4: {  	[dreg:$0x3] =	wrdreg s18  }
0xc5: {  	[dreg:$0x4] =	wrdreg s17  }
0xc6: {  	[dreg:$0x5] =	wrdreg $0xA  }
0xc7: {  	_ =	task.clear_ibuf [dreg:s22], $0x6FFFF;
	_ =	strace $0x90000049  }
0xc8: {  	s29 =	simm.s32 $0xA;
	_ =	strace $0x8000004B  }
0xc9: {  	_ =	swait.ge [sflag:s29], $0x1  }
0xca: {  	[sflag:s29] =	ssyncadd.s32 $0xFFFFFFFF  }
0xcb: {  	_ =	strace $0x9000004B  }
0xcc: {  	_ =	sfence  }
0xcd: {  	s30 =	sld [smem:$0x0];
	_ =	sdelay $0x2  }
0xce: {  	s31 =	sshll.u32 s1, $0xD;
	s1 =	sshrl.u32 s1, $0x2  }
0xcf: {  	s4 =	sand.u32 $0x4000, s31;
	s1 =	sadd.s32 s1, s30  }
0xd0: {  	s0 =	sor.u32 s4, s0;
	s1 =	sshll.u32 s1, $0x11  }
0xd1: {  	s0 =	sor.u32 s1, s0  }
0xd2: {  	s0 =	sadd.s32 $0x8F2B, s0  }
0xd3: {  	[sflag:s0] =	ssyncadd.remote.s32 $0x1  }
0xd4: {  	_ =	sfence.sel $0xFFFF  }
0xd5: {  	[dreg:$0x0] =	wrdreg $0xFFFFFFFF;
	(pc) =	sbr.abs _section_cstart, $3  }
0xd6: {  	[dreg:$0x1] =	wrdreg $0xFFFFFFFF  }
0xd7: {  	_ =	task.clear_ibuf [dreg:s22], $0x2FFFF;
	_ =	strace $0x9FFFFFFF  }
0xd8: {  	(tm) =	ssettm $0x7FFFFFFF  }
0xd9: {  	_ =	shalt  }
tec
execute0_lowered:
.L_overlay_start_1:
0x0: {  	(tag) =	ssettag $0x1  }
0x1: {  	s3 =	rddreg [dreg:$0x0]  }
0x2: {  	s4 =	rddreg [dreg:$0x1]  }
0x3: {  	s5 =	rddreg [dreg:$0x2]  }
0x4: {  	s0 =	rddreg [dreg:$0x3];
	s1 =	simm.s32 $0x0;
	s2 =	srdreg.scid  }
0x5: {  	s10 =	simm.s32 $0x4000;
	s11 =	simm.s32 $0x4200;
	s12 =	simm.s32 $0x0  }
0x6: {  	[smem:$0x7FF] =	sst s1;
	s6 =	sand.u32 $0x1, s2;
	s2 =	stileid.u32  }
0x7: {  	_ =	strace $0x8000004A;
	s7 =	sshll.u32 s6, $0x8;
	s8 =	ssub.s32 $0x2, s6  }
0x8: {  	s9 =	sshll.u32 s2, $0xC;
	s31 =	sshll.u32 s2, $0x7;
	s6 =	sshll.u32 s6, $0x6  }
0x9: {  	v0 =	vlaneseq.u32;
	s3 =	sadd.s32 s7, s3;
	s30 =	sshrl.u32 s8, $0x1;
	s6 =	sor.u32 s6, s31  }
0xa: {  	v0 =	vmul.u32 $0x2, v0;
	s3 =	sadd.s32 s9, s3;
	s7 =	ssub.s32 s8, s30;
	s4 =	sadd.s32 s4, s6  }
0xb: {  	s5 =	sadd.s32 s5, s6;
	s8 =	simm.s32 $0x1000;
	s9 =	simm.s32 $0x1  }
0xc: {  	v1 =	vimm.s32 $0x0;
	v2 =	vor.u32 $0x1, v0;
	s3 =	sadd.s32 $0x12800, s3;
	s6 =	smax.u32 s7, $0x1;
	s7 =	simm.s32 $0x800  }
.LBB2_1:
0xd: {  	[tilespmem:s1], [sflag:$0x1] =	stream.strided.gather [hbm4b:s3+s7], $0x4000, s8, s7, $0x38;
	[tilespmem:$0x4400] =	vst v63  }
0xe: {  	_ =	swait.ge [sflag:s9], $0x4000  }
0xf: {  	s13 =	sand.u32 $0x70, s1;
	s14 =	sand.u32 $0x400, s1;
	[sflag:s9] =	ssyncset.done $0x0  }
0x10: {  	s13 =	sor.u32 s13, s14;
	[sflag:s9] =	ssyncadd.s32 $0xFFFFC000  }
0x11: {  	v3 =	vld [tilespmem:s13+$0x0];
	_ =	sdelay $0x1  }
0x12: {  	v4 =	vld [tilespmem:s13+$0x80];
	_ =	sdelay $0x2  }
0x13: {  	vm0 =	vgt.f32 v3, $-Inf  }
0x14: {  	v3 =	vnsel vm0, $0xFF800000, v3  }
0x15: {  	v6 =	vimm.s32 $0x0;
	vm2 =	vgt.f32 v4, v3  }
0x16: {  	v5 =	vld [tilespmem:s13+$0x100];
	vm9 =	vlt.f32 v4, $-Inf;
	vm1 =	vgt.f32 v4, $-Inf;
	v6 =	vsel vm2, $0xFFFFFFFF, v6  }
0x17: {  	vm0 =	vmor vm1, vm9;
	[tilespmem:$0x1FB30] =	vst v6;
	v6 =	vimm.s32 $0x0  }
0x18: {  	v6 =	vsel vm0, $0xFFFFFFFF, v6  }
0x19: {  	vm2 =	vmneg vm2;
	[tilespmem:$0x1FB40] =	vst v6;
	v6 =	vnsel vm0, $0xFF800000, v4  }
0x1a: {  	v7 =	vld [tilespmem:s13+$0x180];
	v6 =	vsel vm2, v6, v3  }
0x1b: {  	v3 =	vsel vm2, v3, v4;
	v4 =	vimm.s32 $0x0;
	vm10 =	vgt.f32 v5, v6  }
0x1c: {  	v4 =	vsel vm10, $0xFFFFFFFF, v4  }
0x1d: {  	vm4 =	vgt.f32 v5, v3;
	[tilespmem:$0x1FB50] =	vst v4;
	v4 =	vsel vm10, v5, v6  }
0x1e: {  	v6 =	vld [tilespmem:s13+$0x200];
	v4 =	vsel vm4, v3, v4  }
0x1f: {  	v3 =	vsel vm4, v5, v3;
	v5 =	vimm.s32 $0x0;
	vm11 =	vgt.f32 v7, v4  }
0x20: {  	v5 =	vsel vm11, $0xFFFFFFFF, v5  }
0x21: {  	vm5 =	vgt.f32 v7, v3;
	v4 =	vsel vm11, v7, v4;
	[tilespmem:$0x1FB60] =	vst v5;
	v5 =	vld [tilespmem:s13+$0x280]  }
0x22: {  	v4 =	vsel vm5, v3, v4  }
0x23: {  	v3 =	vsel vm5, v7, v3;
	v7 =	vimm.s32 $0x0;
	vm12 =	vgt.f32 v6, v4  }
0x24: {  	vm6 =	vgt.f32 v6, v3;
	v7 =	vsel vm12, $0xFFFFFFFF, v7;
	v4 =	vsel vm12, v6, v4  }
0x25: {  	[tilespmem:$0x1FB70] =	vst v7;
	v7 =	vld [tilespmem:s13+$0x300];
	v4 =	vsel vm6, v3, v4  }
0x26: {  	s31 =	sor.u32 s1, s1;
	v3 =	vsel vm6, v6, v3;
	v6 =	vimm.s32 $0x0;
	vm13 =	vgt.f32 v5, v4  }
0x27: {  	s14 =	sor.u32 $0x380, s31;
	v6 =	vsel vm13, $0xFFFFFFFF, v6  }
0x28: {  	vm1 =	vgt.f32 v5, v3;
	v4 =	vsel vm13, v5, v4;
	[tilespmem:$0x1FB80] =	vst v6;
	v6 =	vld [tilespmem:s14+$0x0]  }
0x29: {  	v4 =	vsel vm1, v3, v4  }
0x2a: {  	v3 =	vsel vm1, v5, v3;
	v5 =	vimm.s32 $0x0;
	vm14 =	vgt.f32 v7, v4  }
0x2b: {  	vm7 =	vgt.f32 v7, v3;
	v5 =	vsel vm14, $0xFFFFFFFF, v5;
	v4 =	vsel vm14, v7, v4  }
0x2c: {  	[tilespmem:$0x1FB90] =	vst v5;
	v5 =	vld [tilespmem:s13+$0x800];
	v4 =	vsel vm7, v3, v4  }
0x2d: {  	v3 =	vsel vm7, v7, v3;
	v7 =	vimm.s32 $0x0;
	vm15 =	vgt.f32 v6, v4  }
0x2e: {  	v7 =	vsel vm15, $0xFFFFFFFF, v7  }
0x2f: {  	vm8 =	vgt.f32 v6, v3;
	v4 =	vsel vm15, v6, v4;
	[tilespmem:$0x1FBA0] =	vst v7;
	v7 =	vld [tilespmem:s13+$0x880]  }
0x30: {  	v4 =	vsel vm8, v3, v4  }
0x31: {  	v3 =	vsel vm8, v6, v3;
	v6 =	vimm.s32 $0x0;
	vm12 =	vgt.f32 v5, v4  }
0x32: {  	vm3 =	vgt.f32 v5, v3;
	v6 =	vsel vm12, $0xFFFFFFFF, v6;
	v4 =	vsel vm12, v5, v4  }
0x33: {  	[tilespmem:$0x1FBB0] =	vst v6;
	v6 =	vld [tilespmem:s13+$0x900];
	v4 =	vsel vm3, v3, v4  }
0x34: {  	v3 =	vsel vm3, v5, v3;
	v5 =	vimm.s32 $0x0;
	vm13 =	vgt.f32 v7, v4  }
0x35: {  	v5 =	vsel vm13, $0xFFFFFFFF, v5  }
0x36: {  	vm10 =	vgt.f32 v7, v3;
	v4 =	vsel vm13, v7, v4;
	[tilespmem:$0x1FBC0] =	vst v5;
	v5 =	vld [tilespmem:s13+$0x980]  }
0x37: {  	v4 =	vsel vm10, v3, v4  }
0x38: {  	v3 =	vsel vm10, v7, v3;
	v7 =	vimm.s32 $0x0;
	vm14 =	vgt.f32 v6, v4  }
0x39: {  	vm11 =	vgt.f32 v6, v3;
	v7 =	vsel vm14, $0xFFFFFFFF, v7;
	v4 =	vsel vm14, v6, v4  }
0x3a: {  	[tilespmem:$0x1FBD0] =	vst v7;
	v7 =	vld [tilespmem:s13+$0xA00];
	v4 =	vsel vm11, v3, v4  }
0x3b: {  	v3 =	vsel vm11, v6, v3;
	v6 =	vimm.s32 $0x0;
	vm15 =	vgt.f32 v5, v4  }
0x3c: {  	v6 =	vsel vm15, $0xFFFFFFFF, v6  }
0x3d: {  	vm12 =	vgt.f32 v5, v3;
	v4 =	vsel vm15, v5, v4;
	[tilespmem:$0x1FBE0] =	vst v6;
	v6 =	vld [tilespmem:s13+$0xA80]  }
0x3e: {  	v4 =	vsel vm12, v3, v4  }
0x3f: {  	v3 =	vsel vm12, v5, v3;
	v5 =	vimm.s32 $0x0;
	vm9 =	vgt.f32 v7, v4  }
0x40: {  	v5 =	vsel vm9, $0xFFFFFFFF, v5;
	v4 =	vsel vm9, v7, v4;
	vm9 =	vgt.f32 v7, v3  }
0x41: {  	[tilespmem:$0x1FBF0] =	vst v5;
	v5 =	vld [tilespmem:s13+$0xB00];
	v4 =	vsel vm9, v3, v4  }
0x42: {  	v3 =	vsel vm9, v7, v3;
	v7 =	vimm.s32 $0x0;
	vm13 =	vgt.f32 v6, v4  }
0x43: {  	v7 =	vsel vm13, $0xFFFFFFFF, v7  }
0x44: {  	v4 =	vsel vm13, v6, v4;
	vm13 =	vgt.f32 v6, v3;
	[tilespmem:$0x1FC00] =	vst v7;
	v7 =	vld [tilespmem:s13+$0xB80]  }
0x45: {  	v4 =	vsel vm13, v3, v4  }
0x46: {  	v3 =	vsel vm13, v6, v3;
	v6 =	vimm.s32 $0x0;
	vm14 =	vgt.f32 v5, v4  }
0x47: {  	v6 =	vsel vm14, $0xFFFFFFFF, v6;
	v4 =	vsel vm14, v5, v4;
	vm14 =	vgt.f32 v5, v3  }
0x48: {  	[tilespmem:$0x1FC10] =	vst v6;
	v6 =	vld [tilespmem:s13+$0x1000];
	v4 =	vsel vm14, v3, v4  }
0x49: {  	v3 =	vsel vm14, v5, v3;
	v5 =	vimm.s32 $0x0;
	vm15 =	vgt.f32 v7, v4  }
0x4a: {  	v5 =	vsel vm15, $0xFFFFFFFF, v5  }
0x4b: {  	v8 =	vimm.s32 $0x0;
	v4 =	vsel vm15, v7, v4;
	vm15 =	vgt.f32 v7, v3;
	[tilespmem:$0x1FC20] =	vst v5;
	v5 =	vld [tilespmem:s13+$0x1080]  }
0x4c: {  	v8 =	vsel vm15, $0xFFFFFFFF, v8;
	v4 =	vsel vm15, v3, v4;
	v3 =	vsel vm15, v7, v3  }
0x4d: {  	[tilespmem:$0x1FC30] =	vst v8;
	vm15 =	vgt.f32 v6, v4;
	vm0 =	vgt.f32 v6, v3;
	v8 =	vimm.s32 $0x0  }
0x4e: {  	v4 =	vsel vm15, v6, v4;
	v8 =	vsel vm0, $0xFFFFFFFF, v8  }
0x4f: {  	[tilespmem:$0x1FC50] =	vst v8;
	v8 =	vld [tilespmem:$0x1FB30];
	v4 =	vsel vm0, v3, v4  }
0x50: {  	v9 =	vld [tilespmem:$0x1FB40];
	v3 =	vsel vm0, v6, v3;
	v6 =	vimm.s32 $0x0;
	vm0 =	vgt.f32 v5, v4  }
0x51: {  	v6 =	vsel vm0, $0xFFFFFFFF, v6  }
0x52: {  	[tilespmem:$0x1FC60] =	vst v6;
	v6 =	vld [tilespmem:$0x1FB50]  }
0x53: {  	v7 =	vimm.s32 $0x0  }
0x54: {  	v7 =	vsel vm15, $0xFFFFFFFF, v7;
	vm15 =	vnez.u8 v8  }
0x55: {  	[tilespmem:$0x1FC40] =	vst v7;
	v7 =	vld [tilespmem:s13+$0x1100];
	v8 =	vsel vm15, $0x1, v1;
	vm15 =	vnez.u8 v9  }
0x56: {  	vm2 =	vmand vm15, vm2  }
0x57: {  	v10 =	vimm.s32 $0x0;
	v43 =	vsel vm2, $0x1, v1;
	vm15 =	vnez.u8 v6  }
0x58: {  	v4 =	vsel vm0, v5, v4;
	v6 =	vsel vm15, $0x2, v43;
	vm15 =	vgt.f32 v5, v3  }
0x59: {  	v10 =	vsel vm15, $0xFFFFFFFF, v10;
	v4 =	vsel vm15, v3, v4  }
0x5a: {  	v3 =	vsel vm15, v5, v3;
	v5 =	vimm.s32 $0x0;
	vm15 =	vgt.f32 v7, v4  }
0x5b: {  	v5 =	vsel vm15, $0xFFFFFFFF, v5  }
0x5c: {  	[tilespmem:$0x1FC80] =	vst v5;
	v5 =	vld [tilespmem:$0x1FB60];
	_ =	sdelay $0x2  }
0x5d: {  	v44 =	vld [tilespmem:s13+$0x1180];
	_ =	sdelay $0x1  }
0x5e: {  	v6 =	vsel vm4, v8, v6;
	v8 =	vsel vm4, $0x2, v8;
	vm4 =	vnez.u8 v5  }
0x5f: {  	v4 =	vsel vm15, v7, v4;
	v5 =	vsel vm4, $0x3, v6;
	vm4 =	vgt.f32 v7, v3  }
0x60: {  	v4 =	vsel vm4, v3, v4  }
0x61: {  	v3 =	vsel vm4, v7, v3;
	v7 =	vimm.s32 $0x0;
	vm15 =	vgt.f32 v44, v4  }
0x62: {  	v7 =	vsel vm15, $0xFFFFFFFF, v7  }
0x63: {  	[tilespmem:$0x1FC90] =	vst v7;
	v7 =	vld [tilespmem:$0x1FB70];
	_ =	sdelay $0x1  }
0x64: {  	v46 =	vld [tilespmem:$0x1FB80]  }
0x65: {  	v6 =	vld [tilespmem:s13+$0x1200];
	_ =	sdelay $0x1  }
0x66: {  	v5 =	vsel vm5, v8, v5;
	v8 =	vsel vm5, $0x3, v8;
	vm5 =	vnez.u8 v7  }
0x67: {  	v4 =	vsel vm15, v44, v4;
	v7 =	vld [tilespmem:s13+$0x1280];
	v5 =	vsel vm5, $0x4, v5;
	vm5 =	vgt.f32 v44, v3  }
0x68: {  	v5 =	vsel vm6, v8, v5;
	v4 =	vsel vm5, v3, v4;
	v8 =	vsel vm6, $0x4, v8  }
0x69: {  	v3 =	vsel vm5, v44, v3;
	vm6 =	vnez.u8 v46;
	vm15 =	vgt.f32 v6, v4  }
0x6a: {  	v5 =	vsel vm6, $0x5, v5;
	vm6 =	vgt.f32 v6, v3;
	v4 =	vsel vm15, v6, v4  }
0x6b: {  	v4 =	vsel vm6, v3, v4  }
0x6c: {  	v3 =	vsel vm6, v6, v3;
	v6 =	vimm.s32 $0x0;
	vm0 =	vgt.f32 v7, v4  }
0x6d: {  	v6 =	vsel vm0, $0xFFFFFFFF, v6  }
0x6e: {  	[tilespmem:$0x1FCB0] =	vst v6;
	v6 =	vld [tilespmem:$0x1FB90];
	_ =	sdelay $0x2  }
0x6f: {  	v47 =	vld [tilespmem:s13+$0x1300]  }
0x70: {  	v45 =	vimm.s32 $0x0;
	v48 =	vimm.s32 $0x0  }
0x71: {  	v9 =	vsel vm15, $0xFFFFFFFF, v45;
	v5 =	vsel vm1, v8, v5;
	vm15 =	vnez.u8 v6  }
0x72: {  	v4 =	vsel vm0, v7, v4;
	v5 =	vsel vm15, $0x6, v5;
	vm15 =	vgt.f32 v7, v3  }
0x73: {  	[tilespmem:$0x1FC70] =	vst v10;
	v10 =	vsel vm15, $0xFFFFFFFF, v48;
	v4 =	vsel vm15, v3, v4  }
0x74: {  	v3 =	vsel vm15, v7, v3;
	v7 =	vimm.s32 $0x0;
	vm15 =	vgt.f32 v47, v4  }
0x75: {  	v7 =	vsel vm15, $0xFFFFFFFF, v7  }
0x76: {  	[tilespmem:$0x1FCD0] =	vst v7;
	v7 =	vld [tilespmem:$0x1FBA0];
	_ =	sdelay $0x1  }
0x77: {  	v50 =	vld [tilespmem:$0x1FBB0]  }
0x78: {  	v6 =	vld [tilespmem:s13+$0x1380]  }
0x79: {  	v8 =	vsel vm1, $0x5, v8  }
0x7a: {  	v5 =	vsel vm7, v8, v5;
	v8 =	vsel vm7, $0x6, v8;
	vm7 =	vnez.u8 v7  }
0x7b: {  	v4 =	vsel vm15, v47, v4;
	v7 =	vld [tilespmem:s13+$0x1800];
	v5 =	vsel vm7, $0x7, v5;
	vm7 =	vgt.f32 v47, v3  }
0x7c: {  	v5 =	vsel vm8, v8, v5;
	v4 =	vsel vm7, v3, v4;
	v8 =	vsel vm8, $0x7, v8  }
0x7d: {  	v3 =	vsel vm7, v47, v3;
	vm8 =	vnez.u8 v50;
	vm15 =	vgt.f32 v6, v4  }
0x7e: {  	v5 =	vsel vm8, $0x8, v5;
	vm8 =	vgt.f32 v6, v3;
	v4 =	vsel vm15, v6, v4  }
0x7f: {  	v4 =	vsel vm8, v3, v4  }
0x80: {  	v3 =	vsel vm8, v6, v3;
	v6 =	vimm.s32 $0x0;
	vm0 =	vgt.f32 v7, v4  }
0x81: {  	v6 =	vsel vm0, $0xFFFFFFFF, v6  }
0x82: {  	[tilespmem:$0x1FCF0] =	vst v6;
	v6 =	vld [tilespmem:$0x1FBC0];
	_ =	sdelay $0x2  }
0x83: {  	v51 =	vld [tilespmem:s13+$0x1880]  }
0x84: {  	v49 =	vimm.s32 $0x0;
	v52 =	vimm.s32 $0x0  }
0x85: {  	[tilespmem:$0x1FCA0] =	vst v9;
	v9 =	vsel vm15, $0xFFFFFFFF, v49;
	v5 =	vsel vm3, v8, v5;
	vm15 =	vnez.u8 v6  }
0x86: {  	v4 =	vsel vm0, v7, v4;
	v5 =	vsel vm15, $0x9, v5;
	vm15 =	vgt.f32 v7, v3  }
0x87: {  	[tilespmem:$0x1FCC0] =	vst v10;
	v10 =	vsel vm15, $0xFFFFFFFF, v52;
	v4 =	vsel vm15, v3, v4  }
0x88: {  	v3 =	vsel vm15, v7, v3;
	v7 =	vimm.s32 $0x0;
	vm15 =	vgt.f32 v51, v4  }
0x89: {  	v7 =	vsel vm15, $0xFFFFFFFF, v7  }
0x8a: {  	[tilespmem:$0x1FD10] =	vst v7;
	v7 =	vld [tilespmem:$0x1FBD0];
	_ =	sdelay $0x1  }
0x8b: {  	v54 =	vld [tilespmem:$0x1FBE0]  }
0x8c: {  	v6 =	vld [tilespmem:s13+$0x1900]  }
0x8d: {  	v8 =	vsel vm3, $0x8, v8  }
0x8e: {  	v5 =	vsel vm10, v8, v5;
	v8 =	vsel vm10, $0x9, v8;
	vm10 =	vnez.u8 v7  }
0x8f: {  	v4 =	vsel vm15, v51, v4;
	v7 =	vld [tilespmem:s13+$0x1980];
	v5 =	vsel vm10, $0xA, v5;
	vm10 =	vgt.f32 v51, v3  }
0x90: {  	v5 =	vsel vm11, v8, v5;
	v4 =	vsel vm10, v3, v4;
	v8 =	vsel vm11, $0xA, v8  }
0x91: {  	v3 =	vsel vm10, v51, v3;
	vm11 =	vnez.u8 v54;
	vm15 =	vgt.f32 v6, v4  }
0x92: {  	v5 =	vsel vm11, $0xB, v5;
	vm11 =	vgt.f32 v6, v3;
	v4 =	vsel vm15, v6, v4  }
0x93: {  	v5 =	vsel vm12, v8, v5;
	v8 =	vsel vm12, $0xB, v8;
	v4 =	vsel vm11, v3, v4  }
0x94: {  	v3 =	vsel vm11, v6, v3;
	v6 =	vimm.s32 $0x0;
	vm12 =	vgt.f32 v7, v4  }
0x95: {  	v6 =	vsel vm12, $0xFFFFFFFF, v6  }
0x96: {  	[tilespmem:$0x1FD30] =	vst v6;
	v6 =	vld [tilespmem:$0x1FBF0];
	_ =	sdelay $0x1  }
0x97: {  	v55 =	vld [tilespmem:s13+$0x1A00];
	_ =	sdelay $0x1  }
0x98: {  	v53 =	vimm.s32 $0x0;
	v4 =	vsel vm12, v7, v4;
	vm12 =	vgt.f32 v7, v3  }
0x99: {  	[tilespmem:$0x1FCE0] =	vst v9;
	v9 =	vsel vm15, $0xFFFFFFFF, v53;
	v4 =	vsel vm12, v3, v4;
	vm15 =	vnez.u8 v6  }
0x9a: {  	v3 =	vsel vm12, v7, v3;
	v7 =	vimm.s32 $0x0;
	v5 =	vsel vm15, $0xC, v5  }
0x9b: {  	v5 =	vsel vm9, v8, v5;
	v8 =	vsel vm9, $0xC, v8;
	vm9 =	vgt.f32 v55, v4  }
0x9c: {  	v7 =	vsel vm9, $0xFFFFFFFF, v7  }
0x9d: {  	[tilespmem:$0x1FD40] =	vst v7;
	v7 =	vld [tilespmem:$0x1FC00];
	_ =	sdelay $0x1  }
0x9e: {  	v6 =	vld [tilespmem:s13+$0x1A80];
	_ =	sdelay $0x1  }
0x9f: {  	v56 =	vimm.s32 $0x0;
	v57 =	vimm.s32 $0x0  }
0xa0: {  	v4 =	vsel vm9, v55, v4;
	vm9 =	vgt.f32 v55, v3;
	vm15 =	vnez.u8 v7;
	v7 =	vld [tilespmem:s13+$0x1B00]  }
0xa1: {  	v4 =	vsel vm9, v3, v4;
	v3 =	vsel vm9, v55, v3;
	v5 =	vsel vm15, $0xD, v5  }
0xa2: {  	v5 =	vsel vm13, v8, v5;
	v8 =	vsel vm13, $0xD, v8;
	vm13 =	vgt.f32 v6, v4  }
0xa3: {  	[tilespmem:$0x1FD20] =	vst v9;
	v9 =	vsel vm13, $0xFFFFFFFF, v57;
	v4 =	vsel vm13, v6, v4;
	vm13 =	vgt.f32 v6, v3  }
0xa4: {  	[tilespmem:$0x1FD00] =	vst v10;
	v10 =	vsel vm9, $0xFFFFFFFF, v56;
	v4 =	vsel vm13, v3, v4  }
0xa5: {  	v58 =	vld [tilespmem:$0x1FC10];
	v3 =	vsel vm13, v6, v3;
	v6 =	vimm.s32 $0x0;
	vm9 =	vgt.f32 v7, v4  }
0xa6: {  	v6 =	vsel vm9, $0xFFFFFFFF, v6  }
0xa7: {  	[tilespmem:$0x1FD70] =	vst v6;
	v6 =	vld [tilespmem:$0x1FC20];
	_ =	sdelay $0x2  }
0xa8: {  	v59 =	vld [tilespmem:s13+$0x1B80];
	vm15 =	vnez.u8 v58  }
0xa9: {  	v5 =	vsel vm15, $0xE, v5  }
0xaa: {  	v5 =	vsel vm14, v8, v5;
	v8 =	vsel vm14, $0xE, v8;
	vm14 =	vnez.u8 v6  }
0xab: {  	v4 =	vsel vm9, v7, v4;
	v5 =	vsel vm14, $0xF, v5;
	vm14 =	vgt.f32 v7, v3  }
0xac: {  	v4 =	vsel vm14, v3, v4  }
0xad: {  	v3 =	vsel vm14, v7, v3;
	v7 =	vimm.s32 $0x0;
	vm9 =	vgt.f32 v59, v4  }
0xae: {  	v60 =	vld [tilespmem:$0x1FC30];
	v7 =	vsel vm9, $0xFFFFFFFF, v7  }
0xaf: {  	[tilespmem:$0x1FD80] =	vst v7;
	v7 =	vld [tilespmem:$0x1FC40];
	_ =	sdelay $0x2  }
0xb0: {  	v6 =	vld [tilespmem:s13+$0x2000]  }
0xb1: {  	vm15 =	vnez.u8 v60  }
0xb2: {  	v5 =	vsel vm15, v8, v5;
	v8 =	vsel vm15, $0xF, v8;
	vm15 =	vnez.u8 v7  }
0xb3: {  	v4 =	vsel vm9, v59, v4;
	v7 =	vld [tilespmem:s13+$0x2080];
	v5 =	vsel vm15, $0x10, v5;
	vm15 =	vgt.f32 v59, v3  }
0xb4: {  	v4 =	vsel vm15, v3, v4  }
0xb5: {  	v61 =	vld [tilespmem:$0x1FC50];
	v3 =	vsel vm15, v59, v3;
	vm0 =	vgt.f32 v6, v4  }
0xb6: {  	v62 =	vimm.s32 $0x0;
	v63 =	vld [tilespmem:$0x1FC60];
	vm2 =	vgt.f32 v6, v3;
	v4 =	vsel vm0, v6, v4  }
0xb7: {  	v13 =	vld [tilespmem:$0x1FC70];
	[tilespmem:$0x1FD60] =	vst v9;
	v9 =	vsel vm0, $0xFFFFFFFF, v62;
	v4 =	vsel vm2, v3, v4  }
0xb8: {  	v3 =	vsel vm2, v6, v3;
	v6 =	vimm.s32 $0x0;
	vm0 =	vgt.f32 v7, v4  }
0xb9: {  	v6 =	vsel vm0, $0xFFFFFFFF, v6  }
0xba: {  	vm9 =	vnez.u8 v61;
	[tilespmem:$0x1FDA0] =	vst v6;
	v6 =	vld [tilespmem:$0x1FC80]  }
0xbb: {  	v12 =	vld [tilespmem:s13+$0x2100];
	v5 =	vsel vm9, v8, v5;
	v8 =	vsel vm9, $0x10, v8;
	vm9 =	vnez.u8 v63  }
0xbc: {  	v5 =	vsel vm9, $0x11, v5;
	vm9 =	vnez.u8 v13  }
0xbd: {  	v5 =	vsel vm9, v8, v5  }
0xbe: {  	v8 =	vsel vm9, $0x11, v8;
	vm3 =	vgt.f32 v7, v3;
	v4 =	vsel vm0, v7, v4  }
0xbf: {  	v4 =	vsel vm3, v3, v4;
	v3 =	vsel vm3, v7, v3;
	vm9 =	vnez.u8 v6  }
0xc0: {  	v7 =	vimm.s32 $0x0;
	v5 =	vsel vm9, $0x12, v5;
	vm9 =	vgt.f32 v12, v4  }
0xc1: {  	v7 =	vsel vm9, $0xFFFFFFFF, v7  }
0xc2: {  	[tilespmem:$0x1FDB0] =	vst v7;
	v7 =	vld [tilespmem:$0x1FC90];
	_ =	sdelay $0x1  }
0xc3: {  	v6 =	vld [tilespmem:s13+$0x2180];
	_ =	sdelay $0x1  }
0xc4: {  	vm0 =	vgt.f32 v12, v3;
	v5 =	vsel vm4, v8, v5  }
0xc5: {  	v8 =	vsel vm4, $0x12, v8;
	v4 =	vsel vm9, v12, v4;
	vm4 =	vnez.u8 v7;
	v7 =	vld [tilespmem:s13+$0x2200]  }
0xc6: {  	v4 =	vsel vm0, v3, v4  }
0xc7: {  	v14 =	vimm.s32 $0x0;
	v3 =	vsel vm0, v12, v3;
	vm1 =	vgt.f32 v6, v4  }
0xc8: {  	[tilespmem:$0x1FD90] =	vst v9;
	v9 =	vsel vm1, $0xFFFFFFFF, v14;
	v4 =	vsel vm1, v6, v4;
	vm1 =	vgt.f32 v6, v3  }
0xc9: {  	v15 =	vld [tilespmem:$0x1FCA0];
	v4 =	vsel vm1, v3, v4;
	v3 =	vsel vm1, v6, v3  }
0xca: {  	v6 =	vimm.s32 $0x0;
	v5 =	vsel vm4, $0x13, v5;
	vm4 =	vgt.f32 v7, v4  }
0xcb: {  	v17 =	vld [tilespmem:$0x1FCC0];
	v6 =	vsel vm4, $0xFFFFFFFF, v6  }
0xcc: {  	[tilespmem:$0x1FDD0] =	vst v6;
	v6 =	vld [tilespmem:$0x1FCB0];
	_ =	sdelay $0x1  }
0xcd: {  	v18 =	vld [tilespmem:$0x1FCD0];
	vm9 =	vnez.u8 v15;
	v5 =	vsel vm5, v8, v5  }
0xce: {  	v16 =	vld [tilespmem:s13+$0x2280];
	v8 =	vsel vm5, $0x13, v8;
	v5 =	vsel vm9, $0x14, v5  }
0xcf: {  	vm5 =	vnez.u8 v17;
	v5 =	vsel vm6, v8, v5  }
0xd0: {  	v4 =	vsel vm4, v7, v4;
	vm4 =	vgt.f32 v7, v3;
	vm9 =	vnez.u8 v6  }
0xd1: {  	v8 =	vsel vm6, $0x14, v8;
	v4 =	vsel vm4, v3, v4;
	v5 =	vsel vm9, $0x15, v5  }
0xd2: {  	v3 =	vsel vm4, v7, v3;
	v6 =	vld [tilespmem:s13+$0x2300];
	vm9 =	vnez.u8 v18;
	v5 =	vsel vm5, v8, v5  }
0xd3: {  	v7 =	vimm.s32 $0x0;
	v5 =	vsel vm9, $0x16, v5;
	vm9 =	vgt.f32 v16, v4  }
0xd4: {  	v7 =	vsel vm9, $0xFFFFFFFF, v7  }
0xd5: {  	v4 =	vsel vm9, v16, v4;
	[tilespmem:$0x1FDE0] =	vst v7;
	v7 =	vsel vm5, $0x15, v8;
	v8 =	vld [tilespmem:s13+$0x2380];
	vm5 =	vgt.f32 v16, v3  }
0xd6: {  	v4 =	vsel vm5, v3, v4  }
0xd7: {  	v19 =	vimm.s32 $0x0;
	v3 =	vsel vm5, v16, v3;
	vm6 =	vgt.f32 v6, v4  }
0xd8: {  	v20 =	vld [tilespmem:$0x1FCE0];
	[tilespmem:$0x1FDC0] =	vst v9;
	v9 =	vsel vm6, $0xFFFFFFFF, v19;
	v4 =	vsel vm6, v6, v4;
	vm6 =	vgt.f32 v6, v3  }
0xd9: {  	v5 =	vsel vm7, v7, v5;
	v7 =	vsel vm7, $0x16, v7;
	v4 =	vsel vm6, v3, v4  }
0xda: {  	v3 =	vsel vm6, v6, v3;
	v6 =	vimm.s32 $0x0;
	vm7 =	vgt.f32 v8, v4  }
0xdb: {  	v6 =	vsel vm7, $0xFFFFFFFF, v6  }
0xdc: {  	[tilespmem:$0x1FE00] =	vst v6;
	v6 =	vld [tilespmem:$0x1FCF0]  }
0xdd: {  	v22 =	vld [tilespmem:$0x1FD00];
	vm9 =	vnez.u8 v20  }
0xde: {  	v21 =	vld [tilespmem:s13+$0x2800];
	v5 =	vsel vm9, $0x17, v5  }
0xdf: {  	v5 =	vsel vm8, v7, v5  }
0xe0: {  	v7 =	vsel vm8, $0x17, v7;
	v4 =	vsel vm7, v8, v4;
	vm7 =	vgt.f32 v8, v3  }
0xe1: {  	v4 =	vsel vm7, v3, v4;
	v3 =	vsel vm7, v8, v3;
	vm8 =	vnez.u8 v6  }
0xe2: {  	v8 =	vimm.s32 $0x0;
	v5 =	vsel vm8, $0x18, v5;
	vm8 =	vnez.u8 v22  }
0xe3: {  	v5 =	vsel vm8, v7, v5;
	v7 =	vsel vm8, $0x18, v7;
	vm8 =	vgt.f32 v21, v4  }
0xe4: {  	v8 =	vsel vm8, $0xFFFFFFFF, v8  }
0xe5: {  	[tilespmem:$0x1FE10] =	vst v8;
	v8 =	vld [tilespmem:$0x1FD10];
	_ =	sdelay $0x1  }
0xe6: {  	v6 =	vld [tilespmem:s13+$0x2880];
	_ =	sdelay $0x1  }
0xe7: {  	v23 =	vimm.s32 $0x0  }
0xe8: {  	v4 =	vsel vm8, v21, v4;
	vm8 =	vgt.f32 v21, v3;
	vm9 =	vnez.u8 v8;
	v8 =	vld [tilespmem:s13+$0x2900]  }
0xe9: {  	v24 =	vimm.s32 $0x0;
	v27 =	vimm.s32 $0x0;
	v4 =	vsel vm8, v3, v4  }
0xea: {  	[tilespmem:$0x1FD50] =	vst v10;
	v10 =	vsel vm8, $0xFFFFFFFF, v23;
	v3 =	vsel vm8, v21, v3;
	vm8 =	vgt.f32 v6, v4  }
0xeb: {  	v26 =	vld [tilespmem:s13+$0x2980];
	[tilespmem:$0x1FDF0] =	vst v9;
	v9 =	vsel vm8, $0xFFFFFFFF, v24;
	v4 =	vsel vm8, v6, v4;
	vm8 =	vgt.f32 v6, v3  }
0xec: {  	v28 =	vimm.s32 $0x0;
	[tilespmem:$0x1FE20] =	vst v10;
	v10 =	vsel vm8, $0xFFFFFFFF, v27;
	v4 =	vsel vm8, v3, v4  }
0xed: {  	v3 =	vsel vm8, v6, v3;
	v6 =	vimm.s32 $0x0;
	vm8 =	vgt.f32 v8, v4  }
0xee: {  	v25 =	vld [tilespmem:$0x1FD20];
	v6 =	vsel vm8, $0xFFFFFFFF, v6;
	v4 =	vsel vm8, v8, v4;
	vm8 =	vgt.f32 v8, v3  }
0xef: {  	[tilespmem:$0x1FE40] =	vst v10;
	v10 =	vsel vm8, $0xFFFFFFFF, v28;
	v4 =	vsel vm8, v3, v4  }
0xf0: {  	[tilespmem:$0x1FE50] =	vst v6;
	v6 =	vld [tilespmem:$0x1FD30];
	v3 =	vsel vm8, v8, v3;
	v8 =	vimm.s32 $0x0;
	vm8 =	vgt.f32 v26, v4  }
0xf1: {  	v8 =	vsel vm8, $0xFFFFFFFF, v8  }
0xf2: {  	v29 =	vimm.s32 $0x0;
	v5 =	vsel vm9, $0x19, v5;
	[tilespmem:$0x1FE70] =	vst v8;
	v8 =	vld [tilespmem:$0x1FD40]  }
0xf3: {  	v32 =	vimm.s32 $0x0;
	v30 =	vld [tilespmem:$0x1FD50];
	vm9 =	vnez.u8 v25;
	v5 =	vsel vm10, v7, v5  }
0xf4: {  	v34 =	vimm.s32 $0x0;
	v31 =	vld [tilespmem:$0x1FD60];
	v7 =	vsel vm10, $0x19, v7;
	v5 =	vsel vm9, $0x1A, v5  }
0xf5: {  	v5 =	vsel vm11, v7, v5;
	v7 =	vsel vm11, $0x1A, v7;
	vm9 =	vnez.u8 v6;
	v6 =	vld [tilespmem:s13+$0x2A00]  }
0xf6: {  	v4 =	vsel vm8, v26, v4;
	vm8 =	vgt.f32 v26, v3;
	v5 =	vsel vm9, $0x1B, v5  }
0xf7: {  	v5 =	vsel vm12, v7, v5;
	v7 =	vsel vm12, $0x1B, v7;
	vm12 =	vnez.u8 v8  }
0xf8: {  	[tilespmem:$0x1FE60] =	vst v10;
	v10 =	vsel vm8, $0xFFFFFFFF, v29;
	vm9 =	vnez.u8 v30;
	v8 =	vld [tilespmem:s13+$0x2A80];
	v5 =	vsel vm12, $0x1C, v5  }
0xf9: {  	v4 =	vsel vm8, v3, v4;
	vm12 =	vnez.u8 v31;
	v5 =	vsel vm9, v7, v5  }
0xfa: {  	v3 =	vsel vm8, v26, v3;
	v5 =	vsel vm12, $0x1D, v5;
	vm12 =	vgt.f32 v6, v4  }
0xfb: {  	[tilespmem:$0x1FE30] =	vst v9;
	v9 =	vsel vm12, $0xFFFFFFFF, v32;
	v4 =	vsel vm12, v6, v4;
	vm12 =	vgt.f32 v6, v3  }
0xfc: {  	[tilespmem:$0x1FE80] =	vst v10;
	v10 =	vsel vm12, $0xFFFFFFFF, v34;
	v4 =	vsel vm12, v3, v4  }
0xfd: {  	v3 =	vsel vm12, v6, v3;
	v6 =	vimm.s32 $0x0;
	vm12 =	vgt.f32 v8, v4  }
0xfe: {  	v6 =	vsel vm12, $0xFFFFFFFF, v6  }
0xff: {  	[tilespmem:$0x1FEB0] =	vst v6;
	v6 =	vld [tilespmem:$0x1FD70];
	_ =	sdelay $0x2  }
0x100: {  	v33 =	vld [tilespmem:s13+$0x2B00]  }
0x101: {  	v7 =	vsel vm9, $0x1C, v7  }
0x102: {  	v5 =	vsel vm13, v7, v5;
	v7 =	vsel vm13, $0x1D, v7;
	vm13 =	vnez.u8 v6  }
0x103: {  	v4 =	vsel vm12, v8, v4;
	v5 =	vsel vm13, $0x1E, v5;
	vm13 =	vgt.f32 v8, v3  }
0x104: {  	v5 =	vsel vm14, v7, v5;
	v4 =	vsel vm13, v3, v4;
	v7 =	vsel vm14, $0x1E, v7  }
0x105: {  	v3 =	vsel vm13, v8, v3;
	v8 =	vimm.s32 $0x0;
	vm14 =	vgt.f32 v33, v4  }
0x106: {  	v8 =	vsel vm14, $0xFFFFFFFF, v8  }
0x107: {  	[tilespmem:$0x1FEC0] =	vst v8;
	v8 =	vld [tilespmem:$0x1FD80];
	_ =	sdelay $0x1  }
0x108: {  	v36 =	vld [tilespmem:$0x1FD90]  }
0x109: {  	v6 =	vld [tilespmem:s13+$0x2B80];
	_ =	sdelay $0x1  }
0x10a: {  	v35 =	vimm.s32 $0x0;
	vm12 =	vnez.u8 v8  }
0x10b: {  	v4 =	vsel vm14, v33, v4;
	v8 =	vld [tilespmem:s13+$0x3000];
	v5 =	vsel vm12, $0x1F, v5;
	vm12 =	vgt.f32 v33, v3  }
0x10c: {  	v5 =	vsel vm15, v7, v5;
	v4 =	vsel vm12, v3, v4;
	v7 =	vsel vm15, $0x1F, v7  }
0x10d: {  	v3 =	vsel vm12, v33, v3;
	vm15 =	vnez.u8 v36;
	vm14 =	vgt.f32 v6, v4  }
0x10e: {  	v37 =	vld [tilespmem:s13+$0x3080];
	[tilespmem:$0x1FE90] =	vst v9;
	v9 =	vsel vm14, $0xFFFFFFFF, v35;
	v4 =	vsel vm14, v6, v4;
	vm14 =	vgt.f32 v6, v3  }
0x10f: {  	v38 =	vimm.s32 $0x0;
	v5 =	vsel vm15, $0x20, v5;
	v4 =	vsel vm14, v3, v4  }
0x110: {  	v3 =	vsel vm14, v6, v3;
	v6 =	vimm.s32 $0x0;
	vm15 =	vgt.f32 v8, v4  }
0x111: {  	[tilespmem:$0x1FEA0] =	vst v10;
	vm11 =	vgt.f32 v8, v3;
	v6 =	vsel vm15, $0xFFFFFFFF, v6;
	v4 =	vsel vm15, v8, v4  }
0x112: {  	v10 =	vsel vm14, $0xFFFFFFFF, v38;
	[tilespmem:$0x1FEF0] =	vst v6;
	v6 =	vld [tilespmem:$0x1FDA0];
	v4 =	vsel vm11, v3, v4  }
0x113: {  	v3 =	vsel vm11, v8, v3;
	v8 =	vimm.s32 $0x0;
	vm14 =	vgt.f32 v37, v4  }
0x114: {  	v8 =	vsel vm14, $0xFFFFFFFF, v8  }
0x115: {  	[tilespmem:$0x1FF10] =	vst v8;
	v8 =	vld [tilespmem:$0x1FDB0];
	_ =	sdelay $0x1  }
0x116: {  	vm10 =	vnez.u8 v6;
	v6 =	vld [tilespmem:s13+$0x3100];
	_ =	sdelay $0x2  }
0x117: {  	vm8 =	vgt.f32 v37, v3;
	v4 =	vsel vm14, v37, v4;
	vm15 =	vnez.u8 v8;
	v8 =	vld [tilespmem:s13+$0x3180]  }
0x118: {  	v4 =	vsel vm8, v3, v4  }
0x119: {  	v39 =	vimm.s32 $0x0;
	v3 =	vsel vm8, v37, v3;
	vm9 =	vgt.f32 v6, v4  }
0x11a: {  	[tilespmem:$0x1FEE0] =	vst v10;
	v10 =	vsel vm11, $0xFFFFFFFF, v39;
	vm11 =	vgt.f32 v6, v3;
	v4 =	vsel vm9, v6, v4  }
0x11b: {  	v4 =	vsel vm11, v3, v4  }
0x11c: {  	v42 =	vld [tilespmem:$0x1FDC0];
	v3 =	vsel vm11, v6, v3;
	v6 =	vimm.s32 $0x0;
	vm14 =	vgt.f32 v8, v4  }
0x11d: {  	v5 =	vsel vm2, v7, v5;
	v6 =	vsel vm14, $0xFFFFFFFF, v6  }
0x11e: {  	v7 =	vsel vm2, $0x20, v7;
	v5 =	vsel vm10, $0x21, v5;
	[tilespmem:$0x1FF50] =	vst v6;
	v6 =	vld [tilespmem:$0x1FDD0]  }
0x11f: {  	v5 =	vsel vm3, v7, v5  }
0x120: {  	v7 =	vsel vm3, $0x21, v7;
	v5 =	vsel vm15, $0x22, v5  }
0x121: {  	v43 =	vld [tilespmem:s13+$0x3200];
	vm10 =	vnez.u8 v42;
	v5 =	vsel vm0, v7, v5  }
0x122: {  	v7 =	vsel vm0, $0x22, v7;
	v5 =	vsel vm10, $0x23, v5  }
0x123: {  	v5 =	vsel vm1, v7, v5;
	v7 =	vsel vm1, $0x23, v7;
	vm15 =	vnez.u8 v6  }
0x124: {  	v4 =	vsel vm14, v8, v4;
	v5 =	vsel vm15, $0x24, v5;
	vm15 =	vgt.f32 v8, v3  }
0x125: {  	v5 =	vsel vm4, v7, v5;
	v4 =	vsel vm15, v3, v4;
	v7 =	vsel vm4, $0x24, v7  }
0x126: {  	v3 =	vsel vm15, v8, v3;
	v8 =	vimm.s32 $0x0;
	vm4 =	vgt.f32 v43, v4  }
0x127: {  	v8 =	vsel vm4, $0xFFFFFFFF, v8  }
0x128: {  	[tilespmem:$0x1FF60] =	vst v8;
	v8 =	vld [tilespmem:$0x1FDE0]  }
0x129: {  	v46 =	vld [tilespmem:$0x1FDF0]  }
0x12a: {  	v40 =	vimm.s32 $0x0;
	[tilespmem:$0x1FED0] =	vst v9;
	v6 =	vld [tilespmem:s13+$0x3280]  }
0x12b: {  	v41 =	vimm.s32 $0x0;
	v44 =	vimm.s32 $0x0;
	[tilespmem:$0x1FF00] =	vst v10;
	v10 =	vsel vm8, $0xFFFFFFFF, v40  }
0x12c: {  	v45 =	vimm.s32 $0x0;
	[tilespmem:$0x1FF20] =	vst v10;
	v9 =	vsel vm9, $0xFFFFFFFF, v41;
	v10 =	vsel vm11, $0xFFFFFFFF, v44  }
0x12d: {  	vm11 =	vgt.f32 v43, v3;
	v4 =	vsel vm4, v43, v4;
	vm8 =	vnez.u8 v8;
	v8 =	vld [tilespmem:s13+$0x3300]  }
0x12e: {  	vm10 =	vnez.u8 v46;
	v4 =	vsel vm11, v3, v4;
	v5 =	vsel vm8, $0x25, v5  }
0x12f: {  	v3 =	vsel vm11, v43, v3;
	vm9 =	vgt.f32 v6, v4;
	v5 =	vsel vm5, v7, v5  }
0x130: {  	v47 =	vld [tilespmem:s13+$0x3380];
	v4 =	vsel vm9, v6, v4;
	v5 =	vsel vm10, $0x26, v5;
	vm10 =	vgt.f32 v6, v3  }
0x131: {  	[tilespmem:$0x1FF30] =	vst v9;
	v9 =	vsel vm9, $0xFFFFFFFF, v45;
	v4 =	vsel vm10, v3, v4  }
0x132: {  	v3 =	vsel vm10, v6, v3;
	v6 =	vimm.s32 $0x0;
	vm14 =	vgt.f32 v8, v4  }
0x133: {  	vm9 =	vgt.f32 v8, v3;
	v6 =	vsel vm14, $0xFFFFFFFF, v6;
	v4 =	vsel vm14, v8, v4  }
0x134: {  	v7 =	vsel vm5, $0x25, v7;
	[tilespmem:$0x1FF80] =	vst v6;
	v6 =	vld [tilespmem:$0x1FE00];
	v4 =	vsel vm9, v3, v4  }
0x135: {  	v3 =	vsel vm9, v8, v3;
	v8 =	vimm.s32 $0x0;
	vm5 =	vgt.f32 v47, v4  }
0x136: {  	v48 =	vld [tilespmem:$0x1FE20];
	v8 =	vsel vm5, $0xFFFFFFFF, v8  }
0x137: {  	[tilespmem:$0x1FF90] =	vst v8;
	v8 =	vld [tilespmem:$0x1FE10]  }
0x138: {  	v50 =	vld [tilespmem:$0x1FE30]  }
0x139: {  	vm4 =	vnez.u8 v6;
	v6 =	vld [tilespmem:s13+$0x3800]  }
0x13a: {  	v5 =	vsel vm6, v7, v5;
	vm8 =	vgt.f32 v47, v3;
	v4 =	vsel vm5, v47, v4  }
0x13b: {  	v52 =	vld [tilespmem:$0x1FE40];
	v7 =	vsel vm6, $0x26, v7;
	v4 =	vsel vm8, v3, v4;
	v5 =	vsel vm4, $0x27, v5  }
0x13c: {  	v3 =	vsel vm8, v47, v3;
	v5 =	vsel vm7, v7, v5;
	vm6 =	vnez.u8 v8;
	v8 =	vld [tilespmem:s13+$0x3880]  }
0x13d: {  	v7 =	vsel vm7, $0x27, v7;
	vm7 =	vnez.u8 v48;
	v5 =	vsel vm6, $0x28, v5  }
0x13e: {  	vm4 =	vnez.u8 v50;
	v5 =	vsel vm7, v7, v5;
	vm14 =	vgt.f32 v6, v4  }
0x13f: {  	v51 =	vld [tilespmem:s13+$0x3900];
	v7 =	vsel vm7, $0x28, v7;
	vm7 =	vgt.f32 v6, v3;
	v4 =	vsel vm14, v6, v4  }
0x140: {  	vm5 =	vnez.u8 v52;
	v5 =	vsel vm4, $0x29, v5;
	v4 =	vsel vm7, v3, v4  }
0x141: {  	v3 =	vsel vm7, v6, v3;
	v6 =	vimm.s32 $0x0;
	vm6 =	vgt.f32 v8, v4  }
0x142: {  	v6 =	vsel vm6, $0xFFFFFFFF, v6;
	v4 =	vsel vm6, v8, v4;
	vm6 =	vgt.f32 v8, v3  }
0x143: {  	v5 =	vsel vm5, v7, v5;
	v7 =	vsel vm5, $0x29, v7;
	v4 =	vsel vm6, v3, v4  }
0x144: {  	[tilespmem:$0x1FFB0] =	vst v6;
	v6 =	vld [tilespmem:$0x1FE50];
	v3 =	vsel vm6, v8, v3;
	v8 =	vimm.s32 $0x0;
	vm5 =	vgt.f32 v51, v4  }
0x145: {  	v53 =	vld [tilespmem:$0x1FE60];
	v8 =	vsel vm5, $0xFFFFFFFF, v8  }
0x146: {  	[tilespmem:$0x1FFC0] =	vst v8;
	v8 =	vld [tilespmem:$0x1FE70]  }
0x147: {  	v54 =	vld [tilespmem:$0x1FE80]  }
0x148: {  	v49 =	vimm.s32 $0x0;
	v56 =	vld [tilespmem:$0x1FE90]  }
0x149: {  	[tilespmem:$0x1FF70] =	vst v9;
	v9 =	vsel vm14, $0xFFFFFFFF, v49;
	vm14 =	vnez.u8 v6;
	v6 =	vld [tilespmem:s13+$0x3980]  }
0x14a: {  	vm4 =	vnez.u8 v53;
	v4 =	vsel vm5, v51, v4;
	v5 =	vsel vm14, $0x2A, v5  }
0x14b: {  	vm5 =	vgt.f32 v51, v3;
	v5 =	vsel vm4, v7, v5;
	vm14 =	vnez.u8 v8  }
0x14c: {  	v7 =	vsel vm4, $0x2A, v7;
	vm4 =	vnez.u8 v54;
	v8 =	vld [tilespmem:s13+$0x3A00];
	v5 =	vsel vm14, $0x2B, v5  }
0x14d: {  	v4 =	vsel vm5, v3, v4;
	v3 =	vsel vm5, v51, v3;
	v5 =	vsel vm4, v7, v5  }
0x14e: {  	v7 =	vsel vm4, $0x2B, v7;
	vm14 =	vgt.f32 v6, v4;
	vm4 =	vnez.u8 v56  }
0x14f: {  	v5 =	vsel vm4, $0x2C, v5;
	v4 =	vsel vm14, v6, v4;
	vm4 =	vgt.f32 v6, v3  }
0x150: {  	v58 =	vld [tilespmem:$0x1FEA0];
	v4 =	vsel vm4, v3, v4  }
0x151: {  	v3 =	vsel vm4, v6, v3;
	v6 =	vimm.s32 $0x0;
	vm1 =	vgt.f32 v8, v4  }
0x152: {  	v6 =	vsel vm1, $0xFFFFFFFF, v6  }
0x153: {  	[tilespmem:$0x1FFE0] =	vst v6;
	v6 =	vld [tilespmem:$0x1FEB0]  }
0x154: {  	v55 =	vimm.s32 $0x0;
	v57 =	vld [tilespmem:s13+$0x3A80]  }
0x155: {  	[tilespmem:$0x1FFA0] =	vst v9;
	v9 =	vsel vm14, $0xFFFFFFFF, v55;
	vm14 =	vnez.u8 v58  }
0x156: {  	v5 =	vsel vm14, v7, v5  }
0x157: {  	v7 =	vsel vm14, $0x2C, v7;
	vm3 =	vgt.f32 v8, v3;
	v4 =	vsel vm1, v8, v4  }
0x158: {  	v4 =	vsel vm3, v3, v4;
	v3 =	vsel vm3, v8, v3;
	vm14 =	vnez.u8 v6  }
0x159: {  	v8 =	vimm.s32 $0x0;
	v5 =	vsel vm14, $0x2D, v5;
	vm14 =	vgt.f32 v57, v4  }
0x15a: {  	v8 =	vsel vm14, $0xFFFFFFFF, v8  }
0x15b: {  	[tilespmem:$0x1FFF0] =	vst v8;
	v8 =	vld [tilespmem:$0x1FEC0]  }
0x15c: {  	v59 =	vld [tilespmem:$0x1FED0];
	_ =	sdelay $0x1  }
0x15d: {  	v60 =	vld [tilespmem:$0x1FEE0]  }
0x15e: {  	v6 =	vld [tilespmem:s13+$0x3B00];
	v5 =	vsel vm13, v7, v5  }
0x15f: {  	v61 =	vld [tilespmem:$0x1FEF0];
	v7 =	vsel vm13, $0x2D, v7;
	v4 =	vsel vm14, v57, v4;
	vm13 =	vnez.u8 v8  }
0x160: {  	v62 =	vld [tilespmem:$0x1FF00];
	vm14 =	vnez.u8 v59;
	v5 =	vsel vm13, $0x2E, v5;
	vm13 =	vgt.f32 v57, v3  }
0x161: {  	v5 =	vsel vm12, v7, v5;
	v7 =	vsel vm12, $0x2E, v7;
	v4 =	vsel vm13, v3, v4  }
0x162: {  	v3 =	vsel vm13, v57, v3;
	vm12 =	vnez.u8 v60;
	v5 =	vsel vm14, $0x2F, v5  }
0x163: {  	vm14 =	vgt.f32 v6, v4;
	vm2 =	vgt.f32 v6, v3;
	v5 =	vsel vm12, v7, v5  }
0x164: {  	v8 =	vld [tilespmem:s13+$0x3B80];
	v4 =	vsel vm14, v6, v4;
	v7 =	vsel vm12, $0x2F, v7;
	vm12 =	vnez.u8 v61  }
0x165: {  	vm0 =	vnez.u8 v62;
	v5 =	vsel vm12, $0x30, v5;
	v4 =	vsel vm2, v3, v4  }
0x166: {  	v3 =	vsel vm2, v6, v3;
	v6 =	vsel vm0, $0x30, v7;
	v5 =	vsel vm0, v7, v5;
	v7 =	vld [tilespmem:$0x1FF10];
	_ =	sdelay $0x2  }
0x167: {  	vm12 =	vgt.f32 v8, v4  }
0x168: {  	vm1 =	vgt.f32 v8, v3;
	v4 =	vsel vm12, v8, v4  }
0x169: {  	vm0 =	vnez.u8 v7;
	v7 =	vsel vm1, v8, v3;
	v3 =	vsel vm1, v3, v4;
	v4 =	vld [tilespmem:$0x1FF20];
	_ =	sdelay $0x4  }
0x16a: {  	v5 =	vsel vm0, $0x31, v5;
	vm0 =	vnez.u8 v4  }
0x16b: {  	v4 =	vsel vm0, v6, v5;
	v5 =	vsel vm0, $0x31, v6;
	v6 =	vld [tilespmem:$0x1FF30];
	_ =	sdelay $0x3  }
0x16c: {  	[tilespmem:$0x1FF40] =	vst v10  }
0x16d: {  	vm0 =	vnez.u8 v6;
	v6 =	vld [tilespmem:$0x1FF40];
	_ =	sdelay $0x4  }
0x16e: {  	v4 =	vsel vm0, $0x32, v4;
	vm0 =	vnez.u8 v6;
	v6 =	vld [tilespmem:$0x1FF50];
	_ =	sdelay $0x1  }
0x16f: {  	v3 =	vsub.f32 v3, v7;
	_ =	sdelay $0x1  }
0x170: {  	v3 =	vmul.f32 $1.442695020e+00, v3  }
0x171: {  	v4 =	vsel vm0, v5, v4;
	v5 =	vsel vm0, $0x32, v5;
	vm0 =	vnez.u8 v6  }
0x172: {  	v4 =	vsel vm0, $0x33, v4  }
0x173: {  	(erf) = vpow2.f32 v3;
	v3 =	vsel vm15, v5, v4;
	v4 =	vsel vm15, $0x33, v5;
	v5 =	vld [tilespmem:$0x1FF60];
	_ =	sdelay $0x4  }
0x174: {  	vm15 =	vnez.u8 v5;
	v5 =	vld [tilespmem:$0x1FF70];
	_ =	sdelay $0x4  }
0x175: {  	v3 =	vsel vm15, $0x34, v3;
	vm15 =	vnez.u8 v5;
	v5 =	vld [tilespmem:$0x1FF80];
	_ =	sdelay $0x2  }
0x176: {  	v3 =	vsel vm11, v4, v3  }
0x177: {  	v4 =	vsel vm11, $0x34, v4;
	v3 =	vsel vm15, $0x35, v3  }
0x178: {  	v3 =	vsel vm10, v4, v3;
	v4 =	vsel vm10, $0x35, v4;
	vm10 =	vnez.u8 v5;
	v5 =	vld [tilespmem:$0x1FF90];
	_ =	sdelay $0x4  }
0x179: {  	vm11 =	vnez.u8 v5;
	v5 =	vld [tilespmem:$0x1FFA0];
	_ =	sdelay $0x3  }
0x17a: {  	v7 =	vpop (erf)  }
0x17b: {  	vm15 =	vnez.u8 v5;
	v5 =	vadd.f32 $1.000000000e+00, v7;
	_ =	sdelay $0x1  }
0x17c: {  	(erf) = vrcp.f32 v5;
	v5 =	vld [tilespmem:$0x1FFC0];
	_ =	sdelay $0x3  }
0x17d: {  	[tilespmem:$0x1FFD0] =	vst v9;
	v3 =	vsel vm10, $0x36, v3  }
0x17e: {  	v3 =	vsel vm9, v4, v3;
	v4 =	vsel vm9, $0x36, v4;
	vm9 =	vnez.u8 v5;
	v5 =	vld [tilespmem:$0x1FFD0];
	_ =	sdelay $0x1  }
0x17f: {  	v6 =	vld [tilespmem:$0x1FFB0];
	_ =	sdelay $0x1  }
0x180: {  	v3 =	vsel vm11, $0x37, v3  }
0x181: {  	v3 =	vsel vm8, v4, v3;
	vm10 =	vnez.u8 v5;
	v5 =	vld [tilespmem:$0x1FFE0]  }
0x182: {  	v4 =	vsel vm8, $0x37, v4;
	v3 =	vsel vm15, $0x38, v3  }
0x183: {  	vm8 =	vnez.u8 v6;
	v3 =	vsel vm7, v4, v3  }
0x184: {  	v4 =	vsel vm7, $0x38, v4;
	v3 =	vsel vm8, $0x39, v3  }
0x185: {  	v3 =	vsel vm6, v4, v3  }
0x186: {  	v4 =	vsel vm6, $0x39, v4;
	v3 =	vsel vm9, $0x3A, v3;
	vm11 =	vnez.u8 v5;
	v5 =	vld [tilespmem:$0x1FFF0]  }
0x187: {  	v3 =	vsel vm5, v4, v3  }
0x188: {  	v4 =	vsel vm5, $0x3A, v4;
	v3 =	vsel vm10, $0x3B, v3  }
0x189: {  	v3 =	vsel vm4, v4, v3  }
0x18a: {  	v4 =	vsel vm4, $0x3B, v4;
	v3 =	vsel vm11, $0x3C, v3  }
0x18b: {  	v6 =	vor.u32 s1, v0;
	v3 =	vsel vm3, v4, v3;
	vm15 =	vnez.u8 v5  }
0x18c: {  	v4 =	vsel vm3, $0x3C, v4;
	v5 =	vor.u32 s1, v2;
	v3 =	vsel vm15, $0x3D, v3  }
0x18d: {  	v3 =	vsel vm13, v4, v3  }
0x18e: {  	v8 =	vpop (erf);
	v4 =	vsel vm13, $0x3D, v4;
	v3 =	vsel vm14, $0x3E, v3  }
0x18f: {  	v7 =	vmul.f32 v8, v7;
	v3 =	vsel vm2, v4, v3  }
0x190: {  	s19 =	simm.s32 $0x20;
	s15 =	simm.s32 $0x80;
	s14 =	simm.s32 $0x10;
	[tilespmem:v6+s10+$0x0] =	vst.idx.msk $0xffff, v8;
	v63 =	vsel vm2, $0x3E, v4;
	v3 =	vsel vm12, $0x3F, v3  }
0x191: {  	s18 =	sand.u32 $0x400, s15;
	s17 =	sand.u32 $0x70, s14;
	s13 =	simm.s32 $0x0;
	v4 =	vsel vm1, $0x3F, v63;
	[tilespmem:v5+s10+$0x0] =	vst.idx.msk $0xffff, v7;
	v3 =	vsel vm1, v63, v3  }
.LBB2_2:
0x192: {  	s17 =	sor.u32 s17, s18  }
0x193: {  	[tilespmem:v6+s11+$0x0] =	vst.idx.msk $0xffff, v4;
	s13 =	sadd.s32 $0x20, s13;
	s18 =	smov.u32 s19;
	s16 =	sadd.s32 $0x10, s19  }
0x194: {  	p0 =	sne.s32 s19, $0xF0;
	[tilespmem:v5+s11+$0x0] =	vst.idx.msk $0xffff, v3  }
0x195: {  	v3 =	vld [tilespmem:s17+$0x0]  }
0x196: {  	v4 =	vld [tilespmem:s17+$0x80];
	_ =	sdelay $0x3  }
0x197: {  	vm0 =	vgt.f32 v3, $-Inf;
	v5 =	vld [tilespmem:s17+$0x100]  }
0x198: {  	v3 =	vnsel vm0, $0xFF800000, v3;
	vm0 =	vlt.f32 v4, $-Inf;
	vm1 =	vgt.f32 v4, $-Inf  }
0x199: {  	vm2 =	vgt.f32 v4, v3;
	vm0 =	vmor vm1, vm0  }
0x19a: {  	vm1 =	vmneg vm2;
	v6 =	vnsel vm0, $0xFF800000, v4;
	v7 =	vsel vm2, $0x1, v1;
	v8 =	vld [tilespmem:s17+$0x180]  }
0x19b: {  	v6 =	vsel vm1, v6, v3;
	vm0 =	vmand vm0, vm1;
	v3 =	vsel vm1, v3, v4  }
0x19c: {  	v4 =	vsel vm0, $0x1, v1;
	vm0 =	vgt.f32 v5, v6  }
0x19d: {  	vm1 =	vgt.f32 v5, v3;
	v6 =	vsel vm0, v5, v6;
	v4 =	vsel vm0, $0x2, v4;
	v9 =	vld [tilespmem:s17+$0x200]  }
0x19e: {  	v6 =	vsel vm1, v3, v6;
	v4 =	vsel vm1, v7, v4;
	v3 =	vsel vm1, v5, v3  }
0x19f: {  	v5 =	vsel vm1, $0x2, v7;
	vm0 =	vgt.f32 v8, v6  }
0x1a0: {  	vm1 =	vgt.f32 v8, v3;
	v6 =	vsel vm0, v8, v6;
	v4 =	vsel vm0, $0x3, v4;
	v7 =	vld [tilespmem:s17+$0x280]  }
0x1a1: {  	v6 =	vsel vm1, v3, v6;
	v4 =	vsel vm1, v5, v4;
	v3 =	vsel vm1, v8, v3  }
0x1a2: {  	v5 =	vsel vm1, $0x3, v5;
	vm0 =	vgt.f32 v9, v6  }
0x1a3: {  	vm1 =	vgt.f32 v9, v3;
	v6 =	vsel vm0, v9, v6;
	v4 =	vsel vm0, $0x4, v4;
	v8 =	vld [tilespmem:s17+$0x300]  }
0x1a4: {  	s19 =	sor.u32 s15, s14;
	s14 =	smov.u32 s18;
	v6 =	vsel vm1, v3, v6;
	v4 =	vsel vm1, v5, v4;
	v3 =	vsel vm1, v9, v3  }
0x1a5: {  	s18 =	sor.u32 $0x380, s19;
	v5 =	vsel vm1, $0x4, v5;
	vm0 =	vgt.f32 v7, v6  }
0x1a6: {  	vm1 =	vgt.f32 v7, v3;
	v6 =	vsel vm0, v7, v6;
	v4 =	vsel vm0, $0x5, v4;
	v9 =	vld [tilespmem:s18+$0x0]  }
0x1a7: {  	v6 =	vsel vm1, v3, v6;
	v4 =	vsel vm1, v5, v4;
	v3 =	vsel vm1, v7, v3  }
0x1a8: {  	v5 =	vsel vm1, $0x5, v5;
	vm0 =	vgt.f32 v8, v6  }
0x1a9: {  	vm1 =	vgt.f32 v8, v3;
	v6 =	vsel vm0, v8, v6;
	v4 =	vsel vm0, $0x6, v4;
	v7 =	vld [tilespmem:s17+$0x800]  }
0x1aa: {  	v6 =	vsel vm1, v3, v6;
	v4 =	vsel vm1, v5, v4;
	v3 =	vsel vm1, v8, v3  }
0x1ab: {  	v5 =	vsel vm1, $0x6, v5;
	vm0 =	vgt.f32 v9, v6;
	v8 =	vld [tilespmem:s17+$0x880]  }
0x1ac: {  	vm1 =	vgt.f32 v9, v3;
	v6 =	vsel vm0, v9, v6;
	v4 =	vsel vm0, $0x7, v4  }
0x1ad: {  	v6 =	vsel vm1, v3, v6;
	v4 =	vsel vm1, v5, v4;
	v3 =	vsel vm1, v9, v3  }
0x1ae: {  	v5 =	vsel vm1, $0x7, v5;
	vm0 =	vgt.f32 v7, v6;
	v9 =	vld [tilespmem:s17+$0x900]  }
0x1af: {  	vm1 =	vgt.f32 v7, v3;
	v6 =	vsel vm0, v7, v6;
	v4 =	vsel vm0, $0x8, v4  }
0x1b0: {  	v6 =	vsel vm1, v3, v6;
	v3 =	vsel vm1, v7, v3;
	v7 =	vsel vm1, $0x8, v5  }
0x1b1: {  	v4 =	vsel vm1, v5, v4;
	vm0 =	vgt.f32 v8, v6  }
0x1b2: {  	vm1 =	vgt.f32 v8, v3;
	v5 =	vsel vm0, v8, v6;
	v4 =	vsel vm0, $0x9, v4;
	v6 =	vld [tilespmem:s17+$0x980]  }
0x1b3: {  	v5 =	vsel vm1, v3, v5;
	v4 =	vsel vm1, v7, v4;
	v3 =	vsel vm1, v8, v3  }
0x1b4: {  	vm0 =	vgt.f32 v9, v3;
	vm2 =	vgt.f32 v9, v5  }
0x1b5: {  	v7 =	vsel vm1, $0x9, v7;
	v5 =	vsel vm2, v9, v5;
	v4 =	vsel vm2, $0xA, v4;
	v8 =	vld [tilespmem:s17+$0xA00]  }
0x1b6: {  	v5 =	vsel vm0, v3, v5;
	v4 =	vsel vm0, v7, v4;
	v3 =	vsel vm0, v9, v3  }
0x1b7: {  	vm1 =	vgt.f32 v6, v3;
	vm2 =	vgt.f32 v6, v5  }
0x1b8: {  	v7 =	vsel vm0, $0xA, v7;
	v5 =	vsel vm2, v6, v5;
	v4 =	vsel vm2, $0xB, v4;
	v9 =	vld [tilespmem:s17+$0xA80]  }
0x1b9: {  	v5 =	vsel vm1, v3, v5;
	v4 =	vsel vm1, v7, v4;
	v3 =	vsel vm1, v6, v3  }
0x1ba: {  	v6 =	vsel vm1, $0xB, v7;
	vm0 =	vgt.f32 v8, v3;
	vm1 =	vgt.f32 v8, v5  }
0x1bb: {  	v5 =	vsel vm1, v8, v5;
	v4 =	vsel vm1, $0xC, v4;
	v7 =	vsel vm0, v8, v3;
	v8 =	vld [tilespmem:s17+$0xB00]  }
0x1bc: {  	v3 =	vsel vm0, v3, v5;
	v4 =	vsel vm0, v6, v4  }
0x1bd: {  	v5 =	vsel vm0, $0xC, v6;
	vm0 =	vgt.f32 v9, v7;
	vm1 =	vgt.f32 v9, v3  }
0x1be: {  	v3 =	vsel vm1, v9, v3;
	v4 =	vsel vm1, $0xD, v4;
	v6 =	vsel vm0, v9, v7;
	v9 =	vld [tilespmem:s17+$0xB80]  }
0x1bf: {  	v3 =	vsel vm0, v7, v3;
	v4 =	vsel vm0, v5, v4  }
0x1c0: {  	vm1 =	vgt.f32 v8, v6;
	vm2 =	vgt.f32 v8, v3  }
0x1c1: {  	v5 =	vsel vm0, $0xD, v5;
	v3 =	vsel vm2, v8, v3;
	v4 =	vsel vm2, $0xE, v4;
	v7 =	vld [tilespmem:s17+$0x1000]  }
0x1c2: {  	v3 =	vsel vm1, v6, v3;
	v4 =	vsel vm1, v5, v4;
	v6 =	vsel vm1, v8, v6  }
0x1c3: {  	v5 =	vsel vm1, $0xE, v5;
	vm0 =	vgt.f32 v9, v6;
	vm1 =	vgt.f32 v9, v3  }
0x1c4: {  	v3 =	vsel vm1, v9, v3;
	v4 =	vsel vm1, $0xF, v4;
	v8 =	vsel vm0, $0xF, v5;
	v10 =	vld [tilespmem:s17+$0x1080]  }
0x1c5: {  	v3 =	vsel vm0, v6, v3;
	v4 =	vsel vm0, v5, v4;
	v5 =	vsel vm0, v9, v6  }
0x1c6: {  	vm0 =	vgt.f32 v7, v5;
	vm1 =	vgt.f32 v7, v3  }
0x1c7: {  	v3 =	vsel vm1, v7, v3;
	v4 =	vsel vm1, $0x10, v4;
	v6 =	vsel vm0, v7, v5;
	v7 =	vld [tilespmem:s17+$0x1100]  }
0x1c8: {  	v3 =	vsel vm0, v5, v3;
	v4 =	vsel vm0, v8, v4;
	v5 =	vsel vm0, $0x10, v8  }
0x1c9: {  	vm0 =	vgt.f32 v10, v6;
	vm1 =	vgt.f32 v10, v3  }
0x1ca: {  	v3 =	vsel vm1, v10, v3;
	v4 =	vsel vm1, $0x11, v4;
	v8 =	vsel vm0, v10, v6;
	v9 =	vld [tilespmem:s17+$0x1180]  }
0x1cb: {  	v3 =	vsel vm0, v6, v3;
	v4 =	vsel vm0, v5, v4;
	v5 =	vsel vm0, $0x11, v5  }
0x1cc: {  	vm0 =	vgt.f32 v7, v8;
	vm1 =	vgt.f32 v7, v3  }
0x1cd: {  	v3 =	vsel vm1, v7, v3;
	v4 =	vsel vm1, $0x12, v4;
	v6 =	vld [tilespmem:s17+$0x1200]  }
0x1ce: {  	v7 =	vsel vm0, v7, v8;
	v3 =	vsel vm0, v8, v3;
	v4 =	vsel vm0, v5, v4  }
0x1cf: {  	vm1 =	vgt.f32 v9, v7;
	vm2 =	vgt.f32 v9, v3  }
0x1d0: {  	v5 =	vsel vm0, $0x12, v5;
	v3 =	vsel vm2, v9, v3;
	v4 =	vsel vm2, $0x13, v4;
	v8 =	vld [tilespmem:s17+$0x1280]  }
0x1d1: {  	v3 =	vsel vm1, v7, v3;
	v4 =	vsel vm1, v5, v4;
	v7 =	vsel vm1, v9, v7  }
0x1d2: {  	v5 =	vsel vm1, $0x13, v5;
	vm0 =	vgt.f32 v6, v7;
	vm1 =	vgt.f32 v6, v3  }
0x1d3: {  	v3 =	vsel vm1, v6, v3;
	v4 =	vsel vm1, $0x14, v4;
	v6 =	vsel vm0, v6, v7;
	v9 =	vld [tilespmem:s17+$0x1300]  }
0x1d4: {  	v3 =	vsel vm0, v7, v3;
	v4 =	vsel vm0, v5, v4  }
0x1d5: {  	vm1 =	vgt.f32 v8, v6;
	vm2 =	vgt.f32 v8, v3  }
0x1d6: {  	v3 =	vsel vm2, v8, v3;
	v7 =	vsel vm1, v8, v6;
	v8 =	vld [tilespmem:s17+$0x1380]  }
0x1d7: {  	v5 =	vsel vm0, $0x14, v5;
	v4 =	vsel vm2, $0x15, v4;
	v3 =	vsel vm1, v6, v3  }
0x1d8: {  	v4 =	vsel vm1, v5, v4;
	vm0 =	vgt.f32 v9, v7;
	vm2 =	vgt.f32 v9, v3  }
0x1d9: {  	v3 =	vsel vm2, v9, v3;
	v4 =	vsel vm2, $0x16, v4;
	v6 =	vsel vm0, v9, v7;
	v9 =	vld [tilespmem:s17+$0x1800]  }
0x1da: {  	v5 =	vsel vm1, $0x15, v5;
	v3 =	vsel vm0, v7, v3  }
0x1db: {  	v4 =	vsel vm0, v5, v4;
	vm1 =	vgt.f32 v8, v6;
	vm2 =	vgt.f32 v8, v3  }
0x1dc: {  	v3 =	vsel vm2, v8, v3;
	v7 =	vsel vm1, v8, v6;
	v8 =	vld [tilespmem:s17+$0x1880]  }
0x1dd: {  	v5 =	vsel vm0, $0x16, v5;
	v4 =	vsel vm2, $0x17, v4;
	v3 =	vsel vm1, v6, v3  }
0x1de: {  	v4 =	vsel vm1, v5, v4;
	vm0 =	vgt.f32 v9, v7;
	vm2 =	vgt.f32 v9, v3  }
0x1df: {  	v5 =	vsel vm1, $0x17, v5;
	v3 =	vsel vm2, v9, v3;
	v4 =	vsel vm2, $0x18, v4;
	v6 =	vld [tilespmem:s17+$0x1900]  }
0x1e0: {  	v3 =	vsel vm0, v7, v3;
	v4 =	vsel vm0, v5, v4;
	v7 =	vsel vm0, v9, v7  }
0x1e1: {  	v5 =	vsel vm0, $0x18, v5;
	vm0 =	vgt.f32 v8, v7;
	vm1 =	vgt.f32 v8, v3  }
0x1e2: {  	v3 =	vsel vm1, v8, v3;
	v4 =	vsel vm1, $0x19, v4;
	v9 =	vld [tilespmem:s17+$0x1980]  }
0x1e3: {  	v3 =	vsel vm0, v7, v3;
	v4 =	vsel vm0, v5, v4;
	v7 =	vsel vm0, v8, v7  }
0x1e4: {  	vm1 =	vgt.f32 v6, v7;
	vm2 =	vgt.f32 v6, v3  }
0x1e5: {  	v5 =	vsel vm0, $0x19, v5;
	v3 =	vsel vm2, v6, v3;
	v4 =	vsel vm2, $0x1A, v4;
	v8 =	vld [tilespmem:s17+$0x1A00]  }
0x1e6: {  	v6 =	vsel vm1, v6, v7;
	v3 =	vsel vm1, v7, v3;
	v4 =	vsel vm1, v5, v4  }
0x1e7: {  	vm0 =	vgt.f32 v9, v6;
	vm2 =	vgt.f32 v9, v3  }
0x1e8: {  	v5 =	vsel vm1, $0x1A, v5;
	v3 =	vsel vm2, v9, v3;
	v4 =	vsel vm2, $0x1B, v4;
	v7 =	vld [tilespmem:s17+$0x1A80]  }
0x1e9: {  	v3 =	vsel vm0, v6, v3;
	v4 =	vsel vm0, v5, v4;
	v6 =	vsel vm0, v9, v6  }
0x1ea: {  	vm1 =	vgt.f32 v8, v6;
	vm2 =	vgt.f32 v8, v3  }
0x1eb: {  	v5 =	vsel vm0, $0x1B, v5;
	v3 =	vsel vm2, v8, v3;
	v4 =	vsel vm2, $0x1C, v4;
	v9 =	vld [tilespmem:s17+$0x1B00]  }
0x1ec: {  	v3 =	vsel vm1, v6, v3;
	v4 =	vsel vm1, v5, v4;
	v6 =	vsel vm1, v8, v6  }
0x1ed: {  	vm0 =	vgt.f32 v7, v6;
	vm2 =	vgt.f32 v7, v3  }
0x1ee: {  	v3 =	vsel vm2, v7, v3;
	v4 =	vsel vm2, $0x1D, v4;
	v8 =	vld [tilespmem:s17+$0x1B80]  }
0x1ef: {  	v5 =	vsel vm1, $0x1C, v5;
	v3 =	vsel vm0, v6, v3;
	v6 =	vsel vm0, v7, v6  }
0x1f0: {  	v7 =	vsel vm0, $0x1D, v5;
	vm1 =	vgt.f32 v9, v6;
	vm2 =	vgt.f32 v9, v3  }
0x1f1: {  	v4 =	vsel vm0, v5, v4;
	v3 =	vsel vm2, v9, v3;
	v5 =	vsel vm1, $0x1E, v7;
	v10 =	vld [tilespmem:s17+$0x2000]  }
0x1f2: {  	v4 =	vsel vm2, $0x1E, v4;
	v3 =	vsel vm1, v6, v3;
	v6 =	vsel vm1, v9, v6  }
0x1f3: {  	v4 =	vsel vm1, v7, v4;
	vm0 =	vgt.f32 v8, v6;
	vm1 =	vgt.f32 v8, v3  }
0x1f4: {  	v3 =	vsel vm1, v8, v3;
	v4 =	vsel vm1, $0x1F, v4;
	v7 =	vsel vm0, $0x1F, v5;
	v9 =	vld [tilespmem:s17+$0x2080]  }
0x1f5: {  	v3 =	vsel vm0, v6, v3;
	v4 =	vsel vm0, v5, v4;
	v5 =	vsel vm0, v8, v6  }
0x1f6: {  	vm0 =	vgt.f32 v10, v5;
	vm1 =	vgt.f32 v10, v3  }
0x1f7: {  	v3 =	vsel vm1, v10, v3;
	v4 =	vsel vm1, $0x20, v4;
	v6 =	vsel vm0, $0x20, v7;
	v8 =	vld [tilespmem:s17+$0x2100]  }
0x1f8: {  	v3 =	vsel vm0, v5, v3;
	v4 =	vsel vm0, v7, v4;
	v5 =	vsel vm0, v10, v5  }
0x1f9: {  	vm0 =	vgt.f32 v9, v5;
	vm1 =	vgt.f32 v9, v3  }
0x1fa: {  	v3 =	vsel vm1, v9, v3;
	v4 =	vsel vm1, $0x21, v4;
	v7 =	vsel vm0, v9, v5;
	v9 =	vld [tilespmem:s17+$0x2180]  }
0x1fb: {  	v3 =	vsel vm0, v5, v3;
	v4 =	vsel vm0, v6, v4  }
0x1fc: {  	v5 =	vsel vm0, $0x21, v6;
	vm0 =	vgt.f32 v8, v7;
	vm1 =	vgt.f32 v8, v3  }
0x1fd: {  	v3 =	vsel vm1, v8, v3;
	v6 =	vsel vm0, v8, v7;
	v8 =	vsel vm0, $0x22, v5;
	v10 =	vld [tilespmem:s17+$0x2200]  }
0x1fe: {  	v4 =	vsel vm1, $0x22, v4;
	v3 =	vsel vm0, v7, v3  }
0x1ff: {  	v4 =	vsel vm0, v5, v4;
	vm0 =	vgt.f32 v9, v6;
	vm1 =	vgt.f32 v9, v3  }
0x200: {  	v3 =	vsel vm1, v9, v3;
	v4 =	vsel vm1, $0x23, v4;
	v5 =	vsel vm0, $0x23, v8;
	v7 =	vld [tilespmem:s17+$0x2280]  }
0x201: {  	v3 =	vsel vm0, v6, v3;
	v4 =	vsel vm0, v8, v4;
	v6 =	vsel vm0, v9, v6  }
0x202: {  	vm5 =	vgt.f32 v10, v6;
	vm0 =	vgt.f32 v10, v3  }
0x203: {  	v3 =	vsel vm0, v10, v3;
	v4 =	vsel vm0, $0x24, v4;
	v8 =	vld [tilespmem:s17+$0x2300]  }
0x204: {  	v3 =	vsel vm5, v6, v3;
	v4 =	vsel vm5, v5, v4;
	v6 =	vsel vm5, v10, v6  }
0x205: {  	vm2 =	vgt.f32 v7, v6;
	vm6 =	vgt.f32 v7, v3  }
0x206: {  	v3 =	vsel vm6, v7, v3;
	v9 =	vld [tilespmem:s17+$0x2380]  }
0x207: {  	v3 =	vsel vm2, v6, v3;
	v6 =	vsel vm2, v7, v6  }
0x208: {  	vm0 =	vgt.f32 v8, v6;
	vm3 =	vgt.f32 v8, v3  }
0x209: {  	v3 =	vsel vm3, v8, v3;
	v7 =	vld [tilespmem:s17+$0x2800]  }
0x20a: {  	v3 =	vsel vm0, v6, v3;
	v6 =	vsel vm0, v8, v6  }
0x20b: {  	vm1 =	vgt.f32 v9, v6;
	vm4 =	vgt.f32 v9, v3  }
0x20c: {  	v5 =	vsel vm5, $0x24, v5;
	v4 =	vsel vm6, $0x25, v4;
	v3 =	vsel vm4, v9, v3;
	v8 =	vld [tilespmem:s17+$0x2880]  }
0x20d: {  	v10 =	vsel vm2, $0x25, v5;
	v3 =	vsel vm1, v6, v3;
	v6 =	vsel vm1, v9, v6  }
0x20e: {  	v9 =	vsel vm0, $0x26, v10;
	vm5 =	vgt.f32 v7, v6;
	vm6 =	vgt.f32 v7, v3  }
0x20f: {  	v4 =	vsel vm2, v5, v4;
	v5 =	vsel vm1, $0x27, v9;
	v3 =	vsel vm6, v7, v3;
	v11 =	vld [tilespmem:s17+$0x2900]  }
0x210: {  	v3 =	vsel vm5, v6, v3;
	v6 =	vsel vm5, v7, v6;
	v7 =	vsel vm5, $0x28, v5  }
0x211: {  	v4 =	vsel vm3, $0x26, v4;
	vm2 =	vgt.f32 v8, v6;
	vm3 =	vgt.f32 v8, v3;
	v12 =	vld [tilespmem:s17+$0x2980]  }
0x212: {  	v4 =	vsel vm0, v10, v4;
	v3 =	vsel vm3, v8, v3;
	v8 =	vsel vm2, v8, v6  }
0x213: {  	v4 =	vsel vm4, $0x27, v4;
	v3 =	vsel vm2, v6, v3  }
0x214: {  	v4 =	vsel vm1, v9, v4;
	vm0 =	vgt.f32 v11, v8;
	vm1 =	vgt.f32 v11, v3  }
0x215: {  	v4 =	vsel vm6, $0x28, v4;
	v3 =	vsel vm1, v11, v3;
	v6 =	vsel vm0, v11, v8;
	v9 =	vld [tilespmem:s17+$0x2A00]  }
0x216: {  	v4 =	vsel vm5, v5, v4;
	v3 =	vsel vm0, v8, v3;
	vm4 =	vgt.f32 v12, v6  }
0x217: {  	v4 =	vsel vm3, $0x29, v4;
	v5 =	vsel vm2, $0x29, v7;
	vm3 =	vgt.f32 v12, v3  }
0x218: {  	v8 =	vsel vm0, $0x2A, v5;
	v10 =	vsel vm4, v12, v6;
	v3 =	vsel vm3, v12, v3;
	v11 =	vld [tilespmem:s17+$0x2A80]  }
0x219: {  	v4 =	vsel vm2, v7, v4;
	v3 =	vsel vm4, v6, v3;
	v6 =	vsel vm4, $0x2B, v8  }
0x21a: {  	v4 =	vsel vm1, $0x2A, v4;
	vm1 =	vgt.f32 v9, v10;
	vm2 =	vgt.f32 v9, v3  }
0x21b: {  	v4 =	vsel vm0, v5, v4;
	v3 =	vsel vm2, v9, v3;
	v5 =	vsel vm1, $0x2C, v6;
	v7 =	vld [tilespmem:s17+$0x2B00]  }
0x21c: {  	v4 =	vsel vm3, $0x2B, v4;
	v9 =	vsel vm1, v9, v10;
	v3 =	vsel vm1, v10, v3  }
0x21d: {  	v4 =	vsel vm4, v8, v4;
	vm0 =	vgt.f32 v11, v9;
	vm3 =	vgt.f32 v11, v3  }
0x21e: {  	v4 =	vsel vm2, $0x2C, v4;
	v3 =	vsel vm3, v11, v3;
	v8 =	vsel vm0, $0x2D, v5;
	v10 =	vld [tilespmem:s17+$0x2B80]  }
0x21f: {  	v4 =	vsel vm1, v6, v4;
	v3 =	vsel vm0, v9, v3  }
0x220: {  	v4 =	vsel vm3, $0x2D, v4;
	v6 =	vsel vm0, v11, v9;
	vm1 =	vgt.f32 v7, v3  }
0x221: {  	v4 =	vsel vm0, v5, v4;
	vm0 =	vgt.f32 v7, v6;
	v3 =	vsel vm1, v7, v3;
	v5 =	vld [tilespmem:s17+$0x3000]  }
0x222: {  	v4 =	vsel vm1, $0x2E, v4;
	v3 =	vsel vm0, v6, v3;
	v6 =	vsel vm0, v7, v6  }
0x223: {  	v4 =	vsel vm0, v8, v4;
	vm1 =	vgt.f32 v10, v6;
	vm2 =	vgt.f32 v10, v3  }
0x224: {  	v7 =	vsel vm0, $0x2E, v8;
	v3 =	vsel vm2, v10, v3;
	v4 =	vsel vm2, $0x2F, v4;
	v8 =	vld [tilespmem:s17+$0x3080]  }
0x225: {  	v3 =	vsel vm1, v6, v3;
	v4 =	vsel vm1, v7, v4;
	v6 =	vsel vm1, v10, v6  }
0x226: {  	vm0 =	vgt.f32 v5, v6;
	vm2 =	vgt.f32 v5, v3  }
0x227: {  	v7 =	vsel vm1, $0x2F, v7;
	v3 =	vsel vm2, v5, v3;
	v4 =	vsel vm2, $0x30, v4;
	v9 =	vld [tilespmem:s17+$0x3100]  }
0x228: {  	v5 =	vsel vm0, v5, v6;
	v3 =	vsel vm0, v6, v3;
	v6 =	vsel vm0, $0x30, v7  }
0x229: {  	v4 =	vsel vm0, v7, v4;
	vm0 =	vgt.f32 v8, v5;
	vm1 =	vgt.f32 v8, v3;
	v7 =	vld [tilespmem:s17+$0x3180]  }
0x22a: {  	v3 =	vsel vm1, v8, v3;
	v4 =	vsel vm1, $0x31, v4;
	v10 =	vsel vm0, $0x31, v6  }
0x22b: {  	v3 =	vsel vm0, v5, v3;
	v4 =	vsel vm0, v6, v4;
	v5 =	vsel vm0, v8, v5;
	v6 =	vld [tilespmem:s17+$0x3200]  }
0x22c: {  	vm0 =	vgt.f32 v9, v5;
	vm1 =	vgt.f32 v9, v3  }
0x22d: {  	v3 =	vsel vm1, v9, v3;
	v8 =	vsel vm0, v9, v5;
	v9 =	vsel vm0, $0x32, v10;
	v11 =	vld [tilespmem:s17+$0x3280]  }
0x22e: {  	v4 =	vsel vm1, $0x32, v4;
	v3 =	vsel vm0, v5, v3;
	vm1 =	vgt.f32 v7, v8  }
0x22f: {  	vm2 =	vgt.f32 v7, v3;
	v5 =	vsel vm1, v7, v8;
	v12 =	vsel vm1, $0x33, v9;
	v13 =	vld [tilespmem:s17+$0x3300]  }
0x230: {  	v4 =	vsel vm0, v10, v4;
	v3 =	vsel vm2, v7, v3;
	vm0 =	vgt.f32 v6, v5  }
0x231: {  	v4 =	vsel vm2, $0x33, v4;
	v3 =	vsel vm1, v8, v3;
	v7 =	vsel vm0, v6, v5;
	v8 =	vld [tilespmem:s17+$0x3380]  }
0x232: {  	v10 =	vsel vm0, $0x34, v12;
	vm2 =	vgt.f32 v6, v3;
	vm3 =	vgt.f32 v11, v7  }
0x233: {  	v3 =	vsel vm2, v6, v3;
	v6 =	vsel vm3, v11, v7;
	v14 =	vsel vm3, $0x35, v10  }
0x234: {  	v4 =	vsel vm1, v9, v4;
	v3 =	vsel vm0, v5, v3;
	vm1 =	vgt.f32 v13, v6  }
0x235: {  	vm4 =	vgt.f32 v11, v3;
	v5 =	vsel vm1, v13, v6;
	v9 =	vsel vm1, $0x36, v14  }
0x236: {  	v4 =	vsel vm2, $0x34, v4;
	v3 =	vsel vm4, v11, v3;
	vm2 =	vgt.f32 v8, v5  }
0x237: {  	v4 =	vsel vm0, v12, v4;
	v3 =	vsel vm3, v7, v3;
	v7 =	vsel vm2, $0x37, v9  }
0x238: {  	v4 =	vsel vm4, $0x35, v4;
	vm0 =	vgt.f32 v13, v3  }
0x239: {  	v4 =	vsel vm3, v10, v4;
	v3 =	vsel vm0, v13, v3;
	v10 =	vld [tilespmem:s17+$0x3800]  }
0x23a: {  	v4 =	vsel vm0, $0x36, v4;
	v3 =	vsel vm1, v6, v3  }
0x23b: {  	v4 =	vsel vm1, v14, v4;
	vm0 =	vgt.f32 v8, v3  }
0x23c: {  	v3 =	vsel vm0, v8, v3;
	v4 =	vsel vm0, $0x37, v4;
	v6 =	vld [tilespmem:s17+$0x3880]  }
0x23d: {  	v3 =	vsel vm2, v5, v3;
	v4 =	vsel vm2, v9, v4  }
0x23e: {  	v5 =	vsel vm2, v8, v5;
	vm0 =	vgt.f32 v10, v3  }
0x23f: {  	vm1 =	vgt.f32 v10, v5;
	v3 =	vsel vm0, v10, v3;
	v4 =	vsel vm0, $0x38, v4;
	v8 =	vld [tilespmem:s17+$0x3900]  }
0x240: {  	v9 =	vsel vm1, $0x38, v7;
	v3 =	vsel vm1, v5, v3;
	v5 =	vsel vm1, v10, v5  }
0x241: {  	v4 =	vsel vm1, v7, v4;
	vm0 =	vgt.f32 v6, v5;
	vm1 =	vgt.f32 v6, v3  }
0x242: {  	v3 =	vsel vm1, v6, v3;
	v4 =	vsel vm1, $0x39, v4;
	v7 =	vld [tilespmem:s17+$0x3980]  }
0x243: {  	v3 =	vsel vm0, v5, v3;
	v4 =	vsel vm0, v9, v4;
	v5 =	vsel vm0, v6, v5  }
0x244: {  	vm1 =	vgt.f32 v8, v5;
	vm2 =	vgt.f32 v8, v3  }
0x245: {  	v6 =	vsel vm0, $0x39, v9;
	v3 =	vsel vm2, v8, v3;
	v4 =	vsel vm2, $0x3A, v4;
	v9 =	vld [tilespmem:s17+$0x3A00]  }
0x246: {  	v3 =	vsel vm1, v5, v3;
	v4 =	vsel vm1, v6, v4;
	v5 =	vsel vm1, v8, v5  }
0x247: {  	vm0 =	vgt.f32 v7, v5;
	vm2 =	vgt.f32 v7, v3  }
0x248: {  	v6 =	vsel vm1, $0x3A, v6;
	v3 =	vsel vm2, v7, v3;
	v4 =	vsel vm2, $0x3B, v4;
	v8 =	vld [tilespmem:s17+$0x3A80]  }
0x249: {  	v3 =	vsel vm0, v5, v3;
	v5 =	vsel vm0, v7, v5;
	v7 =	vsel vm0, $0x3B, v6  }
0x24a: {  	v4 =	vsel vm0, v6, v4;
	vm0 =	vgt.f32 v9, v5;
	vm1 =	vgt.f32 v9, v3  }
0x24b: {  	v3 =	vsel vm1, v9, v3;
	v4 =	vsel vm1, $0x3C, v4;
	v6 =	vld [tilespmem:s17+$0x3B00]  }
0x24c: {  	v3 =	vsel vm0, v5, v3;
	v4 =	vsel vm0, v7, v4;
	v5 =	vsel vm0, v9, v5  }
0x24d: {  	vm1 =	vgt.f32 v8, v5;
	vm2 =	vgt.f32 v8, v3  }
0x24e: {  	v3 =	vsel vm2, v8, v3;
	v4 =	vsel vm2, $0x3D, v4;
	v9 =	vld [tilespmem:s17+$0x3B80]  }
0x24f: {  	v3 =	vsel vm1, v5, v3;
	v5 =	vsel vm1, v8, v5  }
0x250: {  	vm2 =	vgt.f32 v6, v5;
	vm3 =	vgt.f32 v6, v3  }
0x251: {  	v7 =	vsel vm0, $0x3C, v7;
	v3 =	vsel vm3, v6, v3  }
0x252: {  	v8 =	vsel vm1, $0x3D, v7;
	v3 =	vsel vm2, v5, v3;
	v5 =	vsel vm2, v6, v5  }
0x253: {  	v4 =	vsel vm1, v7, v4;
	vm0 =	vgt.f32 v9, v5;
	vm1 =	vgt.f32 v9, v3  }
0x254: {  	v4 =	vsel vm3, $0x3E, v4;
	v3 =	vsel vm1, v9, v3;
	v6 =	vsel vm0, v9, v5  }
0x255: {  	v7 =	vsel vm2, $0x3E, v8;
	v4 =	vsel vm2, v8, v4;
	v3 =	vsel vm0, v5, v3  }
0x256: {  	v5 =	vsel vm1, $0x3F, v4;
	v4 =	vsel vm0, $0x3F, v7;
	v6 =	vsub.f32 v3, v6  }
0x257: {  	v3 =	vsel vm0, v7, v5  }
0x258: {  	v5 =	vmul.f32 $1.442695020e+00, v6;
	_ =	sdelay $0x1  }
0x259: {  	(erf) = vpow2.f32 v5;
	_ =	sdelay $0x8  }
0x25a: {  	v7 =	vpop (erf)  }
0x25b: {  	v5 =	vadd.f32 $1.000000000e+00, v7;
	_ =	sdelay $0x1  }
0x25c: {  	(erf) = vrcp.f32 v5;
	_ =	sdelay $0x4  }
0x25d: {  	v6 =	vor.u32 s13, v0;
	_ =	sdelay $0x1  }
0x25e: {  	v5 =	vor.u32 s13, v2  }
.Ltmp0:
0x25f: {  	(pc) =	sbr.rel @p0 .LBB2_2-.Ltmp0, $4  }
0x260: {  	v8 =	vpop (erf)  }
0x261: {  	[tilespmem:v6+s10+$0x0] =	vst.idx.msk $0xffff, v8;
	v7 =	vmul.f32 v8, v7  }
0x262: {  	s15 =	sadd.s32 $0x80, s15  }
0x263: {  	s19 =	smov.u32 s16;
	s18 =	sand.u32 $0x400, s15;
	s17 =	sand.u32 $0x70, s14;
	[tilespmem:v5+s10+$0x0] =	vst.idx.msk $0xffff, v7  }
0x264: {  	_ =	sdelay $0x3  }
0x265: {  	[tilespmem:v6+s11+$0x0] =	vst.idx.msk $0xffff, v4  }
0x266: {  	s16 =	sor.u32 s17, s18;
	[tilespmem:v5+s11+$0x0] =	vst.idx.msk $0xffff, v3  }
0x267: {  	v3 =	vld [tilespmem:s16+$0x0];
	_ =	sdelay $0x1  }
0x268: {  	v4 =	vld [tilespmem:s16+$0x80];
	_ =	sdelay $0x2  }
0x269: {  	vm0 =	vgt.f32 v3, $-Inf  }
0x26a: {  	v52 =	vimm.s32 $0x0;
	v5 =	vld [tilespmem:s16+$0x100];
	v3 =	vnsel vm0, $0xFF800000, v3  }
0x26b: {  	vm9 =	vlt.f32 v4, $-Inf;
	vm1 =	vgt.f32 v4, $-Inf;
	vm2 =	vgt.f32 v4, v3  }
0x26c: {  	v53 =	vimm.s32 $0x0;
	vm0 =	vmor vm1, vm9;
	v6 =	vsel vm2, $0xFFFFFFFF, v52  }
0x26d: {  	v7 =	vld [tilespmem:s16+$0x180];
	v54 =	vnsel vm0, $0xFF800000, v4;
	vm2 =	vmneg vm2;
	[tilespmem:$0x1F660] =	vst v6;
	v6 =	vsel vm0, $0xFFFFFFFF, v53  }
0x26e: {  	[tilespmem:$0x1F670] =	vst v6;
	v6 =	vsel vm2, v54, v3  }
0x26f: {  	v55 =	vimm.s32 $0x0;
	v3 =	vsel vm2, v3, v4;
	vm10 =	vgt.f32 v5, v6  }
0x270: {  	v57 =	vld [tilespmem:s16+$0x200];
	vm4 =	vgt.f32 v5, v3;
	v4 =	vsel vm10, $0xFFFFFFFF, v55;
	v56 =	vsel vm10, v5, v6  }
0x271: {  	[tilespmem:$0x1F680] =	vst v4;
	v4 =	vsel vm4, v3, v56  }
0x272: {  	v3 =	vsel vm4, v5, v3;
	vm11 =	vgt.f32 v7, v4  }
0x273: {  	v59 =	vld [tilespmem:s16+$0x280];
	vm5 =	vgt.f32 v7, v3;
	v4 =	vsel vm11, v7, v4  }
0x274: {  	v4 =	vsel vm5, v3, v4  }
0x275: {  	v3 =	vsel vm5, v7, v3;
	vm12 =	vgt.f32 v57, v4  }
0x276: {  	v61 =	vld [tilespmem:s16+$0x300];
	vm6 =	vgt.f32 v57, v3;
	v4 =	vsel vm12, v57, v4  }
0x277: {  	s14 =	sor.u32 s15, s14;
	v4 =	vsel vm6, v3, v4  }
0x278: {  	v58 =	vimm.s32 $0x0;
	s14 =	sor.u32 $0x380, s14;
	v3 =	vsel vm6, v57, v3;
	vm13 =	vgt.f32 v59, v4  }
0x279: {  	v60 =	vimm.s32 $0x0;
	v63 =	vld [tilespmem:s14+$0x0];
	vm1 =	vgt.f32 v59, v3;
	v4 =	vsel vm13, v59, v4  }
0x27a: {  	v62 =	vimm.s32 $0x0;
	v8 =	vimm.s32 $0x0;
	v4 =	vsel vm1, v3, v4  }
0x27b: {  	v10 =	vimm.s32 $0x0;
	v3 =	vsel vm1, v59, v3;
	vm14 =	vgt.f32 v61, v4  }
0x27c: {  	v12 =	vimm.s32 $0x0;
	v9 =	vld [tilespmem:s16+$0x800];
	vm7 =	vgt.f32 v61, v3;
	v4 =	vsel vm14, v61, v4  }
0x27d: {  	v14 =	vimm.s32 $0x0;
	v16 =	vimm.s32 $0x0;
	v4 =	vsel vm7, v3, v4  }
0x27e: {  	v18 =	vimm.s32 $0x0;
	v3 =	vsel vm7, v61, v3;
	vm15 =	vgt.f32 v63, v4  }
0x27f: {  	v20 =	vimm.s32 $0x0;
	v11 =	vld [tilespmem:s16+$0x880];
	vm8 =	vgt.f32 v63, v3;
	v4 =	vsel vm15, v63, v4  }
0x280: {  	v22 =	vimm.s32 $0x0;
	v24 =	vimm.s32 $0x0;
	v4 =	vsel vm8, v3, v4  }
0x281: {  	v7 =	vsel vm12, $0xFFFFFFFF, v60;
	v3 =	vsel vm8, v63, v3;
	vm12 =	vgt.f32 v9, v4  }
0x282: {  	v26 =	vimm.s32 $0x0;
	v13 =	vld [tilespmem:s16+$0x900];
	vm9 =	vgt.f32 v9, v3;
	v4 =	vsel vm12, v9, v4  }
0x283: {  	v28 =	vimm.s32 $0x0;
	v30 =	vimm.s32 $0x0;
	v4 =	vsel vm9, v3, v4  }
0x284: {  	v6 =	vsel vm13, $0xFFFFFFFF, v62;
	v3 =	vsel vm9, v9, v3;
	vm13 =	vgt.f32 v11, v4  }
0x285: {  	v33 =	vimm.s32 $0x0;
	v15 =	vld [tilespmem:s16+$0x980];
	vm10 =	vgt.f32 v11, v3;
	v4 =	vsel vm13, v11, v4  }
0x286: {  	v36 =	vimm.s32 $0x0;
	v5 =	vsel vm11, $0xFFFFFFFF, v58;
	v4 =	vsel vm10, v3, v4  }
0x287: {  	[tilespmem:$0x1F690] =	vst v5;
	v5 =	vsel vm14, $0xFFFFFFFF, v8;
	v3 =	vsel vm10, v11, v3;
	vm14 =	vgt.f32 v13, v4  }
0x288: {  	v39 =	vimm.s32 $0x0;
	v17 =	vld [tilespmem:s16+$0xA00];
	vm3 =	vgt.f32 v13, v3;
	v4 =	vsel vm14, v13, v4  }
0x289: {  	v42 =	vimm.s32 $0x0;
	v45 =	vimm.s32 $0x0;
	v4 =	vsel vm3, v3, v4  }
0x28a: {  	[tilespmem:$0x1F6A0] =	vst v7;
	v7 =	vsel vm15, $0xFFFFFFFF, v10;
	v3 =	vsel vm3, v13, v3;
	vm15 =	vgt.f32 v15, v4  }
0x28b: {  	v19 =	vld [tilespmem:s16+$0xA80];
	[tilespmem:$0x1F6B0] =	vst v6;
	v6 =	vsel vm12, $0xFFFFFFFF, v12;
	vm12 =	vgt.f32 v15, v3;
	v4 =	vsel vm15, v15, v4  }
0x28c: {  	v48 =	vimm.s32 $0x0;
	v49 =	vimm.s32 $0x0;
	v4 =	vsel vm12, v3, v4  }
0x28d: {  	[tilespmem:$0x1F6C0] =	vst v5;
	v5 =	vsel vm13, $0xFFFFFFFF, v14;
	v3 =	vsel vm12, v15, v3;
	vm11 =	vgt.f32 v17, v4  }
0x28e: {  	v21 =	vld [tilespmem:s16+$0xB00];
	[tilespmem:$0x1F6F0] =	vst v5;
	v5 =	vsel vm11, $0xFFFFFFFF, v20;
	v4 =	vsel vm11, v17, v4;
	vm11 =	vgt.f32 v17, v3  }
0x28f: {  	v52 =	vimm.s32 $0x0;
	v55 =	vimm.s32 $0x0;
	v4 =	vsel vm11, v3, v4  }
0x290: {  	[tilespmem:$0x1F6D0] =	vst v7;
	v7 =	vsel vm14, $0xFFFFFFFF, v16;
	v3 =	vsel vm11, v17, v3;
	vm13 =	vgt.f32 v19, v4  }
0x291: {  	v23 =	vld [tilespmem:s16+$0xB80];
	[tilespmem:$0x1F700] =	vst v7;
	v7 =	vsel vm13, $0xFFFFFFFF, v22;
	v4 =	vsel vm13, v19, v4;
	vm13 =	vgt.f32 v19, v3  }
0x292: {  	v58 =	vimm.s32 $0x0;
	v8 =	vimm.s32 $0x0;
	v4 =	vsel vm13, v3, v4  }
0x293: {  	[tilespmem:$0x1F6E0] =	vst v6;
	v6 =	vsel vm15, $0xFFFFFFFF, v18;
	v3 =	vsel vm13, v19, v3;
	vm14 =	vgt.f32 v21, v4  }
0x294: {  	v25 =	vld [tilespmem:s16+$0x1000];
	[tilespmem:$0x1F710] =	vst v6;
	v6 =	vsel vm14, $0xFFFFFFFF, v24;
	v4 =	vsel vm14, v21, v4;
	vm14 =	vgt.f32 v21, v3  }
0x295: {  	v61 =	vimm.s32 $0x0;
	v10 =	vimm.s32 $0x0;
	v4 =	vsel vm14, v3, v4  }
0x296: {  	v31 =	vld [tilespmem:$0x1F660];
	v12 =	vimm.s32 $0x0;
	v3 =	vsel vm14, v21, v3;
	vm15 =	vgt.f32 v23, v4  }
0x297: {  	v9 =	vld [tilespmem:$0x1F670];
	[tilespmem:$0x1F720] =	vst v5;
	v5 =	vsel vm15, $0xFFFFFFFF, v26;
	v4 =	vsel vm15, v23, v4;
	vm15 =	vgt.f32 v23, v3  }
0x298: {  	v27 =	vld [tilespmem:s16+$0x1080];
	v18 =	vimm.s32 $0x0;
	v15 =	vimm.s32 $0x0;
	v4 =	vsel vm15, v3, v4  }
0x299: {  	v34 =	vld [tilespmem:$0x1F680];
	v8 =	vsel vm15, $0xFFFFFFFF, v8;
	v3 =	vsel vm15, v23, v3;
	vm15 =	vgt.f32 v25, v4  }
0x29a: {  	[tilespmem:$0x1F730] =	vst v7;
	v21 =	vimm.s32 $0x0;
	vm0 =	vgt.f32 v25, v3;
	v7 =	vsel vm15, $0xFFFFFFFF, v28  }
0x29b: {  	[tilespmem:$0x1F760] =	vst v8;
	v4 =	vsel vm15, v25, v4;
	v8 =	vsel vm0, $0xFFFFFFFF, v30;
	vm15 =	vnez.u8 v31  }
0x29c: {  	v29 =	vld [tilespmem:s16+$0x1100];
	[tilespmem:$0x1F780] =	vst v8;
	v8 =	vsel vm15, $0x1, v1;
	vm15 =	vnez.u8 v9;
	v4 =	vsel vm0, v3, v4  }
0x29d: {  	v37 =	vld [tilespmem:$0x1F690];
	v3 =	vsel vm0, v25, v3;
	vm2 =	vmand vm15, vm2;
	vm0 =	vgt.f32 v27, v4  }
0x29e: {  	[tilespmem:$0x1F740] =	vst v6;
	vm15 =	vnez.u8 v34;
	v32 =	vsel vm2, $0x1, v1;
	v6 =	vsel vm0, $0xFFFFFFFF, v33  }
0x29f: {  	v25 =	vimm.s32 $0x0;
	[tilespmem:$0x1F790] =	vst v6;
	v6 =	vsel vm15, $0x2, v32;
	vm15 =	vgt.f32 v27, v3  }
0x2a0: {  	v4 =	vsel vm0, v27, v4;
	v33 =	vimm.s32 $0x0;
	v10 =	vsel vm15, $0xFFFFFFFF, v10  }
0x2a1: {  	v40 =	vld [tilespmem:$0x1F6A0];
	v6 =	vsel vm4, v8, v6;
	v4 =	vsel vm15, v3, v4;
	v8 =	vsel vm4, $0x2, v8  }
0x2a2: {  	v35 =	vld [tilespmem:s16+$0x1180];
	v3 =	vsel vm15, v27, v3;
	vm4 =	vnez.u8 v37;
	vm15 =	vgt.f32 v29, v4  }
0x2a3: {  	[tilespmem:$0x1F750] =	vst v5;
	v37 =	vimm.s32 $0x0;
	v5 =	vsel vm15, $0xFFFFFFFF, v36;
	v4 =	vsel vm15, v29, v4  }
0x2a4: {  	v43 =	vld [tilespmem:$0x1F6B0];
	v36 =	vimm.s32 $0x0;
	[tilespmem:$0x1F7B0] =	vst v5;
	v5 =	vsel vm4, $0x3, v6;
	vm4 =	vgt.f32 v29, v3  }
0x2a5: {  	v5 =	vsel vm5, v8, v5;
	v4 =	vsel vm4, v3, v4;
	v8 =	vsel vm5, $0x3, v8  }
0x2a6: {  	v38 =	vld [tilespmem:s16+$0x1200];
	v3 =	vsel vm4, v29, v3;
	vm5 =	vnez.u8 v40;
	v29 =	vimm.s32 $0x0  }
0x2a7: {  	v30 =	vld [tilespmem:$0x1F790];
	v40 =	vimm.s32 $0x0;
	vm15 =	vgt.f32 v35, v4;
	v5 =	vsel vm5, $0x4, v5  }
0x2a8: {  	v46 =	vld [tilespmem:$0x1F6C0];
	[tilespmem:$0x1F770] =	vst v7;
	vm5 =	vgt.f32 v35, v3;
	v7 =	vsel vm15, $0xFFFFFFFF, v39;
	v4 =	vsel vm15, v35, v4  }
0x2a9: {  	v5 =	vsel vm6, v8, v5;
	v8 =	vsel vm6, $0x4, v8;
	vm6 =	vnez.u8 v43  }
0x2aa: {  	v41 =	vld [tilespmem:s16+$0x1280];
	v43 =	vimm.s32 $0x0;
	v4 =	vsel vm5, v3, v4;
	v3 =	vsel vm5, v35, v3  }
0x2ab: {  	v50 =	vld [tilespmem:$0x1F6D0];
	v5 =	vsel vm6, $0x5, v5;
	vm15 =	vgt.f32 v38, v4;
	vm6 =	vgt.f32 v38, v3  }
0x2ac: {  	v5 =	vsel vm1, v8, v5;
	v8 =	vsel vm1, $0x5, v8;
	vm1 =	vnez.u8 v30  }
0x2ad: {  	v9 =	vsel vm15, $0xFFFFFFFF, v42;
	v4 =	vsel vm15, v38, v4;
	vm15 =	vnez.u8 v46  }
0x2ae: {  	v53 =	vld [tilespmem:$0x1F6E0];
	v4 =	vsel vm6, v3, v4;
	v3 =	vsel vm6, v38, v3;
	v5 =	vsel vm15, $0x6, v5  }
0x2af: {  	v44 =	vld [tilespmem:s16+$0x1300];
	vm0 =	vgt.f32 v41, v4;
	vm15 =	vgt.f32 v41, v3;
	v5 =	vsel vm7, v8, v5  }
0x2b0: {  	v8 =	vsel vm7, $0x6, v8;
	vm7 =	vnez.u8 v50;
	v6 =	vsel vm0, $0xFFFFFFFF, v45  }
0x2b1: {  	v56 =	vld [tilespmem:$0x1F6F0];
	[tilespmem:$0x1F7A0] =	vst v10;
	v4 =	vsel vm0, v41, v4;
	v10 =	vsel vm15, $0xFFFFFFFF, v48;
	v5 =	vsel vm7, $0x7, v5  }
0x2b2: {  	v47 =	vld [tilespmem:s16+$0x1380];
	v48 =	vimm.s32 $0x0;
	v4 =	vsel vm15, v3, v4;
	v3 =	vsel vm15, v41, v3  }
0x2b3: {  	v5 =	vsel vm8, v8, v5;
	v8 =	vsel vm8, $0x7, v8;
	vm8 =	vnez.u8 v53  }
0x2b4: {  	v59 =	vld [tilespmem:$0x1F700];
	vm15 =	vgt.f32 v44, v4;
	vm7 =	vgt.f32 v44, v3;
	v5 =	vsel vm8, $0x8, v5  }
0x2b5: {  	v51 =	vld [tilespmem:s16+$0x1800];
	[tilespmem:$0x1F7C0] =	vst v7;
	v7 =	vsel vm15, $0xFFFFFFFF, v49;
	v4 =	vsel vm15, v44, v4;
	v5 =	vsel vm9, v8, v5  }
0x2b6: {  	v8 =	vsel vm9, $0x8, v8;
	vm9 =	vnez.u8 v56;
	v4 =	vsel vm7, v3, v4  }
0x2b7: {  	v3 =	vsel vm7, v44, v3;
	v5 =	vsel vm9, $0x9, v5;
	vm15 =	vgt.f32 v47, v4  }
0x2b8: {  	v54 =	vld [tilespmem:s16+$0x1880];
	vm8 =	vgt.f32 v47, v3;
	v5 =	vsel vm10, v8, v5;
	v4 =	vsel vm15, v47, v4  }
0x2b9: {  	v8 =	vsel vm10, $0x9, v8;
	vm10 =	vnez.u8 v59;
	v4 =	vsel vm8, v3, v4  }
0x2ba: {  	v62 =	vld [tilespmem:$0x1F710];
	[tilespmem:$0x1F7D0] =	vst v9;
	v9 =	vsel vm15, $0xFFFFFFFF, v52;
	v3 =	vsel vm8, v47, v3;
	vm15 =	vgt.f32 v51, v4  }
0x2bb: {  	v5 =	vsel vm10, $0xA, v5;
	vm9 =	vgt.f32 v51, v3;
	v4 =	vsel vm15, v51, v4  }
0x2bc: {  	v57 =	vld [tilespmem:s16+$0x1900];
	v5 =	vsel vm3, v8, v5;
	v8 =	vsel vm3, $0xA, v8;
	v4 =	vsel vm9, v3, v4  }
0x2bd: {  	[tilespmem:$0x1F7E0] =	vst v6;
	v6 =	vsel vm15, $0xFFFFFFFF, v55;
	v3 =	vsel vm9, v51, v3;
	vm15 =	vgt.f32 v54, v4  }
0x2be: {  	v13 =	vld [tilespmem:$0x1F720];
	[tilespmem:$0x1F800] =	vst v7;
	v51 =	vimm.s32 $0x0;
	vm10 =	vgt.f32 v54, v3;
	v7 =	vsel vm15, $0xFFFFFFFF, v58  }
0x2bf: {  	v4 =	vsel vm15, v54, v4;
	vm15 =	vnez.u8 v62;
	v58 =	vimm.s32 $0x0  }
0x2c0: {  	v62 =	vimm.s32 $0x0;
	v4 =	vsel vm10, v3, v4;
	v3 =	vsel vm10, v54, v3  }
0x2c1: {  	v16 =	vld [tilespmem:$0x1F730];
	v5 =	vsel vm15, $0xB, v5;
	v54 =	vimm.s32 $0x0;
	vm0 =	vgt.f32 v57, v4  }
0x2c2: {  	v60 =	vld [tilespmem:s16+$0x1980];
	vm3 =	vgt.f32 v57, v3;
	v5 =	vsel vm12, v8, v5;
	v8 =	vsel vm12, $0xB, v8  }
0x2c3: {  	[tilespmem:$0x1F810] =	vst v9;
	vm12 =	vnez.u8 v13;
	v13 =	vimm.s32 $0x0;
	v9 =	vsel vm0, $0xFFFFFFFF, v61  }
0x2c4: {  	v19 =	vld [tilespmem:$0x1F740];
	v4 =	vsel vm0, v57, v4;
	v5 =	vsel vm12, $0xC, v5;
	v61 =	vimm.s32 $0x0  }
0x2c5: {  	v63 =	vld [tilespmem:s16+$0x1A00];
	v4 =	vsel vm3, v3, v4;
	v3 =	vsel vm3, v57, v3;
	v5 =	vsel vm11, v8, v5  }
0x2c6: {  	v8 =	vsel vm11, $0xC, v8;
	vm11 =	vnez.u8 v16;
	v57 =	vimm.s32 $0x0  }
0x2c7: {  	v22 =	vld [tilespmem:$0x1F750];
	vm15 =	vgt.f32 v60, v4;
	vm12 =	vgt.f32 v60, v3;
	v5 =	vsel vm11, $0xD, v5  }
0x2c8: {  	v14 =	vld [tilespmem:s16+$0x1A80];
	[tilespmem:$0x1F820] =	vst v6;
	v6 =	vsel vm15, $0xFFFFFFFF, v12;
	v4 =	vsel vm15, v60, v4;
	v5 =	vsel vm13, v8, v5  }
0x2c9: {  	v8 =	vsel vm13, $0xD, v8;
	vm13 =	vnez.u8 v19;
	v4 =	vsel vm12, v3, v4  }
0x2ca: {  	v3 =	vsel vm12, v60, v3;
	v5 =	vsel vm13, $0xE, v5;
	vm15 =	vgt.f32 v63, v4  }
0x2cb: {  	v17 =	vld [tilespmem:s16+$0x1B00];
	vm11 =	vgt.f32 v63, v3;
	v5 =	vsel vm14, v8, v5;
	v4 =	vsel vm15, v63, v4  }
0x2cc: {  	v24 =	vld [tilespmem:$0x1F760];
	v8 =	vsel vm14, $0xE, v8;
	vm14 =	vnez.u8 v22;
	v4 =	vsel vm11, v3, v4  }
0x2cd: {  	[tilespmem:$0x1F830] =	vst v7;
	v7 =	vsel vm15, $0xFFFFFFFF, v15;
	v3 =	vsel vm11, v63, v3;
	vm15 =	vgt.f32 v14, v4  }
0x2ce: {  	v5 =	vsel vm14, $0xF, v5;
	vm13 =	vgt.f32 v14, v3;
	v4 =	vsel vm15, v14, v4  }
0x2cf: {  	v26 =	vld [tilespmem:$0x1F770];
	[tilespmem:$0x1F840] =	vst v9;
	v9 =	vsel vm15, $0xFFFFFFFF, v18;
	v18 =	vimm.s32 $0x0;
	v4 =	vsel vm13, v3, v4  }
0x2d0: {  	v20 =	vld [tilespmem:s16+$0x1B80];
	v3 =	vsel vm13, v14, v3;
	v14 =	vimm.s32 $0x0;
	vm15 =	vgt.f32 v17, v4  }
0x2d1: {  	v28 =	vld [tilespmem:$0x1F780];
	[tilespmem:$0x1F850] =	vst v6;
	v6 =	vsel vm15, $0xFFFFFFFF, v21;
	v4 =	vsel vm15, v17, v4;
	vm15 =	vnez.u8 v24  }
0x2d2: {  	vm14 =	vgt.f32 v17, v3;
	v21 =	vimm.s32 $0x0;
	v5 =	vsel vm15, v8, v5  }
0x2d3: {  	v23 =	vld [tilespmem:s16+$0x2000];
	v4 =	vsel vm14, v3, v4;
	v8 =	vsel vm15, $0xF, v8;
	v3 =	vsel vm14, v17, v3  }
0x2d4: {  	v34 =	vld [tilespmem:$0x1F7B0];
	vm15 =	vnez.u8 v26;
	v17 =	vimm.s32 $0x0;
	v26 =	vimm.s32 $0x0  }
0x2d5: {  	v32 =	vld [tilespmem:$0x1F7A0];
	vm0 =	vgt.f32 v20, v4;
	v5 =	vsel vm15, $0x10, v5;
	vm15 =	vgt.f32 v20, v3  }
0x2d6: {  	[tilespmem:$0x1F860] =	vst v7;
	v7 =	vsel vm0, $0xFFFFFFFF, v25;
	v4 =	vsel vm0, v20, v4;
	vm0 =	vnez.u8 v28  }
0x2d7: {  	v25 =	vimm.s32 $0x0;
	v5 =	vsel vm0, v8, v5;
	v4 =	vsel vm15, v3, v4  }
0x2d8: {  	v27 =	vld [tilespmem:s16+$0x2080];
	v8 =	vsel vm0, $0x10, v8;
	v3 =	vsel vm15, v20, v3;
	vm0 =	vgt.f32 v23, v4  }
0x2d9: {  	v5 =	vsel vm1, $0x11, v5;
	vm2 =	vgt.f32 v23, v3;
	vm1 =	vnez.u8 v34  }
0x2da: {  	v38 =	vld [tilespmem:$0x1F7C0];
	[tilespmem:$0x1F870] =	vst v9;
	v9 =	vsel vm0, $0xFFFFFFFF, v29;
	v4 =	vsel vm0, v23, v4;
	vm0 =	vnez.u8 v32  }
0x2db: {  	v29 =	vimm.s32 $0x0;
	v32 =	vimm.s32 $0x0;
	v5 =	vsel vm0, v8, v5  }
0x2dc: {  	v47 =	vld [tilespmem:$0x1F800];
	v4 =	vsel vm2, v3, v4;
	v8 =	vsel vm0, $0x11, v8;
	v3 =	vsel vm2, v23, v3  }
0x2dd: {  	v31 =	vld [tilespmem:s16+$0x2100];
	v23 =	vimm.s32 $0x0;
	vm0 =	vgt.f32 v27, v4;
	v5 =	vsel vm1, $0x12, v5  }
0x2de: {  	v41 =	vld [tilespmem:$0x1F7D0];
	[tilespmem:$0x1F880] =	vst v6;
	v6 =	vsel vm0, $0xFFFFFFFF, v33;
	v4 =	vsel vm0, v27, v4;
	vm0 =	vgt.f32 v27, v3  }
0x2df: {  	v5 =	vsel vm4, v8, v5;
	v8 =	vsel vm4, $0x12, v8;
	vm4 =	vnez.u8 v38  }
0x2e0: {  	v35 =	vld [tilespmem:s16+$0x2180];
	[tilespmem:$0x1F7F0] =	vst v10;
	v10 =	vsel vm0, $0xFFFFFFFF, v36;
	v4 =	vsel vm0, v3, v4;
	v3 =	vsel vm0, v27, v3  }
0x2e1: {  	v44 =	vld [tilespmem:$0x1F7E0];
	v5 =	vsel vm4, $0x13, v5;
	vm0 =	vnez.u8 v47;
	v36 =	vimm.s32 $0x0  }
0x2e2: {  	v46 =	vld [tilespmem:$0x1F7F0];
	vm1 =	vgt.f32 v31, v4;
	v5 =	vsel vm5, v8, v5;
	v8 =	vsel vm5, $0x13, v8  }
0x2e3: {  	[tilespmem:$0x1F890] =	vst v7;
	vm5 =	vnez.u8 v41;
	v41 =	vimm.s32 $0x0;
	v7 =	vsel vm1, $0xFFFFFFFF, v37  }
0x2e4: {  	v4 =	vsel vm1, v31, v4;
	vm1 =	vgt.f32 v31, v3;
	v5 =	vsel vm5, $0x14, v5  }
0x2e5: {  	v39 =	vld [tilespmem:s16+$0x2200];
	v4 =	vsel vm1, v3, v4;
	v3 =	vsel vm1, v31, v3;
	v5 =	vsel vm6, v8, v5  }
0x2e6: {  	v8 =	vsel vm6, $0x14, v8;
	vm6 =	vnez.u8 v44;
	v44 =	vimm.s32 $0x0  }
0x2e7: {  	vm4 =	vgt.f32 v35, v4;
	v5 =	vsel vm6, $0x15, v5;
	vm6 =	vnez.u8 v46  }
0x2e8: {  	v42 =	vld [tilespmem:s16+$0x2280];
	[tilespmem:$0x1F8A0] =	vst v9;
	v9 =	vsel vm4, $0xFFFFFFFF, v40;
	v4 =	vsel vm4, v35, v4;
	vm4 =	vgt.f32 v35, v3  }
0x2e9: {  	v5 =	vsel vm6, v8, v5;
	v49 =	vsel vm6, $0x15, v8;
	v4 =	vsel vm4, v3, v4  }
0x2ea: {  	v3 =	vsel vm4, v35, v3;
	v5 =	vsel vm0, $0x16, v5;
	vm5 =	vgt.f32 v39, v4  }
0x2eb: {  	v52 =	vld [tilespmem:$0x1F810];
	[tilespmem:$0x1F8B0] =	vst v6;
	v6 =	vsel vm5, $0xFFFFFFFF, v43;
	v4 =	vsel vm5, v39, v4;
	vm5 =	vgt.f32 v39, v3  }
0x2ec: {  	v45 =	vld [tilespmem:s16+$0x2300];
	v35 =	vimm.s32 $0x0;
	v5 =	vsel vm7, v49, v5;
	v4 =	vsel vm5, v3, v4  }
0x2ed: {  	v3 =	vsel vm5, v39, v3;
	v39 =	vimm.s32 $0x0;
	vm0 =	vgt.f32 v42, v4  }
0x2ee: {  	v55 =	vld [tilespmem:$0x1F820];
	[tilespmem:$0x1F8D0] =	vst v7;
	vm6 =	vgt.f32 v42, v3;
	v7 =	vsel vm0, $0xFFFFFFFF, v48;
	v4 =	vsel vm0, v42, v4  }
0x2ef: {  	v48 =	vimm.s32 $0x0;
	[tilespmem:$0x1F900] =	vst v7;
	v4 =	vsel vm6, v3, v4;
	v7 =	vsel vm7, $0x16, v49  }
0x2f0: {  	v50 =	vld [tilespmem:s16+$0x2380];
	v3 =	vsel vm6, v42, v3;
	vm7 =	vnez.u8 v52;
	v49 =	vimm.s32 $0x0  }
0x2f1: {  	v59 =	vld [tilespmem:$0x1F830];
	v52 =	vimm.s32 $0x0;
	vm0 =	vgt.f32 v45, v4;
	v5 =	vsel vm7, $0x17, v5  }
0x2f2: {  	[tilespmem:$0x1F8E0] =	vst v9;
	vm7 =	vgt.f32 v45, v3;
	v9 =	vsel vm0, $0xFFFFFFFF, v51;
	v4 =	vsel vm0, v45, v4  }
0x2f3: {  	v5 =	vsel vm8, v7, v5;
	v7 =	vsel vm8, $0x17, v7;
	vm0 =	vnez.u8 v55  }
0x2f4: {  	v53 =	vld [tilespmem:s16+$0x2800];
	v55 =	vimm.s32 $0x0;
	v4 =	vsel vm7, v3, v4;
	v3 =	vsel vm7, v45, v3  }
0x2f5: {  	v63 =	vld [tilespmem:$0x1F840];
	v5 =	vsel vm0, $0x18, v5;
	v45 =	vimm.s32 $0x0;
	vm8 =	vgt.f32 v50, v4  }
0x2f6: {  	v5 =	vsel vm9, v7, v5;
	v7 =	vsel vm9, $0x18, v7;
	vm9 =	vnez.u8 v59  }
0x2f7: {  	[tilespmem:$0x1F8F0] =	vst v6;
	v6 =	vsel vm8, $0xFFFFFFFF, v54;
	v4 =	vsel vm8, v50, v4;
	vm8 =	vgt.f32 v50, v3  }
0x2f8: {  	v56 =	vld [tilespmem:s16+$0x2880];
	[tilespmem:$0x1F8C0] =	vst v10;
	v5 =	vsel vm9, $0x19, v5;
	v10 =	vsel vm8, $0xFFFFFFFF, v57;
	v4 =	vsel vm8, v3, v4  }
0x2f9: {  	v3 =	vsel vm8, v50, v3;
	v5 =	vsel vm10, v7, v5;
	v7 =	vsel vm10, $0x19, v7  }
0x2fa: {  	v15 =	vld [tilespmem:$0x1F850];
	vm10 =	vnez.u8 v63;
	vm8 =	vgt.f32 v53, v4;
	vm9 =	vgt.f32 v53, v3  }
0x2fb: {  	v5 =	vsel vm10, $0x1A, v5;
	v8 =	vsel vm8, $0xFFFFFFFF, v58;
	v4 =	vsel vm8, v53, v4  }
0x2fc: {  	v60 =	vld [tilespmem:s16+$0x2900];
	[tilespmem:$0x1F930] =	vst v10;
	v10 =	vsel vm9, $0xFFFFFFFF, v61;
	v5 =	vsel vm3, v7, v5;
	v4 =	vsel vm9, v3, v4  }
0x2fd: {  	v19 =	vld [tilespmem:$0x1F860];
	v7 =	vsel vm3, $0x1A, v7;
	v3 =	vsel vm9, v53, v3;
	vm8 =	vgt.f32 v56, v4  }
0x2fe: {  	[tilespmem:$0x1F910] =	vst v9;
	v58 =	vimm.s32 $0x0;
	vm9 =	vgt.f32 v56, v3;
	v9 =	vsel vm8, $0xFFFFFFFF, v62  }
0x2ff: {  	[tilespmem:$0x1F950] =	vst v10;
	v4 =	vsel vm8, v56, v4;
	v10 =	vsel vm9, $0xFFFFFFFF, v13;
	vm8 =	vnez.u8 v15  }
0x300: {  	v22 =	vld [tilespmem:$0x1F870];
	v62 =	vimm.s32 $0x0;
	v4 =	vsel vm9, v3, v4;
	v3 =	vsel vm9, v56, v3  }
0x301: {  	v12 =	vld [tilespmem:s16+$0x2980];
	v5 =	vsel vm8, $0x1B, v5;
	vm10 =	vgt.f32 v60, v4;
	vm9 =	vgt.f32 v60, v3  }
0x302: {  	[tilespmem:$0x1F920] =	vst v6;
	v5 =	vsel vm12, v7, v5;
	v7 =	vsel vm12, $0x1B, v7;
	vm12 =	vnez.u8 v19  }
0x303: {  	[tilespmem:$0x1F970] =	vst v10;
	v6 =	vsel vm10, $0xFFFFFFFF, v14;
	v4 =	vsel vm10, v60, v4;
	v10 =	vsel vm9, $0xFFFFFFFF, v17  }
0x304: {  	v16 =	vld [tilespmem:s16+$0x2A00];
	v5 =	vsel vm12, $0x1C, v5;
	v14 =	vimm.s32 $0x0;
	v4 =	vsel vm9, v3, v4  }
0x305: {  	v27 =	vld [tilespmem:$0x1F880];
	v3 =	vsel vm9, v60, v3;
	v5 =	vsel vm11, v7, v5;
	vm9 =	vnez.u8 v22  }
0x306: {  	v7 =	vsel vm11, $0x1C, v7;
	v22 =	vimm.s32 $0x0;
	vm10 =	vgt.f32 v12, v4  }
0x307: {  	v30 =	vld [tilespmem:$0x1F890];
	[tilespmem:$0x1F940] =	vst v8;
	vm8 =	vgt.f32 v12, v3;
	v5 =	vsel vm9, $0x1D, v5;
	v8 =	vsel vm10, $0xFFFFFFFF, v18  }
0x308: {  	v33 =	vld [tilespmem:$0x1F8A0];
	[tilespmem:$0x1F990] =	vst v10;
	v4 =	vsel vm10, v12, v4;
	v10 =	vsel vm8, $0xFFFFFFFF, v21;
	v5 =	vsel vm13, v7, v5  }
0x309: {  	v7 =	vsel vm13, $0x1D, v7;
	v18 =	vimm.s32 $0x0;
	v4 =	vsel vm8, v3, v4  }
0x30a: {  	v20 =	vld [tilespmem:s16+$0x2A80];
	v3 =	vsel vm8, v12, v3;
	vm8 =	vnez.u8 v27;
	vm10 =	vgt.f32 v16, v4  }
0x30b: {  	[tilespmem:$0x1F960] =	vst v9;
	vm12 =	vgt.f32 v16, v3;
	v5 =	vsel vm8, $0x1E, v5;
	v9 =	vsel vm10, $0xFFFFFFFF, v23  }
0x30c: {  	[tilespmem:$0x1F9B0] =	vst v10;
	v4 =	vsel vm10, v16, v4;
	v10 =	vsel vm12, $0xFFFFFFFF, v25;
	v5 =	vsel vm14, v7, v5  }
0x30d: {  	v7 =	vsel vm14, $0x1E, v7;
	vm10 =	vnez.u8 v30;
	vm14 =	vnez.u8 v33  }
0x30e: {  	v24 =	vld [tilespmem:s16+$0x2B00];
	v30 =	vimm.s32 $0x0;
	v33 =	vimm.s32 $0x0;
	v4 =	vsel vm12, v3, v4  }
0x30f: {  	v3 =	vsel vm12, v16, v3;
	v5 =	vsel vm10, $0x1F, v5;
	vm13 =	vgt.f32 v20, v4  }
0x310: {  	v37 =	vld [tilespmem:$0x1F8B0];
	[tilespmem:$0x1F980] =	vst v6;
	v5 =	vsel vm15, v7, v5;
	v7 =	vsel vm15, $0x1F, v7;
	v6 =	vsel vm13, $0xFFFFFFFF, v26  }
0x311: {  	v28 =	vld [tilespmem:s16+$0x2B80];
	v4 =	vsel vm13, v20, v4;
	vm13 =	vgt.f32 v20, v3;
	v5 =	vsel vm14, $0x20, v5  }
0x312: {  	v26 =	vimm.s32 $0x0;
	v4 =	vsel vm13, v3, v4;
	v3 =	vsel vm13, v20, v3  }
0x313: {  	v40 =	vld [tilespmem:$0x1F8C0];
	v5 =	vsel vm2, v7, v5;
	v7 =	vsel vm2, $0x20, v7;
	vm9 =	vgt.f32 v24, v4  }
0x314: {  	v42 =	vld [tilespmem:$0x1F8D0];
	[tilespmem:$0x1F9A0] =	vst v8;
	vm12 =	vgt.f32 v24, v3;
	v8 =	vsel vm9, $0xFFFFFFFF, v29;
	v4 =	vsel vm9, v24, v4  }
0x315: {  	v31 =	vld [tilespmem:s16+$0x3000];
	vm9 =	vnez.u8 v37;
	v4 =	vsel vm12, v3, v4;
	v3 =	vsel vm12, v24, v3  }
0x316: {  	v50 =	vld [tilespmem:$0x1F8F0];
	[tilespmem:$0x1F9C0] =	vst v9;
	v5 =	vsel vm9, $0x21, v5;
	vm11 =	vgt.f32 v28, v4;
	vm15 =	vgt.f32 v28, v3  }
0x317: {  	[tilespmem:$0x1F9D0] =	vst v10;
	v9 =	vsel vm11, $0xFFFFFFFF, v32;
	v4 =	vsel vm11, v28, v4;
	v10 =	vsel vm15, $0xFFFFFFFF, v35  }
0x318: {  	v46 =	vld [tilespmem:$0x1F8E0];
	vm11 =	vnez.u8 v40;
	v4 =	vsel vm15, v3, v4;
	v3 =	vsel vm15, v28, v3  }
0x319: {  	v34 =	vld [tilespmem:s16+$0x3080];
	v5 =	vsel vm11, v7, v5;
	v7 =	vsel vm11, $0x21, v7;
	vm15 =	vnez.u8 v42  }
0x31a: {  	vm8 =	vgt.f32 v31, v4;
	vm10 =	vgt.f32 v31, v3;
	v5 =	vsel vm15, $0x22, v5  }
0x31b: {  	v38 =	vld [tilespmem:s16+$0x3100];
	[tilespmem:$0x1F9E0] =	vst v6;
	vm15 =	vnez.u8 v50;
	v6 =	vsel vm8, $0xFFFFFFFF, v36;
	v4 =	vsel vm8, v31, v4  }
0x31c: {  	v56 =	vld [tilespmem:$0x1F910];
	[tilespmem:$0x1FA10] =	vst v10;
	v10 =	vsel vm10, $0xFFFFFFFF, v39;
	v5 =	vsel vm1, v7, v5;
	v7 =	vsel vm1, $0x22, v7  }
0x31d: {  	v59 =	vld [tilespmem:$0x1F920];
	v4 =	vsel vm10, v3, v4;
	v3 =	vsel vm10, v31, v3;
	vm10 =	vnez.u8 v46  }
0x31e: {  	v53 =	vld [tilespmem:$0x1F900];
	[tilespmem:$0x1F9F0] =	vst v8;
	vm14 =	vgt.f32 v34, v4;
	vm8 =	vgt.f32 v34, v3;
	v5 =	vsel vm10, $0x23, v5  }
0x31f: {  	[tilespmem:$0x1FA30] =	vst v10;
	v8 =	vsel vm14, $0xFFFFFFFF, v41;
	v4 =	vsel vm14, v34, v4;
	v10 =	vsel vm8, $0xFFFFFFFF, v44  }
0x320: {  	v5 =	vsel vm4, v7, v5;
	v7 =	vsel vm4, $0x23, v7;
	v4 =	vsel vm8, v3, v4  }
0x321: {  	v43 =	vld [tilespmem:s16+$0x3180];
	v3 =	vsel vm8, v34, v3;
	v5 =	vsel vm15, $0x24, v5;
	vm8 =	vnez.u8 v56  }
0x322: {  	vm15 =	vnez.u8 v59;
	vm9 =	vgt.f32 v38, v4;
	vm11 =	vgt.f32 v38, v3  }
0x323: {  	[tilespmem:$0x1FA00] =	vst v9;
	v5 =	vsel vm5, v7, v5;
	v7 =	vsel vm5, $0x24, v7;
	vm5 =	vnez.u8 v53  }
0x324: {  	v13 =	vld [tilespmem:$0x1F950];
	[tilespmem:$0x1FA50] =	vst v10;
	v9 =	vsel vm9, $0xFFFFFFFF, v45;
	v4 =	vsel vm9, v38, v4;
	v10 =	vsel vm11, $0xFFFFFFFF, v48  }
0x325: {  	v47 =	vld [tilespmem:s16+$0x3200];
	v5 =	vsel vm5, $0x25, v5;
	v4 =	vsel vm11, v3, v4;
	v3 =	vsel vm11, v38, v3  }
0x326: {  	v61 =	vld [tilespmem:$0x1F930];
	v5 =	vsel vm6, v7, v5;
	v7 =	vsel vm6, $0x25, v7;
	vm14 =	vgt.f32 v43, v4  }
0x327: {  	[tilespmem:$0x1FA20] =	vst v6;
	v5 =	vsel vm8, $0x26, v5;
	v6 =	vsel vm14, $0xFFFFFFFF, v49;
	v4 =	vsel vm14, v43, v4  }
0x328: {  	v51 =	vld [tilespmem:s16+$0x3280];
	vm14 =	vgt.f32 v43, v3;
	v5 =	vsel vm7, v7, v5;
	v7 =	vsel vm7, $0x26, v7  }
0x329: {  	v63 =	vld [tilespmem:$0x1F940];
	vm7 =	vnez.u8 v13;
	v4 =	vsel vm14, v3, v4;
	v3 =	vsel vm14, v43, v3  }
0x32a: {  	v15 =	vld [tilespmem:$0x1F960];
	v5 =	vsel vm15, $0x27, v5;
	vm4 =	vgt.f32 v47, v4;
	vm11 =	vgt.f32 v47, v3  }
0x32b: {  	v54 =	vld [tilespmem:s16+$0x3300];
	[tilespmem:$0x1FA40] =	vst v8;
	v8 =	vsel vm4, $0xFFFFFFFF, v52;
	v4 =	vsel vm4, v47, v4;
	vm4 =	vnez.u8 v61  }
0x32c: {  	v4 =	vsel vm11, v3, v4;
	v3 =	vsel vm11, v47, v3;
	v5 =	vsel vm4, v7, v5  }
0x32d: {  	v57 =	vld [tilespmem:s16+$0x3380];
	v7 =	vsel vm4, $0x27, v7;
	vm6 =	vgt.f32 v51, v4;
	vm10 =	vgt.f32 v51, v3  }
0x32e: {  	v21 =	vld [tilespmem:$0x1F990];
	[tilespmem:$0x1FA60] =	vst v9;
	v9 =	vsel vm6, $0xFFFFFFFF, v55;
	v4 =	vsel vm6, v51, v4;
	vm6 =	vnez.u8 v63  }
0x32f: {  	vm4 =	vnez.u8 v15;
	v4 =	vsel vm10, v3, v4;
	v5 =	vsel vm6, $0x28, v5  }
0x330: {  	v17 =	vld [tilespmem:$0x1F970];
	v3 =	vsel vm10, v51, v3;
	vm9 =	vgt.f32 v54, v4;
	v5 =	vsel vm7, v7, v5  }
0x331: {  	v60 =	vld [tilespmem:s16+$0x3800];
	[tilespmem:$0x1FA80] =	vst v6;
	v6 =	vsel vm9, $0xFFFFFFFF, v58;
	v4 =	vsel vm9, v54, v4;
	vm9 =	vgt.f32 v54, v3  }
0x332: {  	v19 =	vld [tilespmem:$0x1F980];
	v7 =	vsel vm7, $0x28, v7;
	v5 =	vsel vm4, $0x29, v5;
	v4 =	vsel vm9, v3, v4  }
0x333: {  	v12 =	vld [tilespmem:s16+$0x3880];
	vm4 =	vnez.u8 v21;
	v3 =	vsel vm9, v54, v3;
	vm5 =	vgt.f32 v57, v4  }
0x334: {  	v23 =	vld [tilespmem:$0x1F9A0];
	[tilespmem:$0x1FA90] =	vst v8;
	vm8 =	vgt.f32 v57, v3;
	v8 =	vsel vm5, $0xFFFFFFFF, v62;
	v4 =	vsel vm5, v57, v4  }
0x335: {  	v25 =	vld [tilespmem:$0x1F9B0];
	vm5 =	vnez.u8 v17;
	v4 =	vsel vm8, v3, v4;
	v3 =	vsel vm8, v57, v3  }
0x336: {  	v5 =	vsel vm5, v7, v5;
	v7 =	vsel vm5, $0x29, v7;
	vm15 =	vgt.f32 v60, v4  }
0x337: {  	[tilespmem:$0x1FAA0] =	vst v9;
	vm7 =	vgt.f32 v60, v3;
	v9 =	vsel vm15, $0xFFFFFFFF, v14;
	v4 =	vsel vm15, v60, v4  }
0x338: {  	v16 =	vld [tilespmem:s16+$0x3900];
	vm15 =	vnez.u8 v19;
	v4 =	vsel vm7, v3, v4;
	v3 =	vsel vm7, v60, v3  }
0x339: {  	v5 =	vsel vm15, $0x2A, v5;
	vm15 =	vnez.u8 v23;
	vm6 =	vgt.f32 v12, v4  }
0x33a: {  	v27 =	vld [tilespmem:$0x1F9C0];
	v5 =	vsel vm4, v7, v5;
	v7 =	vsel vm4, $0x2A, v7;
	vm4 =	vnez.u8 v25  }
0x33b: {  	v20 =	vld [tilespmem:s16+$0x3980];
	[tilespmem:$0x1FAB0] =	vst v6;
	v6 =	vsel vm6, $0xFFFFFFFF, v18;
	v4 =	vsel vm6, v12, v4;
	vm6 =	vgt.f32 v12, v3  }
0x33c: {  	v29 =	vld [tilespmem:$0x1F9D0];
	v5 =	vsel vm15, $0x2B, v5;
	v4 =	vsel vm6, v3, v4;
	v3 =	vsel vm6, v12, v3  }
0x33d: {  	v38 =	vld [tilespmem:$0x1FA20];
	v5 =	vsel vm4, v7, v5;
	v7 =	vsel vm4, $0x2B, v7;
	vm5 =	vgt.f32 v16, v4  }
0x33e: {  	v31 =	vld [tilespmem:$0x1F9E0];
	[tilespmem:$0x1FAC0] =	vst v8;
	v8 =	vsel vm5, $0xFFFFFFFF, v22;
	v4 =	vsel vm5, v16, v4;
	vm5 =	vgt.f32 v16, v3  }
0x33f: {  	v24 =	vld [tilespmem:s16+$0x3A00];
	vm4 =	vnez.u8 v27;
	v4 =	vsel vm5, v3, v4;
	v3 =	vsel vm5, v16, v3  }
0x340: {  	v34 =	vld [tilespmem:$0x1F9F0];
	v5 =	vsel vm4, $0x2C, v5;
	vm15 =	vgt.f32 v20, v4;
	vm4 =	vgt.f32 v20, v3  }
0x341: {  	[tilespmem:$0x1FAD0] =	vst v9;
	v9 =	vsel vm15, $0xFFFFFFFF, v26;
	v4 =	vsel vm15, v20, v4;
	vm15 =	vnez.u8 v29  }
0x342: {  	v28 =	vld [tilespmem:s16+$0x3A80];
	vm0 =	vnez.u8 v38;
	v5 =	vsel vm15, v7, v5;
	v4 =	vsel vm4, v3, v4  }
0x343: {  	v36 =	vld [tilespmem:$0x1FA00];
	v7 =	vsel vm15, $0x2C, v7;
	v3 =	vsel vm4, v20, v3;
	vm15 =	vnez.u8 v31  }
0x344: {  	vm1 =	vgt.f32 v24, v4;
	v5 =	vsel vm15, $0x2D, v5;
	vm3 =	vgt.f32 v24, v3  }
0x345: {  	v37 =	vld [tilespmem:$0x1FA10];
	[tilespmem:$0x1FAE0] =	vst v6;
	vm15 =	vnez.u8 v34;
	v6 =	vsel vm1, $0xFFFFFFFF, v30;
	v4 =	vsel vm1, v24, v4  }
0x346: {  	v32 =	vld [tilespmem:s16+$0x3B00];
	v5 =	vsel vm13, v7, v5;
	v7 =	vsel vm13, $0x2D, v7;
	v4 =	vsel vm3, v3, v4  }
0x347: {  	v3 =	vsel vm3, v24, v3;
	v5 =	vsel vm15, $0x2E, v5;
	vm13 =	vgt.f32 v28, v4  }
0x348: {  	v35 =	vld [tilespmem:s16+$0x3B80];
	v5 =	vsel vm12, v7, v5;
	v7 =	vsel vm12, $0x2E, v7;
	vm12 =	vnez.u8 v36  }
0x349: {  	v40 =	vld [tilespmem:$0x1FA30];
	[tilespmem:$0x1FAF0] =	vst v8;
	v8 =	vsel vm13, $0xFFFFFFFF, v33;
	v4 =	vsel vm13, v28, v4;
	vm13 =	vgt.f32 v28, v3  }
0x34a: {  	v5 =	vsel vm12, $0x2F, v5;
	vm12 =	vnez.u8 v37;
	v4 =	vsel vm13, v3, v4  }
0x34b: {  	v42 =	vld [tilespmem:$0x1FA40];
	v3 =	vsel vm13, v28, v3;
	v5 =	vsel vm12, v7, v5;
	vm15 =	vgt.f32 v32, v4  }
0x34c: {  	v43 =	vld [tilespmem:$0x1FA50];
	v7 =	vsel vm12, $0x2F, v7;
	vm2 =	vgt.f32 v32, v3;
	v4 =	vsel vm15, v32, v4  }
0x34d: {  	[tilespmem:$0x1FA70] =	vst v10;
	v44 =	vld [tilespmem:$0x1FA60];
	v5 =	vsel vm0, $0x30, v5;
	v4 =	vsel vm2, v3, v4;
	v3 =	vsel vm2, v32, v3  }
0x34e: {  	v45 =	vld [tilespmem:$0x1FA70];
	vm0 =	vnez.u8 v40;
	vm12 =	vgt.f32 v35, v4;
	vm1 =	vgt.f32 v35, v3  }
0x34f: {  	v46 =	vld [tilespmem:$0x1FA80];
	v41 =	vsel vm0, $0x30, v7;
	v4 =	vsel vm12, v35, v4;
	v39 =	vsel vm1, v35, v3  }
0x350: {  	v3 =	vsel vm1, v3, v4;
	v4 =	vsel vm0, v7, v5;
	vm0 =	vnez.u8 v42  }
0x351: {  	v48 =	vld [tilespmem:$0x1FA90];
	v4 =	vsel vm0, $0x31, v4;
	v3 =	vsub.f32 v3, v39;
	vm0 =	vnez.u8 v43  }
0x352: {  	v4 =	vsel vm0, v41, v4;
	v5 =	vsel vm0, $0x31, v41;
	vm0 =	vnez.u8 v44  }
0x353: {  	v49 =	vld [tilespmem:$0x1FAA0];
	v4 =	vsel vm0, $0x32, v4;
	v3 =	vmul.f32 $1.442695020e+00, v3;
	vm0 =	vnez.u8 v45  }
0x354: {  	v4 =	vsel vm0, v5, v4;
	v5 =	vsel vm0, $0x32, v5;
	vm0 =	vnez.u8 v46  }
0x355: {  	v50 =	vld [tilespmem:$0x1FAB0];
	v4 =	vsel vm0, $0x33, v4;
	(erf) = vpow2.f32 v3  }
0x356: {  	v47 =	vsel vm14, $0x33, v5;
	v3 =	vsel vm14, v5, v4;
	vm14 =	vnez.u8 v48  }
0x357: {  	v51 =	vld [tilespmem:$0x1FAC0];
	v3 =	vsel vm14, $0x34, v3  }
0x358: {  	vm14 =	vnez.u8 v49;
	v3 =	vsel vm11, v47, v3  }
0x359: {  	v53 =	vld [tilespmem:$0x1FAD0];
	v4 =	vsel vm11, $0x34, v47;
	v3 =	vsel vm14, $0x35, v3  }
0x35a: {  	v3 =	vsel vm10, v4, v3;
	v4 =	vsel vm10, $0x35, v4;
	vm10 =	vnez.u8 v50  }
0x35b: {  	v55 =	vld [tilespmem:$0x1FAE0];
	v3 =	vsel vm10, $0x36, v3  }
0x35c: {  	vm11 =	vnez.u8 v51;
	v3 =	vsel vm9, v4, v3  }
0x35d: {  	v56 =	vld [tilespmem:$0x1FAF0];
	v4 =	vsel vm9, $0x36, v4;
	v3 =	vsel vm11, $0x37, v3  }
0x35e: {  	[tilespmem:$0x1FB00] =	vst v9;
	vm14 =	vnez.u8 v53;
	v3 =	vsel vm8, v4, v3;
	v52 =	vpop (erf)  }
0x35f: {  	v57 =	vld [tilespmem:$0x1FB00];
	v4 =	vsel vm8, $0x37, v4;
	v3 =	vsel vm14, $0x38, v3;
	v54 =	vadd.f32 $1.000000000e+00, v52  }
0x360: {  	[tilespmem:$0x1FB10] =	vst v6;
	vm8 =	vnez.u8 v55;
	v3 =	vsel vm7, v4, v3  }
0x361: {  	v58 =	vld [tilespmem:$0x1FB10];
	v4 =	vsel vm7, $0x38, v4;
	v3 =	vsel vm8, $0x39, v3;
	(erf) = vrcp.f32 v54  }
0x362: {  	[tilespmem:$0x1FB20] =	vst v8;
	vm9 =	vnez.u8 v56;
	v3 =	vsel vm6, v4, v3  }
0x363: {  	v61 =	vld [tilespmem:$0x1FB20];
	v4 =	vsel vm6, $0x39, v4;
	v3 =	vsel vm9, $0x3A, v3  }
0x364: {  	vm10 =	vnez.u8 v57;
	v3 =	vsel vm5, v4, v3  }
0x365: {  	v4 =	vsel vm5, $0x3A, v4;
	v3 =	vsel vm10, $0x3B, v3  }
0x366: {  	s13 =	sadd.s32 $0x20, s13;
	vm11 =	vnez.u8 v58;
	v3 =	vsel vm4, v4, v3  }
0x367: {  	v59 =	vor.u32 s13, v0;
	v4 =	vsel vm4, $0x3B, v4;
	v3 =	vsel vm11, $0x3C, v3  }
0x368: {  	v60 =	vor.u32 s13, v2;
	vm14 =	vnez.u8 v61;
	v3 =	vsel vm3, v4, v3  }
0x369: {  	v4 =	vsel vm3, $0x3C, v4;
	v3 =	vsel vm14, $0x3D, v3  }
0x36a: {  	v3 =	vsel vm13, v4, v3;
	v62 =	vpop (erf)  }
0x36b: {  	v4 =	vsel vm13, $0x3D, v4;
	v3 =	vsel vm15, $0x3E, v3;
	v5 =	vmul.f32 v62, v52  }
0x36c: {  	[tilespmem:v59+s10+$0x0] =	vst.idx.msk $0xffff, v62;
	v3 =	vsel vm2, v4, v3;
	v4 =	vsel vm2, $0x3E, v4  }
0x36d: {  	v3 =	vsel vm12, $0x3F, v3;
	v63 =	vsel vm1, $0x3F, v4;
	[tilespmem:v60+s10+$0x0] =	vst.idx.msk $0xffff, v5  }
0x36e: {  	v3 =	vsel vm1, v4, v3;
	[tilespmem:v59+s11+$0x0] =	vst.idx.msk $0xffff, v63  }
0x36f: {  	[tilespmem:v60+s11+$0x0] =	vst.idx.msk $0xffff, v3  }
0x370: {  	[hbm4b:s4+s1] =	stream.linear.scatter [tilespmem:s10], [sflag:$0x1], $0x200, $0x38;
	[tilespmem:$0x4400] =	vst v63  }
0x371: {  	s12 =	sadd.s32 $0x1, s12;
	_ =	swait.ge [sflag:s9], $0x200  }
0x372: {  	p0 =	sne.s32 s12, s6;
	[sflag:s9] =	ssyncset.done $0x0  }
.Ltmp1:
0x373: {  	[sflag:s9] =	ssyncadd.s32 $0xFFFFFE00;
	(pc) =	sbr.rel @p0 .LBB2_1-.Ltmp1, $4  }
0x374: {  	[hbm4b:s5+s1] =	stream.linear.scatter [tilespmem:s11], [sflag:$0x1], $0x200, $0x38;
	[tilespmem:$0x4400] =	vst v63  }
0x375: {  	_ =	swait.ge [sflag:s9], $0x200  }
0x376: {  	[sflag:s9] =	ssyncset.done $0x0  }
0x377: {  	[sflag:s9] =	ssyncadd.s32 $0xFFFFFE00  }
0x378: {  	_ =	sfence.sel $0x180000  }
0x379: {  	[bflag:$0x0] =	sbarrier.arrive $0xFFFF  }
0x37a: {  	p0 =	sne.s32 s2, $0x0;
	_ =	strace $0x9000004A  }
0x37b: {  	s0 =	sadd.s32 @!p0 $0x100000, s0;
	[bflag:$0x2] =	sbarrier.arrive $0xFFFF  }
0x37c: {  	[sflag:s0] =	ssyncadd.tile.s32 @!p0 $0x1;
	_ =	shalt  }
.Lfunc_end2:
_tile_overlayer_lowered:
.L_overlay_start_2:
0x37d: {  	(tag) =	ssettag $0x2  }
0x37e: {  	s0 =	rddreg [dreg:$0x0];
	s2 =	stileid.u32  }
0x37f: {  	s1 =	rddreg [dreg:$0x1];
	p0 =	sne.s32 s2, $0x0  }
0x380: {  	s3 =	rddreg [dreg:$0x2];
	[bflag:$0x3] =	sbarrier.arrive $0xFFFF;
	s2 =	simm.s32 @!p0 $0x1C01  }
0x381: {  	[timem:s3], [sflag:s2] =	dma.local @!p0 [hbm:s0], s1  }
0x382: {  	s0 =	simm.s32 @!p0 $0x1  }
0x383: {  	_ =	swait.ge @!p0 [sflag:s0], s1  }
0x384: {  	s1 =	ssub.s32 @!p0 $0x0, s1;
	[sflag:s0] =	ssyncset.done @!p0 $0x0  }
0x385: {  	[sflag:s0] =	ssyncadd.s32 @!p0 s1  }
0x386: {  	[bflag:$0x3] =	sbarrier.arrive $0xFFFF  }
0x387: {  	_ =	shalt  }

</sc_bundles>
